<compile_context>
chip_gen: v7x
topology: tpu7x:2x2x1
jax: 0.10.2.dev20260603
libtpu: 0.0.44.dev20260713+nightly
codegen_flags: <defaults>
</compile_context>

<pallas_src>
import functools

import jax
import jax.numpy as jnp
from jax import lax
from jax.experimental import pallas as pl
from jax.experimental.pallas import tpu as pltpu
from jax.experimental.pallas import tpu_sc as plsc

_NC = 2
_NS = 16
_NW = _NC * _NS
_LANES = 16
_SUB = 128


def _sc_gather_scale(x_r, table, scale16, *, n_rows, d, g_chunks, k_subs):
    chunk = k_subs * _SUB
    per_w = g_chunks * chunk
    vregs_per_row = d // _LANES

    mesh = plsc.VectorSubcoreMesh(core_axis_name="c", subcore_axis_name="s")

    @functools.partial(
        pl.kernel,
        out_type=jax.ShapeDtypeStruct((n_rows, d), jnp.float32),
        mesh=mesh,
        scratch_types=[
            pltpu.VMEM((g_chunks, k_subs, _SUB), jnp.int32),
            pltpu.VMEM((2, chunk, d), jnp.float32),
            pltpu.VMEM((_LANES,), jnp.float32),
            pltpu.SemaphoreType.DMA((2,)),
            pltpu.SemaphoreType.DMA((2,)),
        ],
        compiler_params=pltpu.CompilerParams(use_tc_tiling_on_sc=False),
    )
    def k(x_hbm, table_hbm, scale_hbm, out_hbm, idx_v, rows_v, scale_v, gsem, osem):
        wid = lax.axis_index("s") * _NC + lax.axis_index("c")
        base = wid * per_w

        pltpu.sync_copy(scale_hbm, scale_v)
        pltpu.sync_copy(x_hbm.at[wid], idx_v)
        s = scale_v[...]

        def issue_gathers(g, b):
            return [
                pltpu.async_copy(
                    table_hbm.at[idx_v.at[g, j]],
                    rows_v.at[b, pl.ds(j * _SUB, _SUB)],
                    gsem.at[b],
                )
                for j in range(k_subs)
            ]

        gather_h = [None, None]
        scatter_h = [None, None]
        gather_h[0] = issue_gathers(0, 0)
        for g in range(g_chunks):
            b = g % 2
            nb = 1 - b
            if g + 1 < g_chunks:
                if scatter_h[nb] is not None:
                    scatter_h[nb].wait()
                gather_h[nb] = issue_gathers(g + 1, nb)
            for h in gather_h[b]:
                h.wait()

            def mul_body(i, _, b=b):
                for c in range(vregs_per_row):
                    sl = pl.ds(c * _LANES, _LANES)
                    rows_v[b, i, sl] = rows_v[b, i, sl] * s
                return 0

            lax.fori_loop(0, chunk, mul_body, 0)
            scatter_h[b] = pltpu.async_copy(
                rows_v.at[b],
                out_hbm.at[pl.ds(base + g * chunk, chunk)],
                osem.at[b],
            )
        scatter_h[0].wait()
        if scatter_h[1] is not None:
            scatter_h[1].wait()

    return k(x_r, table, scale16)


_PREP_ROWS = 4096
_PREP_HALF = _PREP_ROWS // 2


def _remap(y):
    j8 = (y // _PREP_ROWS) * _PREP_ROWS
    r = y - j8
    return j8 + 2 * r - jnp.where(r >= _PREP_HALF, _PREP_ROWS - 1, 0)


def _tc_transpose(xt):
    l, b = xt.shape

    def body(src, dst):
        dst[...] = _remap(src[...].T)

    return pl.pallas_call(
        body,
        out_shape=jax.ShapeDtypeStruct((b, l), jnp.int32),
    )(xt)


def _tc_table_linearize(t_cm):
    d, v = t_cm.shape
    assert 2 * d == 128
    grid = (v + _PREP_ROWS - 1) // _PREP_ROWS
    v_pad = grid * _PREP_ROWS

    def body(src, dst):
        tr = src[...].T
        dst[...] = jnp.concatenate(
            [tr[:_PREP_HALF, :], tr[_PREP_HALF:, :]], axis=1)

    out = pl.pallas_call(
        body,
        grid=(grid,),
        in_specs=[pl.BlockSpec((d, _PREP_ROWS), lambda j: (0, j))],
        out_specs=pl.BlockSpec((_PREP_HALF, 128), lambda j: (j, 0)),
        out_shape=jax.ShapeDtypeStruct((v_pad * d // 128, 128),
                                       jnp.float32),
    )(t_cm)
    return out, v_pad


def kernel(x, table, scale):
    b, l = x.shape
    v, d = table.shape
    n = b * l
    assert d % _LANES == 0
    assert n % (_NW * _SUB) == 0
    subs_per_w = n // (_NW * _SUB)
    k_subs = 5 if subs_per_w % 5 == 0 else 1
    g_chunks = subs_per_w // k_subs

    x_rm = _tc_transpose(x.astype(jnp.int32).T)
    x_r = x_rm.reshape(_NW, g_chunks, k_subs, _SUB)
    scale16 = jnp.broadcast_to(scale.astype(jnp.float32), (_LANES,))
    t_packed, v_pad = _tc_table_linearize(table.astype(jnp.float32).T)
    t_rm = t_packed.reshape(v_pad, d)
    out = _sc_gather_scale(
        x_r, t_rm, scale16,
        n_rows=n, d=d, g_chunks=g_chunks, k_subs=k_subs,
    )
    return out.reshape(b, l, d)

# --- scband reference (transcript-rebuilt; emitter-appended) ---
"""Pipeline reference for scband-vsa-map-embedding-38620345926020 (READ-ONLY COPY).

The authoritative reference and input builder live on the scoring server;
editing this copy changes nothing except your own understanding.
"""

import jax, jax.numpy as jnp
import numpy as np

VOCAB = 1000000
DIM = 64

def setup_inputs(seed: int = 0) -> dict:
    key = jax.random.key(seed)
    k1, k2 = jax.random.split(key)
    x = jax.random.randint(k1, (4096, 50), 0, VOCAB)
    # torchhd embeddings.Random with vsa='MAP' -> dense bipolar {-1, +1} vectors, frozen
    table = jnp.where(jax.random.bernoulli(k2, 0.5, (VOCAB, DIM)), 1.0, -1.0).astype(jnp.float32)
    scale = (jnp.ones((1,), dtype=jnp.float32) * 0.1)
    return {"x": x, "table": table, "scale": scale}

def reference(x, table, scale):
    # embedding lookup (gather) followed by learned scalar scaling
    out = jnp.take(table, x, axis=0)  # [B, L, D]
    return out * scale

if __name__ == "__main__":
    import jax
    _d = setup_inputs()
    print(jax.jit(kernel)(*tuple(_d.values())))

</pallas_src>

<mosaic_0001>
#map = affine_map<(d0, d1) -> (0, 0, 0, 0)>
#map1 = affine_map<(d0, d1) -> (0, 0)>
#map2 = affine_map<(d0, d1) -> (0)>
module attributes {stable_mosaic.version = 14 : i64} {
  func.func @k(%arg0: i32, %arg1: i32, %arg2: memref<32x10x5x128xi32, #tpu.memory_space<hbm>>, %arg3: memref<1003520x64xf32, #tpu.memory_space<hbm>>, %arg4: memref<16xf32, #tpu.memory_space<hbm>>, %arg5: memref<204800x64xf32, #tpu.memory_space<hbm>>, %arg6: memref<10x5x128xi32, #tpu.memory_space<vmem>>, %arg7: memref<2x640x64xf32, #tpu.memory_space<vmem>>, %arg8: memref<16xf32, #tpu.memory_space<vmem>>, %arg9: memref<2x!tpu.dma_semaphore, #tpu.memory_space<semaphore_mem>>, %arg10: memref<2x!tpu.dma_semaphore, #tpu.memory_space<semaphore_mem>>) attributes {dimension_semantics = [#tpu.dimension_semantics<core_parallel>, #tpu.dimension_semantics<subcore_parallel>], iteration_bounds = array<i64: 2, 16>, scalar_prefetch = 0 : i64, scratch_operands = 5 : i64, tpu.core_type = #tpu.core_type<sc_vector_subcore>, window_params = [{transform_indices = #map}, {transform_indices = #map1}, {transform_indices = #map2}, {transform_indices = #map1}]} {
    %mul3A = arith.constant 2 : i32
    %mul3A_0 = arith.muli %arg1, %mul3A : i32
    %add3A = arith.addi %mul3A_0, %arg0 : i32
    %mul3A_1 = arith.constant 6400 : i32
    %mul3A_2 = arith.muli %add3A, %mul3A_1 : i32
    "tpu.region"() ({
      %run_scoped3A = tpu.sem_alloc : memref<!tpu.dma_semaphore, #tpu.memory_space<semaphore_mem>>
      tpu.enqueue_dma source(%arg4 : memref<16xf32, #tpu.memory_space<hbm>>) target(%arg8 : memref<16xf32, #tpu.memory_space<vmem>>) target_semaphore(%run_scoped3A : memref<!tpu.dma_semaphore, #tpu.memory_space<semaphore_mem>>)
      tpu.wait_dma2 semaphore(%run_scoped3A : memref<!tpu.dma_semaphore, #tpu.memory_space<semaphore_mem>>) src(%arg4 : memref<16xf32, #tpu.memory_space<hbm>>) dst(%arg8 : memref<16xf32, #tpu.memory_space<vmem>>)
      tpu.yield
    }) : () -> ()
    "tpu.region"() ({
      %run_scoped3A = tpu.sem_alloc : memref<!tpu.dma_semaphore, #tpu.memory_space<semaphore_mem>>
      %dma_start3A_2012 = arith.constant 0 : i32
      %dma_start3A_2013 = arith.constant 0 : i32
      %dma_start3A_2014 = arith.constant 0 : i32
      %dma_start3A_2015 = tpu.memref_slice %arg2[%add3A, %dma_start3A_2012, %dma_start3A_2013, %dma_start3A_2014] : memref<32x10x5x128xi32, #tpu.memory_space<hbm>> -> memref<1x10x5x128xi32, #tpu.memory_space<hbm>>
      %dma_start3A_2016 = tpu.memref_squeeze %dma_start3A_2015 : memref<1x10x5x128xi32, #tpu.memory_space<hbm>> -> memref<10x5x128xi32, #tpu.memory_space<hbm>>
      %dma_start3A_2017 = arith.constant 0 : i32
      %dma_start3A_2018 = arith.constant 0 : i32
      %dma_start3A_2019 = arith.constant 0 : i32
      %dma_start3A_2020 = tpu.memref_slice %arg2[%add3A, %dma_start3A_2017, %dma_start3A_2018, %dma_start3A_2019] : memref<32x10x5x128xi32, #tpu.memory_space<hbm>> -> memref<1x10x5x128xi32, #tpu.memory_space<hbm>>
      %dma_start3A_2021 = tpu.memref_squeeze %dma_start3A_2020 : memref<1x10x5x128xi32, #tpu.memory_space<hbm>> -> memref<10x5x128xi32, #tpu.memory_space<hbm>>
      tpu.enqueue_dma source(%dma_start3A_2021 : memref<10x5x128xi32, #tpu.memory_space<hbm>>) target(%arg6 : memref<10x5x128xi32, #tpu.memory_space<vmem>>) target_semaphore(%run_scoped3A : memref<!tpu.dma_semaphore, #tpu.memory_space<semaphore_mem>>)
      %dma_wait3A_2022 = arith.constant 0 : i32
      %dma_wait3A_2023 = arith.constant 0 : i32
      %dma_wait3A_2024 = arith.constant 0 : i32
      %dma_wait3A_2025 = tpu.memref_slice %arg2[%add3A, %dma_wait3A_2022, %dma_wait3A_2023, %dma_wait3A_2024] : memref<32x10x5x128xi32, #tpu.memory_space<hbm>> -> memref<1x10x5x128xi32, #tpu.memory_space<hbm>>
      %dma_wait3A_2026 = tpu.memref_squeeze %dma_wait3A_2025 : memref<1x10x5x128xi32, #tpu.memory_space<hbm>> -> memref<10x5x128xi32, #tpu.memory_space<hbm>>
      %dma_wait3A_2027 = arith.constant 0 : i32
      %dma_wait3A_2028 = arith.constant 0 : i32
      %dma_wait3A_2029 = arith.constant 0 : i32
      %dma_wait3A_2030 = tpu.memref_slice %arg2[%add3A, %dma_wait3A_2027, %dma_wait3A_2028, %dma_wait3A_2029] : memref<32x10x5x128xi32, #tpu.memory_space<hbm>> -> memref<1x10x5x128xi32, #tpu.memory_space<hbm>>
      %dma_wait3A_2031 = tpu.memref_squeeze %dma_wait3A_2030 : memref<1x10x5x128xi32, #tpu.memory_space<hbm>> -> memref<10x5x128xi32, #tpu.memory_space<hbm>>
      tpu.wait_dma2 semaphore(%run_scoped3A : memref<!tpu.dma_semaphore, #tpu.memory_space<semaphore_mem>>) src(%dma_wait3A_2031 : memref<10x5x128xi32, #tpu.memory_space<hbm>>) dst(%arg6 : memref<10x5x128xi32, #tpu.memory_space<vmem>>)
      tpu.yield
    }) : () -> ()
    %get3A = arith.constant 0 : index
    %get3A_3 = tpu.vector_load %arg8[%get3A] {strides = array<i32>} : memref<16xf32, #tpu.memory_space<vmem>>, vector<16xf32>,
    %get3A_4 = vector.shape_cast %get3A_3 : vector<16xf32> to vector<16xf32>
    %dma_start3A = arith.constant 0 : i32
    %dma_start3A_5 = arith.constant 0 : i32
    %dma_start3A_6 = arith.constant 0 : i32
    %dma_start3A_7 = arith.constant 0 : i32
    %dma_start3A_8 = arith.constant 0 : i32
    %dma_start3A_9 = arith.constant 0 : i32
    %dma_start3A_10 = tpu.memref_slice %arg7[%dma_start3A_6, %dma_start3A_8, %dma_start3A_9] : memref<2x640x64xf32, #tpu.memory_space<vmem>> -> memref<1x128x64xf32, #tpu.memory_space<vmem>>
    %dma_start3A_11 = tpu.memref_squeeze %dma_start3A_10 : memref<1x128x64xf32, #tpu.memory_space<vmem>> -> memref<128x64xf32, #tpu.memory_space<vmem>>
    %dma_start3A_12 = arith.constant 0 : i32
    %dma_start3A_13 = tpu.memref_slice %arg6[%dma_start3A, %dma_start3A_5, %dma_start3A_12] : memref<10x5x128xi32, #tpu.memory_space<vmem>> -> memref<1x1x128xi32, #tpu.memory_space<vmem>>
    %dma_start3A_14 = tpu.memref_squeeze %dma_start3A_13 : memref<1x1x128xi32, #tpu.memory_space<vmem>> -> memref<128xi32, #tpu.memory_space<vmem>>
    %dma_start3A_15 = arith.constant 0 : i32
    %dma_start3A_16 = arith.constant 0 : i32
    %dma_start3A_17 = tpu.memref_slice %arg3[%dma_start3A_15, %dma_start3A_16] : memref<1003520x64xf32, #tpu.memory_space<hbm>> -> memref<1003520x64xf32, #tpu.memory_space<hbm>>
    %dma_start3A_18 = tpu.memref_slice %arg9[%dma_start3A_7] : memref<2x!tpu.dma_semaphore, #tpu.memory_space<semaphore_mem>> -> memref<1x!tpu.dma_semaphore, #tpu.memory_space<semaphore_mem>>
    %dma_start3A_19 = tpu.memref_squeeze %dma_start3A_18 : memref<1x!tpu.dma_semaphore, #tpu.memory_space<semaphore_mem>> -> memref<!tpu.dma_semaphore, #tpu.memory_space<semaphore_mem>>
    tpu.enqueue_indirect_dma source(%dma_start3A_17 : memref<1003520x64xf32, #tpu.memory_space<hbm>>) target(%dma_start3A_11 : memref<128x64xf32, #tpu.memory_space<vmem>>) offsets(%dma_start3A_14 : memref<128xi32, #tpu.memory_space<vmem>>) semaphore(%dma_start3A_19 : memref<!tpu.dma_semaphore, #tpu.memory_space<semaphore_mem>>)
    %dma_start3A_20 = arith.constant 0 : i32
    %dma_start3A_21 = arith.constant 1 : i32
    %dma_start3A_22 = arith.constant 0 : i32
    %dma_start3A_23 = arith.constant 0 : i32
    %dma_start3A_24 = arith.constant 128 : i32
    %dma_start3A_25 = arith.constant 0 : i32
    %dma_start3A_26 = tpu.memref_slice %arg7[%dma_start3A_22, %dma_start3A_24, %dma_start3A_25] : memref<2x640x64xf32, #tpu.memory_space<vmem>> -> memref<1x128x64xf32, #tpu.memory_space<vmem>>
    %dma_start3A_27 = tpu.memref_squeeze %dma_start3A_26 : memref<1x128x64xf32, #tpu.memory_space<vmem>> -> memref<128x64xf32, #tpu.memory_space<vmem>>
    %dma_start3A_28 = arith.constant 0 : i32
    %dma_start3A_29 = tpu.memref_slice %arg6[%dma_start3A_20, %dma_start3A_21, %dma_start3A_28] : memref<10x5x128xi32, #tpu.memory_space<vmem>> -> memref<1x1x128xi32, #tpu.memory_space<vmem>>
    %dma_start3A_30 = tpu.memref_squeeze %dma_start3A_29 : memref<1x1x128xi32, #tpu.memory_space<vmem>> -> memref<128xi32, #tpu.memory_space<vmem>>
    %dma_start3A_31 = arith.constant 0 : i32
    %dma_start3A_32 = arith.constant 0 : i32
    %dma_start3A_33 = tpu.memref_slice %arg3[%dma_start3A_31, %dma_start3A_32] : memref<1003520x64xf32, #tpu.memory_space<hbm>> -> memref<1003520x64xf32, #tpu.memory_space<hbm>>
    %dma_start3A_34 = tpu.memref_slice %arg9[%dma_start3A_23] : memref<2x!tpu.dma_semaphore, #tpu.memory_space<semaphore_mem>> -> memref<1x!tpu.dma_semaphore, #tpu.memory_space<semaphore_mem>>
    %dma_start3A_35 = tpu.memref_squeeze %dma_start3A_34 : memref<1x!tpu.dma_semaphore, #tpu.memory_space<semaphore_mem>> -> memref<!tpu.dma_semaphore, #tpu.memory_space<semaphore_mem>>
    tpu.enqueue_indirect_dma source(%dma_start3A_33 : memref<1003520x64xf32, #tpu.memory_space<hbm>>) target(%dma_start3A_27 : memref<128x64xf32, #tpu.memory_space<vmem>>) offsets(%dma_start3A_30 : memref<128xi32, #tpu.memory_space<vmem>>) semaphore(%dma_start3A_35 : memref<!tpu.dma_semaphore, #tpu.memory_space<semaphore_mem>>)
    %dma_start3A_36 = arith.constant 0 : i32
    %dma_start3A_37 = arith.constant 2 : i32
    %dma_start3A_38 = arith.constant 0 : i32
    %dma_start3A_39 = arith.constant 0 : i32
    %dma_start3A_40 = arith.constant 256 : i32
    %dma_start3A_41 = arith.constant 0 : i32
    %dma_start3A_42 = tpu.memref_slice %arg7[%dma_start3A_38, %dma_start3A_40, %dma_start3A_41] : memref<2x640x64xf32, #tpu.memory_space<vmem>> -> memref<1x128x64xf32, #tpu.memory_space<vmem>>
    %dma_start3A_43 = tpu.memref_squeeze %dma_start3A_42 : memref<1x128x64xf32, #tpu.memory_space<vmem>> -> memref<128x64xf32, #tpu.memory_space<vmem>>
    %dma_start3A_44 = arith.constant 0 : i32
    %dma_start3A_45 = tpu.memref_slice %arg6[%dma_start3A_36, %dma_start3A_37, %dma_start3A_44] : memref<10x5x128xi32, #tpu.memory_space<vmem>> -> memref<1x1x128xi32, #tpu.memory_space<vmem>>
    %dma_start3A_46 = tpu.memref_squeeze %dma_start3A_45 : memref<1x1x128xi32, #tpu.memory_space<vmem>> -> memref<128xi32, #tpu.memory_space<vmem>>
    %dma_start3A_47 = arith.constant 0 : i32
    %dma_start3A_48 = arith.constant 0 : i32
    %dma_start3A_49 = tpu.memref_slice %arg3[%dma_start3A_47, %dma_start3A_48] : memref<1003520x64xf32, #tpu.memory_space<hbm>> -> memref<1003520x64xf32, #tpu.memory_space<hbm>>
    %dma_start3A_50 = tpu.memref_slice %arg9[%dma_start3A_39] : memref<2x!tpu.dma_semaphore, #tpu.memory_space<semaphore_mem>> -> memref<1x!tpu.dma_semaphore, #tpu.memory_space<semaphore_mem>>
    %dma_start3A_51 = tpu.memref_squeeze %dma_start3A_50 : memref<1x!tpu.dma_semaphore, #tpu.memory_space<semaphore_mem>> -> memref<!tpu.dma_semaphore, #tpu.memory_space<semaphore_mem>>
    tpu.enqueue_indirect_dma source(%dma_start3A_49 : memref<1003520x64xf32, #tpu.memory_space<hbm>>) target(%dma_start3A_43 : memref<128x64xf32, #tpu.memory_space<vmem>>) offsets(%dma_start3A_46 : memref<128xi32, #tpu.memory_space<vmem>>) semaphore(%dma_start3A_51 : memref<!tpu.dma_semaphore, #tpu.memory_space<semaphore_mem>>)
    %dma_start3A_52 = arith.constant 0 : i32
    %dma_start3A_53 = arith.constant 3 : i32
    %dma_start3A_54 = arith.constant 0 : i32
    %dma_start3A_55 = arith.constant 0 : i32
    %dma_start3A_56 = arith.constant 384 : i32
    %dma_start3A_57 = arith.constant 0 : i32
    %dma_start3A_58 = tpu.memref_slice %arg7[%dma_start3A_54, %dma_start3A_56, %dma_start3A_57] : memref<2x640x64xf32, #tpu.memory_space<vmem>> -> memref<1x128x64xf32, #tpu.memory_space<vmem>>
    %dma_start3A_59 = tpu.memref_squeeze %dma_start3A_58 : memref<1x128x64xf32, #tpu.memory_space<vmem>> -> memref<128x64xf32, #tpu.memory_space<vmem>>
    %dma_start3A_60 = arith.constant 0 : i32
    %dma_start3A_61 = tpu.memref_slice %arg6[%dma_start3A_52, %dma_start3A_53, %dma_start3A_60] : memref<10x5x128xi32, #tpu.memory_space<vmem>> -> memref<1x1x128xi32, #tpu.memory_space<vmem>>
    %dma_start3A_62 = tpu.memref_squeeze %dma_start3A_61 : memref<1x1x128xi32, #tpu.memory_space<vmem>> -> memref<128xi32, #tpu.memory_space<vmem>>
    %dma_start3A_63 = arith.constant 0 : i32
    %dma_start3A_64 = arith.constant 0 : i32
    %dma_start3A_65 = tpu.memref_slice %arg3[%dma_start3A_63, %dma_start3A_64] : memref<1003520x64xf32, #tpu.memory_space<hbm>> -> memref<1003520x64xf32, #tpu.memory_space<hbm>>
    %dma_start3A_66 = tpu.memref_slice %arg9[%dma_start3A_55] : memref<2x!tpu.dma_semaphore, #tpu.memory_space<semaphore_mem>> -> memref<1x!tpu.dma_semaphore, #tpu.memory_space<semaphore_mem>>
    %dma_start3A_67 = tpu.memref_squeeze %dma_start3A_66 : memref<1x!tpu.dma_semaphore, #tpu.memory_space<semaphore_mem>> -> memref<!tpu.dma_semaphore, #tpu.memory_space<semaphore_mem>>
    tpu.enqueue_indirect_dma source(%dma_start3A_65 : memref<1003520x64xf32, #tpu.memory_space<hbm>>) target(%dma_start3A_59 : memref<128x64xf32, #tpu.memory_space<vmem>>) offsets(%dma_start3A_62 : memref<128xi32, #tpu.memory_space<vmem>>) semaphore(%dma_start3A_67 : memref<!tpu.dma_semaphore, #tpu.memory_space<semaphore_mem>>)
    %dma_start3A_68 = arith.constant 0 : i32
    %dma_start3A_69 = arith.constant 4 : i32
    %dma_start3A_70 = arith.constant 0 : i32
    %dma_start3A_71 = arith.constant 0 : i32
    %dma_start3A_72 = arith.constant 512 : i32
    %dma_start3A_73 = arith.constant 0 : i32
    %dma_start3A_74 = tpu.memref_slice %arg7[%dma_start3A_70, %dma_start3A_72, %dma_start3A_73] : memref<2x640x64xf32, #tpu.memory_space<vmem>> -> memref<1x128x64xf32, #tpu.memory_space<vmem>>
    %dma_start3A_75 = tpu.memref_squeeze %dma_start3A_74 : memref<1x128x64xf32, #tpu.memory_space<vmem>> -> memref<128x64xf32, #tpu.memory_space<vmem>>
    %dma_start3A_76 = arith.constant 0 : i32
    %dma_start3A_77 = tpu.memref_slice %arg6[%dma_start3A_68, %dma_start3A_69, %dma_start3A_76] : memref<10x5x128xi32, #tpu.memory_space<vmem>> -> memref<1x1x128xi32, #tpu.memory_space<vmem>>
    %dma_start3A_78 = tpu.memref_squeeze %dma_start3A_77 : memref<1x1x128xi32, #tpu.memory_space<vmem>> -> memref<128xi32, #tpu.memory_space<vmem>>
    %dma_start3A_79 = arith.constant 0 : i32
    %dma_start3A_80 = arith.constant 0 : i32
    %dma_start3A_81 = tpu.memref_slice %arg3[%dma_start3A_79, %dma_start3A_80] : memref<1003520x64xf32, #tpu.memory_space<hbm>> -> memref<1003520x64xf32, #tpu.memory_space<hbm>>
    %dma_start3A_82 = tpu.memref_slice %arg9[%dma_start3A_71] : memref<2x!tpu.dma_semaphore, #tpu.memory_space<semaphore_mem>> -> memref<1x!tpu.dma_semaphore, #tpu.memory_space<semaphore_mem>>
    %dma_start3A_83 = tpu.memref_squeeze %dma_start3A_82 : memref<1x!tpu.dma_semaphore, #tpu.memory_space<semaphore_mem>> -> memref<!tpu.dma_semaphore, #tpu.memory_space<semaphore_mem>>
    tpu.enqueue_indirect_dma source(%dma_start3A_81 : memref<1003520x64xf32, #tpu.memory_space<hbm>>) target(%dma_start3A_75 : memref<128x64xf32, #tpu.memory_space<vmem>>) offsets(%dma_start3A_78 : memref<128xi32, #tpu.memory_space<vmem>>) semaphore(%dma_start3A_83 : memref<!tpu.dma_semaphore, #tpu.memory_space<semaphore_mem>>)
    %dma_start3A_84 = arith.constant 1 : i32
    %dma_start3A_85 = arith.constant 0 : i32
    %dma_start3A_86 = arith.constant 1 : i32
    %dma_start3A_87 = arith.constant 1 : i32
    %dma_start3A_88 = arith.constant 0 : i32
    %dma_start3A_89 = arith.constant 0 : i32
    %dma_start3A_90 = tpu.memref_slice %arg7[%dma_start3A_86, %dma_start3A_88, %dma_start3A_89] : memref<2x640x64xf32, #tpu.memory_space<vmem>> -> memref<1x128x64xf32, #tpu.memory_space<vmem>>
    %dma_start3A_91 = tpu.memref_squeeze %dma_start3A_90 : memref<1x128x64xf32, #tpu.memory_space<vmem>> -> memref<128x64xf32, #tpu.memory_space<vmem>>
    %dma_start3A_92 = arith.constant 0 : i32
    %dma_start3A_93 = tpu.memref_slice %arg6[%dma_start3A_84, %dma_start3A_85, %dma_start3A_92] : memref<10x5x128xi32, #tpu.memory_space<vmem>> -> memref<1x1x128xi32, #tpu.memory_space<vmem>>
    %dma_start3A_94 = tpu.memref_squeeze %dma_start3A_93 : memref<1x1x128xi32, #tpu.memory_space<vmem>> -> memref<128xi32, #tpu.memory_space<vmem>>
    %dma_start3A_95 = arith.constant 0 : i32
    %dma_start3A_96 = arith.constant 0 : i32
    %dma_start3A_97 = tpu.memref_slice %arg3[%dma_start3A_95, %dma_start3A_96] : memref<1003520x64xf32, #tpu.memory_space<hbm>> -> memref<1003520x64xf32, #tpu.memory_space<hbm>>
    %dma_start3A_98 = tpu.memref_slice %arg9[%dma_start3A_87] : memref<2x!tpu.dma_semaphore, #tpu.memory_space<semaphore_mem>> -> memref<1x!tpu.dma_semaphore, #tpu.memory_space<semaphore_mem>>
    %dma_start3A_99 = tpu.memref_squeeze %dma_start3A_98 : memref<1x!tpu.dma_semaphore, #tpu.memory_space<semaphore_mem>> -> memref<!tpu.dma_semaphore, #tpu.memory_space<semaphore_mem>>
    tpu.enqueue_indirect_dma source(%dma_start3A_97 : memref<1003520x64xf32, #tpu.memory_space<hbm>>) target(%dma_start3A_91 : memref<128x64xf32, #tpu.memory_space<vmem>>) offsets(%dma_start3A_94 : memref<128xi32, #tpu.memory_space<vmem>>) semaphore(%dma_start3A_99 : memref<!tpu.dma_semaphore, #tpu.memory_space<semaphore_mem>>)
    %dma_start3A_100 = arith.constant 1 : i32
    %dma_start3A_101 = arith.constant 1 : i32
    %dma_start3A_102 = arith.constant 1 : i32
    %dma_start3A_103 = arith.constant 1 : i32
    %dma_start3A_104 = arith.constant 128 : i32
    %dma_start3A_105 = arith.constant 0 : i32
    %dma_start3A_106 = tpu.memref_slice %arg7[%dma_start3A_102, %dma_start3A_104, %dma_start3A_105] : memref<2x640x64xf32, #tpu.memory_space<vmem>> -> memref<1x128x64xf32, #tpu.memory_space<vmem>>
    %dma_start3A_107 = tpu.memref_squeeze %dma_start3A_106 : memref<1x128x64xf32, #tpu.memory_space<vmem>> -> memref<128x64xf32, #tpu.memory_space<vmem>>
    %dma_start3A_108 = arith.constant 0 : i32
    %dma_start3A_109 = tpu.memref_slice %arg6[%dma_start3A_100, %dma_start3A_101, %dma_start3A_108] : memref<10x5x128xi32, #tpu.memory_space<vmem>> -> memref<1x1x128xi32, #tpu.memory_space<vmem>>
    %dma_start3A_110 = tpu.memref_squeeze %dma_start3A_109 : memref<1x1x128xi32, #tpu.memory_space<vmem>> -> memref<128xi32, #tpu.memory_space<vmem>>
    %dma_start3A_111 = arith.constant 0 : i32
    %dma_start3A_112 = arith.constant 0 : i32
    %dma_start3A_113 = tpu.memref_slice %arg3[%dma_start3A_111, %dma_start3A_112] : memref<1003520x64xf32, #tpu.memory_space<hbm>> -> memref<1003520x64xf32, #tpu.memory_space<hbm>>
    %dma_start3A_114 = tpu.memref_slice %arg9[%dma_start3A_103] : memref<2x!tpu.dma_semaphore, #tpu.memory_space<semaphore_mem>> -> memref<1x!tpu.dma_semaphore, #tpu.memory_space<semaphore_mem>>
    %dma_start3A_115 = tpu.memref_squeeze %dma_start3A_114 : memref<1x!tpu.dma_semaphore, #tpu.memory_space<semaphore_mem>> -> memref<!tpu.dma_semaphore, #tpu.memory_space<semaphore_mem>>
    tpu.enqueue_indirect_dma source(%dma_start3A_113 : memref<1003520x64xf32, #tpu.memory_space<hbm>>) target(%dma_start3A_107 : memref<128x64xf32, #tpu.memory_space<vmem>>) offsets(%dma_start3A_110 : memref<128xi32, #tpu.memory_space<vmem>>) semaphore(%dma_start3A_115 : memref<!tpu.dma_semaphore, #tpu.memory_space<semaphore_mem>>)
    %dma_start3A_116 = arith.constant 1 : i32
    %dma_start3A_117 = arith.constant 2 : i32
    %dma_start3A_118 = arith.constant 1 : i32
    %dma_start3A_119 = arith.constant 1 : i32
    %dma_start3A_120 = arith.constant 256 : i32
    %dma_start3A_121 = arith.constant 0 : i32
    %dma_start3A_122 = tpu.memref_slice %arg7[%dma_start3A_118, %dma_start3A_120, %dma_start3A_121] : memref<2x640x64xf32, #tpu.memory_space<vmem>> -> memref<1x128x64xf32, #tpu.memory_space<vmem>>
    %dma_start3A_123 = tpu.memref_squeeze %dma_start3A_122 : memref<1x128x64xf32, #tpu.memory_space<vmem>> -> memref<128x64xf32, #tpu.memory_space<vmem>>
    %dma_start3A_124 = arith.constant 0 : i32
    %dma_start3A_125 = tpu.memref_slice %arg6[%dma_start3A_116, %dma_start3A_117, %dma_start3A_124] : memref<10x5x128xi32, #tpu.memory_space<vmem>> -> memref<1x1x128xi32, #tpu.memory_space<vmem>>
    %dma_start3A_126 = tpu.memref_squeeze %dma_start3A_125 : memref<1x1x128xi32, #tpu.memory_space<vmem>> -> memref<128xi32, #tpu.memory_space<vmem>>
    %dma_start3A_127 = arith.constant 0 : i32
    %dma_start3A_128 = arith.constant 0 : i32
    %dma_start3A_129 = tpu.memref_slice %arg3[%dma_start3A_127, %dma_start3A_128] : memref<1003520x64xf32, #tpu.memory_space<hbm>> -> memref<1003520x64xf32, #tpu.memory_space<hbm>>
    %dma_start3A_130 = tpu.memref_slice %arg9[%dma_start3A_119] : memref<2x!tpu.dma_semaphore, #tpu.memory_space<semaphore_mem>> -> memref<1x!tpu.dma_semaphore, #tpu.memory_space<semaphore_mem>>
    %dma_start3A_131 = tpu.memref_squeeze %dma_start3A_130 : memref<1x!tpu.dma_semaphore, #tpu.memory_space<semaphore_mem>> -> memref<!tpu.dma_semaphore, #tpu.memory_space<semaphore_mem>>
    tpu.enqueue_indirect_dma source(%dma_start3A_129 : memref<1003520x64xf32, #tpu.memory_space<hbm>>) target(%dma_start3A_123 : memref<128x64xf32, #tpu.memory_space<vmem>>) offsets(%dma_start3A_126 : memref<128xi32, #tpu.memory_space<vmem>>) semaphore(%dma_start3A_131 : memref<!tpu.dma_semaphore, #tpu.memory_space<semaphore_mem>>)
    %dma_start3A_132 = arith.constant 1 : i32
    %dma_start3A_133 = arith.constant 3 : i32
    %dma_start3A_134 = arith.constant 1 : i32
    %dma_start3A_135 = arith.constant 1 : i32
    %dma_start3A_136 = arith.constant 384 : i32
    %dma_start3A_137 = arith.constant 0 : i32
    %dma_start3A_138 = tpu.memref_slice %arg7[%dma_start3A_134, %dma_start3A_136, %dma_start3A_137] : memref<2x640x64xf32, #tpu.memory_space<vmem>> -> memref<1x128x64xf32, #tpu.memory_space<vmem>>
    %dma_start3A_139 = tpu.memref_squeeze %dma_start3A_138 : memref<1x128x64xf32, #tpu.memory_space<vmem>> -> memref<128x64xf32, #tpu.memory_space<vmem>>
    %dma_start3A_140 = arith.constant 0 : i32
    %dma_start3A_141 = tpu.memref_slice %arg6[%dma_start3A_132, %dma_start3A_133, %dma_start3A_140] : memref<10x5x128xi32, #tpu.memory_space<vmem>> -> memref<1x1x128xi32, #tpu.memory_space<vmem>>
    %dma_start3A_142 = tpu.memref_squeeze %dma_start3A_141 : memref<1x1x128xi32, #tpu.memory_space<vmem>> -> memref<128xi32, #tpu.memory_space<vmem>>
    %dma_start3A_143 = arith.constant 0 : i32
    %dma_start3A_144 = arith.constant 0 : i32
    %dma_start3A_145 = tpu.memref_slice %arg3[%dma_start3A_143, %dma_start3A_144] : memref<1003520x64xf32, #tpu.memory_space<hbm>> -> memref<1003520x64xf32, #tpu.memory_space<hbm>>
    %dma_start3A_146 = tpu.memref_slice %arg9[%dma_start3A_135] : memref<2x!tpu.dma_semaphore, #tpu.memory_space<semaphore_mem>> -> memref<1x!tpu.dma_semaphore, #tpu.memory_space<semaphore_mem>>
    %dma_start3A_147 = tpu.memref_squeeze %dma_start3A_146 : memref<1x!tpu.dma_semaphore, #tpu.memory_space<semaphore_mem>> -> memref<!tpu.dma_semaphore, #tpu.memory_space<semaphore_mem>>
    tpu.enqueue_indirect_dma source(%dma_start3A_145 : memref<1003520x64xf32, #tpu.memory_space<hbm>>) target(%dma_start3A_139 : memref<128x64xf32, #tpu.memory_space<vmem>>) offsets(%dma_start3A_142 : memref<128xi32, #tpu.memory_space<vmem>>) semaphore(%dma_start3A_147 : memref<!tpu.dma_semaphore, #tpu.memory_space<semaphore_mem>>)
    %dma_start3A_148 = arith.constant 1 : i32
    %dma_start3A_149 = arith.constant 4 : i32
    %dma_start3A_150 = arith.constant 1 : i32
    %dma_start3A_151 = arith.constant 1 : i32
    %dma_start3A_152 = arith.constant 512 : i32
    %dma_start3A_153 = arith.constant 0 : i32
    %dma_start3A_154 = tpu.memref_slice %arg7[%dma_start3A_150, %dma_start3A_152, %dma_start3A_153] : memref<2x640x64xf32, #tpu.memory_space<vmem>> -> memref<1x128x64xf32, #tpu.memory_space<vmem>>
    %dma_start3A_155 = tpu.memref_squeeze %dma_start3A_154 : memref<1x128x64xf32, #tpu.memory_space<vmem>> -> memref<128x64xf32, #tpu.memory_space<vmem>>
    %dma_start3A_156 = arith.constant 0 : i32
    %dma_start3A_157 = tpu.memref_slice %arg6[%dma_start3A_148, %dma_start3A_149, %dma_start3A_156] : memref<10x5x128xi32, #tpu.memory_space<vmem>> -> memref<1x1x128xi32, #tpu.memory_space<vmem>>
    %dma_start3A_158 = tpu.memref_squeeze %dma_start3A_157 : memref<1x1x128xi32, #tpu.memory_space<vmem>> -> memref<128xi32, #tpu.memory_space<vmem>>
    %dma_start3A_159 = arith.constant 0 : i32
    %dma_start3A_160 = arith.constant 0 : i32
    %dma_start3A_161 = tpu.memref_slice %arg3[%dma_start3A_159, %dma_start3A_160] : memref<1003520x64xf32, #tpu.memory_space<hbm>> -> memref<1003520x64xf32, #tpu.memory_space<hbm>>
    %dma_start3A_162 = tpu.memref_slice %arg9[%dma_start3A_151] : memref<2x!tpu.dma_semaphore, #tpu.memory_space<semaphore_mem>> -> memref<1x!tpu.dma_semaphore, #tpu.memory_space<semaphore_mem>>
    %dma_start3A_163 = tpu.memref_squeeze %dma_start3A_162 : memref<1x!tpu.dma_semaphore, #tpu.memory_space<semaphore_mem>> -> memref<!tpu.dma_semaphore, #tpu.memory_space<semaphore_mem>>
    tpu.enqueue_indirect_dma source(%dma_start3A_161 : memref<1003520x64xf32, #tpu.memory_space<hbm>>) target(%dma_start3A_155 : memref<128x64xf32, #tpu.memory_space<vmem>>) offsets(%dma_start3A_158 : memref<128xi32, #tpu.memory_space<vmem>>) semaphore(%dma_start3A_163 : memref<!tpu.dma_semaphore, #tpu.memory_space<semaphore_mem>>)
    %dma_wait3A = arith.constant 0 : i32
    %dma_wait3A_164 = arith.constant 0 : i32
    %dma_wait3A_165 = arith.constant 0 : i32
    %dma_wait3A_166 = arith.constant 0 : i32
    %dma_wait3A_167 = arith.constant 0 : i32
    %dma_wait3A_168 = arith.constant 0 : i32
    %dma_wait3A_169 = tpu.memref_slice %arg7[%dma_wait3A_165, %dma_wait3A_167, %dma_wait3A_168] : memref<2x640x64xf32, #tpu.memory_space<vmem>> -> memref<1x128x64xf32, #tpu.memory_space<vmem>>
    %dma_wait3A_170 = tpu.memref_squeeze %dma_wait3A_169 : memref<1x128x64xf32, #tpu.memory_space<vmem>> -> memref<128x64xf32, #tpu.memory_space<vmem>>
    %dma_wait3A_171 = arith.constant 0 : i32
    %dma_wait3A_172 = tpu.memref_slice %arg6[%dma_wait3A, %dma_wait3A_164, %dma_wait3A_171] : memref<10x5x128xi32, #tpu.memory_space<vmem>> -> memref<1x1x128xi32, #tpu.memory_space<vmem>>
    %dma_wait3A_173 = tpu.memref_squeeze %dma_wait3A_172 : memref<1x1x128xi32, #tpu.memory_space<vmem>> -> memref<128xi32, #tpu.memory_space<vmem>>
    %dma_wait3A_174 = arith.constant 0 : i32
    %dma_wait3A_175 = arith.constant 0 : i32
    %dma_wait3A_176 = tpu.memref_slice %arg3[%dma_wait3A_174, %dma_wait3A_175] : memref<1003520x64xf32, #tpu.memory_space<hbm>> -> memref<1003520x64xf32, #tpu.memory_space<hbm>>
    %dma_wait3A_177 = tpu.memref_slice %arg9[%dma_wait3A_166] : memref<2x!tpu.dma_semaphore, #tpu.memory_space<semaphore_mem>> -> memref<1x!tpu.dma_semaphore, #tpu.memory_space<semaphore_mem>>
    %dma_wait3A_178 = tpu.memref_squeeze %dma_wait3A_177 : memref<1x!tpu.dma_semaphore, #tpu.memory_space<semaphore_mem>> -> memref<!tpu.dma_semaphore, #tpu.memory_space<semaphore_mem>>
    tpu.wait_indirect_dma semaphore(%dma_wait3A_178 : memref<!tpu.dma_semaphore, #tpu.memory_space<semaphore_mem>>) src(%dma_wait3A_176 : memref<1003520x64xf32, #tpu.memory_space<hbm>>) dst(%dma_wait3A_170 : memref<128x64xf32, #tpu.memory_space<vmem>>)
    %dma_wait3A_179 = arith.constant 0 : i32
    %dma_wait3A_180 = arith.constant 1 : i32
    %dma_wait3A_181 = arith.constant 0 : i32
    %dma_wait3A_182 = arith.constant 0 : i32
    %dma_wait3A_183 = arith.constant 128 : i32
    %dma_wait3A_184 = arith.constant 0 : i32
    %dma_wait3A_185 = tpu.memref_slice %arg7[%dma_wait3A_181, %dma_wait3A_183, %dma_wait3A_184] : memref<2x640x64xf32, #tpu.memory_space<vmem>> -> memref<1x128x64xf32, #tpu.memory_space<vmem>>
    %dma_wait3A_186 = tpu.memref_squeeze %dma_wait3A_185 : memref<1x128x64xf32, #tpu.memory_space<vmem>> -> memref<128x64xf32, #tpu.memory_space<vmem>>
    %dma_wait3A_187 = arith.constant 0 : i32
    %dma_wait3A_188 = tpu.memref_slice %arg6[%dma_wait3A_179, %dma_wait3A_180, %dma_wait3A_187] : memref<10x5x128xi32, #tpu.memory_space<vmem>> -> memref<1x1x128xi32, #tpu.memory_space<vmem>>
    %dma_wait3A_189 = tpu.memref_squeeze %dma_wait3A_188 : memref<1x1x128xi32, #tpu.memory_space<vmem>> -> memref<128xi32, #tpu.memory_space<vmem>>
    %dma_wait3A_190 = arith.constant 0 : i32
    %dma_wait3A_191 = arith.constant 0 : i32
    %dma_wait3A_192 = tpu.memref_slice %arg3[%dma_wait3A_190, %dma_wait3A_191] : memref<1003520x64xf32, #tpu.memory_space<hbm>> -> memref<1003520x64xf32, #tpu.memory_space<hbm>>
    %dma_wait3A_193 = tpu.memref_slice %arg9[%dma_wait3A_182] : memref<2x!tpu.dma_semaphore, #tpu.memory_space<semaphore_mem>> -> memref<1x!tpu.dma_semaphore, #tpu.memory_space<semaphore_mem>>
    %dma_wait3A_194 = tpu.memref_squeeze %dma_wait3A_193 : memref<1x!tpu.dma_semaphore, #tpu.memory_space<semaphore_mem>> -> memref<!tpu.dma_semaphore, #tpu.memory_space<semaphore_mem>>
    tpu.wait_indirect_dma semaphore(%dma_wait3A_194 : memref<!tpu.dma_semaphore, #tpu.memory_space<semaphore_mem>>) src(%dma_wait3A_192 : memref<1003520x64xf32, #tpu.memory_space<hbm>>) dst(%dma_wait3A_186 : memref<128x64xf32, #tpu.memory_space<vmem>>)
    %dma_wait3A_195 = arith.constant 0 : i32
    %dma_wait3A_196 = arith.constant 2 : i32
    %dma_wait3A_197 = arith.constant 0 : i32
    %dma_wait3A_198 = arith.constant 0 : i32
    %dma_wait3A_199 = arith.constant 256 : i32
    %dma_wait3A_200 = arith.constant 0 : i32
    %dma_wait3A_201 = tpu.memref_slice %arg7[%dma_wait3A_197, %dma_wait3A_199, %dma_wait3A_200] : memref<2x640x64xf32, #tpu.memory_space<vmem>> -> memref<1x128x64xf32, #tpu.memory_space<vmem>>
    %dma_wait3A_202 = tpu.memref_squeeze %dma_wait3A_201 : memref<1x128x64xf32, #tpu.memory_space<vmem>> -> memref<128x64xf32, #tpu.memory_space<vmem>>
    %dma_wait3A_203 = arith.constant 0 : i32
    %dma_wait3A_204 = tpu.memref_slice %arg6[%dma_wait3A_195, %dma_wait3A_196, %dma_wait3A_203] : memref<10x5x128xi32, #tpu.memory_space<vmem>> -> memref<1x1x128xi32, #tpu.memory_space<vmem>>
    %dma_wait3A_205 = tpu.memref_squeeze %dma_wait3A_204 : memref<1x1x128xi32, #tpu.memory_space<vmem>> -> memref<128xi32, #tpu.memory_space<vmem>>
    %dma_wait3A_206 = arith.constant 0 : i32
    %dma_wait3A_207 = arith.constant 0 : i32
    %dma_wait3A_208 = tpu.memref_slice %arg3[%dma_wait3A_206, %dma_wait3A_207] : memref<1003520x64xf32, #tpu.memory_space<hbm>> -> memref<1003520x64xf32, #tpu.memory_space<hbm>>
    %dma_wait3A_209 = tpu.memref_slice %arg9[%dma_wait3A_198] : memref<2x!tpu.dma_semaphore, #tpu.memory_space<semaphore_mem>> -> memref<1x!tpu.dma_semaphore, #tpu.memory_space<semaphore_mem>>
    %dma_wait3A_210 = tpu.memref_squeeze %dma_wait3A_209 : memref<1x!tpu.dma_semaphore, #tpu.memory_space<semaphore_mem>> -> memref<!tpu.dma_semaphore, #tpu.memory_space<semaphore_mem>>
    tpu.wait_indirect_dma semaphore(%dma_wait3A_210 : memref<!tpu.dma_semaphore, #tpu.memory_space<semaphore_mem>>) src(%dma_wait3A_208 : memref<1003520x64xf32, #tpu.memory_space<hbm>>) dst(%dma_wait3A_202 : memref<128x64xf32, #tpu.memory_space<vmem>>)
    %dma_wait3A_211 = arith.constant 0 : i32
    %dma_wait3A_212 = arith.constant 3 : i32
    %dma_wait3A_213 = arith.constant 0 : i32
    %dma_wait3A_214 = arith.constant 0 : i32
    %dma_wait3A_215 = arith.constant 384 : i32
    %dma_wait3A_216 = arith.constant 0 : i32
    %dma_wait3A_217 = tpu.memref_slice %arg7[%dma_wait3A_213, %dma_wait3A_215, %dma_wait3A_216] : memref<2x640x64xf32, #tpu.memory_space<vmem>> -> memref<1x128x64xf32, #tpu.memory_space<vmem>>
    %dma_wait3A_218 = tpu.memref_squeeze %dma_wait3A_217 : memref<1x128x64xf32, #tpu.memory_space<vmem>> -> memref<128x64xf32, #tpu.memory_space<vmem>>
    %dma_wait3A_219 = arith.constant 0 : i32
    %dma_wait3A_220 = tpu.memref_slice %arg6[%dma_wait3A_211, %dma_wait3A_212, %dma_wait3A_219] : memref<10x5x128xi32, #tpu.memory_space<vmem>> -> memref<1x1x128xi32, #tpu.memory_space<vmem>>
    %dma_wait3A_221 = tpu.memref_squeeze %dma_wait3A_220 : memref<1x1x128xi32, #tpu.memory_space<vmem>> -> memref<128xi32, #tpu.memory_space<vmem>>
    %dma_wait3A_222 = arith.constant 0 : i32
    %dma_wait3A_223 = arith.constant 0 : i32
    %dma_wait3A_224 = tpu.memref_slice %arg3[%dma_wait3A_222, %dma_wait3A_223] : memref<1003520x64xf32, #tpu.memory_space<hbm>> -> memref<1003520x64xf32, #tpu.memory_space<hbm>>
    %dma_wait3A_225 = tpu.memref_slice %arg9[%dma_wait3A_214] : memref<2x!tpu.dma_semaphore, #tpu.memory_space<semaphore_mem>> -> memref<1x!tpu.dma_semaphore, #tpu.memory_space<semaphore_mem>>
    %dma_wait3A_226 = tpu.memref_squeeze %dma_wait3A_225 : memref<1x!tpu.dma_semaphore, #tpu.memory_space<semaphore_mem>> -> memref<!tpu.dma_semaphore, #tpu.memory_space<semaphore_mem>>
    tpu.wait_indirect_dma semaphore(%dma_wait3A_226 : memref<!tpu.dma_semaphore, #tpu.memory_space<semaphore_mem>>) src(%dma_wait3A_224 : memref<1003520x64xf32, #tpu.memory_space<hbm>>) dst(%dma_wait3A_218 : memref<128x64xf32, #tpu.memory_space<vmem>>)
    %dma_wait3A_227 = arith.constant 0 : i32
    %dma_wait3A_228 = arith.constant 4 : i32
    %dma_wait3A_229 = arith.constant 0 : i32
    %dma_wait3A_230 = arith.constant 0 : i32
    %dma_wait3A_231 = arith.constant 512 : i32
    %dma_wait3A_232 = arith.constant 0 : i32
    %dma_wait3A_233 = tpu.memref_slice %arg7[%dma_wait3A_229, %dma_wait3A_231, %dma_wait3A_232] : memref<2x640x64xf32, #tpu.memory_space<vmem>> -> memref<1x128x64xf32, #tpu.memory_space<vmem>>
    %dma_wait3A_234 = tpu.memref_squeeze %dma_wait3A_233 : memref<1x128x64xf32, #tpu.memory_space<vmem>> -> memref<128x64xf32, #tpu.memory_space<vmem>>
    %dma_wait3A_235 = arith.constant 0 : i32
    %dma_wait3A_236 = tpu.memref_slice %arg6[%dma_wait3A_227, %dma_wait3A_228, %dma_wait3A_235] : memref<10x5x128xi32, #tpu.memory_space<vmem>> -> memref<1x1x128xi32, #tpu.memory_space<vmem>>
    %dma_wait3A_237 = tpu.memref_squeeze %dma_wait3A_236 : memref<1x1x128xi32, #tpu.memory_space<vmem>> -> memref<128xi32, #tpu.memory_space<vmem>>
    %dma_wait3A_238 = arith.constant 0 : i32
    %dma_wait3A_239 = arith.constant 0 : i32
    %dma_wait3A_240 = tpu.memref_slice %arg3[%dma_wait3A_238, %dma_wait3A_239] : memref<1003520x64xf32, #tpu.memory_space<hbm>> -> memref<1003520x64xf32, #tpu.memory_space<hbm>>
    %dma_wait3A_241 = tpu.memref_slice %arg9[%dma_wait3A_230] : memref<2x!tpu.dma_semaphore, #tpu.memory_space<semaphore_mem>> -> memref<1x!tpu.dma_semaphore, #tpu.memory_space<semaphore_mem>>
    %dma_wait3A_242 = tpu.memref_squeeze %dma_wait3A_241 : memref<1x!tpu.dma_semaphore, #tpu.memory_space<semaphore_mem>> -> memref<!tpu.dma_semaphore, #tpu.memory_space<semaphore_mem>>
    tpu.wait_indirect_dma semaphore(%dma_wait3A_242 : memref<!tpu.dma_semaphore, #tpu.memory_space<semaphore_mem>>) src(%dma_wait3A_240 : memref<1003520x64xf32, #tpu.memory_space<hbm>>) dst(%dma_wait3A_234 : memref<128x64xf32, #tpu.memory_space<vmem>>)
    %scan3A = arith.constant 0 : i32
    %scan3A_243 = arith.constant 0 : i32
    %scan3A_244 = arith.constant 640 : i32
    %scan3A_245 = arith.addi %scan3A_243, %scan3A_244 : i32
    %scan3A_246 = arith.constant 1 : i32
    %scan3A_247 = scf.for %scan3A_2012 = %scan3A_243 to %scan3A_245 step %scan3A_246 iter_args(%scan3A_2013 = %scan3A) -> (i32)  : i32 {
      %get3A_2014 = arith.constant 0 : i32
      %get3A_2015 = arith.index_cast %get3A_2014 : i32 to index
      %get3A_2016 = arith.index_cast %scan3A_2012 : i32 to index
      %get3A_2017 = arith.constant 0 : index
      %get3A_2018 = tpu.vector_load %arg7[%get3A_2015, %get3A_2016, %get3A_2017] {strides = array<i32>} : memref<2x640x64xf32, #tpu.memory_space<vmem>>, vector<1x1x16xf32>,
      %get3A_2019 = vector.shape_cast %get3A_2018 : vector<1x1x16xf32> to vector<16xf32>
      %mul3A_2020 = arith.mulf %get3A_2019, %get3A_4 : vector<16xf32>
      %swap3A = arith.constant 0 : i32
      %swap3A_2021 = arith.index_cast %swap3A : i32 to index
      %swap3A_2022 = arith.index_cast %scan3A_2012 : i32 to index
      %swap3A_2023 = arith.constant 0 : index
      %swap3A_2024 = tpu.vector_load %arg7[%swap3A_2021, %swap3A_2022, %swap3A_2023] {strides = array<i32>} : memref<2x640x64xf32, #tpu.memory_space<vmem>>, vector<1x1x16xf32>,
      %swap3A_2025 = vector.shape_cast %swap3A_2024 : vector<1x1x16xf32> to vector<16xf32>
      %swap3A_2026 = vector.shape_cast %mul3A_2020 : vector<16xf32> to vector<1x1x16xf32>
      tpu.vector_store %arg7[%swap3A_2021, %swap3A_2022, %swap3A_2023], %swap3A_2026 {strides = array<i32>} : memref<2x640x64xf32, #tpu.memory_space<vmem>>, vector<1x1x16xf32>,
      %get3A_2027 = arith.constant 0 : i32
      %get3A_2028 = arith.index_cast %get3A_2027 : i32 to index
      %get3A_2029 = arith.index_cast %scan3A_2012 : i32 to index
      %get3A_2030 = arith.constant 16 : index
      %get3A_2031 = tpu.vector_load %arg7[%get3A_2028, %get3A_2029, %get3A_2030] {strides = array<i32>} : memref<2x640x64xf32, #tpu.memory_space<vmem>>, vector<1x1x16xf32>,
      %get3A_2032 = vector.shape_cast %get3A_2031 : vector<1x1x16xf32> to vector<16xf32>
      %mul3A_2033 = arith.mulf %get3A_2032, %get3A_4 : vector<16xf32>
      %swap3A_2034 = arith.constant 0 : i32
      %swap3A_2035 = arith.index_cast %swap3A_2034 : i32 to index
      %swap3A_2036 = arith.index_cast %scan3A_2012 : i32 to index
      %swap3A_2037 = arith.constant 16 : index
      %swap3A_2038 = tpu.vector_load %arg7[%swap3A_2035, %swap3A_2036, %swap3A_2037] {strides = array<i32>} : memref<2x640x64xf32, #tpu.memory_space<vmem>>, vector<1x1x16xf32>,
      %swap3A_2039 = vector.shape_cast %swap3A_2038 : vector<1x1x16xf32> to vector<16xf32>
      %swap3A_2040 = vector.shape_cast %mul3A_2033 : vector<16xf32> to vector<1x1x16xf32>
      tpu.vector_store %arg7[%swap3A_2035, %swap3A_2036, %swap3A_2037], %swap3A_2040 {strides = array<i32>} : memref<2x640x64xf32, #tpu.memory_space<vmem>>, vector<1x1x16xf32>,
      %get3A_2041 = arith.constant 0 : i32
      %get3A_2042 = arith.index_cast %get3A_2041 : i32 to index
      %get3A_2043 = arith.index_cast %scan3A_2012 : i32 to index
      %get3A_2044 = arith.constant 32 : index
      %get3A_2045 = tpu.vector_load %arg7[%get3A_2042, %get3A_2043, %get3A_2044] {strides = array<i32>} : memref<2x640x64xf32, #tpu.memory_space<vmem>>, vector<1x1x16xf32>,
      %get3A_2046 = vector.shape_cast %get3A_2045 : vector<1x1x16xf32> to vector<16xf32>
      %mul3A_2047 = arith.mulf %get3A_2046, %get3A_4 : vector<16xf32>
      %swap3A_2048 = arith.constant 0 : i32
      %swap3A_2049 = arith.index_cast %swap3A_2048 : i32 to index
      %swap3A_2050 = arith.index_cast %scan3A_2012 : i32 to index
      %swap3A_2051 = arith.constant 32 : index
      %swap3A_2052 = tpu.vector_load %arg7[%swap3A_2049, %swap3A_2050, %swap3A_2051] {strides = array<i32>} : memref<2x640x64xf32, #tpu.memory_space<vmem>>, vector<1x1x16xf32>,
      %swap3A_2053 = vector.shape_cast %swap3A_2052 : vector<1x1x16xf32> to vector<16xf32>
      %swap3A_2054 = vector.shape_cast %mul3A_2047 : vector<16xf32> to vector<1x1x16xf32>
      tpu.vector_store %arg7[%swap3A_2049, %swap3A_2050, %swap3A_2051], %swap3A_2054 {strides = array<i32>} : memref<2x640x64xf32, #tpu.memory_space<vmem>>, vector<1x1x16xf32>,
      %get3A_2055 = arith.constant 0 : i32
      %get3A_2056 = arith.index_cast %get3A_2055 : i32 to index
      %get3A_2057 = arith.index_cast %scan3A_2012 : i32 to index
      %get3A_2058 = arith.constant 48 : index
      %get3A_2059 = tpu.vector_load %arg7[%get3A_2056, %get3A_2057, %get3A_2058] {strides = array<i32>} : memref<2x640x64xf32, #tpu.memory_space<vmem>>, vector<1x1x16xf32>,
      %get3A_2060 = vector.shape_cast %get3A_2059 : vector<1x1x16xf32> to vector<16xf32>
      %mul3A_2061 = arith.mulf %get3A_2060, %get3A_4 : vector<16xf32>
      %swap3A_2062 = arith.constant 0 : i32
      %swap3A_2063 = arith.index_cast %swap3A_2062 : i32 to index
      %swap3A_2064 = arith.index_cast %scan3A_2012 : i32 to index
      %swap3A_2065 = arith.constant 48 : index
      %swap3A_2066 = tpu.vector_load %arg7[%swap3A_2063, %swap3A_2064, %swap3A_2065] {strides = array<i32>} : memref<2x640x64xf32, #tpu.memory_space<vmem>>, vector<1x1x16xf32>,
      %swap3A_2067 = vector.shape_cast %swap3A_2066 : vector<1x1x16xf32> to vector<16xf32>
      %swap3A_2068 = vector.shape_cast %mul3A_2061 : vector<16xf32> to vector<1x1x16xf32>
      tpu.vector_store %arg7[%swap3A_2063, %swap3A_2064, %swap3A_2065], %swap3A_2068 {strides = array<i32>} : memref<2x640x64xf32, #tpu.memory_space<vmem>>, vector<1x1x16xf32>,
      %scan3A_2069 = arith.constant 0 : i32
      scf.yield %scan3A_2069 : i32
    }
    %scan3A_248 = arith.constant 640 : i32
    %add3A_249 = arith.constant 0 : i32
    %add3A_250 = arith.addi %mul3A_2, %add3A_249 : i32
    %dma_start3A_251 = arith.constant 0 : i32
    %dma_start3A_252 = arith.constant 0 : i32
    %dma_start3A_253 = arith.constant 0 : i32
    %dma_start3A_254 = arith.constant 0 : i32
    %dma_start3A_255 = tpu.memref_slice %arg7[%dma_start3A_251, %dma_start3A_253, %dma_start3A_254] : memref<2x640x64xf32, #tpu.memory_space<vmem>> -> memref<1x640x64xf32, #tpu.memory_space<vmem>>
    %dma_start3A_256 = tpu.memref_squeeze %dma_start3A_255 : memref<1x640x64xf32, #tpu.memory_space<vmem>> -> memref<640x64xf32, #tpu.memory_space<vmem>>
    %dma_start3A_257 = arith.constant 0 : i32
    %dma_start3A_258 = tpu.memref_slice %arg5[%add3A_250, %dma_start3A_257] : memref<204800x64xf32, #tpu.memory_space<hbm>> -> memref<640x64xf32, #tpu.memory_space<hbm>>
    %dma_start3A_259 = tpu.memref_slice %arg10[%dma_start3A_252] : memref<2x!tpu.dma_semaphore, #tpu.memory_space<semaphore_mem>> -> memref<1x!tpu.dma_semaphore, #tpu.memory_space<semaphore_mem>>
    %dma_start3A_260 = tpu.memref_squeeze %dma_start3A_259 : memref<1x!tpu.dma_semaphore, #tpu.memory_space<semaphore_mem>> -> memref<!tpu.dma_semaphore, #tpu.memory_space<semaphore_mem>>
    %dma_start3A_261 = arith.constant 0 : i32
    %dma_start3A_262 = tpu.memref_slice %arg5[%add3A_250, %dma_start3A_261] : memref<204800x64xf32, #tpu.memory_space<hbm>> -> memref<640x64xf32, #tpu.memory_space<hbm>>
    %dma_start3A_263 = arith.constant 0 : i32
    %dma_start3A_264 = arith.constant 0 : i32
    %dma_start3A_265 = tpu.memref_slice %arg7[%dma_start3A_251, %dma_start3A_263, %dma_start3A_264] : memref<2x640x64xf32, #tpu.memory_space<vmem>> -> memref<1x640x64xf32, #tpu.memory_space<vmem>>
    %dma_start3A_266 = tpu.memref_squeeze %dma_start3A_265 : memref<1x640x64xf32, #tpu.memory_space<vmem>> -> memref<640x64xf32, #tpu.memory_space<vmem>>
    tpu.enqueue_dma source(%dma_start3A_266 : memref<640x64xf32, #tpu.memory_space<vmem>>) target(%dma_start3A_262 : memref<640x64xf32, #tpu.memory_space<hbm>>) target_semaphore(%dma_start3A_260 : memref<!tpu.dma_semaphore, #tpu.memory_space<semaphore_mem>>)
    %dma_wait3A_267 = arith.constant 0 : i32
    %dma_wait3A_268 = arith.constant 0 : i32
    %dma_wait3A_269 = arith.constant 0 : i32
    %dma_wait3A_270 = arith.constant 0 : i32
    %dma_wait3A_271 = tpu.memref_slice %arg7[%dma_wait3A_267, %dma_wait3A_269, %dma_wait3A_270] : memref<2x640x64xf32, #tpu.memory_space<vmem>> -> memref<1x640x64xf32, #tpu.memory_space<vmem>>
    %dma_wait3A_272 = tpu.memref_squeeze %dma_wait3A_271 : memref<1x640x64xf32, #tpu.memory_space<vmem>> -> memref<640x64xf32, #tpu.memory_space<vmem>>
    %dma_wait3A_273 = arith.constant 0 : i32
    %dma_wait3A_274 = tpu.memref_slice %arg5[%add3A_250, %dma_wait3A_273] : memref<204800x64xf32, #tpu.memory_space<hbm>> -> memref<640x64xf32, #tpu.memory_space<hbm>>
    %dma_wait3A_275 = tpu.memref_slice %arg10[%dma_wait3A_268] : memref<2x!tpu.dma_semaphore, #tpu.memory_space<semaphore_mem>> -> memref<1x!tpu.dma_semaphore, #tpu.memory_space<semaphore_mem>>
    %dma_wait3A_276 = tpu.memref_squeeze %dma_wait3A_275 : memref<1x!tpu.dma_semaphore, #tpu.memory_space<semaphore_mem>> -> memref<!tpu.dma_semaphore, #tpu.memory_space<semaphore_mem>>
    %dma_wait3A_277 = arith.constant 0 : i32
    %dma_wait3A_278 = tpu.memref_slice %arg5[%add3A_250, %dma_wait3A_277] : memref<204800x64xf32, #tpu.memory_space<hbm>> -> memref<640x64xf32, #tpu.memory_space<hbm>>
    %dma_wait3A_279 = arith.constant 0 : i32
    %dma_wait3A_280 = arith.constant 0 : i32
    %dma_wait3A_281 = tpu.memref_slice %arg7[%dma_wait3A_267, %dma_wait3A_279, %dma_wait3A_280] : memref<2x640x64xf32, #tpu.memory_space<vmem>> -> memref<1x640x64xf32, #tpu.memory_space<vmem>>
    %dma_wait3A_282 = tpu.memref_squeeze %dma_wait3A_281 : memref<1x640x64xf32, #tpu.memory_space<vmem>> -> memref<640x64xf32, #tpu.memory_space<vmem>>
    tpu.wait_dma2 semaphore(%dma_wait3A_276 : memref<!tpu.dma_semaphore, #tpu.memory_space<semaphore_mem>>) src(%dma_wait3A_282 : memref<640x64xf32, #tpu.memory_space<vmem>>) dst(%dma_wait3A_278 : memref<640x64xf32, #tpu.memory_space<hbm>>)
    %dma_start3A_283 = arith.constant 2 : i32
    %dma_start3A_284 = arith.constant 0 : i32
    %dma_start3A_285 = arith.constant 0 : i32
    %dma_start3A_286 = arith.constant 0 : i32
    %dma_start3A_287 = arith.constant 0 : i32
    %dma_start3A_288 = arith.constant 0 : i32
    %dma_start3A_289 = tpu.memref_slice %arg7[%dma_start3A_285, %dma_start3A_287, %dma_start3A_288] : memref<2x640x64xf32, #tpu.memory_space<vmem>> -> memref<1x128x64xf32, #tpu.memory_space<vmem>>
    %dma_start3A_290 = tpu.memref_squeeze %dma_start3A_289 : memref<1x128x64xf32, #tpu.memory_space<vmem>> -> memref<128x64xf32, #tpu.memory_space<vmem>>
    %dma_start3A_291 = arith.constant 0 : i32
    %dma_start3A_292 = tpu.memref_slice %arg6[%dma_start3A_283, %dma_start3A_284, %dma_start3A_291] : memref<10x5x128xi32, #tpu.memory_space<vmem>> -> memref<1x1x128xi32, #tpu.memory_space<vmem>>
    %dma_start3A_293 = tpu.memref_squeeze %dma_start3A_292 : memref<1x1x128xi32, #tpu.memory_space<vmem>> -> memref<128xi32, #tpu.memory_space<vmem>>
    %dma_start3A_294 = arith.constant 0 : i32
    %dma_start3A_295 = arith.constant 0 : i32
    %dma_start3A_296 = tpu.memref_slice %arg3[%dma_start3A_294, %dma_start3A_295] : memref<1003520x64xf32, #tpu.memory_space<hbm>> -> memref<1003520x64xf32, #tpu.memory_space<hbm>>
    %dma_start3A_297 = tpu.memref_slice %arg9[%dma_start3A_286] : memref<2x!tpu.dma_semaphore, #tpu.memory_space<semaphore_mem>> -> memref<1x!tpu.dma_semaphore, #tpu.memory_space<semaphore_mem>>
    %dma_start3A_298 = tpu.memref_squeeze %dma_start3A_297 : memref<1x!tpu.dma_semaphore, #tpu.memory_space<semaphore_mem>> -> memref<!tpu.dma_semaphore, #tpu.memory_space<semaphore_mem>>
    tpu.enqueue_indirect_dma source(%dma_start3A_296 : memref<1003520x64xf32, #tpu.memory_space<hbm>>) target(%dma_start3A_290 : memref<128x64xf32, #tpu.memory_space<vmem>>) offsets(%dma_start3A_293 : memref<128xi32, #tpu.memory_space<vmem>>) semaphore(%dma_start3A_298 : memref<!tpu.dma_semaphore, #tpu.memory_space<semaphore_mem>>)
    %dma_start3A_299 = arith.constant 2 : i32
    %dma_start3A_300 = arith.constant 1 : i32
    %dma_start3A_301 = arith.constant 0 : i32
    %dma_start3A_302 = arith.constant 0 : i32
    %dma_start3A_303 = arith.constant 128 : i32
    %dma_start3A_304 = arith.constant 0 : i32
    %dma_start3A_305 = tpu.memref_slice %arg7[%dma_start3A_301, %dma_start3A_303, %dma_start3A_304] : memref<2x640x64xf32, #tpu.memory_space<vmem>> -> memref<1x128x64xf32, #tpu.memory_space<vmem>>
    %dma_start3A_306 = tpu.memref_squeeze %dma_start3A_305 : memref<1x128x64xf32, #tpu.memory_space<vmem>> -> memref<128x64xf32, #tpu.memory_space<vmem>>
    %dma_start3A_307 = arith.constant 0 : i32
    %dma_start3A_308 = tpu.memref_slice %arg6[%dma_start3A_299, %dma_start3A_300, %dma_start3A_307] : memref<10x5x128xi32, #tpu.memory_space<vmem>> -> memref<1x1x128xi32, #tpu.memory_space<vmem>>
    %dma_start3A_309 = tpu.memref_squeeze %dma_start3A_308 : memref<1x1x128xi32, #tpu.memory_space<vmem>> -> memref<128xi32, #tpu.memory_space<vmem>>
    %dma_start3A_310 = arith.constant 0 : i32
    %dma_start3A_311 = arith.constant 0 : i32
    %dma_start3A_312 = tpu.memref_slice %arg3[%dma_start3A_310, %dma_start3A_311] : memref<1003520x64xf32, #tpu.memory_space<hbm>> -> memref<1003520x64xf32, #tpu.memory_space<hbm>>
    %dma_start3A_313 = tpu.memref_slice %arg9[%dma_start3A_302] : memref<2x!tpu.dma_semaphore, #tpu.memory_space<semaphore_mem>> -> memref<1x!tpu.dma_semaphore, #tpu.memory_space<semaphore_mem>>
    %dma_start3A_314 = tpu.memref_squeeze %dma_start3A_313 : memref<1x!tpu.dma_semaphore, #tpu.memory_space<semaphore_mem>> -> memref<!tpu.dma_semaphore, #tpu.memory_space<semaphore_mem>>
    tpu.enqueue_indirect_dma source(%dma_start3A_312 : memref<1003520x64xf32, #tpu.memory_space<hbm>>) target(%dma_start3A_306 : memref<128x64xf32, #tpu.memory_space<vmem>>) offsets(%dma_start3A_309 : memref<128xi32, #tpu.memory_space<vmem>>) semaphore(%dma_start3A_314 : memref<!tpu.dma_semaphore, #tpu.memory_space<semaphore_mem>>)
    %dma_start3A_315 = arith.constant 2 : i32
    %dma_start3A_316 = arith.constant 2 : i32
    %dma_start3A_317 = arith.constant 0 : i32
    %dma_start3A_318 = arith.constant 0 : i32
    %dma_start3A_319 = arith.constant 256 : i32
    %dma_start3A_320 = arith.constant 0 : i32
    %dma_start3A_321 = tpu.memref_slice %arg7[%dma_start3A_317, %dma_start3A_319, %dma_start3A_320] : memref<2x640x64xf32, #tpu.memory_space<vmem>> -> memref<1x128x64xf32, #tpu.memory_space<vmem>>
    %dma_start3A_322 = tpu.memref_squeeze %dma_start3A_321 : memref<1x128x64xf32, #tpu.memory_space<vmem>> -> memref<128x64xf32, #tpu.memory_space<vmem>>
    %dma_start3A_323 = arith.constant 0 : i32
    %dma_start3A_324 = tpu.memref_slice %arg6[%dma_start3A_315, %dma_start3A_316, %dma_start3A_323] : memref<10x5x128xi32, #tpu.memory_space<vmem>> -> memref<1x1x128xi32, #tpu.memory_space<vmem>>
    %dma_start3A_325 = tpu.memref_squeeze %dma_start3A_324 : memref<1x1x128xi32, #tpu.memory_space<vmem>> -> memref<128xi32, #tpu.memory_space<vmem>>
    %dma_start3A_326 = arith.constant 0 : i32
    %dma_start3A_327 = arith.constant 0 : i32
    %dma_start3A_328 = tpu.memref_slice %arg3[%dma_start3A_326, %dma_start3A_327] : memref<1003520x64xf32, #tpu.memory_space<hbm>> -> memref<1003520x64xf32, #tpu.memory_space<hbm>>
    %dma_start3A_329 = tpu.memref_slice %arg9[%dma_start3A_318] : memref<2x!tpu.dma_semaphore, #tpu.memory_space<semaphore_mem>> -> memref<1x!tpu.dma_semaphore, #tpu.memory_space<semaphore_mem>>
    %dma_start3A_330 = tpu.memref_squeeze %dma_start3A_329 : memref<1x!tpu.dma_semaphore, #tpu.memory_space<semaphore_mem>> -> memref<!tpu.dma_semaphore, #tpu.memory_space<semaphore_mem>>
    tpu.enqueue_indirect_dma source(%dma_start3A_328 : memref<1003520x64xf32, #tpu.memory_space<hbm>>) target(%dma_start3A_322 : memref<128x64xf32, #tpu.memory_space<vmem>>) offsets(%dma_start3A_325 : memref<128xi32, #tpu.memory_space<vmem>>) semaphore(%dma_start3A_330 : memref<!tpu.dma_semaphore, #tpu.memory_space<semaphore_mem>>)
    %dma_start3A_331 = arith.constant 2 : i32
    %dma_start3A_332 = arith.constant 3 : i32
    %dma_start3A_333 = arith.constant 0 : i32
    %dma_start3A_334 = arith.constant 0 : i32
    %dma_start3A_335 = arith.constant 384 : i32
    %dma_start3A_336 = arith.constant 0 : i32
    %dma_start3A_337 = tpu.memref_slice %arg7[%dma_start3A_333, %dma_start3A_335, %dma_start3A_336] : memref<2x640x64xf32, #tpu.memory_space<vmem>> -> memref<1x128x64xf32, #tpu.memory_space<vmem>>
    %dma_start3A_338 = tpu.memref_squeeze %dma_start3A_337 : memref<1x128x64xf32, #tpu.memory_space<vmem>> -> memref<128x64xf32, #tpu.memory_space<vmem>>
    %dma_start3A_339 = arith.constant 0 : i32
    %dma_start3A_340 = tpu.memref_slice %arg6[%dma_start3A_331, %dma_start3A_332, %dma_start3A_339] : memref<10x5x128xi32, #tpu.memory_space<vmem>> -> memref<1x1x128xi32, #tpu.memory_space<vmem>>
    %dma_start3A_341 = tpu.memref_squeeze %dma_start3A_340 : memref<1x1x128xi32, #tpu.memory_space<vmem>> -> memref<128xi32, #tpu.memory_space<vmem>>
    %dma_start3A_342 = arith.constant 0 : i32
    %dma_start3A_343 = arith.constant 0 : i32
    %dma_start3A_344 = tpu.memref_slice %arg3[%dma_start3A_342, %dma_start3A_343] : memref<1003520x64xf32, #tpu.memory_space<hbm>> -> memref<1003520x64xf32, #tpu.memory_space<hbm>>
    %dma_start3A_345 = tpu.memref_slice %arg9[%dma_start3A_334] : memref<2x!tpu.dma_semaphore, #tpu.memory_space<semaphore_mem>> -> memref<1x!tpu.dma_semaphore, #tpu.memory_space<semaphore_mem>>
    %dma_start3A_346 = tpu.memref_squeeze %dma_start3A_345 : memref<1x!tpu.dma_semaphore, #tpu.memory_space<semaphore_mem>> -> memref<!tpu.dma_semaphore, #tpu.memory_space<semaphore_mem>>
    tpu.enqueue_indirect_dma source(%dma_start3A_344 : memref<1003520x64xf32, #tpu.memory_space<hbm>>) target(%dma_start3A_338 : memref<128x64xf32, #tpu.memory_space<vmem>>) offsets(%dma_start3A_341 : memref<128xi32, #tpu.memory_space<vmem>>) semaphore(%dma_start3A_346 : memref<!tpu.dma_semaphore, #tpu.memory_space<semaphore_mem>>)
    %dma_start3A_347 = arith.constant 2 : i32
    %dma_start3A_348 = arith.constant 4 : i32
    %dma_start3A_349 = arith.constant 0 : i32
    %dma_start3A_350 = arith.constant 0 : i32
    %dma_start3A_351 = arith.constant 512 : i32
    %dma_start3A_352 = arith.constant 0 : i32
    %dma_start3A_353 = tpu.memref_slice %arg7[%dma_start3A_349, %dma_start3A_351, %dma_start3A_352] : memref<2x640x64xf32, #tpu.memory_space<vmem>> -> memref<1x128x64xf32, #tpu.memory_space<vmem>>
    %dma_start3A_354 = tpu.memref_squeeze %dma_start3A_353 : memref<1x128x64xf32, #tpu.memory_space<vmem>> -> memref<128x64xf32, #tpu.memory_space<vmem>>
    %dma_start3A_355 = arith.constant 0 : i32
    %dma_start3A_356 = tpu.memref_slice %arg6[%dma_start3A_347, %dma_start3A_348, %dma_start3A_355] : memref<10x5x128xi32, #tpu.memory_space<vmem>> -> memref<1x1x128xi32, #tpu.memory_space<vmem>>
    %dma_start3A_357 = tpu.memref_squeeze %dma_start3A_356 : memref<1x1x128xi32, #tpu.memory_space<vmem>> -> memref<128xi32, #tpu.memory_space<vmem>>
    %dma_start3A_358 = arith.constant 0 : i32
    %dma_start3A_359 = arith.constant 0 : i32
    %dma_start3A_360 = tpu.memref_slice %arg3[%dma_start3A_358, %dma_start3A_359] : memref<1003520x64xf32, #tpu.memory_space<hbm>> -> memref<1003520x64xf32, #tpu.memory_space<hbm>>
    %dma_start3A_361 = tpu.memref_slice %arg9[%dma_start3A_350] : memref<2x!tpu.dma_semaphore, #tpu.memory_space<semaphore_mem>> -> memref<1x!tpu.dma_semaphore, #tpu.memory_space<semaphore_mem>>
    %dma_start3A_362 = tpu.memref_squeeze %dma_start3A_361 : memref<1x!tpu.dma_semaphore, #tpu.memory_space<semaphore_mem>> -> memref<!tpu.dma_semaphore, #tpu.memory_space<semaphore_mem>>
    tpu.enqueue_indirect_dma source(%dma_start3A_360 : memref<1003520x64xf32, #tpu.memory_space<hbm>>) target(%dma_start3A_354 : memref<128x64xf32, #tpu.memory_space<vmem>>) offsets(%dma_start3A_357 : memref<128xi32, #tpu.memory_space<vmem>>) semaphore(%dma_start3A_362 : memref<!tpu.dma_semaphore, #tpu.memory_space<semaphore_mem>>)
    %dma_wait3A_363 = arith.constant 1 : i32
    %dma_wait3A_364 = arith.constant 0 : i32
    %dma_wait3A_365 = arith.constant 1 : i32
    %dma_wait3A_366 = arith.constant 1 : i32
    %dma_wait3A_367 = arith.constant 0 : i32
    %dma_wait3A_368 = arith.constant 0 : i32
    %dma_wait3A_369 = tpu.memref_slice %arg7[%dma_wait3A_365, %dma_wait3A_367, %dma_wait3A_368] : memref<2x640x64xf32, #tpu.memory_space<vmem>> -> memref<1x128x64xf32, #tpu.memory_space<vmem>>
    %dma_wait3A_370 = tpu.memref_squeeze %dma_wait3A_369 : memref<1x128x64xf32, #tpu.memory_space<vmem>> -> memref<128x64xf32, #tpu.memory_space<vmem>>
    %dma_wait3A_371 = arith.constant 0 : i32
    %dma_wait3A_372 = tpu.memref_slice %arg6[%dma_wait3A_363, %dma_wait3A_364, %dma_wait3A_371] : memref<10x5x128xi32, #tpu.memory_space<vmem>> -> memref<1x1x128xi32, #tpu.memory_space<vmem>>
    %dma_wait3A_373 = tpu.memref_squeeze %dma_wait3A_372 : memref<1x1x128xi32, #tpu.memory_space<vmem>> -> memref<128xi32, #tpu.memory_space<vmem>>
    %dma_wait3A_374 = arith.constant 0 : i32
    %dma_wait3A_375 = arith.constant 0 : i32
    %dma_wait3A_376 = tpu.memref_slice %arg3[%dma_wait3A_374, %dma_wait3A_375] : memref<1003520x64xf32, #tpu.memory_space<hbm>> -> memref<1003520x64xf32, #tpu.memory_space<hbm>>
    %dma_wait3A_377 = tpu.memref_slice %arg9[%dma_wait3A_366] : memref<2x!tpu.dma_semaphore, #tpu.memory_space<semaphore_mem>> -> memref<1x!tpu.dma_semaphore, #tpu.memory_space<semaphore_mem>>
    %dma_wait3A_378 = tpu.memref_squeeze %dma_wait3A_377 : memref<1x!tpu.dma_semaphore, #tpu.memory_space<semaphore_mem>> -> memref<!tpu.dma_semaphore, #tpu.memory_space<semaphore_mem>>
    tpu.wait_indirect_dma semaphore(%dma_wait3A_378 : memref<!tpu.dma_semaphore, #tpu.memory_space<semaphore_mem>>) src(%dma_wait3A_376 : memref<1003520x64xf32, #tpu.memory_space<hbm>>) dst(%dma_wait3A_370 : memref<128x64xf32, #tpu.memory_space<vmem>>)
    %dma_wait3A_379 = arith.constant 1 : i32
    %dma_wait3A_380 = arith.constant 1 : i32
    %dma_wait3A_381 = arith.constant 1 : i32
    %dma_wait3A_382 = arith.constant 1 : i32
    %dma_wait3A_383 = arith.constant 128 : i32
    %dma_wait3A_384 = arith.constant 0 : i32
    %dma_wait3A_385 = tpu.memref_slice %arg7[%dma_wait3A_381, %dma_wait3A_383, %dma_wait3A_384] : memref<2x640x64xf32, #tpu.memory_space<vmem>> -> memref<1x128x64xf32, #tpu.memory_space<vmem>>
    %dma_wait3A_386 = tpu.memref_squeeze %dma_wait3A_385 : memref<1x128x64xf32, #tpu.memory_space<vmem>> -> memref<128x64xf32, #tpu.memory_space<vmem>>
    %dma_wait3A_387 = arith.constant 0 : i32
    %dma_wait3A_388 = tpu.memref_slice %arg6[%dma_wait3A_379, %dma_wait3A_380, %dma_wait3A_387] : memref<10x5x128xi32, #tpu.memory_space<vmem>> -> memref<1x1x128xi32, #tpu.memory_space<vmem>>
    %dma_wait3A_389 = tpu.memref_squeeze %dma_wait3A_388 : memref<1x1x128xi32, #tpu.memory_space<vmem>> -> memref<128xi32, #tpu.memory_space<vmem>>
    %dma_wait3A_390 = arith.constant 0 : i32
    %dma_wait3A_391 = arith.constant 0 : i32
    %dma_wait3A_392 = tpu.memref_slice %arg3[%dma_wait3A_390, %dma_wait3A_391] : memref<1003520x64xf32, #tpu.memory_space<hbm>> -> memref<1003520x64xf32, #tpu.memory_space<hbm>>
    %dma_wait3A_393 = tpu.memref_slice %arg9[%dma_wait3A_382] : memref<2x!tpu.dma_semaphore, #tpu.memory_space<semaphore_mem>> -> memref<1x!tpu.dma_semaphore, #tpu.memory_space<semaphore_mem>>
    %dma_wait3A_394 = tpu.memref_squeeze %dma_wait3A_393 : memref<1x!tpu.dma_semaphore, #tpu.memory_space<semaphore_mem>> -> memref<!tpu.dma_semaphore, #tpu.memory_space<semaphore_mem>>
    tpu.wait_indirect_dma semaphore(%dma_wait3A_394 : memref<!tpu.dma_semaphore, #tpu.memory_space<semaphore_mem>>) src(%dma_wait3A_392 : memref<1003520x64xf32, #tpu.memory_space<hbm>>) dst(%dma_wait3A_386 : memref<128x64xf32, #tpu.memory_space<vmem>>)
    %dma_wait3A_395 = arith.constant 1 : i32
    %dma_wait3A_396 = arith.constant 2 : i32
    %dma_wait3A_397 = arith.constant 1 : i32
    %dma_wait3A_398 = arith.constant 1 : i32
    %dma_wait3A_399 = arith.constant 256 : i32
    %dma_wait3A_400 = arith.constant 0 : i32
    %dma_wait3A_401 = tpu.memref_slice %arg7[%dma_wait3A_397, %dma_wait3A_399, %dma_wait3A_400] : memref<2x640x64xf32, #tpu.memory_space<vmem>> -> memref<1x128x64xf32, #tpu.memory_space<vmem>>
    %dma_wait3A_402 = tpu.memref_squeeze %dma_wait3A_401 : memref<1x128x64xf32, #tpu.memory_space<vmem>> -> memref<128x64xf32, #tpu.memory_space<vmem>>
    %dma_wait3A_403 = arith.constant 0 : i32
    %dma_wait3A_404 = tpu.memref_slice %arg6[%dma_wait3A_395, %dma_wait3A_396, %dma_wait3A_403] : memref<10x5x128xi32, #tpu.memory_space<vmem>> -> memref<1x1x128xi32, #tpu.memory_space<vmem>>
    %dma_wait3A_405 = tpu.memref_squeeze %dma_wait3A_404 : memref<1x1x128xi32, #tpu.memory_space<vmem>> -> memref<128xi32, #tpu.memory_space<vmem>>
    %dma_wait3A_406 = arith.constant 0 : i32
    %dma_wait3A_407 = arith.constant 0 : i32
    %dma_wait3A_408 = tpu.memref_slice %arg3[%dma_wait3A_406, %dma_wait3A_407] : memref<1003520x64xf32, #tpu.memory_space<hbm>> -> memref<1003520x64xf32, #tpu.memory_space<hbm>>
    %dma_wait3A_409 = tpu.memref_slice %arg9[%dma_wait3A_398] : memref<2x!tpu.dma_semaphore, #tpu.memory_space<semaphore_mem>> -> memref<1x!tpu.dma_semaphore, #tpu.memory_space<semaphore_mem>>
    %dma_wait3A_410 = tpu.memref_squeeze %dma_wait3A_409 : memref<1x!tpu.dma_semaphore, #tpu.memory_space<semaphore_mem>> -> memref<!tpu.dma_semaphore, #tpu.memory_space<semaphore_mem>>
    tpu.wait_indirect_dma semaphore(%dma_wait3A_410 : memref<!tpu.dma_semaphore, #tpu.memory_space<semaphore_mem>>) src(%dma_wait3A_408 : memref<1003520x64xf32, #tpu.memory_space<hbm>>) dst(%dma_wait3A_402 : memref<128x64xf32, #tpu.memory_space<vmem>>)
    %dma_wait3A_411 = arith.constant 1 : i32
    %dma_wait3A_412 = arith.constant 3 : i32
    %dma_wait3A_413 = arith.constant 1 : i32
    %dma_wait3A_414 = arith.constant 1 : i32
    %dma_wait3A_415 = arith.constant 384 : i32
    %dma_wait3A_416 = arith.constant 0 : i32
    %dma_wait3A_417 = tpu.memref_slice %arg7[%dma_wait3A_413, %dma_wait3A_415, %dma_wait3A_416] : memref<2x640x64xf32, #tpu.memory_space<vmem>> -> memref<1x128x64xf32, #tpu.memory_space<vmem>>
    %dma_wait3A_418 = tpu.memref_squeeze %dma_wait3A_417 : memref<1x128x64xf32, #tpu.memory_space<vmem>> -> memref<128x64xf32, #tpu.memory_space<vmem>>
    %dma_wait3A_419 = arith.constant 0 : i32
    %dma_wait3A_420 = tpu.memref_slice %arg6[%dma_wait3A_411, %dma_wait3A_412, %dma_wait3A_419] : memref<10x5x128xi32, #tpu.memory_space<vmem>> -> memref<1x1x128xi32, #tpu.memory_space<vmem>>
    %dma_wait3A_421 = tpu.memref_squeeze %dma_wait3A_420 : memref<1x1x128xi32, #tpu.memory_space<vmem>> -> memref<128xi32, #tpu.memory_space<vmem>>
    %dma_wait3A_422 = arith.constant 0 : i32
    %dma_wait3A_423 = arith.constant 0 : i32
    %dma_wait3A_424 = tpu.memref_slice %arg3[%dma_wait3A_422, %dma_wait3A_423] : memref<1003520x64xf32, #tpu.memory_space<hbm>> -> memref<1003520x64xf32, #tpu.memory_space<hbm>>
    %dma_wait3A_425 = tpu.memref_slice %arg9[%dma_wait3A_414] : memref<2x!tpu.dma_semaphore, #tpu.memory_space<semaphore_mem>> -> memref<1x!tpu.dma_semaphore, #tpu.memory_space<semaphore_mem>>
    %dma_wait3A_426 = tpu.memref_squeeze %dma_wait3A_425 : memref<1x!tpu.dma_semaphore, #tpu.memory_space<semaphore_mem>> -> memref<!tpu.dma_semaphore, #tpu.memory_space<semaphore_mem>>
    tpu.wait_indirect_dma semaphore(%dma_wait3A_426 : memref<!tpu.dma_semaphore, #tpu.memory_space<semaphore_mem>>) src(%dma_wait3A_424 : memref<1003520x64xf32, #tpu.memory_space<hbm>>) dst(%dma_wait3A_418 : memref<128x64xf32, #tpu.memory_space<vmem>>)
    %dma_wait3A_427 = arith.constant 1 : i32
    %dma_wait3A_428 = arith.constant 4 : i32
    %dma_wait3A_429 = arith.constant 1 : i32
    %dma_wait3A_430 = arith.constant 1 : i32
    %dma_wait3A_431 = arith.constant 512 : i32
    %dma_wait3A_432 = arith.constant 0 : i32
    %dma_wait3A_433 = tpu.memref_slice %arg7[%dma_wait3A_429, %dma_wait3A_431, %dma_wait3A_432] : memref<2x640x64xf32, #tpu.memory_space<vmem>> -> memref<1x128x64xf32, #tpu.memory_space<vmem>>
    %dma_wait3A_434 = tpu.memref_squeeze %dma_wait3A_433 : memref<1x128x64xf32, #tpu.memory_space<vmem>> -> memref<128x64xf32, #tpu.memory_space<vmem>>
    %dma_wait3A_435 = arith.constant 0 : i32
    %dma_wait3A_436 = tpu.memref_slice %arg6[%dma_wait3A_427, %dma_wait3A_428, %dma_wait3A_435] : memref<10x5x128xi32, #tpu.memory_space<vmem>> -> memref<1x1x128xi32, #tpu.memory_space<vmem>>
    %dma_wait3A_437 = tpu.memref_squeeze %dma_wait3A_436 : memref<1x1x128xi32, #tpu.memory_space<vmem>> -> memref<128xi32, #tpu.memory_space<vmem>>
    %dma_wait3A_438 = arith.constant 0 : i32
    %dma_wait3A_439 = arith.constant 0 : i32
    %dma_wait3A_440 = tpu.memref_slice %arg3[%dma_wait3A_438, %dma_wait3A_439] : memref<1003520x64xf32, #tpu.memory_space<hbm>> -> memref<1003520x64xf32, #tpu.memory_space<hbm>>
    %dma_wait3A_441 = tpu.memref_slice %arg9[%dma_wait3A_430] : memref<2x!tpu.dma_semaphore, #tpu.memory_space<semaphore_mem>> -> memref<1x!tpu.dma_semaphore, #tpu.memory_space<semaphore_mem>>
    %dma_wait3A_442 = tpu.memref_squeeze %dma_wait3A_441 : memref<1x!tpu.dma_semaphore, #tpu.memory_space<semaphore_mem>> -> memref<!tpu.dma_semaphore, #tpu.memory_space<semaphore_mem>>
    tpu.wait_indirect_dma semaphore(%dma_wait3A_442 : memref<!tpu.dma_semaphore, #tpu.memory_space<semaphore_mem>>) src(%dma_wait3A_440 : memref<1003520x64xf32, #tpu.memory_space<hbm>>) dst(%dma_wait3A_434 : memref<128x64xf32, #tpu.memory_space<vmem>>)
    %scan3A_443 = arith.constant 0 : i32
    %scan3A_444 = arith.constant 0 : i32
    %scan3A_445 = arith.constant 640 : i32
    %scan3A_446 = arith.addi %scan3A_444, %scan3A_445 : i32
    %scan3A_447 = arith.constant 1 : i32
    %scan3A_448 = scf.for %scan3A_2012 = %scan3A_444 to %scan3A_446 step %scan3A_447 iter_args(%scan3A_2013 = %scan3A_443) -> (i32)  : i32 {
      %get3A_2014 = arith.constant 1 : i32
      %get3A_2015 = arith.index_cast %get3A_2014 : i32 to index
      %get3A_2016 = arith.index_cast %scan3A_2012 : i32 to index
      %get3A_2017 = arith.constant 0 : index
      %get3A_2018 = tpu.vector_load %arg7[%get3A_2015, %get3A_2016, %get3A_2017] {strides = array<i32>} : memref<2x640x64xf32, #tpu.memory_space<vmem>>, vector<1x1x16xf32>,
      %get3A_2019 = vector.shape_cast %get3A_2018 : vector<1x1x16xf32> to vector<16xf32>
      %mul3A_2020 = arith.mulf %get3A_2019, %get3A_4 : vector<16xf32>
      %swap3A = arith.constant 1 : i32
      %swap3A_2021 = arith.index_cast %swap3A : i32 to index
      %swap3A_2022 = arith.index_cast %scan3A_2012 : i32 to index
      %swap3A_2023 = arith.constant 0 : index
      %swap3A_2024 = tpu.vector_load %arg7[%swap3A_2021, %swap3A_2022, %swap3A_2023] {strides = array<i32>} : memref<2x640x64xf32, #tpu.memory_space<vmem>>, vector<1x1x16xf32>,
      %swap3A_2025 = vector.shape_cast %swap3A_2024 : vector<1x1x16xf32> to vector<16xf32>
      %swap3A_2026 = vector.shape_cast %mul3A_2020 : vector<16xf32> to vector<1x1x16xf32>
      tpu.vector_store %arg7[%swap3A_2021, %swap3A_2022, %swap3A_2023], %swap3A_2026 {strides = array<i32>} : memref<2x640x64xf32, #tpu.memory_space<vmem>>, vector<1x1x16xf32>,
      %get3A_2027 = arith.constant 1 : i32
      %get3A_2028 = arith.index_cast %get3A_2027 : i32 to index
      %get3A_2029 = arith.index_cast %scan3A_2012 : i32 to index
      %get3A_2030 = arith.constant 16 : index
      %get3A_2031 = tpu.vector_load %arg7[%get3A_2028, %get3A_2029, %get3A_2030] {strides = array<i32>} : memref<2x640x64xf32, #tpu.memory_space<vmem>>, vector<1x1x16xf32>,
      %get3A_2032 = vector.shape_cast %get3A_2031 : vector<1x1x16xf32> to vector<16xf32>
      %mul3A_2033 = arith.mulf %get3A_2032, %get3A_4 : vector<16xf32>
      %swap3A_2034 = arith.constant 1 : i32
      %swap3A_2035 = arith.index_cast %swap3A_2034 : i32 to index
      %swap3A_2036 = arith.index_cast %scan3A_2012 : i32 to index
      %swap3A_2037 = arith.constant 16 : index
      %swap3A_2038 = tpu.vector_load %arg7[%swap3A_2035, %swap3A_2036, %swap3A_2037] {strides = array<i32>} : memref<2x640x64xf32, #tpu.memory_space<vmem>>, vector<1x1x16xf32>,
      %swap3A_2039 = vector.shape_cast %swap3A_2038 : vector<1x1x16xf32> to vector<16xf32>
      %swap3A_2040 = vector.shape_cast %mul3A_2033 : vector<16xf32> to vector<1x1x16xf32>
      tpu.vector_store %arg7[%swap3A_2035, %swap3A_2036, %swap3A_2037], %swap3A_2040 {strides = array<i32>} : memref<2x640x64xf32, #tpu.memory_space<vmem>>, vector<1x1x16xf32>,
      %get3A_2041 = arith.constant 1 : i32
      %get3A_2042 = arith.index_cast %get3A_2041 : i32 to index
      %get3A_2043 = arith.index_cast %scan3A_2012 : i32 to index
      %get3A_2044 = arith.constant 32 : index
      %get3A_2045 = tpu.vector_load %arg7[%get3A_2042, %get3A_2043, %get3A_2044] {strides = array<i32>} : memref<2x640x64xf32, #tpu.memory_space<vmem>>, vector<1x1x16xf32>,
      %get3A_2046 = vector.shape_cast %get3A_2045 : vector<1x1x16xf32> to vector<16xf32>
      %mul3A_2047 = arith.mulf %get3A_2046, %get3A_4 : vector<16xf32>
      %swap3A_2048 = arith.constant 1 : i32
      %swap3A_2049 = arith.index_cast %swap3A_2048 : i32 to index
      %swap3A_2050 = arith.index_cast %scan3A_2012 : i32 to index
      %swap3A_2051 = arith.constant 32 : index
      %swap3A_2052 = tpu.vector_load %arg7[%swap3A_2049, %swap3A_2050, %swap3A_2051] {strides = array<i32>} : memref<2x640x64xf32, #tpu.memory_space<vmem>>, vector<1x1x16xf32>,
      %swap3A_2053 = vector.shape_cast %swap3A_2052 : vector<1x1x16xf32> to vector<16xf32>
      %swap3A_2054 = vector.shape_cast %mul3A_2047 : vector<16xf32> to vector<1x1x16xf32>
      tpu.vector_store %arg7[%swap3A_2049, %swap3A_2050, %swap3A_2051], %swap3A_2054 {strides = array<i32>} : memref<2x640x64xf32, #tpu.memory_space<vmem>>, vector<1x1x16xf32>,
      %get3A_2055 = arith.constant 1 : i32
      %get3A_2056 = arith.index_cast %get3A_2055 : i32 to index
      %get3A_2057 = arith.index_cast %scan3A_2012 : i32 to index
      %get3A_2058 = arith.constant 48 : index
      %get3A_2059 = tpu.vector_load %arg7[%get3A_2056, %get3A_2057, %get3A_2058] {strides = array<i32>} : memref<2x640x64xf32, #tpu.memory_space<vmem>>, vector<1x1x16xf32>,
      %get3A_2060 = vector.shape_cast %get3A_2059 : vector<1x1x16xf32> to vector<16xf32>
      %mul3A_2061 = arith.mulf %get3A_2060, %get3A_4 : vector<16xf32>
      %swap3A_2062 = arith.constant 1 : i32
      %swap3A_2063 = arith.index_cast %swap3A_2062 : i32 to index
      %swap3A_2064 = arith.index_cast %scan3A_2012 : i32 to index
      %swap3A_2065 = arith.constant 48 : index
      %swap3A_2066 = tpu.vector_load %arg7[%swap3A_2063, %swap3A_2064, %swap3A_2065] {strides = array<i32>} : memref<2x640x64xf32, #tpu.memory_space<vmem>>, vector<1x1x16xf32>,
      %swap3A_2067 = vector.shape_cast %swap3A_2066 : vector<1x1x16xf32> to vector<16xf32>
      %swap3A_2068 = vector.shape_cast %mul3A_2061 : vector<16xf32> to vector<1x1x16xf32>
      tpu.vector_store %arg7[%swap3A_2063, %swap3A_2064, %swap3A_2065], %swap3A_2068 {strides = array<i32>} : memref<2x640x64xf32, #tpu.memory_space<vmem>>, vector<1x1x16xf32>,
      %scan3A_2069 = arith.constant 0 : i32
      scf.yield %scan3A_2069 : i32
    }
    %scan3A_449 = arith.constant 640 : i32
    %add3A_450 = arith.constant 640 : i32
    %add3A_451 = arith.addi %mul3A_2, %add3A_450 : i32
    %dma_start3A_452 = arith.constant 1 : i32
    %dma_start3A_453 = arith.constant 1 : i32
    %dma_start3A_454 = arith.constant 0 : i32
    %dma_start3A_455 = arith.constant 0 : i32
    %dma_start3A_456 = tpu.memref_slice %arg7[%dma_start3A_452, %dma_start3A_454, %dma_start3A_455] : memref<2x640x64xf32, #tpu.memory_space<vmem>> -> memref<1x640x64xf32, #tpu.memory_space<vmem>>
    %dma_start3A_457 = tpu.memref_squeeze %dma_start3A_456 : memref<1x640x64xf32, #tpu.memory_space<vmem>> -> memref<640x64xf32, #tpu.memory_space<vmem>>
    %dma_start3A_458 = arith.constant 0 : i32
    %dma_start3A_459 = tpu.memref_slice %arg5[%add3A_451, %dma_start3A_458] : memref<204800x64xf32, #tpu.memory_space<hbm>> -> memref<640x64xf32, #tpu.memory_space<hbm>>
    %dma_start3A_460 = tpu.memref_slice %arg10[%dma_start3A_453] : memref<2x!tpu.dma_semaphore, #tpu.memory_space<semaphore_mem>> -> memref<1x!tpu.dma_semaphore, #tpu.memory_space<semaphore_mem>>
    %dma_start3A_461 = tpu.memref_squeeze %dma_start3A_460 : memref<1x!tpu.dma_semaphore, #tpu.memory_space<semaphore_mem>> -> memref<!tpu.dma_semaphore, #tpu.memory_space<semaphore_mem>>
    %dma_start3A_462 = arith.constant 0 : i32
    %dma_start3A_463 = tpu.memref_slice %arg5[%add3A_451, %dma_start3A_462] : memref<204800x64xf32, #tpu.memory_space<hbm>> -> memref<640x64xf32, #tpu.memory_space<hbm>>
    %dma_start3A_464 = arith.constant 0 : i32
    %dma_start3A_465 = arith.constant 0 : i32
    %dma_start3A_466 = tpu.memref_slice %arg7[%dma_start3A_452, %dma_start3A_464, %dma_start3A_465] : memref<2x640x64xf32, #tpu.memory_space<vmem>> -> memref<1x640x64xf32, #tpu.memory_space<vmem>>
    %dma_start3A_467 = tpu.memref_squeeze %dma_start3A_466 : memref<1x640x64xf32, #tpu.memory_space<vmem>> -> memref<640x64xf32, #tpu.memory_space<vmem>>
    tpu.enqueue_dma source(%dma_start3A_467 : memref<640x64xf32, #tpu.memory_space<vmem>>) target(%dma_start3A_463 : memref<640x64xf32, #tpu.memory_space<hbm>>) target_semaphore(%dma_start3A_461 : memref<!tpu.dma_semaphore, #tpu.memory_space<semaphore_mem>>)
    %dma_wait3A_468 = arith.constant 1 : i32
    %dma_wait3A_469 = arith.constant 1 : i32
    %dma_wait3A_470 = arith.constant 0 : i32
    %dma_wait3A_471 = arith.constant 0 : i32
    %dma_wait3A_472 = tpu.memref_slice %arg7[%dma_wait3A_468, %dma_wait3A_470, %dma_wait3A_471] : memref<2x640x64xf32, #tpu.memory_space<vmem>> -> memref<1x640x64xf32, #tpu.memory_space<vmem>>
    %dma_wait3A_473 = tpu.memref_squeeze %dma_wait3A_472 : memref<1x640x64xf32, #tpu.memory_space<vmem>> -> memref<640x64xf32, #tpu.memory_space<vmem>>
    %dma_wait3A_474 = arith.constant 0 : i32
    %dma_wait3A_475 = tpu.memref_slice %arg5[%add3A_451, %dma_wait3A_474] : memref<204800x64xf32, #tpu.memory_space<hbm>> -> memref<640x64xf32, #tpu.memory_space<hbm>>
    %dma_wait3A_476 = tpu.memref_slice %arg10[%dma_wait3A_469] : memref<2x!tpu.dma_semaphore, #tpu.memory_space<semaphore_mem>> -> memref<1x!tpu.dma_semaphore, #tpu.memory_space<semaphore_mem>>
    %dma_wait3A_477 = tpu.memref_squeeze %dma_wait3A_476 : memref<1x!tpu.dma_semaphore, #tpu.memory_space<semaphore_mem>> -> memref<!tpu.dma_semaphore, #tpu.memory_space<semaphore_mem>>
    %dma_wait3A_478 = arith.constant 0 : i32
    %dma_wait3A_479 = tpu.memref_slice %arg5[%add3A_451, %dma_wait3A_478] : memref<204800x64xf32, #tpu.memory_space<hbm>> -> memref<640x64xf32, #tpu.memory_space<hbm>>
    %dma_wait3A_480 = arith.constant 0 : i32
    %dma_wait3A_481 = arith.constant 0 : i32
    %dma_wait3A_482 = tpu.memref_slice %arg7[%dma_wait3A_468, %dma_wait3A_480, %dma_wait3A_481] : memref<2x640x64xf32, #tpu.memory_space<vmem>> -> memref<1x640x64xf32, #tpu.memory_space<vmem>>
    %dma_wait3A_483 = tpu.memref_squeeze %dma_wait3A_482 : memref<1x640x64xf32, #tpu.memory_space<vmem>> -> memref<640x64xf32, #tpu.memory_space<vmem>>
    tpu.wait_dma2 semaphore(%dma_wait3A_477 : memref<!tpu.dma_semaphore, #tpu.memory_space<semaphore_mem>>) src(%dma_wait3A_483 : memref<640x64xf32, #tpu.memory_space<vmem>>) dst(%dma_wait3A_479 : memref<640x64xf32, #tpu.memory_space<hbm>>)
    %dma_start3A_484 = arith.constant 3 : i32
    %dma_start3A_485 = arith.constant 0 : i32
    %dma_start3A_486 = arith.constant 1 : i32
    %dma_start3A_487 = arith.constant 1 : i32
    %dma_start3A_488 = arith.constant 0 : i32
    %dma_start3A_489 = arith.constant 0 : i32
    %dma_start3A_490 = tpu.memref_slice %arg7[%dma_start3A_486, %dma_start3A_488, %dma_start3A_489] : memref<2x640x64xf32, #tpu.memory_space<vmem>> -> memref<1x128x64xf32, #tpu.memory_space<vmem>>
    %dma_start3A_491 = tpu.memref_squeeze %dma_start3A_490 : memref<1x128x64xf32, #tpu.memory_space<vmem>> -> memref<128x64xf32, #tpu.memory_space<vmem>>
    %dma_start3A_492 = arith.constant 0 : i32
    %dma_start3A_493 = tpu.memref_slice %arg6[%dma_start3A_484, %dma_start3A_485, %dma_start3A_492] : memref<10x5x128xi32, #tpu.memory_space<vmem>> -> memref<1x1x128xi32, #tpu.memory_space<vmem>>
    %dma_start3A_494 = tpu.memref_squeeze %dma_start3A_493 : memref<1x1x128xi32, #tpu.memory_space<vmem>> -> memref<128xi32, #tpu.memory_space<vmem>>
    %dma_start3A_495 = arith.constant 0 : i32
    %dma_start3A_496 = arith.constant 0 : i32
    %dma_start3A_497 = tpu.memref_slice %arg3[%dma_start3A_495, %dma_start3A_496] : memref<1003520x64xf32, #tpu.memory_space<hbm>> -> memref<1003520x64xf32, #tpu.memory_space<hbm>>
    %dma_start3A_498 = tpu.memref_slice %arg9[%dma_start3A_487] : memref<2x!tpu.dma_semaphore, #tpu.memory_space<semaphore_mem>> -> memref<1x!tpu.dma_semaphore, #tpu.memory_space<semaphore_mem>>
    %dma_start3A_499 = tpu.memref_squeeze %dma_start3A_498 : memref<1x!tpu.dma_semaphore, #tpu.memory_space<semaphore_mem>> -> memref<!tpu.dma_semaphore, #tpu.memory_space<semaphore_mem>>
    tpu.enqueue_indirect_dma source(%dma_start3A_497 : memref<1003520x64xf32, #tpu.memory_space<hbm>>) target(%dma_start3A_491 : memref<128x64xf32, #tpu.memory_space<vmem>>) offsets(%dma_start3A_494 : memref<128xi32, #tpu.memory_space<vmem>>) semaphore(%dma_start3A_499 : memref<!tpu.dma_semaphore, #tpu.memory_space<semaphore_mem>>)
    %dma_start3A_500 = arith.constant 3 : i32
    %dma_start3A_501 = arith.constant 1 : i32
    %dma_start3A_502 = arith.constant 1 : i32
    %dma_start3A_503 = arith.constant 1 : i32
    %dma_start3A_504 = arith.constant 128 : i32
    %dma_start3A_505 = arith.constant 0 : i32
    %dma_start3A_506 = tpu.memref_slice %arg7[%dma_start3A_502, %dma_start3A_504, %dma_start3A_505] : memref<2x640x64xf32, #tpu.memory_space<vmem>> -> memref<1x128x64xf32, #tpu.memory_space<vmem>>
    %dma_start3A_507 = tpu.memref_squeeze %dma_start3A_506 : memref<1x128x64xf32, #tpu.memory_space<vmem>> -> memref<128x64xf32, #tpu.memory_space<vmem>>
    %dma_start3A_508 = arith.constant 0 : i32
    %dma_start3A_509 = tpu.memref_slice %arg6[%dma_start3A_500, %dma_start3A_501, %dma_start3A_508] : memref<10x5x128xi32, #tpu.memory_space<vmem>> -> memref<1x1x128xi32, #tpu.memory_space<vmem>>
    %dma_start3A_510 = tpu.memref_squeeze %dma_start3A_509 : memref<1x1x128xi32, #tpu.memory_space<vmem>> -> memref<128xi32, #tpu.memory_space<vmem>>
    %dma_start3A_511 = arith.constant 0 : i32
    %dma_start3A_512 = arith.constant 0 : i32
    %dma_start3A_513 = tpu.memref_slice %arg3[%dma_start3A_511, %dma_start3A_512] : memref<1003520x64xf32, #tpu.memory_space<hbm>> -> memref<1003520x64xf32, #tpu.memory_space<hbm>>
    %dma_start3A_514 = tpu.memref_slice %arg9[%dma_start3A_503] : memref<2x!tpu.dma_semaphore, #tpu.memory_space<semaphore_mem>> -> memref<1x!tpu.dma_semaphore, #tpu.memory_space<semaphore_mem>>
    %dma_start3A_515 = tpu.memref_squeeze %dma_start3A_514 : memref<1x!tpu.dma_semaphore, #tpu.memory_space<semaphore_mem>> -> memref<!tpu.dma_semaphore, #tpu.memory_space<semaphore_mem>>
    tpu.enqueue_indirect_dma source(%dma_start3A_513 : memref<1003520x64xf32, #tpu.memory_space<hbm>>) target(%dma_start3A_507 : memref<128x64xf32, #tpu.memory_space<vmem>>) offsets(%dma_start3A_510 : memref<128xi32, #tpu.memory_space<vmem>>) semaphore(%dma_start3A_515 : memref<!tpu.dma_semaphore, #tpu.memory_space<semaphore_mem>>)
    %dma_start3A_516 = arith.constant 3 : i32
    %dma_start3A_517 = arith.constant 2 : i32
    %dma_start3A_518 = arith.constant 1 : i32
    %dma_start3A_519 = arith.constant 1 : i32
    %dma_start3A_520 = arith.constant 256 : i32
    %dma_start3A_521 = arith.constant 0 : i32
    %dma_start3A_522 = tpu.memref_slice %arg7[%dma_start3A_518, %dma_start3A_520, %dma_start3A_521] : memref<2x640x64xf32, #tpu.memory_space<vmem>> -> memref<1x128x64xf32, #tpu.memory_space<vmem>>
    %dma_start3A_523 = tpu.memref_squeeze %dma_start3A_522 : memref<1x128x64xf32, #tpu.memory_space<vmem>> -> memref<128x64xf32, #tpu.memory_space<vmem>>
    %dma_start3A_524 = arith.constant 0 : i32
    %dma_start3A_525 = tpu.memref_slice %arg6[%dma_start3A_516, %dma_start3A_517, %dma_start3A_524] : memref<10x5x128xi32, #tpu.memory_space<vmem>> -> memref<1x1x128xi32, #tpu.memory_space<vmem>>
    %dma_start3A_526 = tpu.memref_squeeze %dma_start3A_525 : memref<1x1x128xi32, #tpu.memory_space<vmem>> -> memref<128xi32, #tpu.memory_space<vmem>>
    %dma_start3A_527 = arith.constant 0 : i32
    %dma_start3A_528 = arith.constant 0 : i32
    %dma_start3A_529 = tpu.memref_slice %arg3[%dma_start3A_527, %dma_start3A_528] : memref<1003520x64xf32, #tpu.memory_space<hbm>> -> memref<1003520x64xf32, #tpu.memory_space<hbm>>
    %dma_start3A_530 = tpu.memref_slice %arg9[%dma_start3A_519] : memref<2x!tpu.dma_semaphore, #tpu.memory_space<semaphore_mem>> -> memref<1x!tpu.dma_semaphore, #tpu.memory_space<semaphore_mem>>
    %dma_start3A_531 = tpu.memref_squeeze %dma_start3A_530 : memref<1x!tpu.dma_semaphore, #tpu.memory_space<semaphore_mem>> -> memref<!tpu.dma_semaphore, #tpu.memory_space<semaphore_mem>>
    tpu.enqueue_indirect_dma source(%dma_start3A_529 : memref<1003520x64xf32, #tpu.memory_space<hbm>>) target(%dma_start3A_523 : memref<128x64xf32, #tpu.memory_space<vmem>>) offsets(%dma_start3A_526 : memref<128xi32, #tpu.memory_space<vmem>>) semaphore(%dma_start3A_531 : memref<!tpu.dma_semaphore, #tpu.memory_space<semaphore_mem>>)
    %dma_start3A_532 = arith.constant 3 : i32
    %dma_start3A_533 = arith.constant 3 : i32
    %dma_start3A_534 = arith.constant 1 : i32
    %dma_start3A_535 = arith.constant 1 : i32
    %dma_start3A_536 = arith.constant 384 : i32
    %dma_start3A_537 = arith.constant 0 : i32
    %dma_start3A_538 = tpu.memref_slice %arg7[%dma_start3A_534, %dma_start3A_536, %dma_start3A_537] : memref<2x640x64xf32, #tpu.memory_space<vmem>> -> memref<1x128x64xf32, #tpu.memory_space<vmem>>
    %dma_start3A_539 = tpu.memref_squeeze %dma_start3A_538 : memref<1x128x64xf32, #tpu.memory_space<vmem>> -> memref<128x64xf32, #tpu.memory_space<vmem>>
    %dma_start3A_540 = arith.constant 0 : i32
    %dma_start3A_541 = tpu.memref_slice %arg6[%dma_start3A_532, %dma_start3A_533, %dma_start3A_540] : memref<10x5x128xi32, #tpu.memory_space<vmem>> -> memref<1x1x128xi32, #tpu.memory_space<vmem>>
    %dma_start3A_542 = tpu.memref_squeeze %dma_start3A_541 : memref<1x1x128xi32, #tpu.memory_space<vmem>> -> memref<128xi32, #tpu.memory_space<vmem>>
    %dma_start3A_543 = arith.constant 0 : i32
    %dma_start3A_544 = arith.constant 0 : i32
    %dma_start3A_545 = tpu.memref_slice %arg3[%dma_start3A_543, %dma_start3A_544] : memref<1003520x64xf32, #tpu.memory_space<hbm>> -> memref<1003520x64xf32, #tpu.memory_space<hbm>>
    %dma_start3A_546 = tpu.memref_slice %arg9[%dma_start3A_535] : memref<2x!tpu.dma_semaphore, #tpu.memory_space<semaphore_mem>> -> memref<1x!tpu.dma_semaphore, #tpu.memory_space<semaphore_mem>>
    %dma_start3A_547 = tpu.memref_squeeze %dma_start3A_546 : memref<1x!tpu.dma_semaphore, #tpu.memory_space<semaphore_mem>> -> memref<!tpu.dma_semaphore, #tpu.memory_space<semaphore_mem>>
    tpu.enqueue_indirect_dma source(%dma_start3A_545 : memref<1003520x64xf32, #tpu.memory_space<hbm>>) target(%dma_start3A_539 : memref<128x64xf32, #tpu.memory_space<vmem>>) offsets(%dma_start3A_542 : memref<128xi32, #tpu.memory_space<vmem>>) semaphore(%dma_start3A_547 : memref<!tpu.dma_semaphore, #tpu.memory_space<semaphore_mem>>)
    %dma_start3A_548 = arith.constant 3 : i32
    %dma_start3A_549 = arith.constant 4 : i32
    %dma_start3A_550 = arith.constant 1 : i32
    %dma_start3A_551 = arith.constant 1 : i32
    %dma_start3A_552 = arith.constant 512 : i32
    %dma_start3A_553 = arith.constant 0 : i32
    %dma_start3A_554 = tpu.memref_slice %arg7[%dma_start3A_550, %dma_start3A_552, %dma_start3A_553] : memref<2x640x64xf32, #tpu.memory_space<vmem>> -> memref<1x128x64xf32, #tpu.memory_space<vmem>>
    %dma_start3A_555 = tpu.memref_squeeze %dma_start3A_554 : memref<1x128x64xf32, #tpu.memory_space<vmem>> -> memref<128x64xf32, #tpu.memory_space<vmem>>
    %dma_start3A_556 = arith.constant 0 : i32
    %dma_start3A_557 = tpu.memref_slice %arg6[%dma_start3A_548, %dma_start3A_549, %dma_start3A_556] : memref<10x5x128xi32, #tpu.memory_space<vmem>> -> memref<1x1x128xi32, #tpu.memory_space<vmem>>
    %dma_start3A_558 = tpu.memref_squeeze %dma_start3A_557 : memref<1x1x128xi32, #tpu.memory_space<vmem>> -> memref<128xi32, #tpu.memory_space<vmem>>
    %dma_start3A_559 = arith.constant 0 : i32
    %dma_start3A_560 = arith.constant 0 : i32
    %dma_start3A_561 = tpu.memref_slice %arg3[%dma_start3A_559, %dma_start3A_560] : memref<1003520x64xf32, #tpu.memory_space<hbm>> -> memref<1003520x64xf32, #tpu.memory_space<hbm>>
    %dma_start3A_562 = tpu.memref_slice %arg9[%dma_start3A_551] : memref<2x!tpu.dma_semaphore, #tpu.memory_space<semaphore_mem>> -> memref<1x!tpu.dma_semaphore, #tpu.memory_space<semaphore_mem>>
    %dma_start3A_563 = tpu.memref_squeeze %dma_start3A_562 : memref<1x!tpu.dma_semaphore, #tpu.memory_space<semaphore_mem>> -> memref<!tpu.dma_semaphore, #tpu.memory_space<semaphore_mem>>
    tpu.enqueue_indirect_dma source(%dma_start3A_561 : memref<1003520x64xf32, #tpu.memory_space<hbm>>) target(%dma_start3A_555 : memref<128x64xf32, #tpu.memory_space<vmem>>) offsets(%dma_start3A_558 : memref<128xi32, #tpu.memory_space<vmem>>) semaphore(%dma_start3A_563 : memref<!tpu.dma_semaphore, #tpu.memory_space<semaphore_mem>>)
    %dma_wait3A_564 = arith.constant 2 : i32
    %dma_wait3A_565 = arith.constant 0 : i32
    %dma_wait3A_566 = arith.constant 0 : i32
    %dma_wait3A_567 = arith.constant 0 : i32
    %dma_wait3A_568 = arith.constant 0 : i32
    %dma_wait3A_569 = arith.constant 0 : i32
    %dma_wait3A_570 = tpu.memref_slice %arg7[%dma_wait3A_566, %dma_wait3A_568, %dma_wait3A_569] : memref<2x640x64xf32, #tpu.memory_space<vmem>> -> memref<1x128x64xf32, #tpu.memory_space<vmem>>
    %dma_wait3A_571 = tpu.memref_squeeze %dma_wait3A_570 : memref<1x128x64xf32, #tpu.memory_space<vmem>> -> memref<128x64xf32, #tpu.memory_space<vmem>>
    %dma_wait3A_572 = arith.constant 0 : i32
    %dma_wait3A_573 = tpu.memref_slice %arg6[%dma_wait3A_564, %dma_wait3A_565, %dma_wait3A_572] : memref<10x5x128xi32, #tpu.memory_space<vmem>> -> memref<1x1x128xi32, #tpu.memory_space<vmem>>
    %dma_wait3A_574 = tpu.memref_squeeze %dma_wait3A_573 : memref<1x1x128xi32, #tpu.memory_space<vmem>> -> memref<128xi32, #tpu.memory_space<vmem>>
    %dma_wait3A_575 = arith.constant 0 : i32
    %dma_wait3A_576 = arith.constant 0 : i32
    %dma_wait3A_577 = tpu.memref_slice %arg3[%dma_wait3A_575, %dma_wait3A_576] : memref<1003520x64xf32, #tpu.memory_space<hbm>> -> memref<1003520x64xf32, #tpu.memory_space<hbm>>
    %dma_wait3A_578 = tpu.memref_slice %arg9[%dma_wait3A_567] : memref<2x!tpu.dma_semaphore, #tpu.memory_space<semaphore_mem>> -> memref<1x!tpu.dma_semaphore, #tpu.memory_space<semaphore_mem>>
    %dma_wait3A_579 = tpu.memref_squeeze %dma_wait3A_578 : memref<1x!tpu.dma_semaphore, #tpu.memory_space<semaphore_mem>> -> memref<!tpu.dma_semaphore, #tpu.memory_space<semaphore_mem>>
    tpu.wait_indirect_dma semaphore(%dma_wait3A_579 : memref<!tpu.dma_semaphore, #tpu.memory_space<semaphore_mem>>) src(%dma_wait3A_577 : memref<1003520x64xf32, #tpu.memory_space<hbm>>) dst(%dma_wait3A_571 : memref<128x64xf32, #tpu.memory_space<vmem>>)
    %dma_wait3A_580 = arith.constant 2 : i32
    %dma_wait3A_581 = arith.constant 1 : i32
    %dma_wait3A_582 = arith.constant 0 : i32
    %dma_wait3A_583 = arith.constant 0 : i32
    %dma_wait3A_584 = arith.constant 128 : i32
    %dma_wait3A_585 = arith.constant 0 : i32
    %dma_wait3A_586 = tpu.memref_slice %arg7[%dma_wait3A_582, %dma_wait3A_584, %dma_wait3A_585] : memref<2x640x64xf32, #tpu.memory_space<vmem>> -> memref<1x128x64xf32, #tpu.memory_space<vmem>>
    %dma_wait3A_587 = tpu.memref_squeeze %dma_wait3A_586 : memref<1x128x64xf32, #tpu.memory_space<vmem>> -> memref<128x64xf32, #tpu.memory_space<vmem>>
    %dma_wait3A_588 = arith.constant 0 : i32
    %dma_wait3A_589 = tpu.memref_slice %arg6[%dma_wait3A_580, %dma_wait3A_581, %dma_wait3A_588] : memref<10x5x128xi32, #tpu.memory_space<vmem>> -> memref<1x1x128xi32, #tpu.memory_space<vmem>>
    %dma_wait3A_590 = tpu.memref_squeeze %dma_wait3A_589 : memref<1x1x128xi32, #tpu.memory_space<vmem>> -> memref<128xi32, #tpu.memory_space<vmem>>
    %dma_wait3A_591 = arith.constant 0 : i32
    %dma_wait3A_592 = arith.constant 0 : i32
    %dma_wait3A_593 = tpu.memref_slice %arg3[%dma_wait3A_591, %dma_wait3A_592] : memref<1003520x64xf32, #tpu.memory_space<hbm>> -> memref<1003520x64xf32, #tpu.memory_space<hbm>>
    %dma_wait3A_594 = tpu.memref_slice %arg9[%dma_wait3A_583] : memref<2x!tpu.dma_semaphore, #tpu.memory_space<semaphore_mem>> -> memref<1x!tpu.dma_semaphore, #tpu.memory_space<semaphore_mem>>
    %dma_wait3A_595 = tpu.memref_squeeze %dma_wait3A_594 : memref<1x!tpu.dma_semaphore, #tpu.memory_space<semaphore_mem>> -> memref<!tpu.dma_semaphore, #tpu.memory_space<semaphore_mem>>
    tpu.wait_indirect_dma semaphore(%dma_wait3A_595 : memref<!tpu.dma_semaphore, #tpu.memory_space<semaphore_mem>>) src(%dma_wait3A_593 : memref<1003520x64xf32, #tpu.memory_space<hbm>>) dst(%dma_wait3A_587 : memref<128x64xf32, #tpu.memory_space<vmem>>)
    %dma_wait3A_596 = arith.constant 2 : i32
    %dma_wait3A_597 = arith.constant 2 : i32
    %dma_wait3A_598 = arith.constant 0 : i32
    %dma_wait3A_599 = arith.constant 0 : i32
    %dma_wait3A_600 = arith.constant 256 : i32
    %dma_wait3A_601 = arith.constant 0 : i32
    %dma_wait3A_602 = tpu.memref_slice %arg7[%dma_wait3A_598, %dma_wait3A_600, %dma_wait3A_601] : memref<2x640x64xf32, #tpu.memory_space<vmem>> -> memref<1x128x64xf32, #tpu.memory_space<vmem>>
    %dma_wait3A_603 = tpu.memref_squeeze %dma_wait3A_602 : memref<1x128x64xf32, #tpu.memory_space<vmem>> -> memref<128x64xf32, #tpu.memory_space<vmem>>
    %dma_wait3A_604 = arith.constant 0 : i32
    %dma_wait3A_605 = tpu.memref_slice %arg6[%dma_wait3A_596, %dma_wait3A_597, %dma_wait3A_604] : memref<10x5x128xi32, #tpu.memory_space<vmem>> -> memref<1x1x128xi32, #tpu.memory_space<vmem>>
    %dma_wait3A_606 = tpu.memref_squeeze %dma_wait3A_605 : memref<1x1x128xi32, #tpu.memory_space<vmem>> -> memref<128xi32, #tpu.memory_space<vmem>>
    %dma_wait3A_607 = arith.constant 0 : i32
    %dma_wait3A_608 = arith.constant 0 : i32
    %dma_wait3A_609 = tpu.memref_slice %arg3[%dma_wait3A_607, %dma_wait3A_608] : memref<1003520x64xf32, #tpu.memory_space<hbm>> -> memref<1003520x64xf32, #tpu.memory_space<hbm>>
    %dma_wait3A_610 = tpu.memref_slice %arg9[%dma_wait3A_599] : memref<2x!tpu.dma_semaphore, #tpu.memory_space<semaphore_mem>> -> memref<1x!tpu.dma_semaphore, #tpu.memory_space<semaphore_mem>>
    %dma_wait3A_611 = tpu.memref_squeeze %dma_wait3A_610 : memref<1x!tpu.dma_semaphore, #tpu.memory_space<semaphore_mem>> -> memref<!tpu.dma_semaphore, #tpu.memory_space<semaphore_mem>>
    tpu.wait_indirect_dma semaphore(%dma_wait3A_611 : memref<!tpu.dma_semaphore, #tpu.memory_space<semaphore_mem>>) src(%dma_wait3A_609 : memref<1003520x64xf32, #tpu.memory_space<hbm>>) dst(%dma_wait3A_603 : memref<128x64xf32, #tpu.memory_space<vmem>>)
    %dma_wait3A_612 = arith.constant 2 : i32
    %dma_wait3A_613 = arith.constant 3 : i32
    %dma_wait3A_614 = arith.constant 0 : i32
    %dma_wait3A_615 = arith.constant 0 : i32
    %dma_wait3A_616 = arith.constant 384 : i32
    %dma_wait3A_617 = arith.constant 0 : i32
    %dma_wait3A_618 = tpu.memref_slice %arg7[%dma_wait3A_614, %dma_wait3A_616, %dma_wait3A_617] : memref<2x640x64xf32, #tpu.memory_space<vmem>> -> memref<1x128x64xf32, #tpu.memory_space<vmem>>
    %dma_wait3A_619 = tpu.memref_squeeze %dma_wait3A_618 : memref<1x128x64xf32, #tpu.memory_space<vmem>> -> memref<128x64xf32, #tpu.memory_space<vmem>>
    %dma_wait3A_620 = arith.constant 0 : i32
    %dma_wait3A_621 = tpu.memref_slice %arg6[%dma_wait3A_612, %dma_wait3A_613, %dma_wait3A_620] : memref<10x5x128xi32, #tpu.memory_space<vmem>> -> memref<1x1x128xi32, #tpu.memory_space<vmem>>
    %dma_wait3A_622 = tpu.memref_squeeze %dma_wait3A_621 : memref<1x1x128xi32, #tpu.memory_space<vmem>> -> memref<128xi32, #tpu.memory_space<vmem>>
    %dma_wait3A_623 = arith.constant 0 : i32
    %dma_wait3A_624 = arith.constant 0 : i32
    %dma_wait3A_625 = tpu.memref_slice %arg3[%dma_wait3A_623, %dma_wait3A_624] : memref<1003520x64xf32, #tpu.memory_space<hbm>> -> memref<1003520x64xf32, #tpu.memory_space<hbm>>
    %dma_wait3A_626 = tpu.memref_slice %arg9[%dma_wait3A_615] : memref<2x!tpu.dma_semaphore, #tpu.memory_space<semaphore_mem>> -> memref<1x!tpu.dma_semaphore, #tpu.memory_space<semaphore_mem>>
    %dma_wait3A_627 = tpu.memref_squeeze %dma_wait3A_626 : memref<1x!tpu.dma_semaphore, #tpu.memory_space<semaphore_mem>> -> memref<!tpu.dma_semaphore, #tpu.memory_space<semaphore_mem>>
    tpu.wait_indirect_dma semaphore(%dma_wait3A_627 : memref<!tpu.dma_semaphore, #tpu.memory_space<semaphore_mem>>) src(%dma_wait3A_625 : memref<1003520x64xf32, #tpu.memory_space<hbm>>) dst(%dma_wait3A_619 : memref<128x64xf32, #tpu.memory_space<vmem>>)
    %dma_wait3A_628 = arith.constant 2 : i32
    %dma_wait3A_629 = arith.constant 4 : i32
    %dma_wait3A_630 = arith.constant 0 : i32
    %dma_wait3A_631 = arith.constant 0 : i32
    %dma_wait3A_632 = arith.constant 512 : i32
    %dma_wait3A_633 = arith.constant 0 : i32
    %dma_wait3A_634 = tpu.memref_slice %arg7[%dma_wait3A_630, %dma_wait3A_632, %dma_wait3A_633] : memref<2x640x64xf32, #tpu.memory_space<vmem>> -> memref<1x128x64xf32, #tpu.memory_space<vmem>>
    %dma_wait3A_635 = tpu.memref_squeeze %dma_wait3A_634 : memref<1x128x64xf32, #tpu.memory_space<vmem>> -> memref<128x64xf32, #tpu.memory_space<vmem>>
    %dma_wait3A_636 = arith.constant 0 : i32
    %dma_wait3A_637 = tpu.memref_slice %arg6[%dma_wait3A_628, %dma_wait3A_629, %dma_wait3A_636] : memref<10x5x128xi32, #tpu.memory_space<vmem>> -> memref<1x1x128xi32, #tpu.memory_space<vmem>>
    %dma_wait3A_638 = tpu.memref_squeeze %dma_wait3A_637 : memref<1x1x128xi32, #tpu.memory_space<vmem>> -> memref<128xi32, #tpu.memory_space<vmem>>
    %dma_wait3A_639 = arith.constant 0 : i32
    %dma_wait3A_640 = arith.constant 0 : i32
    %dma_wait3A_641 = tpu.memref_slice %arg3[%dma_wait3A_639, %dma_wait3A_640] : memref<1003520x64xf32, #tpu.memory_space<hbm>> -> memref<1003520x64xf32, #tpu.memory_space<hbm>>
    %dma_wait3A_642 = tpu.memref_slice %arg9[%dma_wait3A_631] : memref<2x!tpu.dma_semaphore, #tpu.memory_space<semaphore_mem>> -> memref<1x!tpu.dma_semaphore, #tpu.memory_space<semaphore_mem>>
    %dma_wait3A_643 = tpu.memref_squeeze %dma_wait3A_642 : memref<1x!tpu.dma_semaphore, #tpu.memory_space<semaphore_mem>> -> memref<!tpu.dma_semaphore, #tpu.memory_space<semaphore_mem>>
    tpu.wait_indirect_dma semaphore(%dma_wait3A_643 : memref<!tpu.dma_semaphore, #tpu.memory_space<semaphore_mem>>) src(%dma_wait3A_641 : memref<1003520x64xf32, #tpu.memory_space<hbm>>) dst(%dma_wait3A_635 : memref<128x64xf32, #tpu.memory_space<vmem>>)
    %scan3A_644 = arith.constant 0 : i32
    %scan3A_645 = arith.constant 0 : i32
    %scan3A_646 = arith.constant 640 : i32
    %scan3A_647 = arith.addi %scan3A_645, %scan3A_646 : i32
    %scan3A_648 = arith.constant 1 : i32
    %scan3A_649 = scf.for %scan3A_2012 = %scan3A_645 to %scan3A_647 step %scan3A_648 iter_args(%scan3A_2013 = %scan3A_644) -> (i32)  : i32 {
      %get3A_2014 = arith.constant 0 : i32
      %get3A_2015 = arith.index_cast %get3A_2014 : i32 to index
      %get3A_2016 = arith.index_cast %scan3A_2012 : i32 to index
      %get3A_2017 = arith.constant 0 : index
      %get3A_2018 = tpu.vector_load %arg7[%get3A_2015, %get3A_2016, %get3A_2017] {strides = array<i32>} : memref<2x640x64xf32, #tpu.memory_space<vmem>>, vector<1x1x16xf32>,
      %get3A_2019 = vector.shape_cast %get3A_2018 : vector<1x1x16xf32> to vector<16xf32>
      %mul3A_2020 = arith.mulf %get3A_2019, %get3A_4 : vector<16xf32>
      %swap3A = arith.constant 0 : i32
      %swap3A_2021 = arith.index_cast %swap3A : i32 to index
      %swap3A_2022 = arith.index_cast %scan3A_2012 : i32 to index
      %swap3A_2023 = arith.constant 0 : index
      %swap3A_2024 = tpu.vector_load %arg7[%swap3A_2021, %swap3A_2022, %swap3A_2023] {strides = array<i32>} : memref<2x640x64xf32, #tpu.memory_space<vmem>>, vector<1x1x16xf32>,
      %swap3A_2025 = vector.shape_cast %swap3A_2024 : vector<1x1x16xf32> to vector<16xf32>
      %swap3A_2026 = vector.shape_cast %mul3A_2020 : vector<16xf32> to vector<1x1x16xf32>
      tpu.vector_store %arg7[%swap3A_2021, %swap3A_2022, %swap3A_2023], %swap3A_2026 {strides = array<i32>} : memref<2x640x64xf32, #tpu.memory_space<vmem>>, vector<1x1x16xf32>,
      %get3A_2027 = arith.constant 0 : i32
      %get3A_2028 = arith.index_cast %get3A_2027 : i32 to index
      %get3A_2029 = arith.index_cast %scan3A_2012 : i32 to index
      %get3A_2030 = arith.constant 16 : index
      %get3A_2031 = tpu.vector_load %arg7[%get3A_2028, %get3A_2029, %get3A_2030] {strides = array<i32>} : memref<2x640x64xf32, #tpu.memory_space<vmem>>, vector<1x1x16xf32>,
      %get3A_2032 = vector.shape_cast %get3A_2031 : vector<1x1x16xf32> to vector<16xf32>
      %mul3A_2033 = arith.mulf %get3A_2032, %get3A_4 : vector<16xf32>
      %swap3A_2034 = arith.constant 0 : i32
      %swap3A_2035 = arith.index_cast %swap3A_2034 : i32 to index
      %swap3A_2036 = arith.index_cast %scan3A_2012 : i32 to index
      %swap3A_2037 = arith.constant 16 : index
      %swap3A_2038 = tpu.vector_load %arg7[%swap3A_2035, %swap3A_2036, %swap3A_2037] {strides = array<i32>} : memref<2x640x64xf32, #tpu.memory_space<vmem>>, vector<1x1x16xf32>,
      %swap3A_2039 = vector.shape_cast %swap3A_2038 : vector<1x1x16xf32> to vector<16xf32>
      %swap3A_2040 = vector.shape_cast %mul3A_2033 : vector<16xf32> to vector<1x1x16xf32>
      tpu.vector_store %arg7[%swap3A_2035, %swap3A_2036, %swap3A_2037], %swap3A_2040 {strides = array<i32>} : memref<2x640x64xf32, #tpu.memory_space<vmem>>, vector<1x1x16xf32>,
      %get3A_2041 = arith.constant 0 : i32
      %get3A_2042 = arith.index_cast %get3A_2041 : i32 to index
      %get3A_2043 = arith.index_cast %scan3A_2012 : i32 to index
      %get3A_2044 = arith.constant 32 : index
      %get3A_2045 = tpu.vector_load %arg7[%get3A_2042, %get3A_2043, %get3A_2044] {strides = array<i32>} : memref<2x640x64xf32, #tpu.memory_space<vmem>>, vector<1x1x16xf32>,
      %get3A_2046 = vector.shape_cast %get3A_2045 : vector<1x1x16xf32> to vector<16xf32>
      %mul3A_2047 = arith.mulf %get3A_2046, %get3A_4 : vector<16xf32>
      %swap3A_2048 = arith.constant 0 : i32
      %swap3A_2049 = arith.index_cast %swap3A_2048 : i32 to index
      %swap3A_2050 = arith.index_cast %scan3A_2012 : i32 to index
      %swap3A_2051 = arith.constant 32 : index
      %swap3A_2052 = tpu.vector_load %arg7[%swap3A_2049, %swap3A_2050, %swap3A_2051] {strides = array<i32>} : memref<2x640x64xf32, #tpu.memory_space<vmem>>, vector<1x1x16xf32>,
      %swap3A_2053 = vector.shape_cast %swap3A_2052 : vector<1x1x16xf32> to vector<16xf32>
      %swap3A_2054 = vector.shape_cast %mul3A_2047 : vector<16xf32> to vector<1x1x16xf32>
      tpu.vector_store %arg7[%swap3A_2049, %swap3A_2050, %swap3A_2051], %swap3A_2054 {strides = array<i32>} : memref<2x640x64xf32, #tpu.memory_space<vmem>>, vector<1x1x16xf32>,
      %get3A_2055 = arith.constant 0 : i32
      %get3A_2056 = arith.index_cast %get3A_2055 : i32 to index
      %get3A_2057 = arith.index_cast %scan3A_2012 : i32 to index
      %get3A_2058 = arith.constant 48 : index
      %get3A_2059 = tpu.vector_load %arg7[%get3A_2056, %get3A_2057, %get3A_2058] {strides = array<i32>} : memref<2x640x64xf32, #tpu.memory_space<vmem>>, vector<1x1x16xf32>,
      %get3A_2060 = vector.shape_cast %get3A_2059 : vector<1x1x16xf32> to vector<16xf32>
      %mul3A_2061 = arith.mulf %get3A_2060, %get3A_4 : vector<16xf32>
      %swap3A_2062 = arith.constant 0 : i32
      %swap3A_2063 = arith.index_cast %swap3A_2062 : i32 to index
      %swap3A_2064 = arith.index_cast %scan3A_2012 : i32 to index
      %swap3A_2065 = arith.constant 48 : index
      %swap3A_2066 = tpu.vector_load %arg7[%swap3A_2063, %swap3A_2064, %swap3A_2065] {strides = array<i32>} : memref<2x640x64xf32, #tpu.memory_space<vmem>>, vector<1x1x16xf32>,
      %swap3A_2067 = vector.shape_cast %swap3A_2066 : vector<1x1x16xf32> to vector<16xf32>
      %swap3A_2068 = vector.shape_cast %mul3A_2061 : vector<16xf32> to vector<1x1x16xf32>
      tpu.vector_store %arg7[%swap3A_2063, %swap3A_2064, %swap3A_2065], %swap3A_2068 {strides = array<i32>} : memref<2x640x64xf32, #tpu.memory_space<vmem>>, vector<1x1x16xf32>,
      %scan3A_2069 = arith.constant 0 : i32
      scf.yield %scan3A_2069 : i32
    }
    %scan3A_650 = arith.constant 640 : i32
    %add3A_651 = arith.constant 1280 : i32
    %add3A_652 = arith.addi %mul3A_2, %add3A_651 : i32
    %dma_start3A_653 = arith.constant 0 : i32
    %dma_start3A_654 = arith.constant 0 : i32
    %dma_start3A_655 = arith.constant 0 : i32
    %dma_start3A_656 = arith.constant 0 : i32
    %dma_start3A_657 = tpu.memref_slice %arg7[%dma_start3A_653, %dma_start3A_655, %dma_start3A_656] : memref<2x640x64xf32, #tpu.memory_space<vmem>> -> memref<1x640x64xf32, #tpu.memory_space<vmem>>
    %dma_start3A_658 = tpu.memref_squeeze %dma_start3A_657 : memref<1x640x64xf32, #tpu.memory_space<vmem>> -> memref<640x64xf32, #tpu.memory_space<vmem>>
    %dma_start3A_659 = arith.constant 0 : i32
    %dma_start3A_660 = tpu.memref_slice %arg5[%add3A_652, %dma_start3A_659] : memref<204800x64xf32, #tpu.memory_space<hbm>> -> memref<640x64xf32, #tpu.memory_space<hbm>>
    %dma_start3A_661 = tpu.memref_slice %arg10[%dma_start3A_654] : memref<2x!tpu.dma_semaphore, #tpu.memory_space<semaphore_mem>> -> memref<1x!tpu.dma_semaphore, #tpu.memory_space<semaphore_mem>>
    %dma_start3A_662 = tpu.memref_squeeze %dma_start3A_661 : memref<1x!tpu.dma_semaphore, #tpu.memory_space<semaphore_mem>> -> memref<!tpu.dma_semaphore, #tpu.memory_space<semaphore_mem>>
    %dma_start3A_663 = arith.constant 0 : i32
    %dma_start3A_664 = tpu.memref_slice %arg5[%add3A_652, %dma_start3A_663] : memref<204800x64xf32, #tpu.memory_space<hbm>> -> memref<640x64xf32, #tpu.memory_space<hbm>>
    %dma_start3A_665 = arith.constant 0 : i32
    %dma_start3A_666 = arith.constant 0 : i32
    %dma_start3A_667 = tpu.memref_slice %arg7[%dma_start3A_653, %dma_start3A_665, %dma_start3A_666] : memref<2x640x64xf32, #tpu.memory_space<vmem>> -> memref<1x640x64xf32, #tpu.memory_space<vmem>>
    %dma_start3A_668 = tpu.memref_squeeze %dma_start3A_667 : memref<1x640x64xf32, #tpu.memory_space<vmem>> -> memref<640x64xf32, #tpu.memory_space<vmem>>
    tpu.enqueue_dma source(%dma_start3A_668 : memref<640x64xf32, #tpu.memory_space<vmem>>) target(%dma_start3A_664 : memref<640x64xf32, #tpu.memory_space<hbm>>) target_semaphore(%dma_start3A_662 : memref<!tpu.dma_semaphore, #tpu.memory_space<semaphore_mem>>)
    %dma_wait3A_669 = arith.constant 0 : i32
    %dma_wait3A_670 = arith.constant 0 : i32
    %dma_wait3A_671 = arith.constant 0 : i32
    %dma_wait3A_672 = arith.constant 0 : i32
    %dma_wait3A_673 = tpu.memref_slice %arg7[%dma_wait3A_669, %dma_wait3A_671, %dma_wait3A_672] : memref<2x640x64xf32, #tpu.memory_space<vmem>> -> memref<1x640x64xf32, #tpu.memory_space<vmem>>
    %dma_wait3A_674 = tpu.memref_squeeze %dma_wait3A_673 : memref<1x640x64xf32, #tpu.memory_space<vmem>> -> memref<640x64xf32, #tpu.memory_space<vmem>>
    %dma_wait3A_675 = arith.constant 0 : i32
    %dma_wait3A_676 = tpu.memref_slice %arg5[%add3A_652, %dma_wait3A_675] : memref<204800x64xf32, #tpu.memory_space<hbm>> -> memref<640x64xf32, #tpu.memory_space<hbm>>
    %dma_wait3A_677 = tpu.memref_slice %arg10[%dma_wait3A_670] : memref<2x!tpu.dma_semaphore, #tpu.memory_space<semaphore_mem>> -> memref<1x!tpu.dma_semaphore, #tpu.memory_space<semaphore_mem>>
    %dma_wait3A_678 = tpu.memref_squeeze %dma_wait3A_677 : memref<1x!tpu.dma_semaphore, #tpu.memory_space<semaphore_mem>> -> memref<!tpu.dma_semaphore, #tpu.memory_space<semaphore_mem>>
    %dma_wait3A_679 = arith.constant 0 : i32
    %dma_wait3A_680 = tpu.memref_slice %arg5[%add3A_652, %dma_wait3A_679] : memref<204800x64xf32, #tpu.memory_space<hbm>> -> memref<640x64xf32, #tpu.memory_space<hbm>>
    %dma_wait3A_681 = arith.constant 0 : i32
    %dma_wait3A_682 = arith.constant 0 : i32
    %dma_wait3A_683 = tpu.memref_slice %arg7[%dma_wait3A_669, %dma_wait3A_681, %dma_wait3A_682] : memref<2x640x64xf32, #tpu.memory_space<vmem>> -> memref<1x640x64xf32, #tpu.memory_space<vmem>>
    %dma_wait3A_684 = tpu.memref_squeeze %dma_wait3A_683 : memref<1x640x64xf32, #tpu.memory_space<vmem>> -> memref<640x64xf32, #tpu.memory_space<vmem>>
    tpu.wait_dma2 semaphore(%dma_wait3A_678 : memref<!tpu.dma_semaphore, #tpu.memory_space<semaphore_mem>>) src(%dma_wait3A_684 : memref<640x64xf32, #tpu.memory_space<vmem>>) dst(%dma_wait3A_680 : memref<640x64xf32, #tpu.memory_space<hbm>>)
    %dma_start3A_685 = arith.constant 4 : i32
    %dma_start3A_686 = arith.constant 0 : i32
    %dma_start3A_687 = arith.constant 0 : i32
    %dma_start3A_688 = arith.constant 0 : i32
    %dma_start3A_689 = arith.constant 0 : i32
    %dma_start3A_690 = arith.constant 0 : i32
    %dma_start3A_691 = tpu.memref_slice %arg7[%dma_start3A_687, %dma_start3A_689, %dma_start3A_690] : memref<2x640x64xf32, #tpu.memory_space<vmem>> -> memref<1x128x64xf32, #tpu.memory_space<vmem>>
    %dma_start3A_692 = tpu.memref_squeeze %dma_start3A_691 : memref<1x128x64xf32, #tpu.memory_space<vmem>> -> memref<128x64xf32, #tpu.memory_space<vmem>>
    %dma_start3A_693 = arith.constant 0 : i32
    %dma_start3A_694 = tpu.memref_slice %arg6[%dma_start3A_685, %dma_start3A_686, %dma_start3A_693] : memref<10x5x128xi32, #tpu.memory_space<vmem>> -> memref<1x1x128xi32, #tpu.memory_space<vmem>>
    %dma_start3A_695 = tpu.memref_squeeze %dma_start3A_694 : memref<1x1x128xi32, #tpu.memory_space<vmem>> -> memref<128xi32, #tpu.memory_space<vmem>>
    %dma_start3A_696 = arith.constant 0 : i32
    %dma_start3A_697 = arith.constant 0 : i32
    %dma_start3A_698 = tpu.memref_slice %arg3[%dma_start3A_696, %dma_start3A_697] : memref<1003520x64xf32, #tpu.memory_space<hbm>> -> memref<1003520x64xf32, #tpu.memory_space<hbm>>
    %dma_start3A_699 = tpu.memref_slice %arg9[%dma_start3A_688] : memref<2x!tpu.dma_semaphore, #tpu.memory_space<semaphore_mem>> -> memref<1x!tpu.dma_semaphore, #tpu.memory_space<semaphore_mem>>
    %dma_start3A_700 = tpu.memref_squeeze %dma_start3A_699 : memref<1x!tpu.dma_semaphore, #tpu.memory_space<semaphore_mem>> -> memref<!tpu.dma_semaphore, #tpu.memory_space<semaphore_mem>>
    tpu.enqueue_indirect_dma source(%dma_start3A_698 : memref<1003520x64xf32, #tpu.memory_space<hbm>>) target(%dma_start3A_692 : memref<128x64xf32, #tpu.memory_space<vmem>>) offsets(%dma_start3A_695 : memref<128xi32, #tpu.memory_space<vmem>>) semaphore(%dma_start3A_700 : memref<!tpu.dma_semaphore, #tpu.memory_space<semaphore_mem>>)
    %dma_start3A_701 = arith.constant 4 : i32
    %dma_start3A_702 = arith.constant 1 : i32
    %dma_start3A_703 = arith.constant 0 : i32
    %dma_start3A_704 = arith.constant 0 : i32
    %dma_start3A_705 = arith.constant 128 : i32
    %dma_start3A_706 = arith.constant 0 : i32
    %dma_start3A_707 = tpu.memref_slice %arg7[%dma_start3A_703, %dma_start3A_705, %dma_start3A_706] : memref<2x640x64xf32, #tpu.memory_space<vmem>> -> memref<1x128x64xf32, #tpu.memory_space<vmem>>
    %dma_start3A_708 = tpu.memref_squeeze %dma_start3A_707 : memref<1x128x64xf32, #tpu.memory_space<vmem>> -> memref<128x64xf32, #tpu.memory_space<vmem>>
    %dma_start3A_709 = arith.constant 0 : i32
    %dma_start3A_710 = tpu.memref_slice %arg6[%dma_start3A_701, %dma_start3A_702, %dma_start3A_709] : memref<10x5x128xi32, #tpu.memory_space<vmem>> -> memref<1x1x128xi32, #tpu.memory_space<vmem>>
    %dma_start3A_711 = tpu.memref_squeeze %dma_start3A_710 : memref<1x1x128xi32, #tpu.memory_space<vmem>> -> memref<128xi32, #tpu.memory_space<vmem>>
    %dma_start3A_712 = arith.constant 0 : i32
    %dma_start3A_713 = arith.constant 0 : i32
    %dma_start3A_714 = tpu.memref_slice %arg3[%dma_start3A_712, %dma_start3A_713] : memref<1003520x64xf32, #tpu.memory_space<hbm>> -> memref<1003520x64xf32, #tpu.memory_space<hbm>>
    %dma_start3A_715 = tpu.memref_slice %arg9[%dma_start3A_704] : memref<2x!tpu.dma_semaphore, #tpu.memory_space<semaphore_mem>> -> memref<1x!tpu.dma_semaphore, #tpu.memory_space<semaphore_mem>>
    %dma_start3A_716 = tpu.memref_squeeze %dma_start3A_715 : memref<1x!tpu.dma_semaphore, #tpu.memory_space<semaphore_mem>> -> memref<!tpu.dma_semaphore, #tpu.memory_space<semaphore_mem>>
    tpu.enqueue_indirect_dma source(%dma_start3A_714 : memref<1003520x64xf32, #tpu.memory_space<hbm>>) target(%dma_start3A_708 : memref<128x64xf32, #tpu.memory_space<vmem>>) offsets(%dma_start3A_711 : memref<128xi32, #tpu.memory_space<vmem>>) semaphore(%dma_start3A_716 : memref<!tpu.dma_semaphore, #tpu.memory_space<semaphore_mem>>)
    %dma_start3A_717 = arith.constant 4 : i32
    %dma_start3A_718 = arith.constant 2 : i32
    %dma_start3A_719 = arith.constant 0 : i32
    %dma_start3A_720 = arith.constant 0 : i32
    %dma_start3A_721 = arith.constant 256 : i32
    %dma_start3A_722 = arith.constant 0 : i32
    %dma_start3A_723 = tpu.memref_slice %arg7[%dma_start3A_719, %dma_start3A_721, %dma_start3A_722] : memref<2x640x64xf32, #tpu.memory_space<vmem>> -> memref<1x128x64xf32, #tpu.memory_space<vmem>>
    %dma_start3A_724 = tpu.memref_squeeze %dma_start3A_723 : memref<1x128x64xf32, #tpu.memory_space<vmem>> -> memref<128x64xf32, #tpu.memory_space<vmem>>
    %dma_start3A_725 = arith.constant 0 : i32
    %dma_start3A_726 = tpu.memref_slice %arg6[%dma_start3A_717, %dma_start3A_718, %dma_start3A_725] : memref<10x5x128xi32, #tpu.memory_space<vmem>> -> memref<1x1x128xi32, #tpu.memory_space<vmem>>
    %dma_start3A_727 = tpu.memref_squeeze %dma_start3A_726 : memref<1x1x128xi32, #tpu.memory_space<vmem>> -> memref<128xi32, #tpu.memory_space<vmem>>
    %dma_start3A_728 = arith.constant 0 : i32
    %dma_start3A_729 = arith.constant 0 : i32
    %dma_start3A_730 = tpu.memref_slice %arg3[%dma_start3A_728, %dma_start3A_729] : memref<1003520x64xf32, #tpu.memory_space<hbm>> -> memref<1003520x64xf32, #tpu.memory_space<hbm>>
    %dma_start3A_731 = tpu.memref_slice %arg9[%dma_start3A_720] : memref<2x!tpu.dma_semaphore, #tpu.memory_space<semaphore_mem>> -> memref<1x!tpu.dma_semaphore, #tpu.memory_space<semaphore_mem>>
    %dma_start3A_732 = tpu.memref_squeeze %dma_start3A_731 : memref<1x!tpu.dma_semaphore, #tpu.memory_space<semaphore_mem>> -> memref<!tpu.dma_semaphore, #tpu.memory_space<semaphore_mem>>
    tpu.enqueue_indirect_dma source(%dma_start3A_730 : memref<1003520x64xf32, #tpu.memory_space<hbm>>) target(%dma_start3A_724 : memref<128x64xf32, #tpu.memory_space<vmem>>) offsets(%dma_start3A_727 : memref<128xi32, #tpu.memory_space<vmem>>) semaphore(%dma_start3A_732 : memref<!tpu.dma_semaphore, #tpu.memory_space<semaphore_mem>>)
    %dma_start3A_733 = arith.constant 4 : i32
    %dma_start3A_734 = arith.constant 3 : i32
    %dma_start3A_735 = arith.constant 0 : i32
    %dma_start3A_736 = arith.constant 0 : i32
    %dma_start3A_737 = arith.constant 384 : i32
    %dma_start3A_738 = arith.constant 0 : i32
    %dma_start3A_739 = tpu.memref_slice %arg7[%dma_start3A_735, %dma_start3A_737, %dma_start3A_738] : memref<2x640x64xf32, #tpu.memory_space<vmem>> -> memref<1x128x64xf32, #tpu.memory_space<vmem>>
    %dma_start3A_740 = tpu.memref_squeeze %dma_start3A_739 : memref<1x128x64xf32, #tpu.memory_space<vmem>> -> memref<128x64xf32, #tpu.memory_space<vmem>>
    %dma_start3A_741 = arith.constant 0 : i32
    %dma_start3A_742 = tpu.memref_slice %arg6[%dma_start3A_733, %dma_start3A_734, %dma_start3A_741] : memref<10x5x128xi32, #tpu.memory_space<vmem>> -> memref<1x1x128xi32, #tpu.memory_space<vmem>>
    %dma_start3A_743 = tpu.memref_squeeze %dma_start3A_742 : memref<1x1x128xi32, #tpu.memory_space<vmem>> -> memref<128xi32, #tpu.memory_space<vmem>>
    %dma_start3A_744 = arith.constant 0 : i32
    %dma_start3A_745 = arith.constant 0 : i32
    %dma_start3A_746 = tpu.memref_slice %arg3[%dma_start3A_744, %dma_start3A_745] : memref<1003520x64xf32, #tpu.memory_space<hbm>> -> memref<1003520x64xf32, #tpu.memory_space<hbm>>
    %dma_start3A_747 = tpu.memref_slice %arg9[%dma_start3A_736] : memref<2x!tpu.dma_semaphore, #tpu.memory_space<semaphore_mem>> -> memref<1x!tpu.dma_semaphore, #tpu.memory_space<semaphore_mem>>
    %dma_start3A_748 = tpu.memref_squeeze %dma_start3A_747 : memref<1x!tpu.dma_semaphore, #tpu.memory_space<semaphore_mem>> -> memref<!tpu.dma_semaphore, #tpu.memory_space<semaphore_mem>>
    tpu.enqueue_indirect_dma source(%dma_start3A_746 : memref<1003520x64xf32, #tpu.memory_space<hbm>>) target(%dma_start3A_740 : memref<128x64xf32, #tpu.memory_space<vmem>>) offsets(%dma_start3A_743 : memref<128xi32, #tpu.memory_space<vmem>>) semaphore(%dma_start3A_748 : memref<!tpu.dma_semaphore, #tpu.memory_space<semaphore_mem>>)
    %dma_start3A_749 = arith.constant 4 : i32
    %dma_start3A_750 = arith.constant 4 : i32
    %dma_start3A_751 = arith.constant 0 : i32
    %dma_start3A_752 = arith.constant 0 : i32
    %dma_start3A_753 = arith.constant 512 : i32
    %dma_start3A_754 = arith.constant 0 : i32
    %dma_start3A_755 = tpu.memref_slice %arg7[%dma_start3A_751, %dma_start3A_753, %dma_start3A_754] : memref<2x640x64xf32, #tpu.memory_space<vmem>> -> memref<1x128x64xf32, #tpu.memory_space<vmem>>
    %dma_start3A_756 = tpu.memref_squeeze %dma_start3A_755 : memref<1x128x64xf32, #tpu.memory_space<vmem>> -> memref<128x64xf32, #tpu.memory_space<vmem>>
    %dma_start3A_757 = arith.constant 0 : i32
    %dma_start3A_758 = tpu.memref_slice %arg6[%dma_start3A_749, %dma_start3A_750, %dma_start3A_757] : memref<10x5x128xi32, #tpu.memory_space<vmem>> -> memref<1x1x128xi32, #tpu.memory_space<vmem>>
    %dma_start3A_759 = tpu.memref_squeeze %dma_start3A_758 : memref<1x1x128xi32, #tpu.memory_space<vmem>> -> memref<128xi32, #tpu.memory_space<vmem>>
    %dma_start3A_760 = arith.constant 0 : i32
    %dma_start3A_761 = arith.constant 0 : i32
    %dma_start3A_762 = tpu.memref_slice %arg3[%dma_start3A_760, %dma_start3A_761] : memref<1003520x64xf32, #tpu.memory_space<hbm>> -> memref<1003520x64xf32, #tpu.memory_space<hbm>>
    %dma_start3A_763 = tpu.memref_slice %arg9[%dma_start3A_752] : memref<2x!tpu.dma_semaphore, #tpu.memory_space<semaphore_mem>> -> memref<1x!tpu.dma_semaphore, #tpu.memory_space<semaphore_mem>>
    %dma_start3A_764 = tpu.memref_squeeze %dma_start3A_763 : memref<1x!tpu.dma_semaphore, #tpu.memory_space<semaphore_mem>> -> memref<!tpu.dma_semaphore, #tpu.memory_space<semaphore_mem>>
    tpu.enqueue_indirect_dma source(%dma_start3A_762 : memref<1003520x64xf32, #tpu.memory_space<hbm>>) target(%dma_start3A_756 : memref<128x64xf32, #tpu.memory_space<vmem>>) offsets(%dma_start3A_759 : memref<128xi32, #tpu.memory_space<vmem>>) semaphore(%dma_start3A_764 : memref<!tpu.dma_semaphore, #tpu.memory_space<semaphore_mem>>)
    %dma_wait3A_765 = arith.constant 3 : i32
    %dma_wait3A_766 = arith.constant 0 : i32
    %dma_wait3A_767 = arith.constant 1 : i32
    %dma_wait3A_768 = arith.constant 1 : i32
    %dma_wait3A_769 = arith.constant 0 : i32
    %dma_wait3A_770 = arith.constant 0 : i32
    %dma_wait3A_771 = tpu.memref_slice %arg7[%dma_wait3A_767, %dma_wait3A_769, %dma_wait3A_770] : memref<2x640x64xf32, #tpu.memory_space<vmem>> -> memref<1x128x64xf32, #tpu.memory_space<vmem>>
    %dma_wait3A_772 = tpu.memref_squeeze %dma_wait3A_771 : memref<1x128x64xf32, #tpu.memory_space<vmem>> -> memref<128x64xf32, #tpu.memory_space<vmem>>
    %dma_wait3A_773 = arith.constant 0 : i32
    %dma_wait3A_774 = tpu.memref_slice %arg6[%dma_wait3A_765, %dma_wait3A_766, %dma_wait3A_773] : memref<10x5x128xi32, #tpu.memory_space<vmem>> -> memref<1x1x128xi32, #tpu.memory_space<vmem>>
    %dma_wait3A_775 = tpu.memref_squeeze %dma_wait3A_774 : memref<1x1x128xi32, #tpu.memory_space<vmem>> -> memref<128xi32, #tpu.memory_space<vmem>>
    %dma_wait3A_776 = arith.constant 0 : i32
    %dma_wait3A_777 = arith.constant 0 : i32
    %dma_wait3A_778 = tpu.memref_slice %arg3[%dma_wait3A_776, %dma_wait3A_777] : memref<1003520x64xf32, #tpu.memory_space<hbm>> -> memref<1003520x64xf32, #tpu.memory_space<hbm>>
    %dma_wait3A_779 = tpu.memref_slice %arg9[%dma_wait3A_768] : memref<2x!tpu.dma_semaphore, #tpu.memory_space<semaphore_mem>> -> memref<1x!tpu.dma_semaphore, #tpu.memory_space<semaphore_mem>>
    %dma_wait3A_780 = tpu.memref_squeeze %dma_wait3A_779 : memref<1x!tpu.dma_semaphore, #tpu.memory_space<semaphore_mem>> -> memref<!tpu.dma_semaphore, #tpu.memory_space<semaphore_mem>>
    tpu.wait_indirect_dma semaphore(%dma_wait3A_780 : memref<!tpu.dma_semaphore, #tpu.memory_space<semaphore_mem>>) src(%dma_wait3A_778 : memref<1003520x64xf32, #tpu.memory_space<hbm>>) dst(%dma_wait3A_772 : memref<128x64xf32, #tpu.memory_space<vmem>>)
    %dma_wait3A_781 = arith.constant 3 : i32
    %dma_wait3A_782 = arith.constant 1 : i32
    %dma_wait3A_783 = arith.constant 1 : i32
    %dma_wait3A_784 = arith.constant 1 : i32
    %dma_wait3A_785 = arith.constant 128 : i32
    %dma_wait3A_786 = arith.constant 0 : i32
    %dma_wait3A_787 = tpu.memref_slice %arg7[%dma_wait3A_783, %dma_wait3A_785, %dma_wait3A_786] : memref<2x640x64xf32, #tpu.memory_space<vmem>> -> memref<1x128x64xf32, #tpu.memory_space<vmem>>
    %dma_wait3A_788 = tpu.memref_squeeze %dma_wait3A_787 : memref<1x128x64xf32, #tpu.memory_space<vmem>> -> memref<128x64xf32, #tpu.memory_space<vmem>>
    %dma_wait3A_789 = arith.constant 0 : i32
    %dma_wait3A_790 = tpu.memref_slice %arg6[%dma_wait3A_781, %dma_wait3A_782, %dma_wait3A_789] : memref<10x5x128xi32, #tpu.memory_space<vmem>> -> memref<1x1x128xi32, #tpu.memory_space<vmem>>
    %dma_wait3A_791 = tpu.memref_squeeze %dma_wait3A_790 : memref<1x1x128xi32, #tpu.memory_space<vmem>> -> memref<128xi32, #tpu.memory_space<vmem>>
    %dma_wait3A_792 = arith.constant 0 : i32
    %dma_wait3A_793 = arith.constant 0 : i32
    %dma_wait3A_794 = tpu.memref_slice %arg3[%dma_wait3A_792, %dma_wait3A_793] : memref<1003520x64xf32, #tpu.memory_space<hbm>> -> memref<1003520x64xf32, #tpu.memory_space<hbm>>
    %dma_wait3A_795 = tpu.memref_slice %arg9[%dma_wait3A_784] : memref<2x!tpu.dma_semaphore, #tpu.memory_space<semaphore_mem>> -> memref<1x!tpu.dma_semaphore, #tpu.memory_space<semaphore_mem>>
    %dma_wait3A_796 = tpu.memref_squeeze %dma_wait3A_795 : memref<1x!tpu.dma_semaphore, #tpu.memory_space<semaphore_mem>> -> memref<!tpu.dma_semaphore, #tpu.memory_space<semaphore_mem>>
    tpu.wait_indirect_dma semaphore(%dma_wait3A_796 : memref<!tpu.dma_semaphore, #tpu.memory_space<semaphore_mem>>) src(%dma_wait3A_794 : memref<1003520x64xf32, #tpu.memory_space<hbm>>) dst(%dma_wait3A_788 : memref<128x64xf32, #tpu.memory_space<vmem>>)
    %dma_wait3A_797 = arith.constant 3 : i32
    %dma_wait3A_798 = arith.constant 2 : i32
    %dma_wait3A_799 = arith.constant 1 : i32
    %dma_wait3A_800 = arith.constant 1 : i32
    %dma_wait3A_801 = arith.constant 256 : i32
    %dma_wait3A_802 = arith.constant 0 : i32
    %dma_wait3A_803 = tpu.memref_slice %arg7[%dma_wait3A_799, %dma_wait3A_801, %dma_wait3A_802] : memref<2x640x64xf32, #tpu.memory_space<vmem>> -> memref<1x128x64xf32, #tpu.memory_space<vmem>>
    %dma_wait3A_804 = tpu.memref_squeeze %dma_wait3A_803 : memref<1x128x64xf32, #tpu.memory_space<vmem>> -> memref<128x64xf32, #tpu.memory_space<vmem>>
    %dma_wait3A_805 = arith.constant 0 : i32
    %dma_wait3A_806 = tpu.memref_slice %arg6[%dma_wait3A_797, %dma_wait3A_798, %dma_wait3A_805] : memref<10x5x128xi32, #tpu.memory_space<vmem>> -> memref<1x1x128xi32, #tpu.memory_space<vmem>>
    %dma_wait3A_807 = tpu.memref_squeeze %dma_wait3A_806 : memref<1x1x128xi32, #tpu.memory_space<vmem>> -> memref<128xi32, #tpu.memory_space<vmem>>
    %dma_wait3A_808 = arith.constant 0 : i32
    %dma_wait3A_809 = arith.constant 0 : i32
    %dma_wait3A_810 = tpu.memref_slice %arg3[%dma_wait3A_808, %dma_wait3A_809] : memref<1003520x64xf32, #tpu.memory_space<hbm>> -> memref<1003520x64xf32, #tpu.memory_space<hbm>>
    %dma_wait3A_811 = tpu.memref_slice %arg9[%dma_wait3A_800] : memref<2x!tpu.dma_semaphore, #tpu.memory_space<semaphore_mem>> -> memref<1x!tpu.dma_semaphore, #tpu.memory_space<semaphore_mem>>
    %dma_wait3A_812 = tpu.memref_squeeze %dma_wait3A_811 : memref<1x!tpu.dma_semaphore, #tpu.memory_space<semaphore_mem>> -> memref<!tpu.dma_semaphore, #tpu.memory_space<semaphore_mem>>
    tpu.wait_indirect_dma semaphore(%dma_wait3A_812 : memref<!tpu.dma_semaphore, #tpu.memory_space<semaphore_mem>>) src(%dma_wait3A_810 : memref<1003520x64xf32, #tpu.memory_space<hbm>>) dst(%dma_wait3A_804 : memref<128x64xf32, #tpu.memory_space<vmem>>)
    %dma_wait3A_813 = arith.constant 3 : i32
    %dma_wait3A_814 = arith.constant 3 : i32
    %dma_wait3A_815 = arith.constant 1 : i32
    %dma_wait3A_816 = arith.constant 1 : i32
    %dma_wait3A_817 = arith.constant 384 : i32
    %dma_wait3A_818 = arith.constant 0 : i32
    %dma_wait3A_819 = tpu.memref_slice %arg7[%dma_wait3A_815, %dma_wait3A_817, %dma_wait3A_818] : memref<2x640x64xf32, #tpu.memory_space<vmem>> -> memref<1x128x64xf32, #tpu.memory_space<vmem>>
    %dma_wait3A_820 = tpu.memref_squeeze %dma_wait3A_819 : memref<1x128x64xf32, #tpu.memory_space<vmem>> -> memref<128x64xf32, #tpu.memory_space<vmem>>
    %dma_wait3A_821 = arith.constant 0 : i32
    %dma_wait3A_822 = tpu.memref_slice %arg6[%dma_wait3A_813, %dma_wait3A_814, %dma_wait3A_821] : memref<10x5x128xi32, #tpu.memory_space<vmem>> -> memref<1x1x128xi32, #tpu.memory_space<vmem>>
    %dma_wait3A_823 = tpu.memref_squeeze %dma_wait3A_822 : memref<1x1x128xi32, #tpu.memory_space<vmem>> -> memref<128xi32, #tpu.memory_space<vmem>>
    %dma_wait3A_824 = arith.constant 0 : i32
    %dma_wait3A_825 = arith.constant 0 : i32
    %dma_wait3A_826 = tpu.memref_slice %arg3[%dma_wait3A_824, %dma_wait3A_825] : memref<1003520x64xf32, #tpu.memory_space<hbm>> -> memref<1003520x64xf32, #tpu.memory_space<hbm>>
    %dma_wait3A_827 = tpu.memref_slice %arg9[%dma_wait3A_816] : memref<2x!tpu.dma_semaphore, #tpu.memory_space<semaphore_mem>> -> memref<1x!tpu.dma_semaphore, #tpu.memory_space<semaphore_mem>>
    %dma_wait3A_828 = tpu.memref_squeeze %dma_wait3A_827 : memref<1x!tpu.dma_semaphore, #tpu.memory_space<semaphore_mem>> -> memref<!tpu.dma_semaphore, #tpu.memory_space<semaphore_mem>>
    tpu.wait_indirect_dma semaphore(%dma_wait3A_828 : memref<!tpu.dma_semaphore, #tpu.memory_space<semaphore_mem>>) src(%dma_wait3A_826 : memref<1003520x64xf32, #tpu.memory_space<hbm>>) dst(%dma_wait3A_820 : memref<128x64xf32, #tpu.memory_space<vmem>>)
    %dma_wait3A_829 = arith.constant 3 : i32
    %dma_wait3A_830 = arith.constant 4 : i32
    %dma_wait3A_831 = arith.constant 1 : i32
    %dma_wait3A_832 = arith.constant 1 : i32
    %dma_wait3A_833 = arith.constant 512 : i32
    %dma_wait3A_834 = arith.constant 0 : i32
    %dma_wait3A_835 = tpu.memref_slice %arg7[%dma_wait3A_831, %dma_wait3A_833, %dma_wait3A_834] : memref<2x640x64xf32, #tpu.memory_space<vmem>> -> memref<1x128x64xf32, #tpu.memory_space<vmem>>
    %dma_wait3A_836 = tpu.memref_squeeze %dma_wait3A_835 : memref<1x128x64xf32, #tpu.memory_space<vmem>> -> memref<128x64xf32, #tpu.memory_space<vmem>>
    %dma_wait3A_837 = arith.constant 0 : i32
    %dma_wait3A_838 = tpu.memref_slice %arg6[%dma_wait3A_829, %dma_wait3A_830, %dma_wait3A_837] : memref<10x5x128xi32, #tpu.memory_space<vmem>> -> memref<1x1x128xi32, #tpu.memory_space<vmem>>
    %dma_wait3A_839 = tpu.memref_squeeze %dma_wait3A_838 : memref<1x1x128xi32, #tpu.memory_space<vmem>> -> memref<128xi32, #tpu.memory_space<vmem>>
    %dma_wait3A_840 = arith.constant 0 : i32
    %dma_wait3A_841 = arith.constant 0 : i32
    %dma_wait3A_842 = tpu.memref_slice %arg3[%dma_wait3A_840, %dma_wait3A_841] : memref<1003520x64xf32, #tpu.memory_space<hbm>> -> memref<1003520x64xf32, #tpu.memory_space<hbm>>
    %dma_wait3A_843 = tpu.memref_slice %arg9[%dma_wait3A_832] : memref<2x!tpu.dma_semaphore, #tpu.memory_space<semaphore_mem>> -> memref<1x!tpu.dma_semaphore, #tpu.memory_space<semaphore_mem>>
    %dma_wait3A_844 = tpu.memref_squeeze %dma_wait3A_843 : memref<1x!tpu.dma_semaphore, #tpu.memory_space<semaphore_mem>> -> memref<!tpu.dma_semaphore, #tpu.memory_space<semaphore_mem>>
    tpu.wait_indirect_dma semaphore(%dma_wait3A_844 : memref<!tpu.dma_semaphore, #tpu.memory_space<semaphore_mem>>) src(%dma_wait3A_842 : memref<1003520x64xf32, #tpu.memory_space<hbm>>) dst(%dma_wait3A_836 : memref<128x64xf32, #tpu.memory_space<vmem>>)
    %scan3A_845 = arith.constant 0 : i32
    %scan3A_846 = arith.constant 0 : i32
    %scan3A_847 = arith.constant 640 : i32
    %scan3A_848 = arith.addi %scan3A_846, %scan3A_847 : i32
    %scan3A_849 = arith.constant 1 : i32
    %scan3A_850 = scf.for %scan3A_2012 = %scan3A_846 to %scan3A_848 step %scan3A_849 iter_args(%scan3A_2013 = %scan3A_845) -> (i32)  : i32 {
      %get3A_2014 = arith.constant 1 : i32
      %get3A_2015 = arith.index_cast %get3A_2014 : i32 to index
      %get3A_2016 = arith.index_cast %scan3A_2012 : i32 to index
      %get3A_2017 = arith.constant 0 : index
      %get3A_2018 = tpu.vector_load %arg7[%get3A_2015, %get3A_2016, %get3A_2017] {strides = array<i32>} : memref<2x640x64xf32, #tpu.memory_space<vmem>>, vector<1x1x16xf32>,
      %get3A_2019 = vector.shape_cast %get3A_2018 : vector<1x1x16xf32> to vector<16xf32>
      %mul3A_2020 = arith.mulf %get3A_2019, %get3A_4 : vector<16xf32>
      %swap3A = arith.constant 1 : i32
      %swap3A_2021 = arith.index_cast %swap3A : i32 to index
      %swap3A_2022 = arith.index_cast %scan3A_2012 : i32 to index
      %swap3A_2023 = arith.constant 0 : index
      %swap3A_2024 = tpu.vector_load %arg7[%swap3A_2021, %swap3A_2022, %swap3A_2023] {strides = array<i32>} : memref<2x640x64xf32, #tpu.memory_space<vmem>>, vector<1x1x16xf32>,
      %swap3A_2025 = vector.shape_cast %swap3A_2024 : vector<1x1x16xf32> to vector<16xf32>
      %swap3A_2026 = vector.shape_cast %mul3A_2020 : vector<16xf32> to vector<1x1x16xf32>
      tpu.vector_store %arg7[%swap3A_2021, %swap3A_2022, %swap3A_2023], %swap3A_2026 {strides = array<i32>} : memref<2x640x64xf32, #tpu.memory_space<vmem>>, vector<1x1x16xf32>,
      %get3A_2027 = arith.constant 1 : i32
      %get3A_2028 = arith.index_cast %get3A_2027 : i32 to index
      %get3A_2029 = arith.index_cast %scan3A_2012 : i32 to index
      %get3A_2030 = arith.constant 16 : index
      %get3A_2031 = tpu.vector_load %arg7[%get3A_2028, %get3A_2029, %get3A_2030] {strides = array<i32>} : memref<2x640x64xf32, #tpu.memory_space<vmem>>, vector<1x1x16xf32>,
      %get3A_2032 = vector.shape_cast %get3A_2031 : vector<1x1x16xf32> to vector<16xf32>
      %mul3A_2033 = arith.mulf %get3A_2032, %get3A_4 : vector<16xf32>
      %swap3A_2034 = arith.constant 1 : i32
      %swap3A_2035 = arith.index_cast %swap3A_2034 : i32 to index
      %swap3A_2036 = arith.index_cast %scan3A_2012 : i32 to index
      %swap3A_2037 = arith.constant 16 : index
      %swap3A_2038 = tpu.vector_load %arg7[%swap3A_2035, %swap3A_2036, %swap3A_2037] {strides = array<i32>} : memref<2x640x64xf32, #tpu.memory_space<vmem>>, vector<1x1x16xf32>,
      %swap3A_2039 = vector.shape_cast %swap3A_2038 : vector<1x1x16xf32> to vector<16xf32>
      %swap3A_2040 = vector.shape_cast %mul3A_2033 : vector<16xf32> to vector<1x1x16xf32>
      tpu.vector_store %arg7[%swap3A_2035, %swap3A_2036, %swap3A_2037], %swap3A_2040 {strides = array<i32>} : memref<2x640x64xf32, #tpu.memory_space<vmem>>, vector<1x1x16xf32>,
      %get3A_2041 = arith.constant 1 : i32
      %get3A_2042 = arith.index_cast %get3A_2041 : i32 to index
      %get3A_2043 = arith.index_cast %scan3A_2012 : i32 to index
      %get3A_2044 = arith.constant 32 : index
      %get3A_2045 = tpu.vector_load %arg7[%get3A_2042, %get3A_2043, %get3A_2044] {strides = array<i32>} : memref<2x640x64xf32, #tpu.memory_space<vmem>>, vector<1x1x16xf32>,
      %get3A_2046 = vector.shape_cast %get3A_2045 : vector<1x1x16xf32> to vector<16xf32>
      %mul3A_2047 = arith.mulf %get3A_2046, %get3A_4 : vector<16xf32>
      %swap3A_2048 = arith.constant 1 : i32
      %swap3A_2049 = arith.index_cast %swap3A_2048 : i32 to index
      %swap3A_2050 = arith.index_cast %scan3A_2012 : i32 to index
      %swap3A_2051 = arith.constant 32 : index
      %swap3A_2052 = tpu.vector_load %arg7[%swap3A_2049, %swap3A_2050, %swap3A_2051] {strides = array<i32>} : memref<2x640x64xf32, #tpu.memory_space<vmem>>, vector<1x1x16xf32>,
      %swap3A_2053 = vector.shape_cast %swap3A_2052 : vector<1x1x16xf32> to vector<16xf32>
      %swap3A_2054 = vector.shape_cast %mul3A_2047 : vector<16xf32> to vector<1x1x16xf32>
      tpu.vector_store %arg7[%swap3A_2049, %swap3A_2050, %swap3A_2051], %swap3A_2054 {strides = array<i32>} : memref<2x640x64xf32, #tpu.memory_space<vmem>>, vector<1x1x16xf32>,
      %get3A_2055 = arith.constant 1 : i32
      %get3A_2056 = arith.index_cast %get3A_2055 : i32 to index
      %get3A_2057 = arith.index_cast %scan3A_2012 : i32 to index
      %get3A_2058 = arith.constant 48 : index
      %get3A_2059 = tpu.vector_load %arg7[%get3A_2056, %get3A_2057, %get3A_2058] {strides = array<i32>} : memref<2x640x64xf32, #tpu.memory_space<vmem>>, vector<1x1x16xf32>,
      %get3A_2060 = vector.shape_cast %get3A_2059 : vector<1x1x16xf32> to vector<16xf32>
      %mul3A_2061 = arith.mulf %get3A_2060, %get3A_4 : vector<16xf32>
      %swap3A_2062 = arith.constant 1 : i32
      %swap3A_2063 = arith.index_cast %swap3A_2062 : i32 to index
      %swap3A_2064 = arith.index_cast %scan3A_2012 : i32 to index
      %swap3A_2065 = arith.constant 48 : index
      %swap3A_2066 = tpu.vector_load %arg7[%swap3A_2063, %swap3A_2064, %swap3A_2065] {strides = array<i32>} : memref<2x640x64xf32, #tpu.memory_space<vmem>>, vector<1x1x16xf32>,
      %swap3A_2067 = vector.shape_cast %swap3A_2066 : vector<1x1x16xf32> to vector<16xf32>
      %swap3A_2068 = vector.shape_cast %mul3A_2061 : vector<16xf32> to vector<1x1x16xf32>
      tpu.vector_store %arg7[%swap3A_2063, %swap3A_2064, %swap3A_2065], %swap3A_2068 {strides = array<i32>} : memref<2x640x64xf32, #tpu.memory_space<vmem>>, vector<1x1x16xf32>,
      %scan3A_2069 = arith.constant 0 : i32
      scf.yield %scan3A_2069 : i32
    }
    %scan3A_851 = arith.constant 640 : i32
    %add3A_852 = arith.constant 1920 : i32
    %add3A_853 = arith.addi %mul3A_2, %add3A_852 : i32
    %dma_start3A_854 = arith.constant 1 : i32
    %dma_start3A_855 = arith.constant 1 : i32
    %dma_start3A_856 = arith.constant 0 : i32
    %dma_start3A_857 = arith.constant 0 : i32
    %dma_start3A_858 = tpu.memref_slice %arg7[%dma_start3A_854, %dma_start3A_856, %dma_start3A_857] : memref<2x640x64xf32, #tpu.memory_space<vmem>> -> memref<1x640x64xf32, #tpu.memory_space<vmem>>
    %dma_start3A_859 = tpu.memref_squeeze %dma_start3A_858 : memref<1x640x64xf32, #tpu.memory_space<vmem>> -> memref<640x64xf32, #tpu.memory_space<vmem>>
    %dma_start3A_860 = arith.constant 0 : i32
    %dma_start3A_861 = tpu.memref_slice %arg5[%add3A_853, %dma_start3A_860] : memref<204800x64xf32, #tpu.memory_space<hbm>> -> memref<640x64xf32, #tpu.memory_space<hbm>>
    %dma_start3A_862 = tpu.memref_slice %arg10[%dma_start3A_855] : memref<2x!tpu.dma_semaphore, #tpu.memory_space<semaphore_mem>> -> memref<1x!tpu.dma_semaphore, #tpu.memory_space<semaphore_mem>>
    %dma_start3A_863 = tpu.memref_squeeze %dma_start3A_862 : memref<1x!tpu.dma_semaphore, #tpu.memory_space<semaphore_mem>> -> memref<!tpu.dma_semaphore, #tpu.memory_space<semaphore_mem>>
    %dma_start3A_864 = arith.constant 0 : i32
    %dma_start3A_865 = tpu.memref_slice %arg5[%add3A_853, %dma_start3A_864] : memref<204800x64xf32, #tpu.memory_space<hbm>> -> memref<640x64xf32, #tpu.memory_space<hbm>>
    %dma_start3A_866 = arith.constant 0 : i32
    %dma_start3A_867 = arith.constant 0 : i32
    %dma_start3A_868 = tpu.memref_slice %arg7[%dma_start3A_854, %dma_start3A_866, %dma_start3A_867] : memref<2x640x64xf32, #tpu.memory_space<vmem>> -> memref<1x640x64xf32, #tpu.memory_space<vmem>>
    %dma_start3A_869 = tpu.memref_squeeze %dma_start3A_868 : memref<1x640x64xf32, #tpu.memory_space<vmem>> -> memref<640x64xf32, #tpu.memory_space<vmem>>
    tpu.enqueue_dma source(%dma_start3A_869 : memref<640x64xf32, #tpu.memory_space<vmem>>) target(%dma_start3A_865 : memref<640x64xf32, #tpu.memory_space<hbm>>) target_semaphore(%dma_start3A_863 : memref<!tpu.dma_semaphore, #tpu.memory_space<semaphore_mem>>)
    %dma_wait3A_870 = arith.constant 1 : i32
    %dma_wait3A_871 = arith.constant 1 : i32
    %dma_wait3A_872 = arith.constant 0 : i32
    %dma_wait3A_873 = arith.constant 0 : i32
    %dma_wait3A_874 = tpu.memref_slice %arg7[%dma_wait3A_870, %dma_wait3A_872, %dma_wait3A_873] : memref<2x640x64xf32, #tpu.memory_space<vmem>> -> memref<1x640x64xf32, #tpu.memory_space<vmem>>
    %dma_wait3A_875 = tpu.memref_squeeze %dma_wait3A_874 : memref<1x640x64xf32, #tpu.memory_space<vmem>> -> memref<640x64xf32, #tpu.memory_space<vmem>>
    %dma_wait3A_876 = arith.constant 0 : i32
    %dma_wait3A_877 = tpu.memref_slice %arg5[%add3A_853, %dma_wait3A_876] : memref<204800x64xf32, #tpu.memory_space<hbm>> -> memref<640x64xf32, #tpu.memory_space<hbm>>
    %dma_wait3A_878 = tpu.memref_slice %arg10[%dma_wait3A_871] : memref<2x!tpu.dma_semaphore, #tpu.memory_space<semaphore_mem>> -> memref<1x!tpu.dma_semaphore, #tpu.memory_space<semaphore_mem>>
    %dma_wait3A_879 = tpu.memref_squeeze %dma_wait3A_878 : memref<1x!tpu.dma_semaphore, #tpu.memory_space<semaphore_mem>> -> memref<!tpu.dma_semaphore, #tpu.memory_space<semaphore_mem>>
    %dma_wait3A_880 = arith.constant 0 : i32
    %dma_wait3A_881 = tpu.memref_slice %arg5[%add3A_853, %dma_wait3A_880] : memref<204800x64xf32, #tpu.memory_space<hbm>> -> memref<640x64xf32, #tpu.memory_space<hbm>>
    %dma_wait3A_882 = arith.constant 0 : i32
    %dma_wait3A_883 = arith.constant 0 : i32
    %dma_wait3A_884 = tpu.memref_slice %arg7[%dma_wait3A_870, %dma_wait3A_882, %dma_wait3A_883] : memref<2x640x64xf32, #tpu.memory_space<vmem>> -> memref<1x640x64xf32, #tpu.memory_space<vmem>>
    %dma_wait3A_885 = tpu.memref_squeeze %dma_wait3A_884 : memref<1x640x64xf32, #tpu.memory_space<vmem>> -> memref<640x64xf32, #tpu.memory_space<vmem>>
    tpu.wait_dma2 semaphore(%dma_wait3A_879 : memref<!tpu.dma_semaphore, #tpu.memory_space<semaphore_mem>>) src(%dma_wait3A_885 : memref<640x64xf32, #tpu.memory_space<vmem>>) dst(%dma_wait3A_881 : memref<640x64xf32, #tpu.memory_space<hbm>>)
    %dma_start3A_886 = arith.constant 5 : i32
    %dma_start3A_887 = arith.constant 0 : i32
    %dma_start3A_888 = arith.constant 1 : i32
    %dma_start3A_889 = arith.constant 1 : i32
    %dma_start3A_890 = arith.constant 0 : i32
    %dma_start3A_891 = arith.constant 0 : i32
    %dma_start3A_892 = tpu.memref_slice %arg7[%dma_start3A_888, %dma_start3A_890, %dma_start3A_891] : memref<2x640x64xf32, #tpu.memory_space<vmem>> -> memref<1x128x64xf32, #tpu.memory_space<vmem>>
    %dma_start3A_893 = tpu.memref_squeeze %dma_start3A_892 : memref<1x128x64xf32, #tpu.memory_space<vmem>> -> memref<128x64xf32, #tpu.memory_space<vmem>>
    %dma_start3A_894 = arith.constant 0 : i32
    %dma_start3A_895 = tpu.memref_slice %arg6[%dma_start3A_886, %dma_start3A_887, %dma_start3A_894] : memref<10x5x128xi32, #tpu.memory_space<vmem>> -> memref<1x1x128xi32, #tpu.memory_space<vmem>>
    %dma_start3A_896 = tpu.memref_squeeze %dma_start3A_895 : memref<1x1x128xi32, #tpu.memory_space<vmem>> -> memref<128xi32, #tpu.memory_space<vmem>>
    %dma_start3A_897 = arith.constant 0 : i32
    %dma_start3A_898 = arith.constant 0 : i32
    %dma_start3A_899 = tpu.memref_slice %arg3[%dma_start3A_897, %dma_start3A_898] : memref<1003520x64xf32, #tpu.memory_space<hbm>> -> memref<1003520x64xf32, #tpu.memory_space<hbm>>
    %dma_start3A_900 = tpu.memref_slice %arg9[%dma_start3A_889] : memref<2x!tpu.dma_semaphore, #tpu.memory_space<semaphore_mem>> -> memref<1x!tpu.dma_semaphore, #tpu.memory_space<semaphore_mem>>
    %dma_start3A_901 = tpu.memref_squeeze %dma_start3A_900 : memref<1x!tpu.dma_semaphore, #tpu.memory_space<semaphore_mem>> -> memref<!tpu.dma_semaphore, #tpu.memory_space<semaphore_mem>>
    tpu.enqueue_indirect_dma source(%dma_start3A_899 : memref<1003520x64xf32, #tpu.memory_space<hbm>>) target(%dma_start3A_893 : memref<128x64xf32, #tpu.memory_space<vmem>>) offsets(%dma_start3A_896 : memref<128xi32, #tpu.memory_space<vmem>>) semaphore(%dma_start3A_901 : memref<!tpu.dma_semaphore, #tpu.memory_space<semaphore_mem>>)
    %dma_start3A_902 = arith.constant 5 : i32
    %dma_start3A_903 = arith.constant 1 : i32
    %dma_start3A_904 = arith.constant 1 : i32
    %dma_start3A_905 = arith.constant 1 : i32
    %dma_start3A_906 = arith.constant 128 : i32
    %dma_start3A_907 = arith.constant 0 : i32
    %dma_start3A_908 = tpu.memref_slice %arg7[%dma_start3A_904, %dma_start3A_906, %dma_start3A_907] : memref<2x640x64xf32, #tpu.memory_space<vmem>> -> memref<1x128x64xf32, #tpu.memory_space<vmem>>
    %dma_start3A_909 = tpu.memref_squeeze %dma_start3A_908 : memref<1x128x64xf32, #tpu.memory_space<vmem>> -> memref<128x64xf32, #tpu.memory_space<vmem>>
    %dma_start3A_910 = arith.constant 0 : i32
    %dma_start3A_911 = tpu.memref_slice %arg6[%dma_start3A_902, %dma_start3A_903, %dma_start3A_910] : memref<10x5x128xi32, #tpu.memory_space<vmem>> -> memref<1x1x128xi32, #tpu.memory_space<vmem>>
    %dma_start3A_912 = tpu.memref_squeeze %dma_start3A_911 : memref<1x1x128xi32, #tpu.memory_space<vmem>> -> memref<128xi32, #tpu.memory_space<vmem>>
    %dma_start3A_913 = arith.constant 0 : i32
    %dma_start3A_914 = arith.constant 0 : i32
    %dma_start3A_915 = tpu.memref_slice %arg3[%dma_start3A_913, %dma_start3A_914] : memref<1003520x64xf32, #tpu.memory_space<hbm>> -> memref<1003520x64xf32, #tpu.memory_space<hbm>>
    %dma_start3A_916 = tpu.memref_slice %arg9[%dma_start3A_905] : memref<2x!tpu.dma_semaphore, #tpu.memory_space<semaphore_mem>> -> memref<1x!tpu.dma_semaphore, #tpu.memory_space<semaphore_mem>>
    %dma_start3A_917 = tpu.memref_squeeze %dma_start3A_916 : memref<1x!tpu.dma_semaphore, #tpu.memory_space<semaphore_mem>> -> memref<!tpu.dma_semaphore, #tpu.memory_space<semaphore_mem>>
    tpu.enqueue_indirect_dma source(%dma_start3A_915 : memref<1003520x64xf32, #tpu.memory_space<hbm>>) target(%dma_start3A_909 : memref<128x64xf32, #tpu.memory_space<vmem>>) offsets(%dma_start3A_912 : memref<128xi32, #tpu.memory_space<vmem>>) semaphore(%dma_start3A_917 : memref<!tpu.dma_semaphore, #tpu.memory_space<semaphore_mem>>)
    %dma_start3A_918 = arith.constant 5 : i32
    %dma_start3A_919 = arith.constant 2 : i32
    %dma_start3A_920 = arith.constant 1 : i32
    %dma_start3A_921 = arith.constant 1 : i32
    %dma_start3A_922 = arith.constant 256 : i32
    %dma_start3A_923 = arith.constant 0 : i32
    %dma_start3A_924 = tpu.memref_slice %arg7[%dma_start3A_920, %dma_start3A_922, %dma_start3A_923] : memref<2x640x64xf32, #tpu.memory_space<vmem>> -> memref<1x128x64xf32, #tpu.memory_space<vmem>>
    %dma_start3A_925 = tpu.memref_squeeze %dma_start3A_924 : memref<1x128x64xf32, #tpu.memory_space<vmem>> -> memref<128x64xf32, #tpu.memory_space<vmem>>
    %dma_start3A_926 = arith.constant 0 : i32
    %dma_start3A_927 = tpu.memref_slice %arg6[%dma_start3A_918, %dma_start3A_919, %dma_start3A_926] : memref<10x5x128xi32, #tpu.memory_space<vmem>> -> memref<1x1x128xi32, #tpu.memory_space<vmem>>
    %dma_start3A_928 = tpu.memref_squeeze %dma_start3A_927 : memref<1x1x128xi32, #tpu.memory_space<vmem>> -> memref<128xi32, #tpu.memory_space<vmem>>
    %dma_start3A_929 = arith.constant 0 : i32
    %dma_start3A_930 = arith.constant 0 : i32
    %dma_start3A_931 = tpu.memref_slice %arg3[%dma_start3A_929, %dma_start3A_930] : memref<1003520x64xf32, #tpu.memory_space<hbm>> -> memref<1003520x64xf32, #tpu.memory_space<hbm>>
    %dma_start3A_932 = tpu.memref_slice %arg9[%dma_start3A_921] : memref<2x!tpu.dma_semaphore, #tpu.memory_space<semaphore_mem>> -> memref<1x!tpu.dma_semaphore, #tpu.memory_space<semaphore_mem>>
    %dma_start3A_933 = tpu.memref_squeeze %dma_start3A_932 : memref<1x!tpu.dma_semaphore, #tpu.memory_space<semaphore_mem>> -> memref<!tpu.dma_semaphore, #tpu.memory_space<semaphore_mem>>
    tpu.enqueue_indirect_dma source(%dma_start3A_931 : memref<1003520x64xf32, #tpu.memory_space<hbm>>) target(%dma_start3A_925 : memref<128x64xf32, #tpu.memory_space<vmem>>) offsets(%dma_start3A_928 : memref<128xi32, #tpu.memory_space<vmem>>) semaphore(%dma_start3A_933 : memref<!tpu.dma_semaphore, #tpu.memory_space<semaphore_mem>>)
    %dma_start3A_934 = arith.constant 5 : i32
    %dma_start3A_935 = arith.constant 3 : i32
    %dma_start3A_936 = arith.constant 1 : i32
    %dma_start3A_937 = arith.constant 1 : i32
    %dma_start3A_938 = arith.constant 384 : i32
    %dma_start3A_939 = arith.constant 0 : i32
    %dma_start3A_940 = tpu.memref_slice %arg7[%dma_start3A_936, %dma_start3A_938, %dma_start3A_939] : memref<2x640x64xf32, #tpu.memory_space<vmem>> -> memref<1x128x64xf32, #tpu.memory_space<vmem>>
    %dma_start3A_941 = tpu.memref_squeeze %dma_start3A_940 : memref<1x128x64xf32, #tpu.memory_space<vmem>> -> memref<128x64xf32, #tpu.memory_space<vmem>>
    %dma_start3A_942 = arith.constant 0 : i32
    %dma_start3A_943 = tpu.memref_slice %arg6[%dma_start3A_934, %dma_start3A_935, %dma_start3A_942] : memref<10x5x128xi32, #tpu.memory_space<vmem>> -> memref<1x1x128xi32, #tpu.memory_space<vmem>>
    %dma_start3A_944 = tpu.memref_squeeze %dma_start3A_943 : memref<1x1x128xi32, #tpu.memory_space<vmem>> -> memref<128xi32, #tpu.memory_space<vmem>>
    %dma_start3A_945 = arith.constant 0 : i32
    %dma_start3A_946 = arith.constant 0 : i32
    %dma_start3A_947 = tpu.memref_slice %arg3[%dma_start3A_945, %dma_start3A_946] : memref<1003520x64xf32, #tpu.memory_space<hbm>> -> memref<1003520x64xf32, #tpu.memory_space<hbm>>
    %dma_start3A_948 = tpu.memref_slice %arg9[%dma_start3A_937] : memref<2x!tpu.dma_semaphore, #tpu.memory_space<semaphore_mem>> -> memref<1x!tpu.dma_semaphore, #tpu.memory_space<semaphore_mem>>
    %dma_start3A_949 = tpu.memref_squeeze %dma_start3A_948 : memref<1x!tpu.dma_semaphore, #tpu.memory_space<semaphore_mem>> -> memref<!tpu.dma_semaphore, #tpu.memory_space<semaphore_mem>>
    tpu.enqueue_indirect_dma source(%dma_start3A_947 : memref<1003520x64xf32, #tpu.memory_space<hbm>>) target(%dma_start3A_941 : memref<128x64xf32, #tpu.memory_space<vmem>>) offsets(%dma_start3A_944 : memref<128xi32, #tpu.memory_space<vmem>>) semaphore(%dma_start3A_949 : memref<!tpu.dma_semaphore, #tpu.memory_space<semaphore_mem>>)
    %dma_start3A_950 = arith.constant 5 : i32
    %dma_start3A_951 = arith.constant 4 : i32
    %dma_start3A_952 = arith.constant 1 : i32
    %dma_start3A_953 = arith.constant 1 : i32
    %dma_start3A_954 = arith.constant 512 : i32
    %dma_start3A_955 = arith.constant 0 : i32
    %dma_start3A_956 = tpu.memref_slice %arg7[%dma_start3A_952, %dma_start3A_954, %dma_start3A_955] : memref<2x640x64xf32, #tpu.memory_space<vmem>> -> memref<1x128x64xf32, #tpu.memory_space<vmem>>
    %dma_start3A_957 = tpu.memref_squeeze %dma_start3A_956 : memref<1x128x64xf32, #tpu.memory_space<vmem>> -> memref<128x64xf32, #tpu.memory_space<vmem>>
    %dma_start3A_958 = arith.constant 0 : i32
    %dma_start3A_959 = tpu.memref_slice %arg6[%dma_start3A_950, %dma_start3A_951, %dma_start3A_958] : memref<10x5x128xi32, #tpu.memory_space<vmem>> -> memref<1x1x128xi32, #tpu.memory_space<vmem>>
    %dma_start3A_960 = tpu.memref_squeeze %dma_start3A_959 : memref<1x1x128xi32, #tpu.memory_space<vmem>> -> memref<128xi32, #tpu.memory_space<vmem>>
    %dma_start3A_961 = arith.constant 0 : i32
    %dma_start3A_962 = arith.constant 0 : i32
    %dma_start3A_963 = tpu.memref_slice %arg3[%dma_start3A_961, %dma_start3A_962] : memref<1003520x64xf32, #tpu.memory_space<hbm>> -> memref<1003520x64xf32, #tpu.memory_space<hbm>>
    %dma_start3A_964 = tpu.memref_slice %arg9[%dma_start3A_953] : memref<2x!tpu.dma_semaphore, #tpu.memory_space<semaphore_mem>> -> memref<1x!tpu.dma_semaphore, #tpu.memory_space<semaphore_mem>>
    %dma_start3A_965 = tpu.memref_squeeze %dma_start3A_964 : memref<1x!tpu.dma_semaphore, #tpu.memory_space<semaphore_mem>> -> memref<!tpu.dma_semaphore, #tpu.memory_space<semaphore_mem>>
    tpu.enqueue_indirect_dma source(%dma_start3A_963 : memref<1003520x64xf32, #tpu.memory_space<hbm>>) target(%dma_start3A_957 : memref<128x64xf32, #tpu.memory_space<vmem>>) offsets(%dma_start3A_960 : memref<128xi32, #tpu.memory_space<vmem>>) semaphore(%dma_start3A_965 : memref<!tpu.dma_semaphore, #tpu.memory_space<semaphore_mem>>)
    %dma_wait3A_966 = arith.constant 4 : i32
    %dma_wait3A_967 = arith.constant 0 : i32
    %dma_wait3A_968 = arith.constant 0 : i32
    %dma_wait3A_969 = arith.constant 0 : i32
    %dma_wait3A_970 = arith.constant 0 : i32
    %dma_wait3A_971 = arith.constant 0 : i32
    %dma_wait3A_972 = tpu.memref_slice %arg7[%dma_wait3A_968, %dma_wait3A_970, %dma_wait3A_971] : memref<2x640x64xf32, #tpu.memory_space<vmem>> -> memref<1x128x64xf32, #tpu.memory_space<vmem>>
    %dma_wait3A_973 = tpu.memref_squeeze %dma_wait3A_972 : memref<1x128x64xf32, #tpu.memory_space<vmem>> -> memref<128x64xf32, #tpu.memory_space<vmem>>
    %dma_wait3A_974 = arith.constant 0 : i32
    %dma_wait3A_975 = tpu.memref_slice %arg6[%dma_wait3A_966, %dma_wait3A_967, %dma_wait3A_974] : memref<10x5x128xi32, #tpu.memory_space<vmem>> -> memref<1x1x128xi32, #tpu.memory_space<vmem>>
    %dma_wait3A_976 = tpu.memref_squeeze %dma_wait3A_975 : memref<1x1x128xi32, #tpu.memory_space<vmem>> -> memref<128xi32, #tpu.memory_space<vmem>>
    %dma_wait3A_977 = arith.constant 0 : i32
    %dma_wait3A_978 = arith.constant 0 : i32
    %dma_wait3A_979 = tpu.memref_slice %arg3[%dma_wait3A_977, %dma_wait3A_978] : memref<1003520x64xf32, #tpu.memory_space<hbm>> -> memref<1003520x64xf32, #tpu.memory_space<hbm>>
    %dma_wait3A_980 = tpu.memref_slice %arg9[%dma_wait3A_969] : memref<2x!tpu.dma_semaphore, #tpu.memory_space<semaphore_mem>> -> memref<1x!tpu.dma_semaphore, #tpu.memory_space<semaphore_mem>>
    %dma_wait3A_981 = tpu.memref_squeeze %dma_wait3A_980 : memref<1x!tpu.dma_semaphore, #tpu.memory_space<semaphore_mem>> -> memref<!tpu.dma_semaphore, #tpu.memory_space<semaphore_mem>>
    tpu.wait_indirect_dma semaphore(%dma_wait3A_981 : memref<!tpu.dma_semaphore, #tpu.memory_space<semaphore_mem>>) src(%dma_wait3A_979 : memref<1003520x64xf32, #tpu.memory_space<hbm>>) dst(%dma_wait3A_973 : memref<128x64xf32, #tpu.memory_space<vmem>>)
    %dma_wait3A_982 = arith.constant 4 : i32
    %dma_wait3A_983 = arith.constant 1 : i32
    %dma_wait3A_984 = arith.constant 0 : i32
    %dma_wait3A_985 = arith.constant 0 : i32
    %dma_wait3A_986 = arith.constant 128 : i32
    %dma_wait3A_987 = arith.constant 0 : i32
    %dma_wait3A_988 = tpu.memref_slice %arg7[%dma_wait3A_984, %dma_wait3A_986, %dma_wait3A_987] : memref<2x640x64xf32, #tpu.memory_space<vmem>> -> memref<1x128x64xf32, #tpu.memory_space<vmem>>
    %dma_wait3A_989 = tpu.memref_squeeze %dma_wait3A_988 : memref<1x128x64xf32, #tpu.memory_space<vmem>> -> memref<128x64xf32, #tpu.memory_space<vmem>>
    %dma_wait3A_990 = arith.constant 0 : i32
    %dma_wait3A_991 = tpu.memref_slice %arg6[%dma_wait3A_982, %dma_wait3A_983, %dma_wait3A_990] : memref<10x5x128xi32, #tpu.memory_space<vmem>> -> memref<1x1x128xi32, #tpu.memory_space<vmem>>
    %dma_wait3A_992 = tpu.memref_squeeze %dma_wait3A_991 : memref<1x1x128xi32, #tpu.memory_space<vmem>> -> memref<128xi32, #tpu.memory_space<vmem>>
    %dma_wait3A_993 = arith.constant 0 : i32
    %dma_wait3A_994 = arith.constant 0 : i32
    %dma_wait3A_995 = tpu.memref_slice %arg3[%dma_wait3A_993, %dma_wait3A_994] : memref<1003520x64xf32, #tpu.memory_space<hbm>> -> memref<1003520x64xf32, #tpu.memory_space<hbm>>
    %dma_wait3A_996 = tpu.memref_slice %arg9[%dma_wait3A_985] : memref<2x!tpu.dma_semaphore, #tpu.memory_space<semaphore_mem>> -> memref<1x!tpu.dma_semaphore, #tpu.memory_space<semaphore_mem>>
    %dma_wait3A_997 = tpu.memref_squeeze %dma_wait3A_996 : memref<1x!tpu.dma_semaphore, #tpu.memory_space<semaphore_mem>> -> memref<!tpu.dma_semaphore, #tpu.memory_space<semaphore_mem>>
    tpu.wait_indirect_dma semaphore(%dma_wait3A_997 : memref<!tpu.dma_semaphore, #tpu.memory_space<semaphore_mem>>) src(%dma_wait3A_995 : memref<1003520x64xf32, #tpu.memory_space<hbm>>) dst(%dma_wait3A_989 : memref<128x64xf32, #tpu.memory_space<vmem>>)
    %dma_wait3A_998 = arith.constant 4 : i32
    %dma_wait3A_999 = arith.constant 2 : i32
    %dma_wait3A_1000 = arith.constant 0 : i32
    %dma_wait3A_1001 = arith.constant 0 : i32
    %dma_wait3A_1002 = arith.constant 256 : i32
    %dma_wait3A_1003 = arith.constant 0 : i32
    %dma_wait3A_1004 = tpu.memref_slice %arg7[%dma_wait3A_1000, %dma_wait3A_1002, %dma_wait3A_1003] : memref<2x640x64xf32, #tpu.memory_space<vmem>> -> memref<1x128x64xf32, #tpu.memory_space<vmem>>
    %dma_wait3A_1005 = tpu.memref_squeeze %dma_wait3A_1004 : memref<1x128x64xf32, #tpu.memory_space<vmem>> -> memref<128x64xf32, #tpu.memory_space<vmem>>
    %dma_wait3A_1006 = arith.constant 0 : i32
    %dma_wait3A_1007 = tpu.memref_slice %arg6[%dma_wait3A_998, %dma_wait3A_999, %dma_wait3A_1006] : memref<10x5x128xi32, #tpu.memory_space<vmem>> -> memref<1x1x128xi32, #tpu.memory_space<vmem>>
    %dma_wait3A_1008 = tpu.memref_squeeze %dma_wait3A_1007 : memref<1x1x128xi32, #tpu.memory_space<vmem>> -> memref<128xi32, #tpu.memory_space<vmem>>
    %dma_wait3A_1009 = arith.constant 0 : i32
    %dma_wait3A_1010 = arith.constant 0 : i32
    %dma_wait3A_1011 = tpu.memref_slice %arg3[%dma_wait3A_1009, %dma_wait3A_1010] : memref<1003520x64xf32, #tpu.memory_space<hbm>> -> memref<1003520x64xf32, #tpu.memory_space<hbm>>
    %dma_wait3A_1012 = tpu.memref_slice %arg9[%dma_wait3A_1001] : memref<2x!tpu.dma_semaphore, #tpu.memory_space<semaphore_mem>> -> memref<1x!tpu.dma_semaphore, #tpu.memory_space<semaphore_mem>>
    %dma_wait3A_1013 = tpu.memref_squeeze %dma_wait3A_1012 : memref<1x!tpu.dma_semaphore, #tpu.memory_space<semaphore_mem>> -> memref<!tpu.dma_semaphore, #tpu.memory_space<semaphore_mem>>
    tpu.wait_indirect_dma semaphore(%dma_wait3A_1013 : memref<!tpu.dma_semaphore, #tpu.memory_space<semaphore_mem>>) src(%dma_wait3A_1011 : memref<1003520x64xf32, #tpu.memory_space<hbm>>) dst(%dma_wait3A_1005 : memref<128x64xf32, #tpu.memory_space<vmem>>)
    %dma_wait3A_1014 = arith.constant 4 : i32
    %dma_wait3A_1015 = arith.constant 3 : i32
    %dma_wait3A_1016 = arith.constant 0 : i32
    %dma_wait3A_1017 = arith.constant 0 : i32
    %dma_wait3A_1018 = arith.constant 384 : i32
    %dma_wait3A_1019 = arith.constant 0 : i32
    %dma_wait3A_1020 = tpu.memref_slice %arg7[%dma_wait3A_1016, %dma_wait3A_1018, %dma_wait3A_1019] : memref<2x640x64xf32, #tpu.memory_space<vmem>> -> memref<1x128x64xf32, #tpu.memory_space<vmem>>
    %dma_wait3A_1021 = tpu.memref_squeeze %dma_wait3A_1020 : memref<1x128x64xf32, #tpu.memory_space<vmem>> -> memref<128x64xf32, #tpu.memory_space<vmem>>
    %dma_wait3A_1022 = arith.constant 0 : i32
    %dma_wait3A_1023 = tpu.memref_slice %arg6[%dma_wait3A_1014, %dma_wait3A_1015, %dma_wait3A_1022] : memref<10x5x128xi32, #tpu.memory_space<vmem>> -> memref<1x1x128xi32, #tpu.memory_space<vmem>>
    %dma_wait3A_1024 = tpu.memref_squeeze %dma_wait3A_1023 : memref<1x1x128xi32, #tpu.memory_space<vmem>> -> memref<128xi32, #tpu.memory_space<vmem>>
    %dma_wait3A_1025 = arith.constant 0 : i32
    %dma_wait3A_1026 = arith.constant 0 : i32
    %dma_wait3A_1027 = tpu.memref_slice %arg3[%dma_wait3A_1025, %dma_wait3A_1026] : memref<1003520x64xf32, #tpu.memory_space<hbm>> -> memref<1003520x64xf32, #tpu.memory_space<hbm>>
    %dma_wait3A_1028 = tpu.memref_slice %arg9[%dma_wait3A_1017] : memref<2x!tpu.dma_semaphore, #tpu.memory_space<semaphore_mem>> -> memref<1x!tpu.dma_semaphore, #tpu.memory_space<semaphore_mem>>
    %dma_wait3A_1029 = tpu.memref_squeeze %dma_wait3A_1028 : memref<1x!tpu.dma_semaphore, #tpu.memory_space<semaphore_mem>> -> memref<!tpu.dma_semaphore, #tpu.memory_space<semaphore_mem>>
    tpu.wait_indirect_dma semaphore(%dma_wait3A_1029 : memref<!tpu.dma_semaphore, #tpu.memory_space<semaphore_mem>>) src(%dma_wait3A_1027 : memref<1003520x64xf32, #tpu.memory_space<hbm>>) dst(%dma_wait3A_1021 : memref<128x64xf32, #tpu.memory_space<vmem>>)
    %dma_wait3A_1030 = arith.constant 4 : i32
    %dma_wait3A_1031 = arith.constant 4 : i32
    %dma_wait3A_1032 = arith.constant 0 : i32
    %dma_wait3A_1033 = arith.constant 0 : i32
    %dma_wait3A_1034 = arith.constant 512 : i32
    %dma_wait3A_1035 = arith.constant 0 : i32
    %dma_wait3A_1036 = tpu.memref_slice %arg7[%dma_wait3A_1032, %dma_wait3A_1034, %dma_wait3A_1035] : memref<2x640x64xf32, #tpu.memory_space<vmem>> -> memref<1x128x64xf32, #tpu.memory_space<vmem>>
    %dma_wait3A_1037 = tpu.memref_squeeze %dma_wait3A_1036 : memref<1x128x64xf32, #tpu.memory_space<vmem>> -> memref<128x64xf32, #tpu.memory_space<vmem>>
    %dma_wait3A_1038 = arith.constant 0 : i32
    %dma_wait3A_1039 = tpu.memref_slice %arg6[%dma_wait3A_1030, %dma_wait3A_1031, %dma_wait3A_1038] : memref<10x5x128xi32, #tpu.memory_space<vmem>> -> memref<1x1x128xi32, #tpu.memory_space<vmem>>
    %dma_wait3A_1040 = tpu.memref_squeeze %dma_wait3A_1039 : memref<1x1x128xi32, #tpu.memory_space<vmem>> -> memref<128xi32, #tpu.memory_space<vmem>>
    %dma_wait3A_1041 = arith.constant 0 : i32
    %dma_wait3A_1042 = arith.constant 0 : i32
    %dma_wait3A_1043 = tpu.memref_slice %arg3[%dma_wait3A_1041, %dma_wait3A_1042] : memref<1003520x64xf32, #tpu.memory_space<hbm>> -> memref<1003520x64xf32, #tpu.memory_space<hbm>>
    %dma_wait3A_1044 = tpu.memref_slice %arg9[%dma_wait3A_1033] : memref<2x!tpu.dma_semaphore, #tpu.memory_space<semaphore_mem>> -> memref<1x!tpu.dma_semaphore, #tpu.memory_space<semaphore_mem>>
    %dma_wait3A_1045 = tpu.memref_squeeze %dma_wait3A_1044 : memref<1x!tpu.dma_semaphore, #tpu.memory_space<semaphore_mem>> -> memref<!tpu.dma_semaphore, #tpu.memory_space<semaphore_mem>>
    tpu.wait_indirect_dma semaphore(%dma_wait3A_1045 : memref<!tpu.dma_semaphore, #tpu.memory_space<semaphore_mem>>) src(%dma_wait3A_1043 : memref<1003520x64xf32, #tpu.memory_space<hbm>>) dst(%dma_wait3A_1037 : memref<128x64xf32, #tpu.memory_space<vmem>>)
    %scan3A_1046 = arith.constant 0 : i32
    %scan3A_1047 = arith.constant 0 : i32
    %scan3A_1048 = arith.constant 640 : i32
    %scan3A_1049 = arith.addi %scan3A_1047, %scan3A_1048 : i32
    %scan3A_1050 = arith.constant 1 : i32
    %scan3A_1051 = scf.for %scan3A_2012 = %scan3A_1047 to %scan3A_1049 step %scan3A_1050 iter_args(%scan3A_2013 = %scan3A_1046) -> (i32)  : i32 {
      %get3A_2014 = arith.constant 0 : i32
      %get3A_2015 = arith.index_cast %get3A_2014 : i32 to index
      %get3A_2016 = arith.index_cast %scan3A_2012 : i32 to index
      %get3A_2017 = arith.constant 0 : index
      %get3A_2018 = tpu.vector_load %arg7[%get3A_2015, %get3A_2016, %get3A_2017] {strides = array<i32>} : memref<2x640x64xf32, #tpu.memory_space<vmem>>, vector<1x1x16xf32>,
      %get3A_2019 = vector.shape_cast %get3A_2018 : vector<1x1x16xf32> to vector<16xf32>
      %mul3A_2020 = arith.mulf %get3A_2019, %get3A_4 : vector<16xf32>
      %swap3A = arith.constant 0 : i32
      %swap3A_2021 = arith.index_cast %swap3A : i32 to index
      %swap3A_2022 = arith.index_cast %scan3A_2012 : i32 to index
      %swap3A_2023 = arith.constant 0 : index
      %swap3A_2024 = tpu.vector_load %arg7[%swap3A_2021, %swap3A_2022, %swap3A_2023] {strides = array<i32>} : memref<2x640x64xf32, #tpu.memory_space<vmem>>, vector<1x1x16xf32>,
      %swap3A_2025 = vector.shape_cast %swap3A_2024 : vector<1x1x16xf32> to vector<16xf32>
      %swap3A_2026 = vector.shape_cast %mul3A_2020 : vector<16xf32> to vector<1x1x16xf32>
      tpu.vector_store %arg7[%swap3A_2021, %swap3A_2022, %swap3A_2023], %swap3A_2026 {strides = array<i32>} : memref<2x640x64xf32, #tpu.memory_space<vmem>>, vector<1x1x16xf32>,
      %get3A_2027 = arith.constant 0 : i32
      %get3A_2028 = arith.index_cast %get3A_2027 : i32 to index
      %get3A_2029 = arith.index_cast %scan3A_2012 : i32 to index
      %get3A_2030 = arith.constant 16 : index
      %get3A_2031 = tpu.vector_load %arg7[%get3A_2028, %get3A_2029, %get3A_2030] {strides = array<i32>} : memref<2x640x64xf32, #tpu.memory_space<vmem>>, vector<1x1x16xf32>,
      %get3A_2032 = vector.shape_cast %get3A_2031 : vector<1x1x16xf32> to vector<16xf32>
      %mul3A_2033 = arith.mulf %get3A_2032, %get3A_4 : vector<16xf32>
      %swap3A_2034 = arith.constant 0 : i32
      %swap3A_2035 = arith.index_cast %swap3A_2034 : i32 to index
      %swap3A_2036 = arith.index_cast %scan3A_2012 : i32 to index
      %swap3A_2037 = arith.constant 16 : index
      %swap3A_2038 = tpu.vector_load %arg7[%swap3A_2035, %swap3A_2036, %swap3A_2037] {strides = array<i32>} : memref<2x640x64xf32, #tpu.memory_space<vmem>>, vector<1x1x16xf32>,
      %swap3A_2039 = vector.shape_cast %swap3A_2038 : vector<1x1x16xf32> to vector<16xf32>
      %swap3A_2040 = vector.shape_cast %mul3A_2033 : vector<16xf32> to vector<1x1x16xf32>
      tpu.vector_store %arg7[%swap3A_2035, %swap3A_2036, %swap3A_2037], %swap3A_2040 {strides = array<i32>} : memref<2x640x64xf32, #tpu.memory_space<vmem>>, vector<1x1x16xf32>,
      %get3A_2041 = arith.constant 0 : i32
      %get3A_2042 = arith.index_cast %get3A_2041 : i32 to index
      %get3A_2043 = arith.index_cast %scan3A_2012 : i32 to index
      %get3A_2044 = arith.constant 32 : index
      %get3A_2045 = tpu.vector_load %arg7[%get3A_2042, %get3A_2043, %get3A_2044] {strides = array<i32>} : memref<2x640x64xf32, #tpu.memory_space<vmem>>, vector<1x1x16xf32>,
      %get3A_2046 = vector.shape_cast %get3A_2045 : vector<1x1x16xf32> to vector<16xf32>
      %mul3A_2047 = arith.mulf %get3A_2046, %get3A_4 : vector<16xf32>
      %swap3A_2048 = arith.constant 0 : i32
      %swap3A_2049 = arith.index_cast %swap3A_2048 : i32 to index
      %swap3A_2050 = arith.index_cast %scan3A_2012 : i32 to index
      %swap3A_2051 = arith.constant 32 : index
      %swap3A_2052 = tpu.vector_load %arg7[%swap3A_2049, %swap3A_2050, %swap3A_2051] {strides = array<i32>} : memref<2x640x64xf32, #tpu.memory_space<vmem>>, vector<1x1x16xf32>,
      %swap3A_2053 = vector.shape_cast %swap3A_2052 : vector<1x1x16xf32> to vector<16xf32>
      %swap3A_2054 = vector.shape_cast %mul3A_2047 : vector<16xf32> to vector<1x1x16xf32>
      tpu.vector_store %arg7[%swap3A_2049, %swap3A_2050, %swap3A_2051], %swap3A_2054 {strides = array<i32>} : memref<2x640x64xf32, #tpu.memory_space<vmem>>, vector<1x1x16xf32>,
      %get3A_2055 = arith.constant 0 : i32
      %get3A_2056 = arith.index_cast %get3A_2055 : i32 to index
      %get3A_2057 = arith.index_cast %scan3A_2012 : i32 to index
      %get3A_2058 = arith.constant 48 : index
      %get3A_2059 = tpu.vector_load %arg7[%get3A_2056, %get3A_2057, %get3A_2058] {strides = array<i32>} : memref<2x640x64xf32, #tpu.memory_space<vmem>>, vector<1x1x16xf32>,
      %get3A_2060 = vector.shape_cast %get3A_2059 : vector<1x1x16xf32> to vector<16xf32>
      %mul3A_2061 = arith.mulf %get3A_2060, %get3A_4 : vector<16xf32>
      %swap3A_2062 = arith.constant 0 : i32
      %swap3A_2063 = arith.index_cast %swap3A_2062 : i32 to index
      %swap3A_2064 = arith.index_cast %scan3A_2012 : i32 to index
      %swap3A_2065 = arith.constant 48 : index
      %swap3A_2066 = tpu.vector_load %arg7[%swap3A_2063, %swap3A_2064, %swap3A_2065] {strides = array<i32>} : memref<2x640x64xf32, #tpu.memory_space<vmem>>, vector<1x1x16xf32>,
      %swap3A_2067 = vector.shape_cast %swap3A_2066 : vector<1x1x16xf32> to vector<16xf32>
      %swap3A_2068 = vector.shape_cast %mul3A_2061 : vector<16xf32> to vector<1x1x16xf32>
      tpu.vector_store %arg7[%swap3A_2063, %swap3A_2064, %swap3A_2065], %swap3A_2068 {strides = array<i32>} : memref<2x640x64xf32, #tpu.memory_space<vmem>>, vector<1x1x16xf32>,
      %scan3A_2069 = arith.constant 0 : i32
      scf.yield %scan3A_2069 : i32
    }
    %scan3A_1052 = arith.constant 640 : i32
    %add3A_1053 = arith.constant 2560 : i32
    %add3A_1054 = arith.addi %mul3A_2, %add3A_1053 : i32
    %dma_start3A_1055 = arith.constant 0 : i32
    %dma_start3A_1056 = arith.constant 0 : i32
    %dma_start3A_1057 = arith.constant 0 : i32
    %dma_start3A_1058 = arith.constant 0 : i32
    %dma_start3A_1059 = tpu.memref_slice %arg7[%dma_start3A_1055, %dma_start3A_1057, %dma_start3A_1058] : memref<2x640x64xf32, #tpu.memory_space<vmem>> -> memref<1x640x64xf32, #tpu.memory_space<vmem>>
    %dma_start3A_1060 = tpu.memref_squeeze %dma_start3A_1059 : memref<1x640x64xf32, #tpu.memory_space<vmem>> -> memref<640x64xf32, #tpu.memory_space<vmem>>
    %dma_start3A_1061 = arith.constant 0 : i32
    %dma_start3A_1062 = tpu.memref_slice %arg5[%add3A_1054, %dma_start3A_1061] : memref<204800x64xf32, #tpu.memory_space<hbm>> -> memref<640x64xf32, #tpu.memory_space<hbm>>
    %dma_start3A_1063 = tpu.memref_slice %arg10[%dma_start3A_1056] : memref<2x!tpu.dma_semaphore, #tpu.memory_space<semaphore_mem>> -> memref<1x!tpu.dma_semaphore, #tpu.memory_space<semaphore_mem>>
    %dma_start3A_1064 = tpu.memref_squeeze %dma_start3A_1063 : memref<1x!tpu.dma_semaphore, #tpu.memory_space<semaphore_mem>> -> memref<!tpu.dma_semaphore, #tpu.memory_space<semaphore_mem>>
    %dma_start3A_1065 = arith.constant 0 : i32
    %dma_start3A_1066 = tpu.memref_slice %arg5[%add3A_1054, %dma_start3A_1065] : memref<204800x64xf32, #tpu.memory_space<hbm>> -> memref<640x64xf32, #tpu.memory_space<hbm>>
    %dma_start3A_1067 = arith.constant 0 : i32
    %dma_start3A_1068 = arith.constant 0 : i32
    %dma_start3A_1069 = tpu.memref_slice %arg7[%dma_start3A_1055, %dma_start3A_1067, %dma_start3A_1068] : memref<2x640x64xf32, #tpu.memory_space<vmem>> -> memref<1x640x64xf32, #tpu.memory_space<vmem>>
    %dma_start3A_1070 = tpu.memref_squeeze %dma_start3A_1069 : memref<1x640x64xf32, #tpu.memory_space<vmem>> -> memref<640x64xf32, #tpu.memory_space<vmem>>
    tpu.enqueue_dma source(%dma_start3A_1070 : memref<640x64xf32, #tpu.memory_space<vmem>>) target(%dma_start3A_1066 : memref<640x64xf32, #tpu.memory_space<hbm>>) target_semaphore(%dma_start3A_1064 : memref<!tpu.dma_semaphore, #tpu.memory_space<semaphore_mem>>)
    %dma_wait3A_1071 = arith.constant 0 : i32
    %dma_wait3A_1072 = arith.constant 0 : i32
    %dma_wait3A_1073 = arith.constant 0 : i32
    %dma_wait3A_1074 = arith.constant 0 : i32
    %dma_wait3A_1075 = tpu.memref_slice %arg7[%dma_wait3A_1071, %dma_wait3A_1073, %dma_wait3A_1074] : memref<2x640x64xf32, #tpu.memory_space<vmem>> -> memref<1x640x64xf32, #tpu.memory_space<vmem>>
    %dma_wait3A_1076 = tpu.memref_squeeze %dma_wait3A_1075 : memref<1x640x64xf32, #tpu.memory_space<vmem>> -> memref<640x64xf32, #tpu.memory_space<vmem>>
    %dma_wait3A_1077 = arith.constant 0 : i32
    %dma_wait3A_1078 = tpu.memref_slice %arg5[%add3A_1054, %dma_wait3A_1077] : memref<204800x64xf32, #tpu.memory_space<hbm>> -> memref<640x64xf32, #tpu.memory_space<hbm>>
    %dma_wait3A_1079 = tpu.memref_slice %arg10[%dma_wait3A_1072] : memref<2x!tpu.dma_semaphore, #tpu.memory_space<semaphore_mem>> -> memref<1x!tpu.dma_semaphore, #tpu.memory_space<semaphore_mem>>
    %dma_wait3A_1080 = tpu.memref_squeeze %dma_wait3A_1079 : memref<1x!tpu.dma_semaphore, #tpu.memory_space<semaphore_mem>> -> memref<!tpu.dma_semaphore, #tpu.memory_space<semaphore_mem>>
    %dma_wait3A_1081 = arith.constant 0 : i32
    %dma_wait3A_1082 = tpu.memref_slice %arg5[%add3A_1054, %dma_wait3A_1081] : memref<204800x64xf32, #tpu.memory_space<hbm>> -> memref<640x64xf32, #tpu.memory_space<hbm>>
    %dma_wait3A_1083 = arith.constant 0 : i32
    %dma_wait3A_1084 = arith.constant 0 : i32
    %dma_wait3A_1085 = tpu.memref_slice %arg7[%dma_wait3A_1071, %dma_wait3A_1083, %dma_wait3A_1084] : memref<2x640x64xf32, #tpu.memory_space<vmem>> -> memref<1x640x64xf32, #tpu.memory_space<vmem>>
    %dma_wait3A_1086 = tpu.memref_squeeze %dma_wait3A_1085 : memref<1x640x64xf32, #tpu.memory_space<vmem>> -> memref<640x64xf32, #tpu.memory_space<vmem>>
    tpu.wait_dma2 semaphore(%dma_wait3A_1080 : memref<!tpu.dma_semaphore, #tpu.memory_space<semaphore_mem>>) src(%dma_wait3A_1086 : memref<640x64xf32, #tpu.memory_space<vmem>>) dst(%dma_wait3A_1082 : memref<640x64xf32, #tpu.memory_space<hbm>>)
    %dma_start3A_1087 = arith.constant 6 : i32
    %dma_start3A_1088 = arith.constant 0 : i32
    %dma_start3A_1089 = arith.constant 0 : i32
    %dma_start3A_1090 = arith.constant 0 : i32
    %dma_start3A_1091 = arith.constant 0 : i32
    %dma_start3A_1092 = arith.constant 0 : i32
    %dma_start3A_1093 = tpu.memref_slice %arg7[%dma_start3A_1089, %dma_start3A_1091, %dma_start3A_1092] : memref<2x640x64xf32, #tpu.memory_space<vmem>> -> memref<1x128x64xf32, #tpu.memory_space<vmem>>
    %dma_start3A_1094 = tpu.memref_squeeze %dma_start3A_1093 : memref<1x128x64xf32, #tpu.memory_space<vmem>> -> memref<128x64xf32, #tpu.memory_space<vmem>>
    %dma_start3A_1095 = arith.constant 0 : i32
    %dma_start3A_1096 = tpu.memref_slice %arg6[%dma_start3A_1087, %dma_start3A_1088, %dma_start3A_1095] : memref<10x5x128xi32, #tpu.memory_space<vmem>> -> memref<1x1x128xi32, #tpu.memory_space<vmem>>
    %dma_start3A_1097 = tpu.memref_squeeze %dma_start3A_1096 : memref<1x1x128xi32, #tpu.memory_space<vmem>> -> memref<128xi32, #tpu.memory_space<vmem>>
    %dma_start3A_1098 = arith.constant 0 : i32
    %dma_start3A_1099 = arith.constant 0 : i32
    %dma_start3A_1100 = tpu.memref_slice %arg3[%dma_start3A_1098, %dma_start3A_1099] : memref<1003520x64xf32, #tpu.memory_space<hbm>> -> memref<1003520x64xf32, #tpu.memory_space<hbm>>
    %dma_start3A_1101 = tpu.memref_slice %arg9[%dma_start3A_1090] : memref<2x!tpu.dma_semaphore, #tpu.memory_space<semaphore_mem>> -> memref<1x!tpu.dma_semaphore, #tpu.memory_space<semaphore_mem>>
    %dma_start3A_1102 = tpu.memref_squeeze %dma_start3A_1101 : memref<1x!tpu.dma_semaphore, #tpu.memory_space<semaphore_mem>> -> memref<!tpu.dma_semaphore, #tpu.memory_space<semaphore_mem>>
    tpu.enqueue_indirect_dma source(%dma_start3A_1100 : memref<1003520x64xf32, #tpu.memory_space<hbm>>) target(%dma_start3A_1094 : memref<128x64xf32, #tpu.memory_space<vmem>>) offsets(%dma_start3A_1097 : memref<128xi32, #tpu.memory_space<vmem>>) semaphore(%dma_start3A_1102 : memref<!tpu.dma_semaphore, #tpu.memory_space<semaphore_mem>>)
    %dma_start3A_1103 = arith.constant 6 : i32
    %dma_start3A_1104 = arith.constant 1 : i32
    %dma_start3A_1105 = arith.constant 0 : i32
    %dma_start3A_1106 = arith.constant 0 : i32
    %dma_start3A_1107 = arith.constant 128 : i32
    %dma_start3A_1108 = arith.constant 0 : i32
    %dma_start3A_1109 = tpu.memref_slice %arg7[%dma_start3A_1105, %dma_start3A_1107, %dma_start3A_1108] : memref<2x640x64xf32, #tpu.memory_space<vmem>> -> memref<1x128x64xf32, #tpu.memory_space<vmem>>
    %dma_start3A_1110 = tpu.memref_squeeze %dma_start3A_1109 : memref<1x128x64xf32, #tpu.memory_space<vmem>> -> memref<128x64xf32, #tpu.memory_space<vmem>>
    %dma_start3A_1111 = arith.constant 0 : i32
    %dma_start3A_1112 = tpu.memref_slice %arg6[%dma_start3A_1103, %dma_start3A_1104, %dma_start3A_1111] : memref<10x5x128xi32, #tpu.memory_space<vmem>> -> memref<1x1x128xi32, #tpu.memory_space<vmem>>
    %dma_start3A_1113 = tpu.memref_squeeze %dma_start3A_1112 : memref<1x1x128xi32, #tpu.memory_space<vmem>> -> memref<128xi32, #tpu.memory_space<vmem>>
    %dma_start3A_1114 = arith.constant 0 : i32
    %dma_start3A_1115 = arith.constant 0 : i32
    %dma_start3A_1116 = tpu.memref_slice %arg3[%dma_start3A_1114, %dma_start3A_1115] : memref<1003520x64xf32, #tpu.memory_space<hbm>> -> memref<1003520x64xf32, #tpu.memory_space<hbm>>
    %dma_start3A_1117 = tpu.memref_slice %arg9[%dma_start3A_1106] : memref<2x!tpu.dma_semaphore, #tpu.memory_space<semaphore_mem>> -> memref<1x!tpu.dma_semaphore, #tpu.memory_space<semaphore_mem>>
    %dma_start3A_1118 = tpu.memref_squeeze %dma_start3A_1117 : memref<1x!tpu.dma_semaphore, #tpu.memory_space<semaphore_mem>> -> memref<!tpu.dma_semaphore, #tpu.memory_space<semaphore_mem>>
    tpu.enqueue_indirect_dma source(%dma_start3A_1116 : memref<1003520x64xf32, #tpu.memory_space<hbm>>) target(%dma_start3A_1110 : memref<128x64xf32, #tpu.memory_space<vmem>>) offsets(%dma_start3A_1113 : memref<128xi32, #tpu.memory_space<vmem>>) semaphore(%dma_start3A_1118 : memref<!tpu.dma_semaphore, #tpu.memory_space<semaphore_mem>>)
    %dma_start3A_1119 = arith.constant 6 : i32
    %dma_start3A_1120 = arith.constant 2 : i32
    %dma_start3A_1121 = arith.constant 0 : i32
    %dma_start3A_1122 = arith.constant 0 : i32
    %dma_start3A_1123 = arith.constant 256 : i32
    %dma_start3A_1124 = arith.constant 0 : i32
    %dma_start3A_1125 = tpu.memref_slice %arg7[%dma_start3A_1121, %dma_start3A_1123, %dma_start3A_1124] : memref<2x640x64xf32, #tpu.memory_space<vmem>> -> memref<1x128x64xf32, #tpu.memory_space<vmem>>
    %dma_start3A_1126 = tpu.memref_squeeze %dma_start3A_1125 : memref<1x128x64xf32, #tpu.memory_space<vmem>> -> memref<128x64xf32, #tpu.memory_space<vmem>>
    %dma_start3A_1127 = arith.constant 0 : i32
    %dma_start3A_1128 = tpu.memref_slice %arg6[%dma_start3A_1119, %dma_start3A_1120, %dma_start3A_1127] : memref<10x5x128xi32, #tpu.memory_space<vmem>> -> memref<1x1x128xi32, #tpu.memory_space<vmem>>
    %dma_start3A_1129 = tpu.memref_squeeze %dma_start3A_1128 : memref<1x1x128xi32, #tpu.memory_space<vmem>> -> memref<128xi32, #tpu.memory_space<vmem>>
    %dma_start3A_1130 = arith.constant 0 : i32
    %dma_start3A_1131 = arith.constant 0 : i32
    %dma_start3A_1132 = tpu.memref_slice %arg3[%dma_start3A_1130, %dma_start3A_1131] : memref<1003520x64xf32, #tpu.memory_space<hbm>> -> memref<1003520x64xf32, #tpu.memory_space<hbm>>
    %dma_start3A_1133 = tpu.memref_slice %arg9[%dma_start3A_1122] : memref<2x!tpu.dma_semaphore, #tpu.memory_space<semaphore_mem>> -> memref<1x!tpu.dma_semaphore, #tpu.memory_space<semaphore_mem>>
    %dma_start3A_1134 = tpu.memref_squeeze %dma_start3A_1133 : memref<1x!tpu.dma_semaphore, #tpu.memory_space<semaphore_mem>> -> memref<!tpu.dma_semaphore, #tpu.memory_space<semaphore_mem>>
    tpu.enqueue_indirect_dma source(%dma_start3A_1132 : memref<1003520x64xf32, #tpu.memory_space<hbm>>) target(%dma_start3A_1126 : memref<128x64xf32, #tpu.memory_space<vmem>>) offsets(%dma_start3A_1129 : memref<128xi32, #tpu.memory_space<vmem>>) semaphore(%dma_start3A_1134 : memref<!tpu.dma_semaphore, #tpu.memory_space<semaphore_mem>>)
    %dma_start3A_1135 = arith.constant 6 : i32
    %dma_start3A_1136 = arith.constant 3 : i32
    %dma_start3A_1137 = arith.constant 0 : i32
    %dma_start3A_1138 = arith.constant 0 : i32
    %dma_start3A_1139 = arith.constant 384 : i32
    %dma_start3A_1140 = arith.constant 0 : i32
    %dma_start3A_1141 = tpu.memref_slice %arg7[%dma_start3A_1137, %dma_start3A_1139, %dma_start3A_1140] : memref<2x640x64xf32, #tpu.memory_space<vmem>> -> memref<1x128x64xf32, #tpu.memory_space<vmem>>
    %dma_start3A_1142 = tpu.memref_squeeze %dma_start3A_1141 : memref<1x128x64xf32, #tpu.memory_space<vmem>> -> memref<128x64xf32, #tpu.memory_space<vmem>>
    %dma_start3A_1143 = arith.constant 0 : i32
    %dma_start3A_1144 = tpu.memref_slice %arg6[%dma_start3A_1135, %dma_start3A_1136, %dma_start3A_1143] : memref<10x5x128xi32, #tpu.memory_space<vmem>> -> memref<1x1x128xi32, #tpu.memory_space<vmem>>
    %dma_start3A_1145 = tpu.memref_squeeze %dma_start3A_1144 : memref<1x1x128xi32, #tpu.memory_space<vmem>> -> memref<128xi32, #tpu.memory_space<vmem>>
    %dma_start3A_1146 = arith.constant 0 : i32
    %dma_start3A_1147 = arith.constant 0 : i32
    %dma_start3A_1148 = tpu.memref_slice %arg3[%dma_start3A_1146, %dma_start3A_1147] : memref<1003520x64xf32, #tpu.memory_space<hbm>> -> memref<1003520x64xf32, #tpu.memory_space<hbm>>
    %dma_start3A_1149 = tpu.memref_slice %arg9[%dma_start3A_1138] : memref<2x!tpu.dma_semaphore, #tpu.memory_space<semaphore_mem>> -> memref<1x!tpu.dma_semaphore, #tpu.memory_space<semaphore_mem>>
    %dma_start3A_1150 = tpu.memref_squeeze %dma_start3A_1149 : memref<1x!tpu.dma_semaphore, #tpu.memory_space<semaphore_mem>> -> memref<!tpu.dma_semaphore, #tpu.memory_space<semaphore_mem>>
    tpu.enqueue_indirect_dma source(%dma_start3A_1148 : memref<1003520x64xf32, #tpu.memory_space<hbm>>) target(%dma_start3A_1142 : memref<128x64xf32, #tpu.memory_space<vmem>>) offsets(%dma_start3A_1145 : memref<128xi32, #tpu.memory_space<vmem>>) semaphore(%dma_start3A_1150 : memref<!tpu.dma_semaphore, #tpu.memory_space<semaphore_mem>>)
    %dma_start3A_1151 = arith.constant 6 : i32
    %dma_start3A_1152 = arith.constant 4 : i32
    %dma_start3A_1153 = arith.constant 0 : i32
    %dma_start3A_1154 = arith.constant 0 : i32
    %dma_start3A_1155 = arith.constant 512 : i32
    %dma_start3A_1156 = arith.constant 0 : i32
    %dma_start3A_1157 = tpu.memref_slice %arg7[%dma_start3A_1153, %dma_start3A_1155, %dma_start3A_1156] : memref<2x640x64xf32, #tpu.memory_space<vmem>> -> memref<1x128x64xf32, #tpu.memory_space<vmem>>
    %dma_start3A_1158 = tpu.memref_squeeze %dma_start3A_1157 : memref<1x128x64xf32, #tpu.memory_space<vmem>> -> memref<128x64xf32, #tpu.memory_space<vmem>>
    %dma_start3A_1159 = arith.constant 0 : i32
    %dma_start3A_1160 = tpu.memref_slice %arg6[%dma_start3A_1151, %dma_start3A_1152, %dma_start3A_1159] : memref<10x5x128xi32, #tpu.memory_space<vmem>> -> memref<1x1x128xi32, #tpu.memory_space<vmem>>
    %dma_start3A_1161 = tpu.memref_squeeze %dma_start3A_1160 : memref<1x1x128xi32, #tpu.memory_space<vmem>> -> memref<128xi32, #tpu.memory_space<vmem>>
    %dma_start3A_1162 = arith.constant 0 : i32
    %dma_start3A_1163 = arith.constant 0 : i32
    %dma_start3A_1164 = tpu.memref_slice %arg3[%dma_start3A_1162, %dma_start3A_1163] : memref<1003520x64xf32, #tpu.memory_space<hbm>> -> memref<1003520x64xf32, #tpu.memory_space<hbm>>
    %dma_start3A_1165 = tpu.memref_slice %arg9[%dma_start3A_1154] : memref<2x!tpu.dma_semaphore, #tpu.memory_space<semaphore_mem>> -> memref<1x!tpu.dma_semaphore, #tpu.memory_space<semaphore_mem>>
    %dma_start3A_1166 = tpu.memref_squeeze %dma_start3A_1165 : memref<1x!tpu.dma_semaphore, #tpu.memory_space<semaphore_mem>> -> memref<!tpu.dma_semaphore, #tpu.memory_space<semaphore_mem>>
    tpu.enqueue_indirect_dma source(%dma_start3A_1164 : memref<1003520x64xf32, #tpu.memory_space<hbm>>) target(%dma_start3A_1158 : memref<128x64xf32, #tpu.memory_space<vmem>>) offsets(%dma_start3A_1161 : memref<128xi32, #tpu.memory_space<vmem>>) semaphore(%dma_start3A_1166 : memref<!tpu.dma_semaphore, #tpu.memory_space<semaphore_mem>>)
    %dma_wait3A_1167 = arith.constant 5 : i32
    %dma_wait3A_1168 = arith.constant 0 : i32
    %dma_wait3A_1169 = arith.constant 1 : i32
    %dma_wait3A_1170 = arith.constant 1 : i32
    %dma_wait3A_1171 = arith.constant 0 : i32
    %dma_wait3A_1172 = arith.constant 0 : i32
    %dma_wait3A_1173 = tpu.memref_slice %arg7[%dma_wait3A_1169, %dma_wait3A_1171, %dma_wait3A_1172] : memref<2x640x64xf32, #tpu.memory_space<vmem>> -> memref<1x128x64xf32, #tpu.memory_space<vmem>>
    %dma_wait3A_1174 = tpu.memref_squeeze %dma_wait3A_1173 : memref<1x128x64xf32, #tpu.memory_space<vmem>> -> memref<128x64xf32, #tpu.memory_space<vmem>>
    %dma_wait3A_1175 = arith.constant 0 : i32
    %dma_wait3A_1176 = tpu.memref_slice %arg6[%dma_wait3A_1167, %dma_wait3A_1168, %dma_wait3A_1175] : memref<10x5x128xi32, #tpu.memory_space<vmem>> -> memref<1x1x128xi32, #tpu.memory_space<vmem>>
    %dma_wait3A_1177 = tpu.memref_squeeze %dma_wait3A_1176 : memref<1x1x128xi32, #tpu.memory_space<vmem>> -> memref<128xi32, #tpu.memory_space<vmem>>
    %dma_wait3A_1178 = arith.constant 0 : i32
    %dma_wait3A_1179 = arith.constant 0 : i32
    %dma_wait3A_1180 = tpu.memref_slice %arg3[%dma_wait3A_1178, %dma_wait3A_1179] : memref<1003520x64xf32, #tpu.memory_space<hbm>> -> memref<1003520x64xf32, #tpu.memory_space<hbm>>
    %dma_wait3A_1181 = tpu.memref_slice %arg9[%dma_wait3A_1170] : memref<2x!tpu.dma_semaphore, #tpu.memory_space<semaphore_mem>> -> memref<1x!tpu.dma_semaphore, #tpu.memory_space<semaphore_mem>>
    %dma_wait3A_1182 = tpu.memref_squeeze %dma_wait3A_1181 : memref<1x!tpu.dma_semaphore, #tpu.memory_space<semaphore_mem>> -> memref<!tpu.dma_semaphore, #tpu.memory_space<semaphore_mem>>
    tpu.wait_indirect_dma semaphore(%dma_wait3A_1182 : memref<!tpu.dma_semaphore, #tpu.memory_space<semaphore_mem>>) src(%dma_wait3A_1180 : memref<1003520x64xf32, #tpu.memory_space<hbm>>) dst(%dma_wait3A_1174 : memref<128x64xf32, #tpu.memory_space<vmem>>)
    %dma_wait3A_1183 = arith.constant 5 : i32
    %dma_wait3A_1184 = arith.constant 1 : i32
    %dma_wait3A_1185 = arith.constant 1 : i32
    %dma_wait3A_1186 = arith.constant 1 : i32
    %dma_wait3A_1187 = arith.constant 128 : i32
    %dma_wait3A_1188 = arith.constant 0 : i32
    %dma_wait3A_1189 = tpu.memref_slice %arg7[%dma_wait3A_1185, %dma_wait3A_1187, %dma_wait3A_1188] : memref<2x640x64xf32, #tpu.memory_space<vmem>> -> memref<1x128x64xf32, #tpu.memory_space<vmem>>
    %dma_wait3A_1190 = tpu.memref_squeeze %dma_wait3A_1189 : memref<1x128x64xf32, #tpu.memory_space<vmem>> -> memref<128x64xf32, #tpu.memory_space<vmem>>
    %dma_wait3A_1191 = arith.constant 0 : i32
    %dma_wait3A_1192 = tpu.memref_slice %arg6[%dma_wait3A_1183, %dma_wait3A_1184, %dma_wait3A_1191] : memref<10x5x128xi32, #tpu.memory_space<vmem>> -> memref<1x1x128xi32, #tpu.memory_space<vmem>>
    %dma_wait3A_1193 = tpu.memref_squeeze %dma_wait3A_1192 : memref<1x1x128xi32, #tpu.memory_space<vmem>> -> memref<128xi32, #tpu.memory_space<vmem>>
    %dma_wait3A_1194 = arith.constant 0 : i32
    %dma_wait3A_1195 = arith.constant 0 : i32
    %dma_wait3A_1196 = tpu.memref_slice %arg3[%dma_wait3A_1194, %dma_wait3A_1195] : memref<1003520x64xf32, #tpu.memory_space<hbm>> -> memref<1003520x64xf32, #tpu.memory_space<hbm>>
    %dma_wait3A_1197 = tpu.memref_slice %arg9[%dma_wait3A_1186] : memref<2x!tpu.dma_semaphore, #tpu.memory_space<semaphore_mem>> -> memref<1x!tpu.dma_semaphore, #tpu.memory_space<semaphore_mem>>
    %dma_wait3A_1198 = tpu.memref_squeeze %dma_wait3A_1197 : memref<1x!tpu.dma_semaphore, #tpu.memory_space<semaphore_mem>> -> memref<!tpu.dma_semaphore, #tpu.memory_space<semaphore_mem>>
    tpu.wait_indirect_dma semaphore(%dma_wait3A_1198 : memref<!tpu.dma_semaphore, #tpu.memory_space<semaphore_mem>>) src(%dma_wait3A_1196 : memref<1003520x64xf32, #tpu.memory_space<hbm>>) dst(%dma_wait3A_1190 : memref<128x64xf32, #tpu.memory_space<vmem>>)
    %dma_wait3A_1199 = arith.constant 5 : i32
    %dma_wait3A_1200 = arith.constant 2 : i32
    %dma_wait3A_1201 = arith.constant 1 : i32
    %dma_wait3A_1202 = arith.constant 1 : i32
    %dma_wait3A_1203 = arith.constant 256 : i32
    %dma_wait3A_1204 = arith.constant 0 : i32
    %dma_wait3A_1205 = tpu.memref_slice %arg7[%dma_wait3A_1201, %dma_wait3A_1203, %dma_wait3A_1204] : memref<2x640x64xf32, #tpu.memory_space<vmem>> -> memref<1x128x64xf32, #tpu.memory_space<vmem>>
    %dma_wait3A_1206 = tpu.memref_squeeze %dma_wait3A_1205 : memref<1x128x64xf32, #tpu.memory_space<vmem>> -> memref<128x64xf32, #tpu.memory_space<vmem>>
    %dma_wait3A_1207 = arith.constant 0 : i32
    %dma_wait3A_1208 = tpu.memref_slice %arg6[%dma_wait3A_1199, %dma_wait3A_1200, %dma_wait3A_1207] : memref<10x5x128xi32, #tpu.memory_space<vmem>> -> memref<1x1x128xi32, #tpu.memory_space<vmem>>
    %dma_wait3A_1209 = tpu.memref_squeeze %dma_wait3A_1208 : memref<1x1x128xi32, #tpu.memory_space<vmem>> -> memref<128xi32, #tpu.memory_space<vmem>>
    %dma_wait3A_1210 = arith.constant 0 : i32
    %dma_wait3A_1211 = arith.constant 0 : i32
    %dma_wait3A_1212 = tpu.memref_slice %arg3[%dma_wait3A_1210, %dma_wait3A_1211] : memref<1003520x64xf32, #tpu.memory_space<hbm>> -> memref<1003520x64xf32, #tpu.memory_space<hbm>>
    %dma_wait3A_1213 = tpu.memref_slice %arg9[%dma_wait3A_1202] : memref<2x!tpu.dma_semaphore, #tpu.memory_space<semaphore_mem>> -> memref<1x!tpu.dma_semaphore, #tpu.memory_space<semaphore_mem>>
    %dma_wait3A_1214 = tpu.memref_squeeze %dma_wait3A_1213 : memref<1x!tpu.dma_semaphore, #tpu.memory_space<semaphore_mem>> -> memref<!tpu.dma_semaphore, #tpu.memory_space<semaphore_mem>>
    tpu.wait_indirect_dma semaphore(%dma_wait3A_1214 : memref<!tpu.dma_semaphore, #tpu.memory_space<semaphore_mem>>) src(%dma_wait3A_1212 : memref<1003520x64xf32, #tpu.memory_space<hbm>>) dst(%dma_wait3A_1206 : memref<128x64xf32, #tpu.memory_space<vmem>>)
    %dma_wait3A_1215 = arith.constant 5 : i32
    %dma_wait3A_1216 = arith.constant 3 : i32
    %dma_wait3A_1217 = arith.constant 1 : i32
    %dma_wait3A_1218 = arith.constant 1 : i32
    %dma_wait3A_1219 = arith.constant 384 : i32
    %dma_wait3A_1220 = arith.constant 0 : i32
    %dma_wait3A_1221 = tpu.memref_slice %arg7[%dma_wait3A_1217, %dma_wait3A_1219, %dma_wait3A_1220] : memref<2x640x64xf32, #tpu.memory_space<vmem>> -> memref<1x128x64xf32, #tpu.memory_space<vmem>>
    %dma_wait3A_1222 = tpu.memref_squeeze %dma_wait3A_1221 : memref<1x128x64xf32, #tpu.memory_space<vmem>> -> memref<128x64xf32, #tpu.memory_space<vmem>>
    %dma_wait3A_1223 = arith.constant 0 : i32
    %dma_wait3A_1224 = tpu.memref_slice %arg6[%dma_wait3A_1215, %dma_wait3A_1216, %dma_wait3A_1223] : memref<10x5x128xi32, #tpu.memory_space<vmem>> -> memref<1x1x128xi32, #tpu.memory_space<vmem>>
    %dma_wait3A_1225 = tpu.memref_squeeze %dma_wait3A_1224 : memref<1x1x128xi32, #tpu.memory_space<vmem>> -> memref<128xi32, #tpu.memory_space<vmem>>
    %dma_wait3A_1226 = arith.constant 0 : i32
    %dma_wait3A_1227 = arith.constant 0 : i32
    %dma_wait3A_1228 = tpu.memref_slice %arg3[%dma_wait3A_1226, %dma_wait3A_1227] : memref<1003520x64xf32, #tpu.memory_space<hbm>> -> memref<1003520x64xf32, #tpu.memory_space<hbm>>
    %dma_wait3A_1229 = tpu.memref_slice %arg9[%dma_wait3A_1218] : memref<2x!tpu.dma_semaphore, #tpu.memory_space<semaphore_mem>> -> memref<1x!tpu.dma_semaphore, #tpu.memory_space<semaphore_mem>>
    %dma_wait3A_1230 = tpu.memref_squeeze %dma_wait3A_1229 : memref<1x!tpu.dma_semaphore, #tpu.memory_space<semaphore_mem>> -> memref<!tpu.dma_semaphore, #tpu.memory_space<semaphore_mem>>
    tpu.wait_indirect_dma semaphore(%dma_wait3A_1230 : memref<!tpu.dma_semaphore, #tpu.memory_space<semaphore_mem>>) src(%dma_wait3A_1228 : memref<1003520x64xf32, #tpu.memory_space<hbm>>) dst(%dma_wait3A_1222 : memref<128x64xf32, #tpu.memory_space<vmem>>)
    %dma_wait3A_1231 = arith.constant 5 : i32
    %dma_wait3A_1232 = arith.constant 4 : i32
    %dma_wait3A_1233 = arith.constant 1 : i32
    %dma_wait3A_1234 = arith.constant 1 : i32
    %dma_wait3A_1235 = arith.constant 512 : i32
    %dma_wait3A_1236 = arith.constant 0 : i32
    %dma_wait3A_1237 = tpu.memref_slice %arg7[%dma_wait3A_1233, %dma_wait3A_1235, %dma_wait3A_1236] : memref<2x640x64xf32, #tpu.memory_space<vmem>> -> memref<1x128x64xf32, #tpu.memory_space<vmem>>
    %dma_wait3A_1238 = tpu.memref_squeeze %dma_wait3A_1237 : memref<1x128x64xf32, #tpu.memory_space<vmem>> -> memref<128x64xf32, #tpu.memory_space<vmem>>
    %dma_wait3A_1239 = arith.constant 0 : i32
    %dma_wait3A_1240 = tpu.memref_slice %arg6[%dma_wait3A_1231, %dma_wait3A_1232, %dma_wait3A_1239] : memref<10x5x128xi32, #tpu.memory_space<vmem>> -> memref<1x1x128xi32, #tpu.memory_space<vmem>>
    %dma_wait3A_1241 = tpu.memref_squeeze %dma_wait3A_1240 : memref<1x1x128xi32, #tpu.memory_space<vmem>> -> memref<128xi32, #tpu.memory_space<vmem>>
    %dma_wait3A_1242 = arith.constant 0 : i32
    %dma_wait3A_1243 = arith.constant 0 : i32
    %dma_wait3A_1244 = tpu.memref_slice %arg3[%dma_wait3A_1242, %dma_wait3A_1243] : memref<1003520x64xf32, #tpu.memory_space<hbm>> -> memref<1003520x64xf32, #tpu.memory_space<hbm>>
    %dma_wait3A_1245 = tpu.memref_slice %arg9[%dma_wait3A_1234] : memref<2x!tpu.dma_semaphore, #tpu.memory_space<semaphore_mem>> -> memref<1x!tpu.dma_semaphore, #tpu.memory_space<semaphore_mem>>
    %dma_wait3A_1246 = tpu.memref_squeeze %dma_wait3A_1245 : memref<1x!tpu.dma_semaphore, #tpu.memory_space<semaphore_mem>> -> memref<!tpu.dma_semaphore, #tpu.memory_space<semaphore_mem>>
    tpu.wait_indirect_dma semaphore(%dma_wait3A_1246 : memref<!tpu.dma_semaphore, #tpu.memory_space<semaphore_mem>>) src(%dma_wait3A_1244 : memref<1003520x64xf32, #tpu.memory_space<hbm>>) dst(%dma_wait3A_1238 : memref<128x64xf32, #tpu.memory_space<vmem>>)
    %scan3A_1247 = arith.constant 0 : i32
    %scan3A_1248 = arith.constant 0 : i32
    %scan3A_1249 = arith.constant 640 : i32
    %scan3A_1250 = arith.addi %scan3A_1248, %scan3A_1249 : i32
    %scan3A_1251 = arith.constant 1 : i32
    %scan3A_1252 = scf.for %scan3A_2012 = %scan3A_1248 to %scan3A_1250 step %scan3A_1251 iter_args(%scan3A_2013 = %scan3A_1247) -> (i32)  : i32 {
      %get3A_2014 = arith.constant 1 : i32
      %get3A_2015 = arith.index_cast %get3A_2014 : i32 to index
      %get3A_2016 = arith.index_cast %scan3A_2012 : i32 to index
      %get3A_2017 = arith.constant 0 : index
      %get3A_2018 = tpu.vector_load %arg7[%get3A_2015, %get3A_2016, %get3A_2017] {strides = array<i32>} : memref<2x640x64xf32, #tpu.memory_space<vmem>>, vector<1x1x16xf32>,
      %get3A_2019 = vector.shape_cast %get3A_2018 : vector<1x1x16xf32> to vector<16xf32>
      %mul3A_2020 = arith.mulf %get3A_2019, %get3A_4 : vector<16xf32>
      %swap3A = arith.constant 1 : i32
      %swap3A_2021 = arith.index_cast %swap3A : i32 to index
      %swap3A_2022 = arith.index_cast %scan3A_2012 : i32 to index
      %swap3A_2023 = arith.constant 0 : index
      %swap3A_2024 = tpu.vector_load %arg7[%swap3A_2021, %swap3A_2022, %swap3A_2023] {strides = array<i32>} : memref<2x640x64xf32, #tpu.memory_space<vmem>>, vector<1x1x16xf32>,
      %swap3A_2025 = vector.shape_cast %swap3A_2024 : vector<1x1x16xf32> to vector<16xf32>
      %swap3A_2026 = vector.shape_cast %mul3A_2020 : vector<16xf32> to vector<1x1x16xf32>
      tpu.vector_store %arg7[%swap3A_2021, %swap3A_2022, %swap3A_2023], %swap3A_2026 {strides = array<i32>} : memref<2x640x64xf32, #tpu.memory_space<vmem>>, vector<1x1x16xf32>,
      %get3A_2027 = arith.constant 1 : i32
      %get3A_2028 = arith.index_cast %get3A_2027 : i32 to index
      %get3A_2029 = arith.index_cast %scan3A_2012 : i32 to index
      %get3A_2030 = arith.constant 16 : index
      %get3A_2031 = tpu.vector_load %arg7[%get3A_2028, %get3A_2029, %get3A_2030] {strides = array<i32>} : memref<2x640x64xf32, #tpu.memory_space<vmem>>, vector<1x1x16xf32>,
      %get3A_2032 = vector.shape_cast %get3A_2031 : vector<1x1x16xf32> to vector<16xf32>
      %mul3A_2033 = arith.mulf %get3A_2032, %get3A_4 : vector<16xf32>
      %swap3A_2034 = arith.constant 1 : i32
      %swap3A_2035 = arith.index_cast %swap3A_2034 : i32 to index
      %swap3A_2036 = arith.index_cast %scan3A_2012 : i32 to index
      %swap3A_2037 = arith.constant 16 : index
      %swap3A_2038 = tpu.vector_load %arg7[%swap3A_2035, %swap3A_2036, %swap3A_2037] {strides = array<i32>} : memref<2x640x64xf32, #tpu.memory_space<vmem>>, vector<1x1x16xf32>,
      %swap3A_2039 = vector.shape_cast %swap3A_2038 : vector<1x1x16xf32> to vector<16xf32>
      %swap3A_2040 = vector.shape_cast %mul3A_2033 : vector<16xf32> to vector<1x1x16xf32>
      tpu.vector_store %arg7[%swap3A_2035, %swap3A_2036, %swap3A_2037], %swap3A_2040 {strides = array<i32>} : memref<2x640x64xf32, #tpu.memory_space<vmem>>, vector<1x1x16xf32>,
      %get3A_2041 = arith.constant 1 : i32
      %get3A_2042 = arith.index_cast %get3A_2041 : i32 to index
      %get3A_2043 = arith.index_cast %scan3A_2012 : i32 to index
      %get3A_2044 = arith.constant 32 : index
      %get3A_2045 = tpu.vector_load %arg7[%get3A_2042, %get3A_2043, %get3A_2044] {strides = array<i32>} : memref<2x640x64xf32, #tpu.memory_space<vmem>>, vector<1x1x16xf32>,
      %get3A_2046 = vector.shape_cast %get3A_2045 : vector<1x1x16xf32> to vector<16xf32>
      %mul3A_2047 = arith.mulf %get3A_2046, %get3A_4 : vector<16xf32>
      %swap3A_2048 = arith.constant 1 : i32
      %swap3A_2049 = arith.index_cast %swap3A_2048 : i32 to index
      %swap3A_2050 = arith.index_cast %scan3A_2012 : i32 to index
      %swap3A_2051 = arith.constant 32 : index
      %swap3A_2052 = tpu.vector_load %arg7[%swap3A_2049, %swap3A_2050, %swap3A_2051] {strides = array<i32>} : memref<2x640x64xf32, #tpu.memory_space<vmem>>, vector<1x1x16xf32>,
      %swap3A_2053 = vector.shape_cast %swap3A_2052 : vector<1x1x16xf32> to vector<16xf32>
      %swap3A_2054 = vector.shape_cast %mul3A_2047 : vector<16xf32> to vector<1x1x16xf32>
      tpu.vector_store %arg7[%swap3A_2049, %swap3A_2050, %swap3A_2051], %swap3A_2054 {strides = array<i32>} : memref<2x640x64xf32, #tpu.memory_space<vmem>>, vector<1x1x16xf32>,
      %get3A_2055 = arith.constant 1 : i32
      %get3A_2056 = arith.index_cast %get3A_2055 : i32 to index
      %get3A_2057 = arith.index_cast %scan3A_2012 : i32 to index
      %get3A_2058 = arith.constant 48 : index
      %get3A_2059 = tpu.vector_load %arg7[%get3A_2056, %get3A_2057, %get3A_2058] {strides = array<i32>} : memref<2x640x64xf32, #tpu.memory_space<vmem>>, vector<1x1x16xf32>,
      %get3A_2060 = vector.shape_cast %get3A_2059 : vector<1x1x16xf32> to vector<16xf32>
      %mul3A_2061 = arith.mulf %get3A_2060, %get3A_4 : vector<16xf32>
      %swap3A_2062 = arith.constant 1 : i32
      %swap3A_2063 = arith.index_cast %swap3A_2062 : i32 to index
      %swap3A_2064 = arith.index_cast %scan3A_2012 : i32 to index
      %swap3A_2065 = arith.constant 48 : index
      %swap3A_2066 = tpu.vector_load %arg7[%swap3A_2063, %swap3A_2064, %swap3A_2065] {strides = array<i32>} : memref<2x640x64xf32, #tpu.memory_space<vmem>>, vector<1x1x16xf32>,
      %swap3A_2067 = vector.shape_cast %swap3A_2066 : vector<1x1x16xf32> to vector<16xf32>
      %swap3A_2068 = vector.shape_cast %mul3A_2061 : vector<16xf32> to vector<1x1x16xf32>
      tpu.vector_store %arg7[%swap3A_2063, %swap3A_2064, %swap3A_2065], %swap3A_2068 {strides = array<i32>} : memref<2x640x64xf32, #tpu.memory_space<vmem>>, vector<1x1x16xf32>,
      %scan3A_2069 = arith.constant 0 : i32
      scf.yield %scan3A_2069 : i32
    }
    %scan3A_1253 = arith.constant 640 : i32
    %add3A_1254 = arith.constant 3200 : i32
    %add3A_1255 = arith.addi %mul3A_2, %add3A_1254 : i32
    %dma_start3A_1256 = arith.constant 1 : i32
    %dma_start3A_1257 = arith.constant 1 : i32
    %dma_start3A_1258 = arith.constant 0 : i32
    %dma_start3A_1259 = arith.constant 0 : i32
    %dma_start3A_1260 = tpu.memref_slice %arg7[%dma_start3A_1256, %dma_start3A_1258, %dma_start3A_1259] : memref<2x640x64xf32, #tpu.memory_space<vmem>> -> memref<1x640x64xf32, #tpu.memory_space<vmem>>
    %dma_start3A_1261 = tpu.memref_squeeze %dma_start3A_1260 : memref<1x640x64xf32, #tpu.memory_space<vmem>> -> memref<640x64xf32, #tpu.memory_space<vmem>>
    %dma_start3A_1262 = arith.constant 0 : i32
    %dma_start3A_1263 = tpu.memref_slice %arg5[%add3A_1255, %dma_start3A_1262] : memref<204800x64xf32, #tpu.memory_space<hbm>> -> memref<640x64xf32, #tpu.memory_space<hbm>>
    %dma_start3A_1264 = tpu.memref_slice %arg10[%dma_start3A_1257] : memref<2x!tpu.dma_semaphore, #tpu.memory_space<semaphore_mem>> -> memref<1x!tpu.dma_semaphore, #tpu.memory_space<semaphore_mem>>
    %dma_start3A_1265 = tpu.memref_squeeze %dma_start3A_1264 : memref<1x!tpu.dma_semaphore, #tpu.memory_space<semaphore_mem>> -> memref<!tpu.dma_semaphore, #tpu.memory_space<semaphore_mem>>
    %dma_start3A_1266 = arith.constant 0 : i32
    %dma_start3A_1267 = tpu.memref_slice %arg5[%add3A_1255, %dma_start3A_1266] : memref<204800x64xf32, #tpu.memory_space<hbm>> -> memref<640x64xf32, #tpu.memory_space<hbm>>
    %dma_start3A_1268 = arith.constant 0 : i32
    %dma_start3A_1269 = arith.constant 0 : i32
    %dma_start3A_1270 = tpu.memref_slice %arg7[%dma_start3A_1256, %dma_start3A_1268, %dma_start3A_1269] : memref<2x640x64xf32, #tpu.memory_space<vmem>> -> memref<1x640x64xf32, #tpu.memory_space<vmem>>
    %dma_start3A_1271 = tpu.memref_squeeze %dma_start3A_1270 : memref<1x640x64xf32, #tpu.memory_space<vmem>> -> memref<640x64xf32, #tpu.memory_space<vmem>>
    tpu.enqueue_dma source(%dma_start3A_1271 : memref<640x64xf32, #tpu.memory_space<vmem>>) target(%dma_start3A_1267 : memref<640x64xf32, #tpu.memory_space<hbm>>) target_semaphore(%dma_start3A_1265 : memref<!tpu.dma_semaphore, #tpu.memory_space<semaphore_mem>>)
    %dma_wait3A_1272 = arith.constant 1 : i32
    %dma_wait3A_1273 = arith.constant 1 : i32
    %dma_wait3A_1274 = arith.constant 0 : i32
    %dma_wait3A_1275 = arith.constant 0 : i32
    %dma_wait3A_1276 = tpu.memref_slice %arg7[%dma_wait3A_1272, %dma_wait3A_1274, %dma_wait3A_1275] : memref<2x640x64xf32, #tpu.memory_space<vmem>> -> memref<1x640x64xf32, #tpu.memory_space<vmem>>
    %dma_wait3A_1277 = tpu.memref_squeeze %dma_wait3A_1276 : memref<1x640x64xf32, #tpu.memory_space<vmem>> -> memref<640x64xf32, #tpu.memory_space<vmem>>
    %dma_wait3A_1278 = arith.constant 0 : i32
    %dma_wait3A_1279 = tpu.memref_slice %arg5[%add3A_1255, %dma_wait3A_1278] : memref<204800x64xf32, #tpu.memory_space<hbm>> -> memref<640x64xf32, #tpu.memory_space<hbm>>
    %dma_wait3A_1280 = tpu.memref_slice %arg10[%dma_wait3A_1273] : memref<2x!tpu.dma_semaphore, #tpu.memory_space<semaphore_mem>> -> memref<1x!tpu.dma_semaphore, #tpu.memory_space<semaphore_mem>>
    %dma_wait3A_1281 = tpu.memref_squeeze %dma_wait3A_1280 : memref<1x!tpu.dma_semaphore, #tpu.memory_space<semaphore_mem>> -> memref<!tpu.dma_semaphore, #tpu.memory_space<semaphore_mem>>
    %dma_wait3A_1282 = arith.constant 0 : i32
    %dma_wait3A_1283 = tpu.memref_slice %arg5[%add3A_1255, %dma_wait3A_1282] : memref<204800x64xf32, #tpu.memory_space<hbm>> -> memref<640x64xf32, #tpu.memory_space<hbm>>
    %dma_wait3A_1284 = arith.constant 0 : i32
    %dma_wait3A_1285 = arith.constant 0 : i32
    %dma_wait3A_1286 = tpu.memref_slice %arg7[%dma_wait3A_1272, %dma_wait3A_1284, %dma_wait3A_1285] : memref<2x640x64xf32, #tpu.memory_space<vmem>> -> memref<1x640x64xf32, #tpu.memory_space<vmem>>
    %dma_wait3A_1287 = tpu.memref_squeeze %dma_wait3A_1286 : memref<1x640x64xf32, #tpu.memory_space<vmem>> -> memref<640x64xf32, #tpu.memory_space<vmem>>
    tpu.wait_dma2 semaphore(%dma_wait3A_1281 : memref<!tpu.dma_semaphore, #tpu.memory_space<semaphore_mem>>) src(%dma_wait3A_1287 : memref<640x64xf32, #tpu.memory_space<vmem>>) dst(%dma_wait3A_1283 : memref<640x64xf32, #tpu.memory_space<hbm>>)
    %dma_start3A_1288 = arith.constant 7 : i32
    %dma_start3A_1289 = arith.constant 0 : i32
    %dma_start3A_1290 = arith.constant 1 : i32
    %dma_start3A_1291 = arith.constant 1 : i32
    %dma_start3A_1292 = arith.constant 0 : i32
    %dma_start3A_1293 = arith.constant 0 : i32
    %dma_start3A_1294 = tpu.memref_slice %arg7[%dma_start3A_1290, %dma_start3A_1292, %dma_start3A_1293] : memref<2x640x64xf32, #tpu.memory_space<vmem>> -> memref<1x128x64xf32, #tpu.memory_space<vmem>>
    %dma_start3A_1295 = tpu.memref_squeeze %dma_start3A_1294 : memref<1x128x64xf32, #tpu.memory_space<vmem>> -> memref<128x64xf32, #tpu.memory_space<vmem>>
    %dma_start3A_1296 = arith.constant 0 : i32
    %dma_start3A_1297 = tpu.memref_slice %arg6[%dma_start3A_1288, %dma_start3A_1289, %dma_start3A_1296] : memref<10x5x128xi32, #tpu.memory_space<vmem>> -> memref<1x1x128xi32, #tpu.memory_space<vmem>>
    %dma_start3A_1298 = tpu.memref_squeeze %dma_start3A_1297 : memref<1x1x128xi32, #tpu.memory_space<vmem>> -> memref<128xi32, #tpu.memory_space<vmem>>
    %dma_start3A_1299 = arith.constant 0 : i32
    %dma_start3A_1300 = arith.constant 0 : i32
    %dma_start3A_1301 = tpu.memref_slice %arg3[%dma_start3A_1299, %dma_start3A_1300] : memref<1003520x64xf32, #tpu.memory_space<hbm>> -> memref<1003520x64xf32, #tpu.memory_space<hbm>>
    %dma_start3A_1302 = tpu.memref_slice %arg9[%dma_start3A_1291] : memref<2x!tpu.dma_semaphore, #tpu.memory_space<semaphore_mem>> -> memref<1x!tpu.dma_semaphore, #tpu.memory_space<semaphore_mem>>
    %dma_start3A_1303 = tpu.memref_squeeze %dma_start3A_1302 : memref<1x!tpu.dma_semaphore, #tpu.memory_space<semaphore_mem>> -> memref<!tpu.dma_semaphore, #tpu.memory_space<semaphore_mem>>
    tpu.enqueue_indirect_dma source(%dma_start3A_1301 : memref<1003520x64xf32, #tpu.memory_space<hbm>>) target(%dma_start3A_1295 : memref<128x64xf32, #tpu.memory_space<vmem>>) offsets(%dma_start3A_1298 : memref<128xi32, #tpu.memory_space<vmem>>) semaphore(%dma_start3A_1303 : memref<!tpu.dma_semaphore, #tpu.memory_space<semaphore_mem>>)
    %dma_start3A_1304 = arith.constant 7 : i32
    %dma_start3A_1305 = arith.constant 1 : i32
    %dma_start3A_1306 = arith.constant 1 : i32
    %dma_start3A_1307 = arith.constant 1 : i32
    %dma_start3A_1308 = arith.constant 128 : i32
    %dma_start3A_1309 = arith.constant 0 : i32
    %dma_start3A_1310 = tpu.memref_slice %arg7[%dma_start3A_1306, %dma_start3A_1308, %dma_start3A_1309] : memref<2x640x64xf32, #tpu.memory_space<vmem>> -> memref<1x128x64xf32, #tpu.memory_space<vmem>>
    %dma_start3A_1311 = tpu.memref_squeeze %dma_start3A_1310 : memref<1x128x64xf32, #tpu.memory_space<vmem>> -> memref<128x64xf32, #tpu.memory_space<vmem>>
    %dma_start3A_1312 = arith.constant 0 : i32
    %dma_start3A_1313 = tpu.memref_slice %arg6[%dma_start3A_1304, %dma_start3A_1305, %dma_start3A_1312] : memref<10x5x128xi32, #tpu.memory_space<vmem>> -> memref<1x1x128xi32, #tpu.memory_space<vmem>>
    %dma_start3A_1314 = tpu.memref_squeeze %dma_start3A_1313 : memref<1x1x128xi32, #tpu.memory_space<vmem>> -> memref<128xi32, #tpu.memory_space<vmem>>
    %dma_start3A_1315 = arith.constant 0 : i32
    %dma_start3A_1316 = arith.constant 0 : i32
    %dma_start3A_1317 = tpu.memref_slice %arg3[%dma_start3A_1315, %dma_start3A_1316] : memref<1003520x64xf32, #tpu.memory_space<hbm>> -> memref<1003520x64xf32, #tpu.memory_space<hbm>>
    %dma_start3A_1318 = tpu.memref_slice %arg9[%dma_start3A_1307] : memref<2x!tpu.dma_semaphore, #tpu.memory_space<semaphore_mem>> -> memref<1x!tpu.dma_semaphore, #tpu.memory_space<semaphore_mem>>
    %dma_start3A_1319 = tpu.memref_squeeze %dma_start3A_1318 : memref<1x!tpu.dma_semaphore, #tpu.memory_space<semaphore_mem>> -> memref<!tpu.dma_semaphore, #tpu.memory_space<semaphore_mem>>
    tpu.enqueue_indirect_dma source(%dma_start3A_1317 : memref<1003520x64xf32, #tpu.memory_space<hbm>>) target(%dma_start3A_1311 : memref<128x64xf32, #tpu.memory_space<vmem>>) offsets(%dma_start3A_1314 : memref<128xi32, #tpu.memory_space<vmem>>) semaphore(%dma_start3A_1319 : memref<!tpu.dma_semaphore, #tpu.memory_space<semaphore_mem>>)
    %dma_start3A_1320 = arith.constant 7 : i32
    %dma_start3A_1321 = arith.constant 2 : i32
    %dma_start3A_1322 = arith.constant 1 : i32
    %dma_start3A_1323 = arith.constant 1 : i32
    %dma_start3A_1324 = arith.constant 256 : i32
    %dma_start3A_1325 = arith.constant 0 : i32
    %dma_start3A_1326 = tpu.memref_slice %arg7[%dma_start3A_1322, %dma_start3A_1324, %dma_start3A_1325] : memref<2x640x64xf32, #tpu.memory_space<vmem>> -> memref<1x128x64xf32, #tpu.memory_space<vmem>>
    %dma_start3A_1327 = tpu.memref_squeeze %dma_start3A_1326 : memref<1x128x64xf32, #tpu.memory_space<vmem>> -> memref<128x64xf32, #tpu.memory_space<vmem>>
    %dma_start3A_1328 = arith.constant 0 : i32
    %dma_start3A_1329 = tpu.memref_slice %arg6[%dma_start3A_1320, %dma_start3A_1321, %dma_start3A_1328] : memref<10x5x128xi32, #tpu.memory_space<vmem>> -> memref<1x1x128xi32, #tpu.memory_space<vmem>>
    %dma_start3A_1330 = tpu.memref_squeeze %dma_start3A_1329 : memref<1x1x128xi32, #tpu.memory_space<vmem>> -> memref<128xi32, #tpu.memory_space<vmem>>
    %dma_start3A_1331 = arith.constant 0 : i32
    %dma_start3A_1332 = arith.constant 0 : i32
    %dma_start3A_1333 = tpu.memref_slice %arg3[%dma_start3A_1331, %dma_start3A_1332] : memref<1003520x64xf32, #tpu.memory_space<hbm>> -> memref<1003520x64xf32, #tpu.memory_space<hbm>>
    %dma_start3A_1334 = tpu.memref_slice %arg9[%dma_start3A_1323] : memref<2x!tpu.dma_semaphore, #tpu.memory_space<semaphore_mem>> -> memref<1x!tpu.dma_semaphore, #tpu.memory_space<semaphore_mem>>
    %dma_start3A_1335 = tpu.memref_squeeze %dma_start3A_1334 : memref<1x!tpu.dma_semaphore, #tpu.memory_space<semaphore_mem>> -> memref<!tpu.dma_semaphore, #tpu.memory_space<semaphore_mem>>
    tpu.enqueue_indirect_dma source(%dma_start3A_1333 : memref<1003520x64xf32, #tpu.memory_space<hbm>>) target(%dma_start3A_1327 : memref<128x64xf32, #tpu.memory_space<vmem>>) offsets(%dma_start3A_1330 : memref<128xi32, #tpu.memory_space<vmem>>) semaphore(%dma_start3A_1335 : memref<!tpu.dma_semaphore, #tpu.memory_space<semaphore_mem>>)
    %dma_start3A_1336 = arith.constant 7 : i32
    %dma_start3A_1337 = arith.constant 3 : i32
    %dma_start3A_1338 = arith.constant 1 : i32
    %dma_start3A_1339 = arith.constant 1 : i32
    %dma_start3A_1340 = arith.constant 384 : i32
    %dma_start3A_1341 = arith.constant 0 : i32
    %dma_start3A_1342 = tpu.memref_slice %arg7[%dma_start3A_1338, %dma_start3A_1340, %dma_start3A_1341] : memref<2x640x64xf32, #tpu.memory_space<vmem>> -> memref<1x128x64xf32, #tpu.memory_space<vmem>>
    %dma_start3A_1343 = tpu.memref_squeeze %dma_start3A_1342 : memref<1x128x64xf32, #tpu.memory_space<vmem>> -> memref<128x64xf32, #tpu.memory_space<vmem>>
    %dma_start3A_1344 = arith.constant 0 : i32
    %dma_start3A_1345 = tpu.memref_slice %arg6[%dma_start3A_1336, %dma_start3A_1337, %dma_start3A_1344] : memref<10x5x128xi32, #tpu.memory_space<vmem>> -> memref<1x1x128xi32, #tpu.memory_space<vmem>>
    %dma_start3A_1346 = tpu.memref_squeeze %dma_start3A_1345 : memref<1x1x128xi32, #tpu.memory_space<vmem>> -> memref<128xi32, #tpu.memory_space<vmem>>
    %dma_start3A_1347 = arith.constant 0 : i32
    %dma_start3A_1348 = arith.constant 0 : i32
    %dma_start3A_1349 = tpu.memref_slice %arg3[%dma_start3A_1347, %dma_start3A_1348] : memref<1003520x64xf32, #tpu.memory_space<hbm>> -> memref<1003520x64xf32, #tpu.memory_space<hbm>>
    %dma_start3A_1350 = tpu.memref_slice %arg9[%dma_start3A_1339] : memref<2x!tpu.dma_semaphore, #tpu.memory_space<semaphore_mem>> -> memref<1x!tpu.dma_semaphore, #tpu.memory_space<semaphore_mem>>
    %dma_start3A_1351 = tpu.memref_squeeze %dma_start3A_1350 : memref<1x!tpu.dma_semaphore, #tpu.memory_space<semaphore_mem>> -> memref<!tpu.dma_semaphore, #tpu.memory_space<semaphore_mem>>
    tpu.enqueue_indirect_dma source(%dma_start3A_1349 : memref<1003520x64xf32, #tpu.memory_space<hbm>>) target(%dma_start3A_1343 : memref<128x64xf32, #tpu.memory_space<vmem>>) offsets(%dma_start3A_1346 : memref<128xi32, #tpu.memory_space<vmem>>) semaphore(%dma_start3A_1351 : memref<!tpu.dma_semaphore, #tpu.memory_space<semaphore_mem>>)
    %dma_start3A_1352 = arith.constant 7 : i32
    %dma_start3A_1353 = arith.constant 4 : i32
    %dma_start3A_1354 = arith.constant 1 : i32
    %dma_start3A_1355 = arith.constant 1 : i32
    %dma_start3A_1356 = arith.constant 512 : i32
    %dma_start3A_1357 = arith.constant 0 : i32
    %dma_start3A_1358 = tpu.memref_slice %arg7[%dma_start3A_1354, %dma_start3A_1356, %dma_start3A_1357] : memref<2x640x64xf32, #tpu.memory_space<vmem>> -> memref<1x128x64xf32, #tpu.memory_space<vmem>>
    %dma_start3A_1359 = tpu.memref_squeeze %dma_start3A_1358 : memref<1x128x64xf32, #tpu.memory_space<vmem>> -> memref<128x64xf32, #tpu.memory_space<vmem>>
    %dma_start3A_1360 = arith.constant 0 : i32
    %dma_start3A_1361 = tpu.memref_slice %arg6[%dma_start3A_1352, %dma_start3A_1353, %dma_start3A_1360] : memref<10x5x128xi32, #tpu.memory_space<vmem>> -> memref<1x1x128xi32, #tpu.memory_space<vmem>>
    %dma_start3A_1362 = tpu.memref_squeeze %dma_start3A_1361 : memref<1x1x128xi32, #tpu.memory_space<vmem>> -> memref<128xi32, #tpu.memory_space<vmem>>
    %dma_start3A_1363 = arith.constant 0 : i32
    %dma_start3A_1364 = arith.constant 0 : i32
    %dma_start3A_1365 = tpu.memref_slice %arg3[%dma_start3A_1363, %dma_start3A_1364] : memref<1003520x64xf32, #tpu.memory_space<hbm>> -> memref<1003520x64xf32, #tpu.memory_space<hbm>>
    %dma_start3A_1366 = tpu.memref_slice %arg9[%dma_start3A_1355] : memref<2x!tpu.dma_semaphore, #tpu.memory_space<semaphore_mem>> -> memref<1x!tpu.dma_semaphore, #tpu.memory_space<semaphore_mem>>
    %dma_start3A_1367 = tpu.memref_squeeze %dma_start3A_1366 : memref<1x!tpu.dma_semaphore, #tpu.memory_space<semaphore_mem>> -> memref<!tpu.dma_semaphore, #tpu.memory_space<semaphore_mem>>
    tpu.enqueue_indirect_dma source(%dma_start3A_1365 : memref<1003520x64xf32, #tpu.memory_space<hbm>>) target(%dma_start3A_1359 : memref<128x64xf32, #tpu.memory_space<vmem>>) offsets(%dma_start3A_1362 : memref<128xi32, #tpu.memory_space<vmem>>) semaphore(%dma_start3A_1367 : memref<!tpu.dma_semaphore, #tpu.memory_space<semaphore_mem>>)
    %dma_wait3A_1368 = arith.constant 6 : i32
    %dma_wait3A_1369 = arith.constant 0 : i32
    %dma_wait3A_1370 = arith.constant 0 : i32
    %dma_wait3A_1371 = arith.constant 0 : i32
    %dma_wait3A_1372 = arith.constant 0 : i32
    %dma_wait3A_1373 = arith.constant 0 : i32
    %dma_wait3A_1374 = tpu.memref_slice %arg7[%dma_wait3A_1370, %dma_wait3A_1372, %dma_wait3A_1373] : memref<2x640x64xf32, #tpu.memory_space<vmem>> -> memref<1x128x64xf32, #tpu.memory_space<vmem>>
    %dma_wait3A_1375 = tpu.memref_squeeze %dma_wait3A_1374 : memref<1x128x64xf32, #tpu.memory_space<vmem>> -> memref<128x64xf32, #tpu.memory_space<vmem>>
    %dma_wait3A_1376 = arith.constant 0 : i32
    %dma_wait3A_1377 = tpu.memref_slice %arg6[%dma_wait3A_1368, %dma_wait3A_1369, %dma_wait3A_1376] : memref<10x5x128xi32, #tpu.memory_space<vmem>> -> memref<1x1x128xi32, #tpu.memory_space<vmem>>
    %dma_wait3A_1378 = tpu.memref_squeeze %dma_wait3A_1377 : memref<1x1x128xi32, #tpu.memory_space<vmem>> -> memref<128xi32, #tpu.memory_space<vmem>>
    %dma_wait3A_1379 = arith.constant 0 : i32
    %dma_wait3A_1380 = arith.constant 0 : i32
    %dma_wait3A_1381 = tpu.memref_slice %arg3[%dma_wait3A_1379, %dma_wait3A_1380] : memref<1003520x64xf32, #tpu.memory_space<hbm>> -> memref<1003520x64xf32, #tpu.memory_space<hbm>>
    %dma_wait3A_1382 = tpu.memref_slice %arg9[%dma_wait3A_1371] : memref<2x!tpu.dma_semaphore, #tpu.memory_space<semaphore_mem>> -> memref<1x!tpu.dma_semaphore, #tpu.memory_space<semaphore_mem>>
    %dma_wait3A_1383 = tpu.memref_squeeze %dma_wait3A_1382 : memref<1x!tpu.dma_semaphore, #tpu.memory_space<semaphore_mem>> -> memref<!tpu.dma_semaphore, #tpu.memory_space<semaphore_mem>>
    tpu.wait_indirect_dma semaphore(%dma_wait3A_1383 : memref<!tpu.dma_semaphore, #tpu.memory_space<semaphore_mem>>) src(%dma_wait3A_1381 : memref<1003520x64xf32, #tpu.memory_space<hbm>>) dst(%dma_wait3A_1375 : memref<128x64xf32, #tpu.memory_space<vmem>>)
    %dma_wait3A_1384 = arith.constant 6 : i32
    %dma_wait3A_1385 = arith.constant 1 : i32
    %dma_wait3A_1386 = arith.constant 0 : i32
    %dma_wait3A_1387 = arith.constant 0 : i32
    %dma_wait3A_1388 = arith.constant 128 : i32
    %dma_wait3A_1389 = arith.constant 0 : i32
    %dma_wait3A_1390 = tpu.memref_slice %arg7[%dma_wait3A_1386, %dma_wait3A_1388, %dma_wait3A_1389] : memref<2x640x64xf32, #tpu.memory_space<vmem>> -> memref<1x128x64xf32, #tpu.memory_space<vmem>>
    %dma_wait3A_1391 = tpu.memref_squeeze %dma_wait3A_1390 : memref<1x128x64xf32, #tpu.memory_space<vmem>> -> memref<128x64xf32, #tpu.memory_space<vmem>>
    %dma_wait3A_1392 = arith.constant 0 : i32
    %dma_wait3A_1393 = tpu.memref_slice %arg6[%dma_wait3A_1384, %dma_wait3A_1385, %dma_wait3A_1392] : memref<10x5x128xi32, #tpu.memory_space<vmem>> -> memref<1x1x128xi32, #tpu.memory_space<vmem>>
    %dma_wait3A_1394 = tpu.memref_squeeze %dma_wait3A_1393 : memref<1x1x128xi32, #tpu.memory_space<vmem>> -> memref<128xi32, #tpu.memory_space<vmem>>
    %dma_wait3A_1395 = arith.constant 0 : i32
    %dma_wait3A_1396 = arith.constant 0 : i32
    %dma_wait3A_1397 = tpu.memref_slice %arg3[%dma_wait3A_1395, %dma_wait3A_1396] : memref<1003520x64xf32, #tpu.memory_space<hbm>> -> memref<1003520x64xf32, #tpu.memory_space<hbm>>
    %dma_wait3A_1398 = tpu.memref_slice %arg9[%dma_wait3A_1387] : memref<2x!tpu.dma_semaphore, #tpu.memory_space<semaphore_mem>> -> memref<1x!tpu.dma_semaphore, #tpu.memory_space<semaphore_mem>>
    %dma_wait3A_1399 = tpu.memref_squeeze %dma_wait3A_1398 : memref<1x!tpu.dma_semaphore, #tpu.memory_space<semaphore_mem>> -> memref<!tpu.dma_semaphore, #tpu.memory_space<semaphore_mem>>
    tpu.wait_indirect_dma semaphore(%dma_wait3A_1399 : memref<!tpu.dma_semaphore, #tpu.memory_space<semaphore_mem>>) src(%dma_wait3A_1397 : memref<1003520x64xf32, #tpu.memory_space<hbm>>) dst(%dma_wait3A_1391 : memref<128x64xf32, #tpu.memory_space<vmem>>)
    %dma_wait3A_1400 = arith.constant 6 : i32
    %dma_wait3A_1401 = arith.constant 2 : i32
    %dma_wait3A_1402 = arith.constant 0 : i32
    %dma_wait3A_1403 = arith.constant 0 : i32
    %dma_wait3A_1404 = arith.constant 256 : i32
    %dma_wait3A_1405 = arith.constant 0 : i32
    %dma_wait3A_1406 = tpu.memref_slice %arg7[%dma_wait3A_1402, %dma_wait3A_1404, %dma_wait3A_1405] : memref<2x640x64xf32, #tpu.memory_space<vmem>> -> memref<1x128x64xf32, #tpu.memory_space<vmem>>
    %dma_wait3A_1407 = tpu.memref_squeeze %dma_wait3A_1406 : memref<1x128x64xf32, #tpu.memory_space<vmem>> -> memref<128x64xf32, #tpu.memory_space<vmem>>
    %dma_wait3A_1408 = arith.constant 0 : i32
    %dma_wait3A_1409 = tpu.memref_slice %arg6[%dma_wait3A_1400, %dma_wait3A_1401, %dma_wait3A_1408] : memref<10x5x128xi32, #tpu.memory_space<vmem>> -> memref<1x1x128xi32, #tpu.memory_space<vmem>>
    %dma_wait3A_1410 = tpu.memref_squeeze %dma_wait3A_1409 : memref<1x1x128xi32, #tpu.memory_space<vmem>> -> memref<128xi32, #tpu.memory_space<vmem>>
    %dma_wait3A_1411 = arith.constant 0 : i32
    %dma_wait3A_1412 = arith.constant 0 : i32
    %dma_wait3A_1413 = tpu.memref_slice %arg3[%dma_wait3A_1411, %dma_wait3A_1412] : memref<1003520x64xf32, #tpu.memory_space<hbm>> -> memref<1003520x64xf32, #tpu.memory_space<hbm>>
    %dma_wait3A_1414 = tpu.memref_slice %arg9[%dma_wait3A_1403] : memref<2x!tpu.dma_semaphore, #tpu.memory_space<semaphore_mem>> -> memref<1x!tpu.dma_semaphore, #tpu.memory_space<semaphore_mem>>
    %dma_wait3A_1415 = tpu.memref_squeeze %dma_wait3A_1414 : memref<1x!tpu.dma_semaphore, #tpu.memory_space<semaphore_mem>> -> memref<!tpu.dma_semaphore, #tpu.memory_space<semaphore_mem>>
    tpu.wait_indirect_dma semaphore(%dma_wait3A_1415 : memref<!tpu.dma_semaphore, #tpu.memory_space<semaphore_mem>>) src(%dma_wait3A_1413 : memref<1003520x64xf32, #tpu.memory_space<hbm>>) dst(%dma_wait3A_1407 : memref<128x64xf32, #tpu.memory_space<vmem>>)
    %dma_wait3A_1416 = arith.constant 6 : i32
    %dma_wait3A_1417 = arith.constant 3 : i32
    %dma_wait3A_1418 = arith.constant 0 : i32
    %dma_wait3A_1419 = arith.constant 0 : i32
    %dma_wait3A_1420 = arith.constant 384 : i32
    %dma_wait3A_1421 = arith.constant 0 : i32
    %dma_wait3A_1422 = tpu.memref_slice %arg7[%dma_wait3A_1418, %dma_wait3A_1420, %dma_wait3A_1421] : memref<2x640x64xf32, #tpu.memory_space<vmem>> -> memref<1x128x64xf32, #tpu.memory_space<vmem>>
    %dma_wait3A_1423 = tpu.memref_squeeze %dma_wait3A_1422 : memref<1x128x64xf32, #tpu.memory_space<vmem>> -> memref<128x64xf32, #tpu.memory_space<vmem>>
    %dma_wait3A_1424 = arith.constant 0 : i32
    %dma_wait3A_1425 = tpu.memref_slice %arg6[%dma_wait3A_1416, %dma_wait3A_1417, %dma_wait3A_1424] : memref<10x5x128xi32, #tpu.memory_space<vmem>> -> memref<1x1x128xi32, #tpu.memory_space<vmem>>
    %dma_wait3A_1426 = tpu.memref_squeeze %dma_wait3A_1425 : memref<1x1x128xi32, #tpu.memory_space<vmem>> -> memref<128xi32, #tpu.memory_space<vmem>>
    %dma_wait3A_1427 = arith.constant 0 : i32
    %dma_wait3A_1428 = arith.constant 0 : i32
    %dma_wait3A_1429 = tpu.memref_slice %arg3[%dma_wait3A_1427, %dma_wait3A_1428] : memref<1003520x64xf32, #tpu.memory_space<hbm>> -> memref<1003520x64xf32, #tpu.memory_space<hbm>>
    %dma_wait3A_1430 = tpu.memref_slice %arg9[%dma_wait3A_1419] : memref<2x!tpu.dma_semaphore, #tpu.memory_space<semaphore_mem>> -> memref<1x!tpu.dma_semaphore, #tpu.memory_space<semaphore_mem>>
    %dma_wait3A_1431 = tpu.memref_squeeze %dma_wait3A_1430 : memref<1x!tpu.dma_semaphore, #tpu.memory_space<semaphore_mem>> -> memref<!tpu.dma_semaphore, #tpu.memory_space<semaphore_mem>>
    tpu.wait_indirect_dma semaphore(%dma_wait3A_1431 : memref<!tpu.dma_semaphore, #tpu.memory_space<semaphore_mem>>) src(%dma_wait3A_1429 : memref<1003520x64xf32, #tpu.memory_space<hbm>>) dst(%dma_wait3A_1423 : memref<128x64xf32, #tpu.memory_space<vmem>>)
    %dma_wait3A_1432 = arith.constant 6 : i32
    %dma_wait3A_1433 = arith.constant 4 : i32
    %dma_wait3A_1434 = arith.constant 0 : i32
    %dma_wait3A_1435 = arith.constant 0 : i32
    %dma_wait3A_1436 = arith.constant 512 : i32
    %dma_wait3A_1437 = arith.constant 0 : i32
    %dma_wait3A_1438 = tpu.memref_slice %arg7[%dma_wait3A_1434, %dma_wait3A_1436, %dma_wait3A_1437] : memref<2x640x64xf32, #tpu.memory_space<vmem>> -> memref<1x128x64xf32, #tpu.memory_space<vmem>>
    %dma_wait3A_1439 = tpu.memref_squeeze %dma_wait3A_1438 : memref<1x128x64xf32, #tpu.memory_space<vmem>> -> memref<128x64xf32, #tpu.memory_space<vmem>>
    %dma_wait3A_1440 = arith.constant 0 : i32
    %dma_wait3A_1441 = tpu.memref_slice %arg6[%dma_wait3A_1432, %dma_wait3A_1433, %dma_wait3A_1440] : memref<10x5x128xi32, #tpu.memory_space<vmem>> -> memref<1x1x128xi32, #tpu.memory_space<vmem>>
    %dma_wait3A_1442 = tpu.memref_squeeze %dma_wait3A_1441 : memref<1x1x128xi32, #tpu.memory_space<vmem>> -> memref<128xi32, #tpu.memory_space<vmem>>
    %dma_wait3A_1443 = arith.constant 0 : i32
    %dma_wait3A_1444 = arith.constant 0 : i32
    %dma_wait3A_1445 = tpu.memref_slice %arg3[%dma_wait3A_1443, %dma_wait3A_1444] : memref<1003520x64xf32, #tpu.memory_space<hbm>> -> memref<1003520x64xf32, #tpu.memory_space<hbm>>
    %dma_wait3A_1446 = tpu.memref_slice %arg9[%dma_wait3A_1435] : memref<2x!tpu.dma_semaphore, #tpu.memory_space<semaphore_mem>> -> memref<1x!tpu.dma_semaphore, #tpu.memory_space<semaphore_mem>>
    %dma_wait3A_1447 = tpu.memref_squeeze %dma_wait3A_1446 : memref<1x!tpu.dma_semaphore, #tpu.memory_space<semaphore_mem>> -> memref<!tpu.dma_semaphore, #tpu.memory_space<semaphore_mem>>
    tpu.wait_indirect_dma semaphore(%dma_wait3A_1447 : memref<!tpu.dma_semaphore, #tpu.memory_space<semaphore_mem>>) src(%dma_wait3A_1445 : memref<1003520x64xf32, #tpu.memory_space<hbm>>) dst(%dma_wait3A_1439 : memref<128x64xf32, #tpu.memory_space<vmem>>)
    %scan3A_1448 = arith.constant 0 : i32
    %scan3A_1449 = arith.constant 0 : i32
    %scan3A_1450 = arith.constant 640 : i32
    %scan3A_1451 = arith.addi %scan3A_1449, %scan3A_1450 : i32
    %scan3A_1452 = arith.constant 1 : i32
    %scan3A_1453 = scf.for %scan3A_2012 = %scan3A_1449 to %scan3A_1451 step %scan3A_1452 iter_args(%scan3A_2013 = %scan3A_1448) -> (i32)  : i32 {
      %get3A_2014 = arith.constant 0 : i32
      %get3A_2015 = arith.index_cast %get3A_2014 : i32 to index
      %get3A_2016 = arith.index_cast %scan3A_2012 : i32 to index
      %get3A_2017 = arith.constant 0 : index
      %get3A_2018 = tpu.vector_load %arg7[%get3A_2015, %get3A_2016, %get3A_2017] {strides = array<i32>} : memref<2x640x64xf32, #tpu.memory_space<vmem>>, vector<1x1x16xf32>,
      %get3A_2019 = vector.shape_cast %get3A_2018 : vector<1x1x16xf32> to vector<16xf32>
      %mul3A_2020 = arith.mulf %get3A_2019, %get3A_4 : vector<16xf32>
      %swap3A = arith.constant 0 : i32
      %swap3A_2021 = arith.index_cast %swap3A : i32 to index
      %swap3A_2022 = arith.index_cast %scan3A_2012 : i32 to index
      %swap3A_2023 = arith.constant 0 : index
      %swap3A_2024 = tpu.vector_load %arg7[%swap3A_2021, %swap3A_2022, %swap3A_2023] {strides = array<i32>} : memref<2x640x64xf32, #tpu.memory_space<vmem>>, vector<1x1x16xf32>,
      %swap3A_2025 = vector.shape_cast %swap3A_2024 : vector<1x1x16xf32> to vector<16xf32>
      %swap3A_2026 = vector.shape_cast %mul3A_2020 : vector<16xf32> to vector<1x1x16xf32>
      tpu.vector_store %arg7[%swap3A_2021, %swap3A_2022, %swap3A_2023], %swap3A_2026 {strides = array<i32>} : memref<2x640x64xf32, #tpu.memory_space<vmem>>, vector<1x1x16xf32>,
      %get3A_2027 = arith.constant 0 : i32
      %get3A_2028 = arith.index_cast %get3A_2027 : i32 to index
      %get3A_2029 = arith.index_cast %scan3A_2012 : i32 to index
      %get3A_2030 = arith.constant 16 : index
      %get3A_2031 = tpu.vector_load %arg7[%get3A_2028, %get3A_2029, %get3A_2030] {strides = array<i32>} : memref<2x640x64xf32, #tpu.memory_space<vmem>>, vector<1x1x16xf32>,
      %get3A_2032 = vector.shape_cast %get3A_2031 : vector<1x1x16xf32> to vector<16xf32>
      %mul3A_2033 = arith.mulf %get3A_2032, %get3A_4 : vector<16xf32>
      %swap3A_2034 = arith.constant 0 : i32
      %swap3A_2035 = arith.index_cast %swap3A_2034 : i32 to index
      %swap3A_2036 = arith.index_cast %scan3A_2012 : i32 to index
      %swap3A_2037 = arith.constant 16 : index
      %swap3A_2038 = tpu.vector_load %arg7[%swap3A_2035, %swap3A_2036, %swap3A_2037] {strides = array<i32>} : memref<2x640x64xf32, #tpu.memory_space<vmem>>, vector<1x1x16xf32>,
      %swap3A_2039 = vector.shape_cast %swap3A_2038 : vector<1x1x16xf32> to vector<16xf32>
      %swap3A_2040 = vector.shape_cast %mul3A_2033 : vector<16xf32> to vector<1x1x16xf32>
      tpu.vector_store %arg7[%swap3A_2035, %swap3A_2036, %swap3A_2037], %swap3A_2040 {strides = array<i32>} : memref<2x640x64xf32, #tpu.memory_space<vmem>>, vector<1x1x16xf32>,
      %get3A_2041 = arith.constant 0 : i32
      %get3A_2042 = arith.index_cast %get3A_2041 : i32 to index
      %get3A_2043 = arith.index_cast %scan3A_2012 : i32 to index
      %get3A_2044 = arith.constant 32 : index
      %get3A_2045 = tpu.vector_load %arg7[%get3A_2042, %get3A_2043, %get3A_2044] {strides = array<i32>} : memref<2x640x64xf32, #tpu.memory_space<vmem>>, vector<1x1x16xf32>,
      %get3A_2046 = vector.shape_cast %get3A_2045 : vector<1x1x16xf32> to vector<16xf32>
      %mul3A_2047 = arith.mulf %get3A_2046, %get3A_4 : vector<16xf32>
      %swap3A_2048 = arith.constant 0 : i32
      %swap3A_2049 = arith.index_cast %swap3A_2048 : i32 to index
      %swap3A_2050 = arith.index_cast %scan3A_2012 : i32 to index
      %swap3A_2051 = arith.constant 32 : index
      %swap3A_2052 = tpu.vector_load %arg7[%swap3A_2049, %swap3A_2050, %swap3A_2051] {strides = array<i32>} : memref<2x640x64xf32, #tpu.memory_space<vmem>>, vector<1x1x16xf32>,
      %swap3A_2053 = vector.shape_cast %swap3A_2052 : vector<1x1x16xf32> to vector<16xf32>
      %swap3A_2054 = vector.shape_cast %mul3A_2047 : vector<16xf32> to vector<1x1x16xf32>
      tpu.vector_store %arg7[%swap3A_2049, %swap3A_2050, %swap3A_2051], %swap3A_2054 {strides = array<i32>} : memref<2x640x64xf32, #tpu.memory_space<vmem>>, vector<1x1x16xf32>,
      %get3A_2055 = arith.constant 0 : i32
      %get3A_2056 = arith.index_cast %get3A_2055 : i32 to index
      %get3A_2057 = arith.index_cast %scan3A_2012 : i32 to index
      %get3A_2058 = arith.constant 48 : index
      %get3A_2059 = tpu.vector_load %arg7[%get3A_2056, %get3A_2057, %get3A_2058] {strides = array<i32>} : memref<2x640x64xf32, #tpu.memory_space<vmem>>, vector<1x1x16xf32>,
      %get3A_2060 = vector.shape_cast %get3A_2059 : vector<1x1x16xf32> to vector<16xf32>
      %mul3A_2061 = arith.mulf %get3A_2060, %get3A_4 : vector<16xf32>
      %swap3A_2062 = arith.constant 0 : i32
      %swap3A_2063 = arith.index_cast %swap3A_2062 : i32 to index
      %swap3A_2064 = arith.index_cast %scan3A_2012 : i32 to index
      %swap3A_2065 = arith.constant 48 : index
      %swap3A_2066 = tpu.vector_load %arg7[%swap3A_2063, %swap3A_2064, %swap3A_2065] {strides = array<i32>} : memref<2x640x64xf32, #tpu.memory_space<vmem>>, vector<1x1x16xf32>,
      %swap3A_2067 = vector.shape_cast %swap3A_2066 : vector<1x1x16xf32> to vector<16xf32>
      %swap3A_2068 = vector.shape_cast %mul3A_2061 : vector<16xf32> to vector<1x1x16xf32>
      tpu.vector_store %arg7[%swap3A_2063, %swap3A_2064, %swap3A_2065], %swap3A_2068 {strides = array<i32>} : memref<2x640x64xf32, #tpu.memory_space<vmem>>, vector<1x1x16xf32>,
      %scan3A_2069 = arith.constant 0 : i32
      scf.yield %scan3A_2069 : i32
    }
    %scan3A_1454 = arith.constant 640 : i32
    %add3A_1455 = arith.constant 3840 : i32
    %add3A_1456 = arith.addi %mul3A_2, %add3A_1455 : i32
    %dma_start3A_1457 = arith.constant 0 : i32
    %dma_start3A_1458 = arith.constant 0 : i32
    %dma_start3A_1459 = arith.constant 0 : i32
    %dma_start3A_1460 = arith.constant 0 : i32
    %dma_start3A_1461 = tpu.memref_slice %arg7[%dma_start3A_1457, %dma_start3A_1459, %dma_start3A_1460] : memref<2x640x64xf32, #tpu.memory_space<vmem>> -> memref<1x640x64xf32, #tpu.memory_space<vmem>>
    %dma_start3A_1462 = tpu.memref_squeeze %dma_start3A_1461 : memref<1x640x64xf32, #tpu.memory_space<vmem>> -> memref<640x64xf32, #tpu.memory_space<vmem>>
    %dma_start3A_1463 = arith.constant 0 : i32
    %dma_start3A_1464 = tpu.memref_slice %arg5[%add3A_1456, %dma_start3A_1463] : memref<204800x64xf32, #tpu.memory_space<hbm>> -> memref<640x64xf32, #tpu.memory_space<hbm>>
    %dma_start3A_1465 = tpu.memref_slice %arg10[%dma_start3A_1458] : memref<2x!tpu.dma_semaphore, #tpu.memory_space<semaphore_mem>> -> memref<1x!tpu.dma_semaphore, #tpu.memory_space<semaphore_mem>>
    %dma_start3A_1466 = tpu.memref_squeeze %dma_start3A_1465 : memref<1x!tpu.dma_semaphore, #tpu.memory_space<semaphore_mem>> -> memref<!tpu.dma_semaphore, #tpu.memory_space<semaphore_mem>>
    %dma_start3A_1467 = arith.constant 0 : i32
    %dma_start3A_1468 = tpu.memref_slice %arg5[%add3A_1456, %dma_start3A_1467] : memref<204800x64xf32, #tpu.memory_space<hbm>> -> memref<640x64xf32, #tpu.memory_space<hbm>>
    %dma_start3A_1469 = arith.constant 0 : i32
    %dma_start3A_1470 = arith.constant 0 : i32
    %dma_start3A_1471 = tpu.memref_slice %arg7[%dma_start3A_1457, %dma_start3A_1469, %dma_start3A_1470] : memref<2x640x64xf32, #tpu.memory_space<vmem>> -> memref<1x640x64xf32, #tpu.memory_space<vmem>>
    %dma_start3A_1472 = tpu.memref_squeeze %dma_start3A_1471 : memref<1x640x64xf32, #tpu.memory_space<vmem>> -> memref<640x64xf32, #tpu.memory_space<vmem>>
    tpu.enqueue_dma source(%dma_start3A_1472 : memref<640x64xf32, #tpu.memory_space<vmem>>) target(%dma_start3A_1468 : memref<640x64xf32, #tpu.memory_space<hbm>>) target_semaphore(%dma_start3A_1466 : memref<!tpu.dma_semaphore, #tpu.memory_space<semaphore_mem>>)
    %dma_wait3A_1473 = arith.constant 0 : i32
    %dma_wait3A_1474 = arith.constant 0 : i32
    %dma_wait3A_1475 = arith.constant 0 : i32
    %dma_wait3A_1476 = arith.constant 0 : i32
    %dma_wait3A_1477 = tpu.memref_slice %arg7[%dma_wait3A_1473, %dma_wait3A_1475, %dma_wait3A_1476] : memref<2x640x64xf32, #tpu.memory_space<vmem>> -> memref<1x640x64xf32, #tpu.memory_space<vmem>>
    %dma_wait3A_1478 = tpu.memref_squeeze %dma_wait3A_1477 : memref<1x640x64xf32, #tpu.memory_space<vmem>> -> memref<640x64xf32, #tpu.memory_space<vmem>>
    %dma_wait3A_1479 = arith.constant 0 : i32
    %dma_wait3A_1480 = tpu.memref_slice %arg5[%add3A_1456, %dma_wait3A_1479] : memref<204800x64xf32, #tpu.memory_space<hbm>> -> memref<640x64xf32, #tpu.memory_space<hbm>>
    %dma_wait3A_1481 = tpu.memref_slice %arg10[%dma_wait3A_1474] : memref<2x!tpu.dma_semaphore, #tpu.memory_space<semaphore_mem>> -> memref<1x!tpu.dma_semaphore, #tpu.memory_space<semaphore_mem>>
    %dma_wait3A_1482 = tpu.memref_squeeze %dma_wait3A_1481 : memref<1x!tpu.dma_semaphore, #tpu.memory_space<semaphore_mem>> -> memref<!tpu.dma_semaphore, #tpu.memory_space<semaphore_mem>>
    %dma_wait3A_1483 = arith.constant 0 : i32
    %dma_wait3A_1484 = tpu.memref_slice %arg5[%add3A_1456, %dma_wait3A_1483] : memref<204800x64xf32, #tpu.memory_space<hbm>> -> memref<640x64xf32, #tpu.memory_space<hbm>>
    %dma_wait3A_1485 = arith.constant 0 : i32
    %dma_wait3A_1486 = arith.constant 0 : i32
    %dma_wait3A_1487 = tpu.memref_slice %arg7[%dma_wait3A_1473, %dma_wait3A_1485, %dma_wait3A_1486] : memref<2x640x64xf32, #tpu.memory_space<vmem>> -> memref<1x640x64xf32, #tpu.memory_space<vmem>>
    %dma_wait3A_1488 = tpu.memref_squeeze %dma_wait3A_1487 : memref<1x640x64xf32, #tpu.memory_space<vmem>> -> memref<640x64xf32, #tpu.memory_space<vmem>>
    tpu.wait_dma2 semaphore(%dma_wait3A_1482 : memref<!tpu.dma_semaphore, #tpu.memory_space<semaphore_mem>>) src(%dma_wait3A_1488 : memref<640x64xf32, #tpu.memory_space<vmem>>) dst(%dma_wait3A_1484 : memref<640x64xf32, #tpu.memory_space<hbm>>)
    %dma_start3A_1489 = arith.constant 8 : i32
    %dma_start3A_1490 = arith.constant 0 : i32
    %dma_start3A_1491 = arith.constant 0 : i32
    %dma_start3A_1492 = arith.constant 0 : i32
    %dma_start3A_1493 = arith.constant 0 : i32
    %dma_start3A_1494 = arith.constant 0 : i32
    %dma_start3A_1495 = tpu.memref_slice %arg7[%dma_start3A_1491, %dma_start3A_1493, %dma_start3A_1494] : memref<2x640x64xf32, #tpu.memory_space<vmem>> -> memref<1x128x64xf32, #tpu.memory_space<vmem>>
    %dma_start3A_1496 = tpu.memref_squeeze %dma_start3A_1495 : memref<1x128x64xf32, #tpu.memory_space<vmem>> -> memref<128x64xf32, #tpu.memory_space<vmem>>
    %dma_start3A_1497 = arith.constant 0 : i32
    %dma_start3A_1498 = tpu.memref_slice %arg6[%dma_start3A_1489, %dma_start3A_1490, %dma_start3A_1497] : memref<10x5x128xi32, #tpu.memory_space<vmem>> -> memref<1x1x128xi32, #tpu.memory_space<vmem>>
    %dma_start3A_1499 = tpu.memref_squeeze %dma_start3A_1498 : memref<1x1x128xi32, #tpu.memory_space<vmem>> -> memref<128xi32, #tpu.memory_space<vmem>>
    %dma_start3A_1500 = arith.constant 0 : i32
    %dma_start3A_1501 = arith.constant 0 : i32
    %dma_start3A_1502 = tpu.memref_slice %arg3[%dma_start3A_1500, %dma_start3A_1501] : memref<1003520x64xf32, #tpu.memory_space<hbm>> -> memref<1003520x64xf32, #tpu.memory_space<hbm>>
    %dma_start3A_1503 = tpu.memref_slice %arg9[%dma_start3A_1492] : memref<2x!tpu.dma_semaphore, #tpu.memory_space<semaphore_mem>> -> memref<1x!tpu.dma_semaphore, #tpu.memory_space<semaphore_mem>>
    %dma_start3A_1504 = tpu.memref_squeeze %dma_start3A_1503 : memref<1x!tpu.dma_semaphore, #tpu.memory_space<semaphore_mem>> -> memref<!tpu.dma_semaphore, #tpu.memory_space<semaphore_mem>>
    tpu.enqueue_indirect_dma source(%dma_start3A_1502 : memref<1003520x64xf32, #tpu.memory_space<hbm>>) target(%dma_start3A_1496 : memref<128x64xf32, #tpu.memory_space<vmem>>) offsets(%dma_start3A_1499 : memref<128xi32, #tpu.memory_space<vmem>>) semaphore(%dma_start3A_1504 : memref<!tpu.dma_semaphore, #tpu.memory_space<semaphore_mem>>)
    %dma_start3A_1505 = arith.constant 8 : i32
    %dma_start3A_1506 = arith.constant 1 : i32
    %dma_start3A_1507 = arith.constant 0 : i32
    %dma_start3A_1508 = arith.constant 0 : i32
    %dma_start3A_1509 = arith.constant 128 : i32
    %dma_start3A_1510 = arith.constant 0 : i32
    %dma_start3A_1511 = tpu.memref_slice %arg7[%dma_start3A_1507, %dma_start3A_1509, %dma_start3A_1510] : memref<2x640x64xf32, #tpu.memory_space<vmem>> -> memref<1x128x64xf32, #tpu.memory_space<vmem>>
    %dma_start3A_1512 = tpu.memref_squeeze %dma_start3A_1511 : memref<1x128x64xf32, #tpu.memory_space<vmem>> -> memref<128x64xf32, #tpu.memory_space<vmem>>
    %dma_start3A_1513 = arith.constant 0 : i32
    %dma_start3A_1514 = tpu.memref_slice %arg6[%dma_start3A_1505, %dma_start3A_1506, %dma_start3A_1513] : memref<10x5x128xi32, #tpu.memory_space<vmem>> -> memref<1x1x128xi32, #tpu.memory_space<vmem>>
    %dma_start3A_1515 = tpu.memref_squeeze %dma_start3A_1514 : memref<1x1x128xi32, #tpu.memory_space<vmem>> -> memref<128xi32, #tpu.memory_space<vmem>>
    %dma_start3A_1516 = arith.constant 0 : i32
    %dma_start3A_1517 = arith.constant 0 : i32
    %dma_start3A_1518 = tpu.memref_slice %arg3[%dma_start3A_1516, %dma_start3A_1517] : memref<1003520x64xf32, #tpu.memory_space<hbm>> -> memref<1003520x64xf32, #tpu.memory_space<hbm>>
    %dma_start3A_1519 = tpu.memref_slice %arg9[%dma_start3A_1508] : memref<2x!tpu.dma_semaphore, #tpu.memory_space<semaphore_mem>> -> memref<1x!tpu.dma_semaphore, #tpu.memory_space<semaphore_mem>>
    %dma_start3A_1520 = tpu.memref_squeeze %dma_start3A_1519 : memref<1x!tpu.dma_semaphore, #tpu.memory_space<semaphore_mem>> -> memref<!tpu.dma_semaphore, #tpu.memory_space<semaphore_mem>>
    tpu.enqueue_indirect_dma source(%dma_start3A_1518 : memref<1003520x64xf32, #tpu.memory_space<hbm>>) target(%dma_start3A_1512 : memref<128x64xf32, #tpu.memory_space<vmem>>) offsets(%dma_start3A_1515 : memref<128xi32, #tpu.memory_space<vmem>>) semaphore(%dma_start3A_1520 : memref<!tpu.dma_semaphore, #tpu.memory_space<semaphore_mem>>)
    %dma_start3A_1521 = arith.constant 8 : i32
    %dma_start3A_1522 = arith.constant 2 : i32
    %dma_start3A_1523 = arith.constant 0 : i32
    %dma_start3A_1524 = arith.constant 0 : i32
    %dma_start3A_1525 = arith.constant 256 : i32
    %dma_start3A_1526 = arith.constant 0 : i32
    %dma_start3A_1527 = tpu.memref_slice %arg7[%dma_start3A_1523, %dma_start3A_1525, %dma_start3A_1526] : memref<2x640x64xf32, #tpu.memory_space<vmem>> -> memref<1x128x64xf32, #tpu.memory_space<vmem>>
    %dma_start3A_1528 = tpu.memref_squeeze %dma_start3A_1527 : memref<1x128x64xf32, #tpu.memory_space<vmem>> -> memref<128x64xf32, #tpu.memory_space<vmem>>
    %dma_start3A_1529 = arith.constant 0 : i32
    %dma_start3A_1530 = tpu.memref_slice %arg6[%dma_start3A_1521, %dma_start3A_1522, %dma_start3A_1529] : memref<10x5x128xi32, #tpu.memory_space<vmem>> -> memref<1x1x128xi32, #tpu.memory_space<vmem>>
    %dma_start3A_1531 = tpu.memref_squeeze %dma_start3A_1530 : memref<1x1x128xi32, #tpu.memory_space<vmem>> -> memref<128xi32, #tpu.memory_space<vmem>>
    %dma_start3A_1532 = arith.constant 0 : i32
    %dma_start3A_1533 = arith.constant 0 : i32
    %dma_start3A_1534 = tpu.memref_slice %arg3[%dma_start3A_1532, %dma_start3A_1533] : memref<1003520x64xf32, #tpu.memory_space<hbm>> -> memref<1003520x64xf32, #tpu.memory_space<hbm>>
    %dma_start3A_1535 = tpu.memref_slice %arg9[%dma_start3A_1524] : memref<2x!tpu.dma_semaphore, #tpu.memory_space<semaphore_mem>> -> memref<1x!tpu.dma_semaphore, #tpu.memory_space<semaphore_mem>>
    %dma_start3A_1536 = tpu.memref_squeeze %dma_start3A_1535 : memref<1x!tpu.dma_semaphore, #tpu.memory_space<semaphore_mem>> -> memref<!tpu.dma_semaphore, #tpu.memory_space<semaphore_mem>>
    tpu.enqueue_indirect_dma source(%dma_start3A_1534 : memref<1003520x64xf32, #tpu.memory_space<hbm>>) target(%dma_start3A_1528 : memref<128x64xf32, #tpu.memory_space<vmem>>) offsets(%dma_start3A_1531 : memref<128xi32, #tpu.memory_space<vmem>>) semaphore(%dma_start3A_1536 : memref<!tpu.dma_semaphore, #tpu.memory_space<semaphore_mem>>)
    %dma_start3A_1537 = arith.constant 8 : i32
    %dma_start3A_1538 = arith.constant 3 : i32
    %dma_start3A_1539 = arith.constant 0 : i32
    %dma_start3A_1540 = arith.constant 0 : i32
    %dma_start3A_1541 = arith.constant 384 : i32
    %dma_start3A_1542 = arith.constant 0 : i32
    %dma_start3A_1543 = tpu.memref_slice %arg7[%dma_start3A_1539, %dma_start3A_1541, %dma_start3A_1542] : memref<2x640x64xf32, #tpu.memory_space<vmem>> -> memref<1x128x64xf32, #tpu.memory_space<vmem>>
    %dma_start3A_1544 = tpu.memref_squeeze %dma_start3A_1543 : memref<1x128x64xf32, #tpu.memory_space<vmem>> -> memref<128x64xf32, #tpu.memory_space<vmem>>
    %dma_start3A_1545 = arith.constant 0 : i32
    %dma_start3A_1546 = tpu.memref_slice %arg6[%dma_start3A_1537, %dma_start3A_1538, %dma_start3A_1545] : memref<10x5x128xi32, #tpu.memory_space<vmem>> -> memref<1x1x128xi32, #tpu.memory_space<vmem>>
    %dma_start3A_1547 = tpu.memref_squeeze %dma_start3A_1546 : memref<1x1x128xi32, #tpu.memory_space<vmem>> -> memref<128xi32, #tpu.memory_space<vmem>>
    %dma_start3A_1548 = arith.constant 0 : i32
    %dma_start3A_1549 = arith.constant 0 : i32
    %dma_start3A_1550 = tpu.memref_slice %arg3[%dma_start3A_1548, %dma_start3A_1549] : memref<1003520x64xf32, #tpu.memory_space<hbm>> -> memref<1003520x64xf32, #tpu.memory_space<hbm>>
    %dma_start3A_1551 = tpu.memref_slice %arg9[%dma_start3A_1540] : memref<2x!tpu.dma_semaphore, #tpu.memory_space<semaphore_mem>> -> memref<1x!tpu.dma_semaphore, #tpu.memory_space<semaphore_mem>>
    %dma_start3A_1552 = tpu.memref_squeeze %dma_start3A_1551 : memref<1x!tpu.dma_semaphore, #tpu.memory_space<semaphore_mem>> -> memref<!tpu.dma_semaphore, #tpu.memory_space<semaphore_mem>>
    tpu.enqueue_indirect_dma source(%dma_start3A_1550 : memref<1003520x64xf32, #tpu.memory_space<hbm>>) target(%dma_start3A_1544 : memref<128x64xf32, #tpu.memory_space<vmem>>) offsets(%dma_start3A_1547 : memref<128xi32, #tpu.memory_space<vmem>>) semaphore(%dma_start3A_1552 : memref<!tpu.dma_semaphore, #tpu.memory_space<semaphore_mem>>)
    %dma_start3A_1553 = arith.constant 8 : i32
    %dma_start3A_1554 = arith.constant 4 : i32
    %dma_start3A_1555 = arith.constant 0 : i32
    %dma_start3A_1556 = arith.constant 0 : i32
    %dma_start3A_1557 = arith.constant 512 : i32
    %dma_start3A_1558 = arith.constant 0 : i32
    %dma_start3A_1559 = tpu.memref_slice %arg7[%dma_start3A_1555, %dma_start3A_1557, %dma_start3A_1558] : memref<2x640x64xf32, #tpu.memory_space<vmem>> -> memref<1x128x64xf32, #tpu.memory_space<vmem>>
    %dma_start3A_1560 = tpu.memref_squeeze %dma_start3A_1559 : memref<1x128x64xf32, #tpu.memory_space<vmem>> -> memref<128x64xf32, #tpu.memory_space<vmem>>
    %dma_start3A_1561 = arith.constant 0 : i32
    %dma_start3A_1562 = tpu.memref_slice %arg6[%dma_start3A_1553, %dma_start3A_1554, %dma_start3A_1561] : memref<10x5x128xi32, #tpu.memory_space<vmem>> -> memref<1x1x128xi32, #tpu.memory_space<vmem>>
    %dma_start3A_1563 = tpu.memref_squeeze %dma_start3A_1562 : memref<1x1x128xi32, #tpu.memory_space<vmem>> -> memref<128xi32, #tpu.memory_space<vmem>>
    %dma_start3A_1564 = arith.constant 0 : i32
    %dma_start3A_1565 = arith.constant 0 : i32
    %dma_start3A_1566 = tpu.memref_slice %arg3[%dma_start3A_1564, %dma_start3A_1565] : memref<1003520x64xf32, #tpu.memory_space<hbm>> -> memref<1003520x64xf32, #tpu.memory_space<hbm>>
    %dma_start3A_1567 = tpu.memref_slice %arg9[%dma_start3A_1556] : memref<2x!tpu.dma_semaphore, #tpu.memory_space<semaphore_mem>> -> memref<1x!tpu.dma_semaphore, #tpu.memory_space<semaphore_mem>>
    %dma_start3A_1568 = tpu.memref_squeeze %dma_start3A_1567 : memref<1x!tpu.dma_semaphore, #tpu.memory_space<semaphore_mem>> -> memref<!tpu.dma_semaphore, #tpu.memory_space<semaphore_mem>>
    tpu.enqueue_indirect_dma source(%dma_start3A_1566 : memref<1003520x64xf32, #tpu.memory_space<hbm>>) target(%dma_start3A_1560 : memref<128x64xf32, #tpu.memory_space<vmem>>) offsets(%dma_start3A_1563 : memref<128xi32, #tpu.memory_space<vmem>>) semaphore(%dma_start3A_1568 : memref<!tpu.dma_semaphore, #tpu.memory_space<semaphore_mem>>)
    %dma_wait3A_1569 = arith.constant 7 : i32
    %dma_wait3A_1570 = arith.constant 0 : i32
    %dma_wait3A_1571 = arith.constant 1 : i32
    %dma_wait3A_1572 = arith.constant 1 : i32
    %dma_wait3A_1573 = arith.constant 0 : i32
    %dma_wait3A_1574 = arith.constant 0 : i32
    %dma_wait3A_1575 = tpu.memref_slice %arg7[%dma_wait3A_1571, %dma_wait3A_1573, %dma_wait3A_1574] : memref<2x640x64xf32, #tpu.memory_space<vmem>> -> memref<1x128x64xf32, #tpu.memory_space<vmem>>
    %dma_wait3A_1576 = tpu.memref_squeeze %dma_wait3A_1575 : memref<1x128x64xf32, #tpu.memory_space<vmem>> -> memref<128x64xf32, #tpu.memory_space<vmem>>
    %dma_wait3A_1577 = arith.constant 0 : i32
    %dma_wait3A_1578 = tpu.memref_slice %arg6[%dma_wait3A_1569, %dma_wait3A_1570, %dma_wait3A_1577] : memref<10x5x128xi32, #tpu.memory_space<vmem>> -> memref<1x1x128xi32, #tpu.memory_space<vmem>>
    %dma_wait3A_1579 = tpu.memref_squeeze %dma_wait3A_1578 : memref<1x1x128xi32, #tpu.memory_space<vmem>> -> memref<128xi32, #tpu.memory_space<vmem>>
    %dma_wait3A_1580 = arith.constant 0 : i32
    %dma_wait3A_1581 = arith.constant 0 : i32
    %dma_wait3A_1582 = tpu.memref_slice %arg3[%dma_wait3A_1580, %dma_wait3A_1581] : memref<1003520x64xf32, #tpu.memory_space<hbm>> -> memref<1003520x64xf32, #tpu.memory_space<hbm>>
    %dma_wait3A_1583 = tpu.memref_slice %arg9[%dma_wait3A_1572] : memref<2x!tpu.dma_semaphore, #tpu.memory_space<semaphore_mem>> -> memref<1x!tpu.dma_semaphore, #tpu.memory_space<semaphore_mem>>
    %dma_wait3A_1584 = tpu.memref_squeeze %dma_wait3A_1583 : memref<1x!tpu.dma_semaphore, #tpu.memory_space<semaphore_mem>> -> memref<!tpu.dma_semaphore, #tpu.memory_space<semaphore_mem>>
    tpu.wait_indirect_dma semaphore(%dma_wait3A_1584 : memref<!tpu.dma_semaphore, #tpu.memory_space<semaphore_mem>>) src(%dma_wait3A_1582 : memref<1003520x64xf32, #tpu.memory_space<hbm>>) dst(%dma_wait3A_1576 : memref<128x64xf32, #tpu.memory_space<vmem>>)
    %dma_wait3A_1585 = arith.constant 7 : i32
    %dma_wait3A_1586 = arith.constant 1 : i32
    %dma_wait3A_1587 = arith.constant 1 : i32
    %dma_wait3A_1588 = arith.constant 1 : i32
    %dma_wait3A_1589 = arith.constant 128 : i32
    %dma_wait3A_1590 = arith.constant 0 : i32
    %dma_wait3A_1591 = tpu.memref_slice %arg7[%dma_wait3A_1587, %dma_wait3A_1589, %dma_wait3A_1590] : memref<2x640x64xf32, #tpu.memory_space<vmem>> -> memref<1x128x64xf32, #tpu.memory_space<vmem>>
    %dma_wait3A_1592 = tpu.memref_squeeze %dma_wait3A_1591 : memref<1x128x64xf32, #tpu.memory_space<vmem>> -> memref<128x64xf32, #tpu.memory_space<vmem>>
    %dma_wait3A_1593 = arith.constant 0 : i32
    %dma_wait3A_1594 = tpu.memref_slice %arg6[%dma_wait3A_1585, %dma_wait3A_1586, %dma_wait3A_1593] : memref<10x5x128xi32, #tpu.memory_space<vmem>> -> memref<1x1x128xi32, #tpu.memory_space<vmem>>
    %dma_wait3A_1595 = tpu.memref_squeeze %dma_wait3A_1594 : memref<1x1x128xi32, #tpu.memory_space<vmem>> -> memref<128xi32, #tpu.memory_space<vmem>>
    %dma_wait3A_1596 = arith.constant 0 : i32
    %dma_wait3A_1597 = arith.constant 0 : i32
    %dma_wait3A_1598 = tpu.memref_slice %arg3[%dma_wait3A_1596, %dma_wait3A_1597] : memref<1003520x64xf32, #tpu.memory_space<hbm>> -> memref<1003520x64xf32, #tpu.memory_space<hbm>>
    %dma_wait3A_1599 = tpu.memref_slice %arg9[%dma_wait3A_1588] : memref<2x!tpu.dma_semaphore, #tpu.memory_space<semaphore_mem>> -> memref<1x!tpu.dma_semaphore, #tpu.memory_space<semaphore_mem>>
    %dma_wait3A_1600 = tpu.memref_squeeze %dma_wait3A_1599 : memref<1x!tpu.dma_semaphore, #tpu.memory_space<semaphore_mem>> -> memref<!tpu.dma_semaphore, #tpu.memory_space<semaphore_mem>>
    tpu.wait_indirect_dma semaphore(%dma_wait3A_1600 : memref<!tpu.dma_semaphore, #tpu.memory_space<semaphore_mem>>) src(%dma_wait3A_1598 : memref<1003520x64xf32, #tpu.memory_space<hbm>>) dst(%dma_wait3A_1592 : memref<128x64xf32, #tpu.memory_space<vmem>>)
    %dma_wait3A_1601 = arith.constant 7 : i32
    %dma_wait3A_1602 = arith.constant 2 : i32
    %dma_wait3A_1603 = arith.constant 1 : i32
    %dma_wait3A_1604 = arith.constant 1 : i32
    %dma_wait3A_1605 = arith.constant 256 : i32
    %dma_wait3A_1606 = arith.constant 0 : i32
    %dma_wait3A_1607 = tpu.memref_slice %arg7[%dma_wait3A_1603, %dma_wait3A_1605, %dma_wait3A_1606] : memref<2x640x64xf32, #tpu.memory_space<vmem>> -> memref<1x128x64xf32, #tpu.memory_space<vmem>>
    %dma_wait3A_1608 = tpu.memref_squeeze %dma_wait3A_1607 : memref<1x128x64xf32, #tpu.memory_space<vmem>> -> memref<128x64xf32, #tpu.memory_space<vmem>>
    %dma_wait3A_1609 = arith.constant 0 : i32
    %dma_wait3A_1610 = tpu.memref_slice %arg6[%dma_wait3A_1601, %dma_wait3A_1602, %dma_wait3A_1609] : memref<10x5x128xi32, #tpu.memory_space<vmem>> -> memref<1x1x128xi32, #tpu.memory_space<vmem>>
    %dma_wait3A_1611 = tpu.memref_squeeze %dma_wait3A_1610 : memref<1x1x128xi32, #tpu.memory_space<vmem>> -> memref<128xi32, #tpu.memory_space<vmem>>
    %dma_wait3A_1612 = arith.constant 0 : i32
    %dma_wait3A_1613 = arith.constant 0 : i32
    %dma_wait3A_1614 = tpu.memref_slice %arg3[%dma_wait3A_1612, %dma_wait3A_1613] : memref<1003520x64xf32, #tpu.memory_space<hbm>> -> memref<1003520x64xf32, #tpu.memory_space<hbm>>
    %dma_wait3A_1615 = tpu.memref_slice %arg9[%dma_wait3A_1604] : memref<2x!tpu.dma_semaphore, #tpu.memory_space<semaphore_mem>> -> memref<1x!tpu.dma_semaphore, #tpu.memory_space<semaphore_mem>>
    %dma_wait3A_1616 = tpu.memref_squeeze %dma_wait3A_1615 : memref<1x!tpu.dma_semaphore, #tpu.memory_space<semaphore_mem>> -> memref<!tpu.dma_semaphore, #tpu.memory_space<semaphore_mem>>
    tpu.wait_indirect_dma semaphore(%dma_wait3A_1616 : memref<!tpu.dma_semaphore, #tpu.memory_space<semaphore_mem>>) src(%dma_wait3A_1614 : memref<1003520x64xf32, #tpu.memory_space<hbm>>) dst(%dma_wait3A_1608 : memref<128x64xf32, #tpu.memory_space<vmem>>)
    %dma_wait3A_1617 = arith.constant 7 : i32
    %dma_wait3A_1618 = arith.constant 3 : i32
    %dma_wait3A_1619 = arith.constant 1 : i32
    %dma_wait3A_1620 = arith.constant 1 : i32
    %dma_wait3A_1621 = arith.constant 384 : i32
    %dma_wait3A_1622 = arith.constant 0 : i32
    %dma_wait3A_1623 = tpu.memref_slice %arg7[%dma_wait3A_1619, %dma_wait3A_1621, %dma_wait3A_1622] : memref<2x640x64xf32, #tpu.memory_space<vmem>> -> memref<1x128x64xf32, #tpu.memory_space<vmem>>
    %dma_wait3A_1624 = tpu.memref_squeeze %dma_wait3A_1623 : memref<1x128x64xf32, #tpu.memory_space<vmem>> -> memref<128x64xf32, #tpu.memory_space<vmem>>
    %dma_wait3A_1625 = arith.constant 0 : i32
    %dma_wait3A_1626 = tpu.memref_slice %arg6[%dma_wait3A_1617, %dma_wait3A_1618, %dma_wait3A_1625] : memref<10x5x128xi32, #tpu.memory_space<vmem>> -> memref<1x1x128xi32, #tpu.memory_space<vmem>>
    %dma_wait3A_1627 = tpu.memref_squeeze %dma_wait3A_1626 : memref<1x1x128xi32, #tpu.memory_space<vmem>> -> memref<128xi32, #tpu.memory_space<vmem>>
    %dma_wait3A_1628 = arith.constant 0 : i32
    %dma_wait3A_1629 = arith.constant 0 : i32
    %dma_wait3A_1630 = tpu.memref_slice %arg3[%dma_wait3A_1628, %dma_wait3A_1629] : memref<1003520x64xf32, #tpu.memory_space<hbm>> -> memref<1003520x64xf32, #tpu.memory_space<hbm>>
    %dma_wait3A_1631 = tpu.memref_slice %arg9[%dma_wait3A_1620] : memref<2x!tpu.dma_semaphore, #tpu.memory_space<semaphore_mem>> -> memref<1x!tpu.dma_semaphore, #tpu.memory_space<semaphore_mem>>
    %dma_wait3A_1632 = tpu.memref_squeeze %dma_wait3A_1631 : memref<1x!tpu.dma_semaphore, #tpu.memory_space<semaphore_mem>> -> memref<!tpu.dma_semaphore, #tpu.memory_space<semaphore_mem>>
    tpu.wait_indirect_dma semaphore(%dma_wait3A_1632 : memref<!tpu.dma_semaphore, #tpu.memory_space<semaphore_mem>>) src(%dma_wait3A_1630 : memref<1003520x64xf32, #tpu.memory_space<hbm>>) dst(%dma_wait3A_1624 : memref<128x64xf32, #tpu.memory_space<vmem>>)
    %dma_wait3A_1633 = arith.constant 7 : i32
    %dma_wait3A_1634 = arith.constant 4 : i32
    %dma_wait3A_1635 = arith.constant 1 : i32
    %dma_wait3A_1636 = arith.constant 1 : i32
    %dma_wait3A_1637 = arith.constant 512 : i32
    %dma_wait3A_1638 = arith.constant 0 : i32
    %dma_wait3A_1639 = tpu.memref_slice %arg7[%dma_wait3A_1635, %dma_wait3A_1637, %dma_wait3A_1638] : memref<2x640x64xf32, #tpu.memory_space<vmem>> -> memref<1x128x64xf32, #tpu.memory_space<vmem>>
    %dma_wait3A_1640 = tpu.memref_squeeze %dma_wait3A_1639 : memref<1x128x64xf32, #tpu.memory_space<vmem>> -> memref<128x64xf32, #tpu.memory_space<vmem>>
    %dma_wait3A_1641 = arith.constant 0 : i32
    %dma_wait3A_1642 = tpu.memref_slice %arg6[%dma_wait3A_1633, %dma_wait3A_1634, %dma_wait3A_1641] : memref<10x5x128xi32, #tpu.memory_space<vmem>> -> memref<1x1x128xi32, #tpu.memory_space<vmem>>
    %dma_wait3A_1643 = tpu.memref_squeeze %dma_wait3A_1642 : memref<1x1x128xi32, #tpu.memory_space<vmem>> -> memref<128xi32, #tpu.memory_space<vmem>>
    %dma_wait3A_1644 = arith.constant 0 : i32
    %dma_wait3A_1645 = arith.constant 0 : i32
    %dma_wait3A_1646 = tpu.memref_slice %arg3[%dma_wait3A_1644, %dma_wait3A_1645] : memref<1003520x64xf32, #tpu.memory_space<hbm>> -> memref<1003520x64xf32, #tpu.memory_space<hbm>>
    %dma_wait3A_1647 = tpu.memref_slice %arg9[%dma_wait3A_1636] : memref<2x!tpu.dma_semaphore, #tpu.memory_space<semaphore_mem>> -> memref<1x!tpu.dma_semaphore, #tpu.memory_space<semaphore_mem>>
    %dma_wait3A_1648 = tpu.memref_squeeze %dma_wait3A_1647 : memref<1x!tpu.dma_semaphore, #tpu.memory_space<semaphore_mem>> -> memref<!tpu.dma_semaphore, #tpu.memory_space<semaphore_mem>>
    tpu.wait_indirect_dma semaphore(%dma_wait3A_1648 : memref<!tpu.dma_semaphore, #tpu.memory_space<semaphore_mem>>) src(%dma_wait3A_1646 : memref<1003520x64xf32, #tpu.memory_space<hbm>>) dst(%dma_wait3A_1640 : memref<128x64xf32, #tpu.memory_space<vmem>>)
    %scan3A_1649 = arith.constant 0 : i32
    %scan3A_1650 = arith.constant 0 : i32
    %scan3A_1651 = arith.constant 640 : i32
    %scan3A_1652 = arith.addi %scan3A_1650, %scan3A_1651 : i32
    %scan3A_1653 = arith.constant 1 : i32
    %scan3A_1654 = scf.for %scan3A_2012 = %scan3A_1650 to %scan3A_1652 step %scan3A_1653 iter_args(%scan3A_2013 = %scan3A_1649) -> (i32)  : i32 {
      %get3A_2014 = arith.constant 1 : i32
      %get3A_2015 = arith.index_cast %get3A_2014 : i32 to index
      %get3A_2016 = arith.index_cast %scan3A_2012 : i32 to index
      %get3A_2017 = arith.constant 0 : index
      %get3A_2018 = tpu.vector_load %arg7[%get3A_2015, %get3A_2016, %get3A_2017] {strides = array<i32>} : memref<2x640x64xf32, #tpu.memory_space<vmem>>, vector<1x1x16xf32>,
      %get3A_2019 = vector.shape_cast %get3A_2018 : vector<1x1x16xf32> to vector<16xf32>
      %mul3A_2020 = arith.mulf %get3A_2019, %get3A_4 : vector<16xf32>
      %swap3A = arith.constant 1 : i32
      %swap3A_2021 = arith.index_cast %swap3A : i32 to index
      %swap3A_2022 = arith.index_cast %scan3A_2012 : i32 to index
      %swap3A_2023 = arith.constant 0 : index
      %swap3A_2024 = tpu.vector_load %arg7[%swap3A_2021, %swap3A_2022, %swap3A_2023] {strides = array<i32>} : memref<2x640x64xf32, #tpu.memory_space<vmem>>, vector<1x1x16xf32>,
      %swap3A_2025 = vector.shape_cast %swap3A_2024 : vector<1x1x16xf32> to vector<16xf32>
      %swap3A_2026 = vector.shape_cast %mul3A_2020 : vector<16xf32> to vector<1x1x16xf32>
      tpu.vector_store %arg7[%swap3A_2021, %swap3A_2022, %swap3A_2023], %swap3A_2026 {strides = array<i32>} : memref<2x640x64xf32, #tpu.memory_space<vmem>>, vector<1x1x16xf32>,
      %get3A_2027 = arith.constant 1 : i32
      %get3A_2028 = arith.index_cast %get3A_2027 : i32 to index
      %get3A_2029 = arith.index_cast %scan3A_2012 : i32 to index
      %get3A_2030 = arith.constant 16 : index
      %get3A_2031 = tpu.vector_load %arg7[%get3A_2028, %get3A_2029, %get3A_2030] {strides = array<i32>} : memref<2x640x64xf32, #tpu.memory_space<vmem>>, vector<1x1x16xf32>,
      %get3A_2032 = vector.shape_cast %get3A_2031 : vector<1x1x16xf32> to vector<16xf32>
      %mul3A_2033 = arith.mulf %get3A_2032, %get3A_4 : vector<16xf32>
      %swap3A_2034 = arith.constant 1 : i32
      %swap3A_2035 = arith.index_cast %swap3A_2034 : i32 to index
      %swap3A_2036 = arith.index_cast %scan3A_2012 : i32 to index
      %swap3A_2037 = arith.constant 16 : index
      %swap3A_2038 = tpu.vector_load %arg7[%swap3A_2035, %swap3A_2036, %swap3A_2037] {strides = array<i32>} : memref<2x640x64xf32, #tpu.memory_space<vmem>>, vector<1x1x16xf32>,
      %swap3A_2039 = vector.shape_cast %swap3A_2038 : vector<1x1x16xf32> to vector<16xf32>
      %swap3A_2040 = vector.shape_cast %mul3A_2033 : vector<16xf32> to vector<1x1x16xf32>
      tpu.vector_store %arg7[%swap3A_2035, %swap3A_2036, %swap3A_2037], %swap3A_2040 {strides = array<i32>} : memref<2x640x64xf32, #tpu.memory_space<vmem>>, vector<1x1x16xf32>,
      %get3A_2041 = arith.constant 1 : i32
      %get3A_2042 = arith.index_cast %get3A_2041 : i32 to index
      %get3A_2043 = arith.index_cast %scan3A_2012 : i32 to index
      %get3A_2044 = arith.constant 32 : index
      %get3A_2045 = tpu.vector_load %arg7[%get3A_2042, %get3A_2043, %get3A_2044] {strides = array<i32>} : memref<2x640x64xf32, #tpu.memory_space<vmem>>, vector<1x1x16xf32>,
      %get3A_2046 = vector.shape_cast %get3A_2045 : vector<1x1x16xf32> to vector<16xf32>
      %mul3A_2047 = arith.mulf %get3A_2046, %get3A_4 : vector<16xf32>
      %swap3A_2048 = arith.constant 1 : i32
      %swap3A_2049 = arith.index_cast %swap3A_2048 : i32 to index
      %swap3A_2050 = arith.index_cast %scan3A_2012 : i32 to index
      %swap3A_2051 = arith.constant 32 : index
      %swap3A_2052 = tpu.vector_load %arg7[%swap3A_2049, %swap3A_2050, %swap3A_2051] {strides = array<i32>} : memref<2x640x64xf32, #tpu.memory_space<vmem>>, vector<1x1x16xf32>,
      %swap3A_2053 = vector.shape_cast %swap3A_2052 : vector<1x1x16xf32> to vector<16xf32>
      %swap3A_2054 = vector.shape_cast %mul3A_2047 : vector<16xf32> to vector<1x1x16xf32>
      tpu.vector_store %arg7[%swap3A_2049, %swap3A_2050, %swap3A_2051], %swap3A_2054 {strides = array<i32>} : memref<2x640x64xf32, #tpu.memory_space<vmem>>, vector<1x1x16xf32>,
      %get3A_2055 = arith.constant 1 : i32
      %get3A_2056 = arith.index_cast %get3A_2055 : i32 to index
      %get3A_2057 = arith.index_cast %scan3A_2012 : i32 to index
      %get3A_2058 = arith.constant 48 : index
      %get3A_2059 = tpu.vector_load %arg7[%get3A_2056, %get3A_2057, %get3A_2058] {strides = array<i32>} : memref<2x640x64xf32, #tpu.memory_space<vmem>>, vector<1x1x16xf32>,
      %get3A_2060 = vector.shape_cast %get3A_2059 : vector<1x1x16xf32> to vector<16xf32>
      %mul3A_2061 = arith.mulf %get3A_2060, %get3A_4 : vector<16xf32>
      %swap3A_2062 = arith.constant 1 : i32
      %swap3A_2063 = arith.index_cast %swap3A_2062 : i32 to index
      %swap3A_2064 = arith.index_cast %scan3A_2012 : i32 to index
      %swap3A_2065 = arith.constant 48 : index
      %swap3A_2066 = tpu.vector_load %arg7[%swap3A_2063, %swap3A_2064, %swap3A_2065] {strides = array<i32>} : memref<2x640x64xf32, #tpu.memory_space<vmem>>, vector<1x1x16xf32>,
      %swap3A_2067 = vector.shape_cast %swap3A_2066 : vector<1x1x16xf32> to vector<16xf32>
      %swap3A_2068 = vector.shape_cast %mul3A_2061 : vector<16xf32> to vector<1x1x16xf32>
      tpu.vector_store %arg7[%swap3A_2063, %swap3A_2064, %swap3A_2065], %swap3A_2068 {strides = array<i32>} : memref<2x640x64xf32, #tpu.memory_space<vmem>>, vector<1x1x16xf32>,
      %scan3A_2069 = arith.constant 0 : i32
      scf.yield %scan3A_2069 : i32
    }
    %scan3A_1655 = arith.constant 640 : i32
    %add3A_1656 = arith.constant 4480 : i32
    %add3A_1657 = arith.addi %mul3A_2, %add3A_1656 : i32
    %dma_start3A_1658 = arith.constant 1 : i32
    %dma_start3A_1659 = arith.constant 1 : i32
    %dma_start3A_1660 = arith.constant 0 : i32
    %dma_start3A_1661 = arith.constant 0 : i32
    %dma_start3A_1662 = tpu.memref_slice %arg7[%dma_start3A_1658, %dma_start3A_1660, %dma_start3A_1661] : memref<2x640x64xf32, #tpu.memory_space<vmem>> -> memref<1x640x64xf32, #tpu.memory_space<vmem>>
    %dma_start3A_1663 = tpu.memref_squeeze %dma_start3A_1662 : memref<1x640x64xf32, #tpu.memory_space<vmem>> -> memref<640x64xf32, #tpu.memory_space<vmem>>
    %dma_start3A_1664 = arith.constant 0 : i32
    %dma_start3A_1665 = tpu.memref_slice %arg5[%add3A_1657, %dma_start3A_1664] : memref<204800x64xf32, #tpu.memory_space<hbm>> -> memref<640x64xf32, #tpu.memory_space<hbm>>
    %dma_start3A_1666 = tpu.memref_slice %arg10[%dma_start3A_1659] : memref<2x!tpu.dma_semaphore, #tpu.memory_space<semaphore_mem>> -> memref<1x!tpu.dma_semaphore, #tpu.memory_space<semaphore_mem>>
    %dma_start3A_1667 = tpu.memref_squeeze %dma_start3A_1666 : memref<1x!tpu.dma_semaphore, #tpu.memory_space<semaphore_mem>> -> memref<!tpu.dma_semaphore, #tpu.memory_space<semaphore_mem>>
    %dma_start3A_1668 = arith.constant 0 : i32
    %dma_start3A_1669 = tpu.memref_slice %arg5[%add3A_1657, %dma_start3A_1668] : memref<204800x64xf32, #tpu.memory_space<hbm>> -> memref<640x64xf32, #tpu.memory_space<hbm>>
    %dma_start3A_1670 = arith.constant 0 : i32
    %dma_start3A_1671 = arith.constant 0 : i32
    %dma_start3A_1672 = tpu.memref_slice %arg7[%dma_start3A_1658, %dma_start3A_1670, %dma_start3A_1671] : memref<2x640x64xf32, #tpu.memory_space<vmem>> -> memref<1x640x64xf32, #tpu.memory_space<vmem>>
    %dma_start3A_1673 = tpu.memref_squeeze %dma_start3A_1672 : memref<1x640x64xf32, #tpu.memory_space<vmem>> -> memref<640x64xf32, #tpu.memory_space<vmem>>
    tpu.enqueue_dma source(%dma_start3A_1673 : memref<640x64xf32, #tpu.memory_space<vmem>>) target(%dma_start3A_1669 : memref<640x64xf32, #tpu.memory_space<hbm>>) target_semaphore(%dma_start3A_1667 : memref<!tpu.dma_semaphore, #tpu.memory_space<semaphore_mem>>)
    %dma_wait3A_1674 = arith.constant 1 : i32
    %dma_wait3A_1675 = arith.constant 1 : i32
    %dma_wait3A_1676 = arith.constant 0 : i32
    %dma_wait3A_1677 = arith.constant 0 : i32
    %dma_wait3A_1678 = tpu.memref_slice %arg7[%dma_wait3A_1674, %dma_wait3A_1676, %dma_wait3A_1677] : memref<2x640x64xf32, #tpu.memory_space<vmem>> -> memref<1x640x64xf32, #tpu.memory_space<vmem>>
    %dma_wait3A_1679 = tpu.memref_squeeze %dma_wait3A_1678 : memref<1x640x64xf32, #tpu.memory_space<vmem>> -> memref<640x64xf32, #tpu.memory_space<vmem>>
    %dma_wait3A_1680 = arith.constant 0 : i32
    %dma_wait3A_1681 = tpu.memref_slice %arg5[%add3A_1657, %dma_wait3A_1680] : memref<204800x64xf32, #tpu.memory_space<hbm>> -> memref<640x64xf32, #tpu.memory_space<hbm>>
    %dma_wait3A_1682 = tpu.memref_slice %arg10[%dma_wait3A_1675] : memref<2x!tpu.dma_semaphore, #tpu.memory_space<semaphore_mem>> -> memref<1x!tpu.dma_semaphore, #tpu.memory_space<semaphore_mem>>
    %dma_wait3A_1683 = tpu.memref_squeeze %dma_wait3A_1682 : memref<1x!tpu.dma_semaphore, #tpu.memory_space<semaphore_mem>> -> memref<!tpu.dma_semaphore, #tpu.memory_space<semaphore_mem>>
    %dma_wait3A_1684 = arith.constant 0 : i32
    %dma_wait3A_1685 = tpu.memref_slice %arg5[%add3A_1657, %dma_wait3A_1684] : memref<204800x64xf32, #tpu.memory_space<hbm>> -> memref<640x64xf32, #tpu.memory_space<hbm>>
    %dma_wait3A_1686 = arith.constant 0 : i32
    %dma_wait3A_1687 = arith.constant 0 : i32
    %dma_wait3A_1688 = tpu.memref_slice %arg7[%dma_wait3A_1674, %dma_wait3A_1686, %dma_wait3A_1687] : memref<2x640x64xf32, #tpu.memory_space<vmem>> -> memref<1x640x64xf32, #tpu.memory_space<vmem>>
    %dma_wait3A_1689 = tpu.memref_squeeze %dma_wait3A_1688 : memref<1x640x64xf32, #tpu.memory_space<vmem>> -> memref<640x64xf32, #tpu.memory_space<vmem>>
    tpu.wait_dma2 semaphore(%dma_wait3A_1683 : memref<!tpu.dma_semaphore, #tpu.memory_space<semaphore_mem>>) src(%dma_wait3A_1689 : memref<640x64xf32, #tpu.memory_space<vmem>>) dst(%dma_wait3A_1685 : memref<640x64xf32, #tpu.memory_space<hbm>>)
    %dma_start3A_1690 = arith.constant 9 : i32
    %dma_start3A_1691 = arith.constant 0 : i32
    %dma_start3A_1692 = arith.constant 1 : i32
    %dma_start3A_1693 = arith.constant 1 : i32
    %dma_start3A_1694 = arith.constant 0 : i32
    %dma_start3A_1695 = arith.constant 0 : i32
    %dma_start3A_1696 = tpu.memref_slice %arg7[%dma_start3A_1692, %dma_start3A_1694, %dma_start3A_1695] : memref<2x640x64xf32, #tpu.memory_space<vmem>> -> memref<1x128x64xf32, #tpu.memory_space<vmem>>
    %dma_start3A_1697 = tpu.memref_squeeze %dma_start3A_1696 : memref<1x128x64xf32, #tpu.memory_space<vmem>> -> memref<128x64xf32, #tpu.memory_space<vmem>>
    %dma_start3A_1698 = arith.constant 0 : i32
    %dma_start3A_1699 = tpu.memref_slice %arg6[%dma_start3A_1690, %dma_start3A_1691, %dma_start3A_1698] : memref<10x5x128xi32, #tpu.memory_space<vmem>> -> memref<1x1x128xi32, #tpu.memory_space<vmem>>
    %dma_start3A_1700 = tpu.memref_squeeze %dma_start3A_1699 : memref<1x1x128xi32, #tpu.memory_space<vmem>> -> memref<128xi32, #tpu.memory_space<vmem>>
    %dma_start3A_1701 = arith.constant 0 : i32
    %dma_start3A_1702 = arith.constant 0 : i32
    %dma_start3A_1703 = tpu.memref_slice %arg3[%dma_start3A_1701, %dma_start3A_1702] : memref<1003520x64xf32, #tpu.memory_space<hbm>> -> memref<1003520x64xf32, #tpu.memory_space<hbm>>
    %dma_start3A_1704 = tpu.memref_slice %arg9[%dma_start3A_1693] : memref<2x!tpu.dma_semaphore, #tpu.memory_space<semaphore_mem>> -> memref<1x!tpu.dma_semaphore, #tpu.memory_space<semaphore_mem>>
    %dma_start3A_1705 = tpu.memref_squeeze %dma_start3A_1704 : memref<1x!tpu.dma_semaphore, #tpu.memory_space<semaphore_mem>> -> memref<!tpu.dma_semaphore, #tpu.memory_space<semaphore_mem>>
    tpu.enqueue_indirect_dma source(%dma_start3A_1703 : memref<1003520x64xf32, #tpu.memory_space<hbm>>) target(%dma_start3A_1697 : memref<128x64xf32, #tpu.memory_space<vmem>>) offsets(%dma_start3A_1700 : memref<128xi32, #tpu.memory_space<vmem>>) semaphore(%dma_start3A_1705 : memref<!tpu.dma_semaphore, #tpu.memory_space<semaphore_mem>>)
    %dma_start3A_1706 = arith.constant 9 : i32
    %dma_start3A_1707 = arith.constant 1 : i32
    %dma_start3A_1708 = arith.constant 1 : i32
    %dma_start3A_1709 = arith.constant 1 : i32
    %dma_start3A_1710 = arith.constant 128 : i32
    %dma_start3A_1711 = arith.constant 0 : i32
    %dma_start3A_1712 = tpu.memref_slice %arg7[%dma_start3A_1708, %dma_start3A_1710, %dma_start3A_1711] : memref<2x640x64xf32, #tpu.memory_space<vmem>> -> memref<1x128x64xf32, #tpu.memory_space<vmem>>
    %dma_start3A_1713 = tpu.memref_squeeze %dma_start3A_1712 : memref<1x128x64xf32, #tpu.memory_space<vmem>> -> memref<128x64xf32, #tpu.memory_space<vmem>>
    %dma_start3A_1714 = arith.constant 0 : i32
    %dma_start3A_1715 = tpu.memref_slice %arg6[%dma_start3A_1706, %dma_start3A_1707, %dma_start3A_1714] : memref<10x5x128xi32, #tpu.memory_space<vmem>> -> memref<1x1x128xi32, #tpu.memory_space<vmem>>
    %dma_start3A_1716 = tpu.memref_squeeze %dma_start3A_1715 : memref<1x1x128xi32, #tpu.memory_space<vmem>> -> memref<128xi32, #tpu.memory_space<vmem>>
    %dma_start3A_1717 = arith.constant 0 : i32
    %dma_start3A_1718 = arith.constant 0 : i32
    %dma_start3A_1719 = tpu.memref_slice %arg3[%dma_start3A_1717, %dma_start3A_1718] : memref<1003520x64xf32, #tpu.memory_space<hbm>> -> memref<1003520x64xf32, #tpu.memory_space<hbm>>
    %dma_start3A_1720 = tpu.memref_slice %arg9[%dma_start3A_1709] : memref<2x!tpu.dma_semaphore, #tpu.memory_space<semaphore_mem>> -> memref<1x!tpu.dma_semaphore, #tpu.memory_space<semaphore_mem>>
    %dma_start3A_1721 = tpu.memref_squeeze %dma_start3A_1720 : memref<1x!tpu.dma_semaphore, #tpu.memory_space<semaphore_mem>> -> memref<!tpu.dma_semaphore, #tpu.memory_space<semaphore_mem>>
    tpu.enqueue_indirect_dma source(%dma_start3A_1719 : memref<1003520x64xf32, #tpu.memory_space<hbm>>) target(%dma_start3A_1713 : memref<128x64xf32, #tpu.memory_space<vmem>>) offsets(%dma_start3A_1716 : memref<128xi32, #tpu.memory_space<vmem>>) semaphore(%dma_start3A_1721 : memref<!tpu.dma_semaphore, #tpu.memory_space<semaphore_mem>>)
    %dma_start3A_1722 = arith.constant 9 : i32
    %dma_start3A_1723 = arith.constant 2 : i32
    %dma_start3A_1724 = arith.constant 1 : i32
    %dma_start3A_1725 = arith.constant 1 : i32
    %dma_start3A_1726 = arith.constant 256 : i32
    %dma_start3A_1727 = arith.constant 0 : i32
    %dma_start3A_1728 = tpu.memref_slice %arg7[%dma_start3A_1724, %dma_start3A_1726, %dma_start3A_1727] : memref<2x640x64xf32, #tpu.memory_space<vmem>> -> memref<1x128x64xf32, #tpu.memory_space<vmem>>
    %dma_start3A_1729 = tpu.memref_squeeze %dma_start3A_1728 : memref<1x128x64xf32, #tpu.memory_space<vmem>> -> memref<128x64xf32, #tpu.memory_space<vmem>>
    %dma_start3A_1730 = arith.constant 0 : i32
    %dma_start3A_1731 = tpu.memref_slice %arg6[%dma_start3A_1722, %dma_start3A_1723, %dma_start3A_1730] : memref<10x5x128xi32, #tpu.memory_space<vmem>> -> memref<1x1x128xi32, #tpu.memory_space<vmem>>
    %dma_start3A_1732 = tpu.memref_squeeze %dma_start3A_1731 : memref<1x1x128xi32, #tpu.memory_space<vmem>> -> memref<128xi32, #tpu.memory_space<vmem>>
    %dma_start3A_1733 = arith.constant 0 : i32
    %dma_start3A_1734 = arith.constant 0 : i32
    %dma_start3A_1735 = tpu.memref_slice %arg3[%dma_start3A_1733, %dma_start3A_1734] : memref<1003520x64xf32, #tpu.memory_space<hbm>> -> memref<1003520x64xf32, #tpu.memory_space<hbm>>
    %dma_start3A_1736 = tpu.memref_slice %arg9[%dma_start3A_1725] : memref<2x!tpu.dma_semaphore, #tpu.memory_space<semaphore_mem>> -> memref<1x!tpu.dma_semaphore, #tpu.memory_space<semaphore_mem>>
    %dma_start3A_1737 = tpu.memref_squeeze %dma_start3A_1736 : memref<1x!tpu.dma_semaphore, #tpu.memory_space<semaphore_mem>> -> memref<!tpu.dma_semaphore, #tpu.memory_space<semaphore_mem>>
    tpu.enqueue_indirect_dma source(%dma_start3A_1735 : memref<1003520x64xf32, #tpu.memory_space<hbm>>) target(%dma_start3A_1729 : memref<128x64xf32, #tpu.memory_space<vmem>>) offsets(%dma_start3A_1732 : memref<128xi32, #tpu.memory_space<vmem>>) semaphore(%dma_start3A_1737 : memref<!tpu.dma_semaphore, #tpu.memory_space<semaphore_mem>>)
    %dma_start3A_1738 = arith.constant 9 : i32
    %dma_start3A_1739 = arith.constant 3 : i32
    %dma_start3A_1740 = arith.constant 1 : i32
    %dma_start3A_1741 = arith.constant 1 : i32
    %dma_start3A_1742 = arith.constant 384 : i32
    %dma_start3A_1743 = arith.constant 0 : i32
    %dma_start3A_1744 = tpu.memref_slice %arg7[%dma_start3A_1740, %dma_start3A_1742, %dma_start3A_1743] : memref<2x640x64xf32, #tpu.memory_space<vmem>> -> memref<1x128x64xf32, #tpu.memory_space<vmem>>
    %dma_start3A_1745 = tpu.memref_squeeze %dma_start3A_1744 : memref<1x128x64xf32, #tpu.memory_space<vmem>> -> memref<128x64xf32, #tpu.memory_space<vmem>>
    %dma_start3A_1746 = arith.constant 0 : i32
    %dma_start3A_1747 = tpu.memref_slice %arg6[%dma_start3A_1738, %dma_start3A_1739, %dma_start3A_1746] : memref<10x5x128xi32, #tpu.memory_space<vmem>> -> memref<1x1x128xi32, #tpu.memory_space<vmem>>
    %dma_start3A_1748 = tpu.memref_squeeze %dma_start3A_1747 : memref<1x1x128xi32, #tpu.memory_space<vmem>> -> memref<128xi32, #tpu.memory_space<vmem>>
    %dma_start3A_1749 = arith.constant 0 : i32
    %dma_start3A_1750 = arith.constant 0 : i32
    %dma_start3A_1751 = tpu.memref_slice %arg3[%dma_start3A_1749, %dma_start3A_1750] : memref<1003520x64xf32, #tpu.memory_space<hbm>> -> memref<1003520x64xf32, #tpu.memory_space<hbm>>
    %dma_start3A_1752 = tpu.memref_slice %arg9[%dma_start3A_1741] : memref<2x!tpu.dma_semaphore, #tpu.memory_space<semaphore_mem>> -> memref<1x!tpu.dma_semaphore, #tpu.memory_space<semaphore_mem>>
    %dma_start3A_1753 = tpu.memref_squeeze %dma_start3A_1752 : memref<1x!tpu.dma_semaphore, #tpu.memory_space<semaphore_mem>> -> memref<!tpu.dma_semaphore, #tpu.memory_space<semaphore_mem>>
    tpu.enqueue_indirect_dma source(%dma_start3A_1751 : memref<1003520x64xf32, #tpu.memory_space<hbm>>) target(%dma_start3A_1745 : memref<128x64xf32, #tpu.memory_space<vmem>>) offsets(%dma_start3A_1748 : memref<128xi32, #tpu.memory_space<vmem>>) semaphore(%dma_start3A_1753 : memref<!tpu.dma_semaphore, #tpu.memory_space<semaphore_mem>>)
    %dma_start3A_1754 = arith.constant 9 : i32
    %dma_start3A_1755 = arith.constant 4 : i32
    %dma_start3A_1756 = arith.constant 1 : i32
    %dma_start3A_1757 = arith.constant 1 : i32
    %dma_start3A_1758 = arith.constant 512 : i32
    %dma_start3A_1759 = arith.constant 0 : i32
    %dma_start3A_1760 = tpu.memref_slice %arg7[%dma_start3A_1756, %dma_start3A_1758, %dma_start3A_1759] : memref<2x640x64xf32, #tpu.memory_space<vmem>> -> memref<1x128x64xf32, #tpu.memory_space<vmem>>
    %dma_start3A_1761 = tpu.memref_squeeze %dma_start3A_1760 : memref<1x128x64xf32, #tpu.memory_space<vmem>> -> memref<128x64xf32, #tpu.memory_space<vmem>>
    %dma_start3A_1762 = arith.constant 0 : i32
    %dma_start3A_1763 = tpu.memref_slice %arg6[%dma_start3A_1754, %dma_start3A_1755, %dma_start3A_1762] : memref<10x5x128xi32, #tpu.memory_space<vmem>> -> memref<1x1x128xi32, #tpu.memory_space<vmem>>
    %dma_start3A_1764 = tpu.memref_squeeze %dma_start3A_1763 : memref<1x1x128xi32, #tpu.memory_space<vmem>> -> memref<128xi32, #tpu.memory_space<vmem>>
    %dma_start3A_1765 = arith.constant 0 : i32
    %dma_start3A_1766 = arith.constant 0 : i32
    %dma_start3A_1767 = tpu.memref_slice %arg3[%dma_start3A_1765, %dma_start3A_1766] : memref<1003520x64xf32, #tpu.memory_space<hbm>> -> memref<1003520x64xf32, #tpu.memory_space<hbm>>
    %dma_start3A_1768 = tpu.memref_slice %arg9[%dma_start3A_1757] : memref<2x!tpu.dma_semaphore, #tpu.memory_space<semaphore_mem>> -> memref<1x!tpu.dma_semaphore, #tpu.memory_space<semaphore_mem>>
    %dma_start3A_1769 = tpu.memref_squeeze %dma_start3A_1768 : memref<1x!tpu.dma_semaphore, #tpu.memory_space<semaphore_mem>> -> memref<!tpu.dma_semaphore, #tpu.memory_space<semaphore_mem>>
    tpu.enqueue_indirect_dma source(%dma_start3A_1767 : memref<1003520x64xf32, #tpu.memory_space<hbm>>) target(%dma_start3A_1761 : memref<128x64xf32, #tpu.memory_space<vmem>>) offsets(%dma_start3A_1764 : memref<128xi32, #tpu.memory_space<vmem>>) semaphore(%dma_start3A_1769 : memref<!tpu.dma_semaphore, #tpu.memory_space<semaphore_mem>>)
    %dma_wait3A_1770 = arith.constant 8 : i32
    %dma_wait3A_1771 = arith.constant 0 : i32
    %dma_wait3A_1772 = arith.constant 0 : i32
    %dma_wait3A_1773 = arith.constant 0 : i32
    %dma_wait3A_1774 = arith.constant 0 : i32
    %dma_wait3A_1775 = arith.constant 0 : i32
    %dma_wait3A_1776 = tpu.memref_slice %arg7[%dma_wait3A_1772, %dma_wait3A_1774, %dma_wait3A_1775] : memref<2x640x64xf32, #tpu.memory_space<vmem>> -> memref<1x128x64xf32, #tpu.memory_space<vmem>>
    %dma_wait3A_1777 = tpu.memref_squeeze %dma_wait3A_1776 : memref<1x128x64xf32, #tpu.memory_space<vmem>> -> memref<128x64xf32, #tpu.memory_space<vmem>>
    %dma_wait3A_1778 = arith.constant 0 : i32
    %dma_wait3A_1779 = tpu.memref_slice %arg6[%dma_wait3A_1770, %dma_wait3A_1771, %dma_wait3A_1778] : memref<10x5x128xi32, #tpu.memory_space<vmem>> -> memref<1x1x128xi32, #tpu.memory_space<vmem>>
    %dma_wait3A_1780 = tpu.memref_squeeze %dma_wait3A_1779 : memref<1x1x128xi32, #tpu.memory_space<vmem>> -> memref<128xi32, #tpu.memory_space<vmem>>
    %dma_wait3A_1781 = arith.constant 0 : i32
    %dma_wait3A_1782 = arith.constant 0 : i32
    %dma_wait3A_1783 = tpu.memref_slice %arg3[%dma_wait3A_1781, %dma_wait3A_1782] : memref<1003520x64xf32, #tpu.memory_space<hbm>> -> memref<1003520x64xf32, #tpu.memory_space<hbm>>
    %dma_wait3A_1784 = tpu.memref_slice %arg9[%dma_wait3A_1773] : memref<2x!tpu.dma_semaphore, #tpu.memory_space<semaphore_mem>> -> memref<1x!tpu.dma_semaphore, #tpu.memory_space<semaphore_mem>>
    %dma_wait3A_1785 = tpu.memref_squeeze %dma_wait3A_1784 : memref<1x!tpu.dma_semaphore, #tpu.memory_space<semaphore_mem>> -> memref<!tpu.dma_semaphore, #tpu.memory_space<semaphore_mem>>
    tpu.wait_indirect_dma semaphore(%dma_wait3A_1785 : memref<!tpu.dma_semaphore, #tpu.memory_space<semaphore_mem>>) src(%dma_wait3A_1783 : memref<1003520x64xf32, #tpu.memory_space<hbm>>) dst(%dma_wait3A_1777 : memref<128x64xf32, #tpu.memory_space<vmem>>)
    %dma_wait3A_1786 = arith.constant 8 : i32
    %dma_wait3A_1787 = arith.constant 1 : i32
    %dma_wait3A_1788 = arith.constant 0 : i32
    %dma_wait3A_1789 = arith.constant 0 : i32
    %dma_wait3A_1790 = arith.constant 128 : i32
    %dma_wait3A_1791 = arith.constant 0 : i32
    %dma_wait3A_1792 = tpu.memref_slice %arg7[%dma_wait3A_1788, %dma_wait3A_1790, %dma_wait3A_1791] : memref<2x640x64xf32, #tpu.memory_space<vmem>> -> memref<1x128x64xf32, #tpu.memory_space<vmem>>
    %dma_wait3A_1793 = tpu.memref_squeeze %dma_wait3A_1792 : memref<1x128x64xf32, #tpu.memory_space<vmem>> -> memref<128x64xf32, #tpu.memory_space<vmem>>
    %dma_wait3A_1794 = arith.constant 0 : i32
    %dma_wait3A_1795 = tpu.memref_slice %arg6[%dma_wait3A_1786, %dma_wait3A_1787, %dma_wait3A_1794] : memref<10x5x128xi32, #tpu.memory_space<vmem>> -> memref<1x1x128xi32, #tpu.memory_space<vmem>>
    %dma_wait3A_1796 = tpu.memref_squeeze %dma_wait3A_1795 : memref<1x1x128xi32, #tpu.memory_space<vmem>> -> memref<128xi32, #tpu.memory_space<vmem>>
    %dma_wait3A_1797 = arith.constant 0 : i32
    %dma_wait3A_1798 = arith.constant 0 : i32
    %dma_wait3A_1799 = tpu.memref_slice %arg3[%dma_wait3A_1797, %dma_wait3A_1798] : memref<1003520x64xf32, #tpu.memory_space<hbm>> -> memref<1003520x64xf32, #tpu.memory_space<hbm>>
    %dma_wait3A_1800 = tpu.memref_slice %arg9[%dma_wait3A_1789] : memref<2x!tpu.dma_semaphore, #tpu.memory_space<semaphore_mem>> -> memref<1x!tpu.dma_semaphore, #tpu.memory_space<semaphore_mem>>
    %dma_wait3A_1801 = tpu.memref_squeeze %dma_wait3A_1800 : memref<1x!tpu.dma_semaphore, #tpu.memory_space<semaphore_mem>> -> memref<!tpu.dma_semaphore, #tpu.memory_space<semaphore_mem>>
    tpu.wait_indirect_dma semaphore(%dma_wait3A_1801 : memref<!tpu.dma_semaphore, #tpu.memory_space<semaphore_mem>>) src(%dma_wait3A_1799 : memref<1003520x64xf32, #tpu.memory_space<hbm>>) dst(%dma_wait3A_1793 : memref<128x64xf32, #tpu.memory_space<vmem>>)
    %dma_wait3A_1802 = arith.constant 8 : i32
    %dma_wait3A_1803 = arith.constant 2 : i32
    %dma_wait3A_1804 = arith.constant 0 : i32
    %dma_wait3A_1805 = arith.constant 0 : i32
    %dma_wait3A_1806 = arith.constant 256 : i32
    %dma_wait3A_1807 = arith.constant 0 : i32
    %dma_wait3A_1808 = tpu.memref_slice %arg7[%dma_wait3A_1804, %dma_wait3A_1806, %dma_wait3A_1807] : memref<2x640x64xf32, #tpu.memory_space<vmem>> -> memref<1x128x64xf32, #tpu.memory_space<vmem>>
    %dma_wait3A_1809 = tpu.memref_squeeze %dma_wait3A_1808 : memref<1x128x64xf32, #tpu.memory_space<vmem>> -> memref<128x64xf32, #tpu.memory_space<vmem>>
    %dma_wait3A_1810 = arith.constant 0 : i32
    %dma_wait3A_1811 = tpu.memref_slice %arg6[%dma_wait3A_1802, %dma_wait3A_1803, %dma_wait3A_1810] : memref<10x5x128xi32, #tpu.memory_space<vmem>> -> memref<1x1x128xi32, #tpu.memory_space<vmem>>
    %dma_wait3A_1812 = tpu.memref_squeeze %dma_wait3A_1811 : memref<1x1x128xi32, #tpu.memory_space<vmem>> -> memref<128xi32, #tpu.memory_space<vmem>>
    %dma_wait3A_1813 = arith.constant 0 : i32
    %dma_wait3A_1814 = arith.constant 0 : i32
    %dma_wait3A_1815 = tpu.memref_slice %arg3[%dma_wait3A_1813, %dma_wait3A_1814] : memref<1003520x64xf32, #tpu.memory_space<hbm>> -> memref<1003520x64xf32, #tpu.memory_space<hbm>>
    %dma_wait3A_1816 = tpu.memref_slice %arg9[%dma_wait3A_1805] : memref<2x!tpu.dma_semaphore, #tpu.memory_space<semaphore_mem>> -> memref<1x!tpu.dma_semaphore, #tpu.memory_space<semaphore_mem>>
    %dma_wait3A_1817 = tpu.memref_squeeze %dma_wait3A_1816 : memref<1x!tpu.dma_semaphore, #tpu.memory_space<semaphore_mem>> -> memref<!tpu.dma_semaphore, #tpu.memory_space<semaphore_mem>>
    tpu.wait_indirect_dma semaphore(%dma_wait3A_1817 : memref<!tpu.dma_semaphore, #tpu.memory_space<semaphore_mem>>) src(%dma_wait3A_1815 : memref<1003520x64xf32, #tpu.memory_space<hbm>>) dst(%dma_wait3A_1809 : memref<128x64xf32, #tpu.memory_space<vmem>>)
    %dma_wait3A_1818 = arith.constant 8 : i32
    %dma_wait3A_1819 = arith.constant 3 : i32
    %dma_wait3A_1820 = arith.constant 0 : i32
    %dma_wait3A_1821 = arith.constant 0 : i32
    %dma_wait3A_1822 = arith.constant 384 : i32
    %dma_wait3A_1823 = arith.constant 0 : i32
    %dma_wait3A_1824 = tpu.memref_slice %arg7[%dma_wait3A_1820, %dma_wait3A_1822, %dma_wait3A_1823] : memref<2x640x64xf32, #tpu.memory_space<vmem>> -> memref<1x128x64xf32, #tpu.memory_space<vmem>>
    %dma_wait3A_1825 = tpu.memref_squeeze %dma_wait3A_1824 : memref<1x128x64xf32, #tpu.memory_space<vmem>> -> memref<128x64xf32, #tpu.memory_space<vmem>>
    %dma_wait3A_1826 = arith.constant 0 : i32
    %dma_wait3A_1827 = tpu.memref_slice %arg6[%dma_wait3A_1818, %dma_wait3A_1819, %dma_wait3A_1826] : memref<10x5x128xi32, #tpu.memory_space<vmem>> -> memref<1x1x128xi32, #tpu.memory_space<vmem>>
    %dma_wait3A_1828 = tpu.memref_squeeze %dma_wait3A_1827 : memref<1x1x128xi32, #tpu.memory_space<vmem>> -> memref<128xi32, #tpu.memory_space<vmem>>
    %dma_wait3A_1829 = arith.constant 0 : i32
    %dma_wait3A_1830 = arith.constant 0 : i32
    %dma_wait3A_1831 = tpu.memref_slice %arg3[%dma_wait3A_1829, %dma_wait3A_1830] : memref<1003520x64xf32, #tpu.memory_space<hbm>> -> memref<1003520x64xf32, #tpu.memory_space<hbm>>
    %dma_wait3A_1832 = tpu.memref_slice %arg9[%dma_wait3A_1821] : memref<2x!tpu.dma_semaphore, #tpu.memory_space<semaphore_mem>> -> memref<1x!tpu.dma_semaphore, #tpu.memory_space<semaphore_mem>>
    %dma_wait3A_1833 = tpu.memref_squeeze %dma_wait3A_1832 : memref<1x!tpu.dma_semaphore, #tpu.memory_space<semaphore_mem>> -> memref<!tpu.dma_semaphore, #tpu.memory_space<semaphore_mem>>
    tpu.wait_indirect_dma semaphore(%dma_wait3A_1833 : memref<!tpu.dma_semaphore, #tpu.memory_space<semaphore_mem>>) src(%dma_wait3A_1831 : memref<1003520x64xf32, #tpu.memory_space<hbm>>) dst(%dma_wait3A_1825 : memref<128x64xf32, #tpu.memory_space<vmem>>)
    %dma_wait3A_1834 = arith.constant 8 : i32
    %dma_wait3A_1835 = arith.constant 4 : i32
    %dma_wait3A_1836 = arith.constant 0 : i32
    %dma_wait3A_1837 = arith.constant 0 : i32
    %dma_wait3A_1838 = arith.constant 512 : i32
    %dma_wait3A_1839 = arith.constant 0 : i32
    %dma_wait3A_1840 = tpu.memref_slice %arg7[%dma_wait3A_1836, %dma_wait3A_1838, %dma_wait3A_1839] : memref<2x640x64xf32, #tpu.memory_space<vmem>> -> memref<1x128x64xf32, #tpu.memory_space<vmem>>
    %dma_wait3A_1841 = tpu.memref_squeeze %dma_wait3A_1840 : memref<1x128x64xf32, #tpu.memory_space<vmem>> -> memref<128x64xf32, #tpu.memory_space<vmem>>
    %dma_wait3A_1842 = arith.constant 0 : i32
    %dma_wait3A_1843 = tpu.memref_slice %arg6[%dma_wait3A_1834, %dma_wait3A_1835, %dma_wait3A_1842] : memref<10x5x128xi32, #tpu.memory_space<vmem>> -> memref<1x1x128xi32, #tpu.memory_space<vmem>>
    %dma_wait3A_1844 = tpu.memref_squeeze %dma_wait3A_1843 : memref<1x1x128xi32, #tpu.memory_space<vmem>> -> memref<128xi32, #tpu.memory_space<vmem>>
    %dma_wait3A_1845 = arith.constant 0 : i32
    %dma_wait3A_1846 = arith.constant 0 : i32
    %dma_wait3A_1847 = tpu.memref_slice %arg3[%dma_wait3A_1845, %dma_wait3A_1846] : memref<1003520x64xf32, #tpu.memory_space<hbm>> -> memref<1003520x64xf32, #tpu.memory_space<hbm>>
    %dma_wait3A_1848 = tpu.memref_slice %arg9[%dma_wait3A_1837] : memref<2x!tpu.dma_semaphore, #tpu.memory_space<semaphore_mem>> -> memref<1x!tpu.dma_semaphore, #tpu.memory_space<semaphore_mem>>
    %dma_wait3A_1849 = tpu.memref_squeeze %dma_wait3A_1848 : memref<1x!tpu.dma_semaphore, #tpu.memory_space<semaphore_mem>> -> memref<!tpu.dma_semaphore, #tpu.memory_space<semaphore_mem>>
    tpu.wait_indirect_dma semaphore(%dma_wait3A_1849 : memref<!tpu.dma_semaphore, #tpu.memory_space<semaphore_mem>>) src(%dma_wait3A_1847 : memref<1003520x64xf32, #tpu.memory_space<hbm>>) dst(%dma_wait3A_1841 : memref<128x64xf32, #tpu.memory_space<vmem>>)
    %scan3A_1850 = arith.constant 0 : i32
    %scan3A_1851 = arith.constant 0 : i32
    %scan3A_1852 = arith.constant 640 : i32
    %scan3A_1853 = arith.addi %scan3A_1851, %scan3A_1852 : i32
    %scan3A_1854 = arith.constant 1 : i32
    %scan3A_1855 = scf.for %scan3A_2012 = %scan3A_1851 to %scan3A_1853 step %scan3A_1854 iter_args(%scan3A_2013 = %scan3A_1850) -> (i32)  : i32 {
      %get3A_2014 = arith.constant 0 : i32
      %get3A_2015 = arith.index_cast %get3A_2014 : i32 to index
      %get3A_2016 = arith.index_cast %scan3A_2012 : i32 to index
      %get3A_2017 = arith.constant 0 : index
      %get3A_2018 = tpu.vector_load %arg7[%get3A_2015, %get3A_2016, %get3A_2017] {strides = array<i32>} : memref<2x640x64xf32, #tpu.memory_space<vmem>>, vector<1x1x16xf32>,
      %get3A_2019 = vector.shape_cast %get3A_2018 : vector<1x1x16xf32> to vector<16xf32>
      %mul3A_2020 = arith.mulf %get3A_2019, %get3A_4 : vector<16xf32>
      %swap3A = arith.constant 0 : i32
      %swap3A_2021 = arith.index_cast %swap3A : i32 to index
      %swap3A_2022 = arith.index_cast %scan3A_2012 : i32 to index
      %swap3A_2023 = arith.constant 0 : index
      %swap3A_2024 = tpu.vector_load %arg7[%swap3A_2021, %swap3A_2022, %swap3A_2023] {strides = array<i32>} : memref<2x640x64xf32, #tpu.memory_space<vmem>>, vector<1x1x16xf32>,
      %swap3A_2025 = vector.shape_cast %swap3A_2024 : vector<1x1x16xf32> to vector<16xf32>
      %swap3A_2026 = vector.shape_cast %mul3A_2020 : vector<16xf32> to vector<1x1x16xf32>
      tpu.vector_store %arg7[%swap3A_2021, %swap3A_2022, %swap3A_2023], %swap3A_2026 {strides = array<i32>} : memref<2x640x64xf32, #tpu.memory_space<vmem>>, vector<1x1x16xf32>,
      %get3A_2027 = arith.constant 0 : i32
      %get3A_2028 = arith.index_cast %get3A_2027 : i32 to index
      %get3A_2029 = arith.index_cast %scan3A_2012 : i32 to index
      %get3A_2030 = arith.constant 16 : index
      %get3A_2031 = tpu.vector_load %arg7[%get3A_2028, %get3A_2029, %get3A_2030] {strides = array<i32>} : memref<2x640x64xf32, #tpu.memory_space<vmem>>, vector<1x1x16xf32>,
      %get3A_2032 = vector.shape_cast %get3A_2031 : vector<1x1x16xf32> to vector<16xf32>
      %mul3A_2033 = arith.mulf %get3A_2032, %get3A_4 : vector<16xf32>
      %swap3A_2034 = arith.constant 0 : i32
      %swap3A_2035 = arith.index_cast %swap3A_2034 : i32 to index
      %swap3A_2036 = arith.index_cast %scan3A_2012 : i32 to index
      %swap3A_2037 = arith.constant 16 : index
      %swap3A_2038 = tpu.vector_load %arg7[%swap3A_2035, %swap3A_2036, %swap3A_2037] {strides = array<i32>} : memref<2x640x64xf32, #tpu.memory_space<vmem>>, vector<1x1x16xf32>,
      %swap3A_2039 = vector.shape_cast %swap3A_2038 : vector<1x1x16xf32> to vector<16xf32>
      %swap3A_2040 = vector.shape_cast %mul3A_2033 : vector<16xf32> to vector<1x1x16xf32>
      tpu.vector_store %arg7[%swap3A_2035, %swap3A_2036, %swap3A_2037], %swap3A_2040 {strides = array<i32>} : memref<2x640x64xf32, #tpu.memory_space<vmem>>, vector<1x1x16xf32>,
      %get3A_2041 = arith.constant 0 : i32
      %get3A_2042 = arith.index_cast %get3A_2041 : i32 to index
      %get3A_2043 = arith.index_cast %scan3A_2012 : i32 to index
      %get3A_2044 = arith.constant 32 : index
      %get3A_2045 = tpu.vector_load %arg7[%get3A_2042, %get3A_2043, %get3A_2044] {strides = array<i32>} : memref<2x640x64xf32, #tpu.memory_space<vmem>>, vector<1x1x16xf32>,
      %get3A_2046 = vector.shape_cast %get3A_2045 : vector<1x1x16xf32> to vector<16xf32>
      %mul3A_2047 = arith.mulf %get3A_2046, %get3A_4 : vector<16xf32>
      %swap3A_2048 = arith.constant 0 : i32
      %swap3A_2049 = arith.index_cast %swap3A_2048 : i32 to index
      %swap3A_2050 = arith.index_cast %scan3A_2012 : i32 to index
      %swap3A_2051 = arith.constant 32 : index
      %swap3A_2052 = tpu.vector_load %arg7[%swap3A_2049, %swap3A_2050, %swap3A_2051] {strides = array<i32>} : memref<2x640x64xf32, #tpu.memory_space<vmem>>, vector<1x1x16xf32>,
      %swap3A_2053 = vector.shape_cast %swap3A_2052 : vector<1x1x16xf32> to vector<16xf32>
      %swap3A_2054 = vector.shape_cast %mul3A_2047 : vector<16xf32> to vector<1x1x16xf32>
      tpu.vector_store %arg7[%swap3A_2049, %swap3A_2050, %swap3A_2051], %swap3A_2054 {strides = array<i32>} : memref<2x640x64xf32, #tpu.memory_space<vmem>>, vector<1x1x16xf32>,
      %get3A_2055 = arith.constant 0 : i32
      %get3A_2056 = arith.index_cast %get3A_2055 : i32 to index
      %get3A_2057 = arith.index_cast %scan3A_2012 : i32 to index
      %get3A_2058 = arith.constant 48 : index
      %get3A_2059 = tpu.vector_load %arg7[%get3A_2056, %get3A_2057, %get3A_2058] {strides = array<i32>} : memref<2x640x64xf32, #tpu.memory_space<vmem>>, vector<1x1x16xf32>,
      %get3A_2060 = vector.shape_cast %get3A_2059 : vector<1x1x16xf32> to vector<16xf32>
      %mul3A_2061 = arith.mulf %get3A_2060, %get3A_4 : vector<16xf32>
      %swap3A_2062 = arith.constant 0 : i32
      %swap3A_2063 = arith.index_cast %swap3A_2062 : i32 to index
      %swap3A_2064 = arith.index_cast %scan3A_2012 : i32 to index
      %swap3A_2065 = arith.constant 48 : index
      %swap3A_2066 = tpu.vector_load %arg7[%swap3A_2063, %swap3A_2064, %swap3A_2065] {strides = array<i32>} : memref<2x640x64xf32, #tpu.memory_space<vmem>>, vector<1x1x16xf32>,
      %swap3A_2067 = vector.shape_cast %swap3A_2066 : vector<1x1x16xf32> to vector<16xf32>
      %swap3A_2068 = vector.shape_cast %mul3A_2061 : vector<16xf32> to vector<1x1x16xf32>
      tpu.vector_store %arg7[%swap3A_2063, %swap3A_2064, %swap3A_2065], %swap3A_2068 {strides = array<i32>} : memref<2x640x64xf32, #tpu.memory_space<vmem>>, vector<1x1x16xf32>,
      %scan3A_2069 = arith.constant 0 : i32
      scf.yield %scan3A_2069 : i32
    }
    %scan3A_1856 = arith.constant 640 : i32
    %add3A_1857 = arith.constant 5120 : i32
    %add3A_1858 = arith.addi %mul3A_2, %add3A_1857 : i32
    %dma_start3A_1859 = arith.constant 0 : i32
    %dma_start3A_1860 = arith.constant 0 : i32
    %dma_start3A_1861 = arith.constant 0 : i32
    %dma_start3A_1862 = arith.constant 0 : i32
    %dma_start3A_1863 = tpu.memref_slice %arg7[%dma_start3A_1859, %dma_start3A_1861, %dma_start3A_1862] : memref<2x640x64xf32, #tpu.memory_space<vmem>> -> memref<1x640x64xf32, #tpu.memory_space<vmem>>
    %dma_start3A_1864 = tpu.memref_squeeze %dma_start3A_1863 : memref<1x640x64xf32, #tpu.memory_space<vmem>> -> memref<640x64xf32, #tpu.memory_space<vmem>>
    %dma_start3A_1865 = arith.constant 0 : i32
    %dma_start3A_1866 = tpu.memref_slice %arg5[%add3A_1858, %dma_start3A_1865] : memref<204800x64xf32, #tpu.memory_space<hbm>> -> memref<640x64xf32, #tpu.memory_space<hbm>>
    %dma_start3A_1867 = tpu.memref_slice %arg10[%dma_start3A_1860] : memref<2x!tpu.dma_semaphore, #tpu.memory_space<semaphore_mem>> -> memref<1x!tpu.dma_semaphore, #tpu.memory_space<semaphore_mem>>
    %dma_start3A_1868 = tpu.memref_squeeze %dma_start3A_1867 : memref<1x!tpu.dma_semaphore, #tpu.memory_space<semaphore_mem>> -> memref<!tpu.dma_semaphore, #tpu.memory_space<semaphore_mem>>
    %dma_start3A_1869 = arith.constant 0 : i32
    %dma_start3A_1870 = tpu.memref_slice %arg5[%add3A_1858, %dma_start3A_1869] : memref<204800x64xf32, #tpu.memory_space<hbm>> -> memref<640x64xf32, #tpu.memory_space<hbm>>
    %dma_start3A_1871 = arith.constant 0 : i32
    %dma_start3A_1872 = arith.constant 0 : i32
    %dma_start3A_1873 = tpu.memref_slice %arg7[%dma_start3A_1859, %dma_start3A_1871, %dma_start3A_1872] : memref<2x640x64xf32, #tpu.memory_space<vmem>> -> memref<1x640x64xf32, #tpu.memory_space<vmem>>
    %dma_start3A_1874 = tpu.memref_squeeze %dma_start3A_1873 : memref<1x640x64xf32, #tpu.memory_space<vmem>> -> memref<640x64xf32, #tpu.memory_space<vmem>>
    tpu.enqueue_dma source(%dma_start3A_1874 : memref<640x64xf32, #tpu.memory_space<vmem>>) target(%dma_start3A_1870 : memref<640x64xf32, #tpu.memory_space<hbm>>) target_semaphore(%dma_start3A_1868 : memref<!tpu.dma_semaphore, #tpu.memory_space<semaphore_mem>>)
    %dma_wait3A_1875 = arith.constant 9 : i32
    %dma_wait3A_1876 = arith.constant 0 : i32
    %dma_wait3A_1877 = arith.constant 1 : i32
    %dma_wait3A_1878 = arith.constant 1 : i32
    %dma_wait3A_1879 = arith.constant 0 : i32
    %dma_wait3A_1880 = arith.constant 0 : i32
    %dma_wait3A_1881 = tpu.memref_slice %arg7[%dma_wait3A_1877, %dma_wait3A_1879, %dma_wait3A_1880] : memref<2x640x64xf32, #tpu.memory_space<vmem>> -> memref<1x128x64xf32, #tpu.memory_space<vmem>>
    %dma_wait3A_1882 = tpu.memref_squeeze %dma_wait3A_1881 : memref<1x128x64xf32, #tpu.memory_space<vmem>> -> memref<128x64xf32, #tpu.memory_space<vmem>>
    %dma_wait3A_1883 = arith.constant 0 : i32
    %dma_wait3A_1884 = tpu.memref_slice %arg6[%dma_wait3A_1875, %dma_wait3A_1876, %dma_wait3A_1883] : memref<10x5x128xi32, #tpu.memory_space<vmem>> -> memref<1x1x128xi32, #tpu.memory_space<vmem>>
    %dma_wait3A_1885 = tpu.memref_squeeze %dma_wait3A_1884 : memref<1x1x128xi32, #tpu.memory_space<vmem>> -> memref<128xi32, #tpu.memory_space<vmem>>
    %dma_wait3A_1886 = arith.constant 0 : i32
    %dma_wait3A_1887 = arith.constant 0 : i32
    %dma_wait3A_1888 = tpu.memref_slice %arg3[%dma_wait3A_1886, %dma_wait3A_1887] : memref<1003520x64xf32, #tpu.memory_space<hbm>> -> memref<1003520x64xf32, #tpu.memory_space<hbm>>
    %dma_wait3A_1889 = tpu.memref_slice %arg9[%dma_wait3A_1878] : memref<2x!tpu.dma_semaphore, #tpu.memory_space<semaphore_mem>> -> memref<1x!tpu.dma_semaphore, #tpu.memory_space<semaphore_mem>>
    %dma_wait3A_1890 = tpu.memref_squeeze %dma_wait3A_1889 : memref<1x!tpu.dma_semaphore, #tpu.memory_space<semaphore_mem>> -> memref<!tpu.dma_semaphore, #tpu.memory_space<semaphore_mem>>
    tpu.wait_indirect_dma semaphore(%dma_wait3A_1890 : memref<!tpu.dma_semaphore, #tpu.memory_space<semaphore_mem>>) src(%dma_wait3A_1888 : memref<1003520x64xf32, #tpu.memory_space<hbm>>) dst(%dma_wait3A_1882 : memref<128x64xf32, #tpu.memory_space<vmem>>)
    %dma_wait3A_1891 = arith.constant 9 : i32
    %dma_wait3A_1892 = arith.constant 1 : i32
    %dma_wait3A_1893 = arith.constant 1 : i32
    %dma_wait3A_1894 = arith.constant 1 : i32
    %dma_wait3A_1895 = arith.constant 128 : i32
    %dma_wait3A_1896 = arith.constant 0 : i32
    %dma_wait3A_1897 = tpu.memref_slice %arg7[%dma_wait3A_1893, %dma_wait3A_1895, %dma_wait3A_1896] : memref<2x640x64xf32, #tpu.memory_space<vmem>> -> memref<1x128x64xf32, #tpu.memory_space<vmem>>
    %dma_wait3A_1898 = tpu.memref_squeeze %dma_wait3A_1897 : memref<1x128x64xf32, #tpu.memory_space<vmem>> -> memref<128x64xf32, #tpu.memory_space<vmem>>
    %dma_wait3A_1899 = arith.constant 0 : i32
    %dma_wait3A_1900 = tpu.memref_slice %arg6[%dma_wait3A_1891, %dma_wait3A_1892, %dma_wait3A_1899] : memref<10x5x128xi32, #tpu.memory_space<vmem>> -> memref<1x1x128xi32, #tpu.memory_space<vmem>>
    %dma_wait3A_1901 = tpu.memref_squeeze %dma_wait3A_1900 : memref<1x1x128xi32, #tpu.memory_space<vmem>> -> memref<128xi32, #tpu.memory_space<vmem>>
    %dma_wait3A_1902 = arith.constant 0 : i32
    %dma_wait3A_1903 = arith.constant 0 : i32
    %dma_wait3A_1904 = tpu.memref_slice %arg3[%dma_wait3A_1902, %dma_wait3A_1903] : memref<1003520x64xf32, #tpu.memory_space<hbm>> -> memref<1003520x64xf32, #tpu.memory_space<hbm>>
    %dma_wait3A_1905 = tpu.memref_slice %arg9[%dma_wait3A_1894] : memref<2x!tpu.dma_semaphore, #tpu.memory_space<semaphore_mem>> -> memref<1x!tpu.dma_semaphore, #tpu.memory_space<semaphore_mem>>
    %dma_wait3A_1906 = tpu.memref_squeeze %dma_wait3A_1905 : memref<1x!tpu.dma_semaphore, #tpu.memory_space<semaphore_mem>> -> memref<!tpu.dma_semaphore, #tpu.memory_space<semaphore_mem>>
    tpu.wait_indirect_dma semaphore(%dma_wait3A_1906 : memref<!tpu.dma_semaphore, #tpu.memory_space<semaphore_mem>>) src(%dma_wait3A_1904 : memref<1003520x64xf32, #tpu.memory_space<hbm>>) dst(%dma_wait3A_1898 : memref<128x64xf32, #tpu.memory_space<vmem>>)
    %dma_wait3A_1907 = arith.constant 9 : i32
    %dma_wait3A_1908 = arith.constant 2 : i32
    %dma_wait3A_1909 = arith.constant 1 : i32
    %dma_wait3A_1910 = arith.constant 1 : i32
    %dma_wait3A_1911 = arith.constant 256 : i32
    %dma_wait3A_1912 = arith.constant 0 : i32
    %dma_wait3A_1913 = tpu.memref_slice %arg7[%dma_wait3A_1909, %dma_wait3A_1911, %dma_wait3A_1912] : memref<2x640x64xf32, #tpu.memory_space<vmem>> -> memref<1x128x64xf32, #tpu.memory_space<vmem>>
    %dma_wait3A_1914 = tpu.memref_squeeze %dma_wait3A_1913 : memref<1x128x64xf32, #tpu.memory_space<vmem>> -> memref<128x64xf32, #tpu.memory_space<vmem>>
    %dma_wait3A_1915 = arith.constant 0 : i32
    %dma_wait3A_1916 = tpu.memref_slice %arg6[%dma_wait3A_1907, %dma_wait3A_1908, %dma_wait3A_1915] : memref<10x5x128xi32, #tpu.memory_space<vmem>> -> memref<1x1x128xi32, #tpu.memory_space<vmem>>
    %dma_wait3A_1917 = tpu.memref_squeeze %dma_wait3A_1916 : memref<1x1x128xi32, #tpu.memory_space<vmem>> -> memref<128xi32, #tpu.memory_space<vmem>>
    %dma_wait3A_1918 = arith.constant 0 : i32
    %dma_wait3A_1919 = arith.constant 0 : i32
    %dma_wait3A_1920 = tpu.memref_slice %arg3[%dma_wait3A_1918, %dma_wait3A_1919] : memref<1003520x64xf32, #tpu.memory_space<hbm>> -> memref<1003520x64xf32, #tpu.memory_space<hbm>>
    %dma_wait3A_1921 = tpu.memref_slice %arg9[%dma_wait3A_1910] : memref<2x!tpu.dma_semaphore, #tpu.memory_space<semaphore_mem>> -> memref<1x!tpu.dma_semaphore, #tpu.memory_space<semaphore_mem>>
    %dma_wait3A_1922 = tpu.memref_squeeze %dma_wait3A_1921 : memref<1x!tpu.dma_semaphore, #tpu.memory_space<semaphore_mem>> -> memref<!tpu.dma_semaphore, #tpu.memory_space<semaphore_mem>>
    tpu.wait_indirect_dma semaphore(%dma_wait3A_1922 : memref<!tpu.dma_semaphore, #tpu.memory_space<semaphore_mem>>) src(%dma_wait3A_1920 : memref<1003520x64xf32, #tpu.memory_space<hbm>>) dst(%dma_wait3A_1914 : memref<128x64xf32, #tpu.memory_space<vmem>>)
    %dma_wait3A_1923 = arith.constant 9 : i32
    %dma_wait3A_1924 = arith.constant 3 : i32
    %dma_wait3A_1925 = arith.constant 1 : i32
    %dma_wait3A_1926 = arith.constant 1 : i32
    %dma_wait3A_1927 = arith.constant 384 : i32
    %dma_wait3A_1928 = arith.constant 0 : i32
    %dma_wait3A_1929 = tpu.memref_slice %arg7[%dma_wait3A_1925, %dma_wait3A_1927, %dma_wait3A_1928] : memref<2x640x64xf32, #tpu.memory_space<vmem>> -> memref<1x128x64xf32, #tpu.memory_space<vmem>>
    %dma_wait3A_1930 = tpu.memref_squeeze %dma_wait3A_1929 : memref<1x128x64xf32, #tpu.memory_space<vmem>> -> memref<128x64xf32, #tpu.memory_space<vmem>>
    %dma_wait3A_1931 = arith.constant 0 : i32
    %dma_wait3A_1932 = tpu.memref_slice %arg6[%dma_wait3A_1923, %dma_wait3A_1924, %dma_wait3A_1931] : memref<10x5x128xi32, #tpu.memory_space<vmem>> -> memref<1x1x128xi32, #tpu.memory_space<vmem>>
    %dma_wait3A_1933 = tpu.memref_squeeze %dma_wait3A_1932 : memref<1x1x128xi32, #tpu.memory_space<vmem>> -> memref<128xi32, #tpu.memory_space<vmem>>
    %dma_wait3A_1934 = arith.constant 0 : i32
    %dma_wait3A_1935 = arith.constant 0 : i32
    %dma_wait3A_1936 = tpu.memref_slice %arg3[%dma_wait3A_1934, %dma_wait3A_1935] : memref<1003520x64xf32, #tpu.memory_space<hbm>> -> memref<1003520x64xf32, #tpu.memory_space<hbm>>
    %dma_wait3A_1937 = tpu.memref_slice %arg9[%dma_wait3A_1926] : memref<2x!tpu.dma_semaphore, #tpu.memory_space<semaphore_mem>> -> memref<1x!tpu.dma_semaphore, #tpu.memory_space<semaphore_mem>>
    %dma_wait3A_1938 = tpu.memref_squeeze %dma_wait3A_1937 : memref<1x!tpu.dma_semaphore, #tpu.memory_space<semaphore_mem>> -> memref<!tpu.dma_semaphore, #tpu.memory_space<semaphore_mem>>
    tpu.wait_indirect_dma semaphore(%dma_wait3A_1938 : memref<!tpu.dma_semaphore, #tpu.memory_space<semaphore_mem>>) src(%dma_wait3A_1936 : memref<1003520x64xf32, #tpu.memory_space<hbm>>) dst(%dma_wait3A_1930 : memref<128x64xf32, #tpu.memory_space<vmem>>)
    %dma_wait3A_1939 = arith.constant 9 : i32
    %dma_wait3A_1940 = arith.constant 4 : i32
    %dma_wait3A_1941 = arith.constant 1 : i32
    %dma_wait3A_1942 = arith.constant 1 : i32
    %dma_wait3A_1943 = arith.constant 512 : i32
    %dma_wait3A_1944 = arith.constant 0 : i32
    %dma_wait3A_1945 = tpu.memref_slice %arg7[%dma_wait3A_1941, %dma_wait3A_1943, %dma_wait3A_1944] : memref<2x640x64xf32, #tpu.memory_space<vmem>> -> memref<1x128x64xf32, #tpu.memory_space<vmem>>
    %dma_wait3A_1946 = tpu.memref_squeeze %dma_wait3A_1945 : memref<1x128x64xf32, #tpu.memory_space<vmem>> -> memref<128x64xf32, #tpu.memory_space<vmem>>
    %dma_wait3A_1947 = arith.constant 0 : i32
    %dma_wait3A_1948 = tpu.memref_slice %arg6[%dma_wait3A_1939, %dma_wait3A_1940, %dma_wait3A_1947] : memref<10x5x128xi32, #tpu.memory_space<vmem>> -> memref<1x1x128xi32, #tpu.memory_space<vmem>>
    %dma_wait3A_1949 = tpu.memref_squeeze %dma_wait3A_1948 : memref<1x1x128xi32, #tpu.memory_space<vmem>> -> memref<128xi32, #tpu.memory_space<vmem>>
    %dma_wait3A_1950 = arith.constant 0 : i32
    %dma_wait3A_1951 = arith.constant 0 : i32
    %dma_wait3A_1952 = tpu.memref_slice %arg3[%dma_wait3A_1950, %dma_wait3A_1951] : memref<1003520x64xf32, #tpu.memory_space<hbm>> -> memref<1003520x64xf32, #tpu.memory_space<hbm>>
    %dma_wait3A_1953 = tpu.memref_slice %arg9[%dma_wait3A_1942] : memref<2x!tpu.dma_semaphore, #tpu.memory_space<semaphore_mem>> -> memref<1x!tpu.dma_semaphore, #tpu.memory_space<semaphore_mem>>
    %dma_wait3A_1954 = tpu.memref_squeeze %dma_wait3A_1953 : memref<1x!tpu.dma_semaphore, #tpu.memory_space<semaphore_mem>> -> memref<!tpu.dma_semaphore, #tpu.memory_space<semaphore_mem>>
    tpu.wait_indirect_dma semaphore(%dma_wait3A_1954 : memref<!tpu.dma_semaphore, #tpu.memory_space<semaphore_mem>>) src(%dma_wait3A_1952 : memref<1003520x64xf32, #tpu.memory_space<hbm>>) dst(%dma_wait3A_1946 : memref<128x64xf32, #tpu.memory_space<vmem>>)
    %scan3A_1955 = arith.constant 0 : i32
    %scan3A_1956 = arith.constant 0 : i32
    %scan3A_1957 = arith.constant 640 : i32
    %scan3A_1958 = arith.addi %scan3A_1956, %scan3A_1957 : i32
    %scan3A_1959 = arith.constant 1 : i32
    %scan3A_1960 = scf.for %scan3A_2012 = %scan3A_1956 to %scan3A_1958 step %scan3A_1959 iter_args(%scan3A_2013 = %scan3A_1955) -> (i32)  : i32 {
      %get3A_2014 = arith.constant 1 : i32
      %get3A_2015 = arith.index_cast %get3A_2014 : i32 to index
      %get3A_2016 = arith.index_cast %scan3A_2012 : i32 to index
      %get3A_2017 = arith.constant 0 : index
      %get3A_2018 = tpu.vector_load %arg7[%get3A_2015, %get3A_2016, %get3A_2017] {strides = array<i32>} : memref<2x640x64xf32, #tpu.memory_space<vmem>>, vector<1x1x16xf32>,
      %get3A_2019 = vector.shape_cast %get3A_2018 : vector<1x1x16xf32> to vector<16xf32>
      %mul3A_2020 = arith.mulf %get3A_2019, %get3A_4 : vector<16xf32>
      %swap3A = arith.constant 1 : i32
      %swap3A_2021 = arith.index_cast %swap3A : i32 to index
      %swap3A_2022 = arith.index_cast %scan3A_2012 : i32 to index
      %swap3A_2023 = arith.constant 0 : index
      %swap3A_2024 = tpu.vector_load %arg7[%swap3A_2021, %swap3A_2022, %swap3A_2023] {strides = array<i32>} : memref<2x640x64xf32, #tpu.memory_space<vmem>>, vector<1x1x16xf32>,
      %swap3A_2025 = vector.shape_cast %swap3A_2024 : vector<1x1x16xf32> to vector<16xf32>
      %swap3A_2026 = vector.shape_cast %mul3A_2020 : vector<16xf32> to vector<1x1x16xf32>
      tpu.vector_store %arg7[%swap3A_2021, %swap3A_2022, %swap3A_2023], %swap3A_2026 {strides = array<i32>} : memref<2x640x64xf32, #tpu.memory_space<vmem>>, vector<1x1x16xf32>,
      %get3A_2027 = arith.constant 1 : i32
      %get3A_2028 = arith.index_cast %get3A_2027 : i32 to index
      %get3A_2029 = arith.index_cast %scan3A_2012 : i32 to index
      %get3A_2030 = arith.constant 16 : index
      %get3A_2031 = tpu.vector_load %arg7[%get3A_2028, %get3A_2029, %get3A_2030] {strides = array<i32>} : memref<2x640x64xf32, #tpu.memory_space<vmem>>, vector<1x1x16xf32>,
      %get3A_2032 = vector.shape_cast %get3A_2031 : vector<1x1x16xf32> to vector<16xf32>
      %mul3A_2033 = arith.mulf %get3A_2032, %get3A_4 : vector<16xf32>
      %swap3A_2034 = arith.constant 1 : i32
      %swap3A_2035 = arith.index_cast %swap3A_2034 : i32 to index
      %swap3A_2036 = arith.index_cast %scan3A_2012 : i32 to index
      %swap3A_2037 = arith.constant 16 : index
      %swap3A_2038 = tpu.vector_load %arg7[%swap3A_2035, %swap3A_2036, %swap3A_2037] {strides = array<i32>} : memref<2x640x64xf32, #tpu.memory_space<vmem>>, vector<1x1x16xf32>,
      %swap3A_2039 = vector.shape_cast %swap3A_2038 : vector<1x1x16xf32> to vector<16xf32>
      %swap3A_2040 = vector.shape_cast %mul3A_2033 : vector<16xf32> to vector<1x1x16xf32>
      tpu.vector_store %arg7[%swap3A_2035, %swap3A_2036, %swap3A_2037], %swap3A_2040 {strides = array<i32>} : memref<2x640x64xf32, #tpu.memory_space<vmem>>, vector<1x1x16xf32>,
      %get3A_2041 = arith.constant 1 : i32
      %get3A_2042 = arith.index_cast %get3A_2041 : i32 to index
      %get3A_2043 = arith.index_cast %scan3A_2012 : i32 to index
      %get3A_2044 = arith.constant 32 : index
      %get3A_2045 = tpu.vector_load %arg7[%get3A_2042, %get3A_2043, %get3A_2044] {strides = array<i32>} : memref<2x640x64xf32, #tpu.memory_space<vmem>>, vector<1x1x16xf32>,
      %get3A_2046 = vector.shape_cast %get3A_2045 : vector<1x1x16xf32> to vector<16xf32>
      %mul3A_2047 = arith.mulf %get3A_2046, %get3A_4 : vector<16xf32>
      %swap3A_2048 = arith.constant 1 : i32
      %swap3A_2049 = arith.index_cast %swap3A_2048 : i32 to index
      %swap3A_2050 = arith.index_cast %scan3A_2012 : i32 to index
      %swap3A_2051 = arith.constant 32 : index
      %swap3A_2052 = tpu.vector_load %arg7[%swap3A_2049, %swap3A_2050, %swap3A_2051] {strides = array<i32>} : memref<2x640x64xf32, #tpu.memory_space<vmem>>, vector<1x1x16xf32>,
      %swap3A_2053 = vector.shape_cast %swap3A_2052 : vector<1x1x16xf32> to vector<16xf32>
      %swap3A_2054 = vector.shape_cast %mul3A_2047 : vector<16xf32> to vector<1x1x16xf32>
      tpu.vector_store %arg7[%swap3A_2049, %swap3A_2050, %swap3A_2051], %swap3A_2054 {strides = array<i32>} : memref<2x640x64xf32, #tpu.memory_space<vmem>>, vector<1x1x16xf32>,
      %get3A_2055 = arith.constant 1 : i32
      %get3A_2056 = arith.index_cast %get3A_2055 : i32 to index
      %get3A_2057 = arith.index_cast %scan3A_2012 : i32 to index
      %get3A_2058 = arith.constant 48 : index
      %get3A_2059 = tpu.vector_load %arg7[%get3A_2056, %get3A_2057, %get3A_2058] {strides = array<i32>} : memref<2x640x64xf32, #tpu.memory_space<vmem>>, vector<1x1x16xf32>,
      %get3A_2060 = vector.shape_cast %get3A_2059 : vector<1x1x16xf32> to vector<16xf32>
      %mul3A_2061 = arith.mulf %get3A_2060, %get3A_4 : vector<16xf32>
      %swap3A_2062 = arith.constant 1 : i32
      %swap3A_2063 = arith.index_cast %swap3A_2062 : i32 to index
      %swap3A_2064 = arith.index_cast %scan3A_2012 : i32 to index
      %swap3A_2065 = arith.constant 48 : index
      %swap3A_2066 = tpu.vector_load %arg7[%swap3A_2063, %swap3A_2064, %swap3A_2065] {strides = array<i32>} : memref<2x640x64xf32, #tpu.memory_space<vmem>>, vector<1x1x16xf32>,
      %swap3A_2067 = vector.shape_cast %swap3A_2066 : vector<1x1x16xf32> to vector<16xf32>
      %swap3A_2068 = vector.shape_cast %mul3A_2061 : vector<16xf32> to vector<1x1x16xf32>
      tpu.vector_store %arg7[%swap3A_2063, %swap3A_2064, %swap3A_2065], %swap3A_2068 {strides = array<i32>} : memref<2x640x64xf32, #tpu.memory_space<vmem>>, vector<1x1x16xf32>,
      %scan3A_2069 = arith.constant 0 : i32
      scf.yield %scan3A_2069 : i32
    }
    %scan3A_1961 = arith.constant 640 : i32
    %add3A_1962 = arith.constant 5760 : i32
    %add3A_1963 = arith.addi %mul3A_2, %add3A_1962 : i32
    %dma_start3A_1964 = arith.constant 1 : i32
    %dma_start3A_1965 = arith.constant 1 : i32
    %dma_start3A_1966 = arith.constant 0 : i32
    %dma_start3A_1967 = arith.constant 0 : i32
    %dma_start3A_1968 = tpu.memref_slice %arg7[%dma_start3A_1964, %dma_start3A_1966, %dma_start3A_1967] : memref<2x640x64xf32, #tpu.memory_space<vmem>> -> memref<1x640x64xf32, #tpu.memory_space<vmem>>
    %dma_start3A_1969 = tpu.memref_squeeze %dma_start3A_1968 : memref<1x640x64xf32, #tpu.memory_space<vmem>> -> memref<640x64xf32, #tpu.memory_space<vmem>>
    %dma_start3A_1970 = arith.constant 0 : i32
    %dma_start3A_1971 = tpu.memref_slice %arg5[%add3A_1963, %dma_start3A_1970] : memref<204800x64xf32, #tpu.memory_space<hbm>> -> memref<640x64xf32, #tpu.memory_space<hbm>>
    %dma_start3A_1972 = tpu.memref_slice %arg10[%dma_start3A_1965] : memref<2x!tpu.dma_semaphore, #tpu.memory_space<semaphore_mem>> -> memref<1x!tpu.dma_semaphore, #tpu.memory_space<semaphore_mem>>
    %dma_start3A_1973 = tpu.memref_squeeze %dma_start3A_1972 : memref<1x!tpu.dma_semaphore, #tpu.memory_space<semaphore_mem>> -> memref<!tpu.dma_semaphore, #tpu.memory_space<semaphore_mem>>
    %dma_start3A_1974 = arith.constant 0 : i32
    %dma_start3A_1975 = tpu.memref_slice %arg5[%add3A_1963, %dma_start3A_1974] : memref<204800x64xf32, #tpu.memory_space<hbm>> -> memref<640x64xf32, #tpu.memory_space<hbm>>
    %dma_start3A_1976 = arith.constant 0 : i32
    %dma_start3A_1977 = arith.constant 0 : i32
    %dma_start3A_1978 = tpu.memref_slice %arg7[%dma_start3A_1964, %dma_start3A_1976, %dma_start3A_1977] : memref<2x640x64xf32, #tpu.memory_space<vmem>> -> memref<1x640x64xf32, #tpu.memory_space<vmem>>
    %dma_start3A_1979 = tpu.memref_squeeze %dma_start3A_1978 : memref<1x640x64xf32, #tpu.memory_space<vmem>> -> memref<640x64xf32, #tpu.memory_space<vmem>>
    tpu.enqueue_dma source(%dma_start3A_1979 : memref<640x64xf32, #tpu.memory_space<vmem>>) target(%dma_start3A_1975 : memref<640x64xf32, #tpu.memory_space<hbm>>) target_semaphore(%dma_start3A_1973 : memref<!tpu.dma_semaphore, #tpu.memory_space<semaphore_mem>>)
    %dma_wait3A_1980 = arith.constant 0 : i32
    %dma_wait3A_1981 = arith.constant 0 : i32
    %dma_wait3A_1982 = arith.constant 0 : i32
    %dma_wait3A_1983 = arith.constant 0 : i32
    %dma_wait3A_1984 = tpu.memref_slice %arg7[%dma_wait3A_1980, %dma_wait3A_1982, %dma_wait3A_1983] : memref<2x640x64xf32, #tpu.memory_space<vmem>> -> memref<1x640x64xf32, #tpu.memory_space<vmem>>
    %dma_wait3A_1985 = tpu.memref_squeeze %dma_wait3A_1984 : memref<1x640x64xf32, #tpu.memory_space<vmem>> -> memref<640x64xf32, #tpu.memory_space<vmem>>
    %dma_wait3A_1986 = arith.constant 0 : i32
    %dma_wait3A_1987 = tpu.memref_slice %arg5[%add3A_1858, %dma_wait3A_1986] : memref<204800x64xf32, #tpu.memory_space<hbm>> -> memref<640x64xf32, #tpu.memory_space<hbm>>
    %dma_wait3A_1988 = tpu.memref_slice %arg10[%dma_wait3A_1981] : memref<2x!tpu.dma_semaphore, #tpu.memory_space<semaphore_mem>> -> memref<1x!tpu.dma_semaphore, #tpu.memory_space<semaphore_mem>>
    %dma_wait3A_1989 = tpu.memref_squeeze %dma_wait3A_1988 : memref<1x!tpu.dma_semaphore, #tpu.memory_space<semaphore_mem>> -> memref<!tpu.dma_semaphore, #tpu.memory_space<semaphore_mem>>
    %dma_wait3A_1990 = arith.constant 0 : i32
    %dma_wait3A_1991 = tpu.memref_slice %arg5[%add3A_1858, %dma_wait3A_1990] : memref<204800x64xf32, #tpu.memory_space<hbm>> -> memref<640x64xf32, #tpu.memory_space<hbm>>
    %dma_wait3A_1992 = arith.constant 0 : i32
    %dma_wait3A_1993 = arith.constant 0 : i32
    %dma_wait3A_1994 = tpu.memref_slice %arg7[%dma_wait3A_1980, %dma_wait3A_1992, %dma_wait3A_1993] : memref<2x640x64xf32, #tpu.memory_space<vmem>> -> memref<1x640x64xf32, #tpu.memory_space<vmem>>
    %dma_wait3A_1995 = tpu.memref_squeeze %dma_wait3A_1994 : memref<1x640x64xf32, #tpu.memory_space<vmem>> -> memref<640x64xf32, #tpu.memory_space<vmem>>
    tpu.wait_dma2 semaphore(%dma_wait3A_1989 : memref<!tpu.dma_semaphore, #tpu.memory_space<semaphore_mem>>) src(%dma_wait3A_1995 : memref<640x64xf32, #tpu.memory_space<vmem>>) dst(%dma_wait3A_1991 : memref<640x64xf32, #tpu.memory_space<hbm>>)
    %dma_wait3A_1996 = arith.constant 1 : i32
    %dma_wait3A_1997 = arith.constant 1 : i32
    %dma_wait3A_1998 = arith.constant 0 : i32
    %dma_wait3A_1999 = arith.constant 0 : i32
    %dma_wait3A_2000 = tpu.memref_slice %arg7[%dma_wait3A_1996, %dma_wait3A_1998, %dma_wait3A_1999] : memref<2x640x64xf32, #tpu.memory_space<vmem>> -> memref<1x640x64xf32, #tpu.memory_space<vmem>>
    %dma_wait3A_2001 = tpu.memref_squeeze %dma_wait3A_2000 : memref<1x640x64xf32, #tpu.memory_space<vmem>> -> memref<640x64xf32, #tpu.memory_space<vmem>>
    %dma_wait3A_2002 = arith.constant 0 : i32
    %dma_wait3A_2003 = tpu.memref_slice %arg5[%add3A_1963, %dma_wait3A_2002] : memref<204800x64xf32, #tpu.memory_space<hbm>> -> memref<640x64xf32, #tpu.memory_space<hbm>>
    %dma_wait3A_2004 = tpu.memref_slice %arg10[%dma_wait3A_1997] : memref<2x!tpu.dma_semaphore, #tpu.memory_space<semaphore_mem>> -> memref<1x!tpu.dma_semaphore, #tpu.memory_space<semaphore_mem>>
    %dma_wait3A_2005 = tpu.memref_squeeze %dma_wait3A_2004 : memref<1x!tpu.dma_semaphore, #tpu.memory_space<semaphore_mem>> -> memref<!tpu.dma_semaphore, #tpu.memory_space<semaphore_mem>>
    %dma_wait3A_2006 = arith.constant 0 : i32
    %dma_wait3A_2007 = tpu.memref_slice %arg5[%add3A_1963, %dma_wait3A_2006] : memref<204800x64xf32, #tpu.memory_space<hbm>> -> memref<640x64xf32, #tpu.memory_space<hbm>>
    %dma_wait3A_2008 = arith.constant 0 : i32
    %dma_wait3A_2009 = arith.constant 0 : i32
    %dma_wait3A_2010 = tpu.memref_slice %arg7[%dma_wait3A_1996, %dma_wait3A_2008, %dma_wait3A_2009] : memref<2x640x64xf32, #tpu.memory_space<vmem>> -> memref<1x640x64xf32, #tpu.memory_space<vmem>>
    %dma_wait3A_2011 = tpu.memref_squeeze %dma_wait3A_2010 : memref<1x640x64xf32, #tpu.memory_space<vmem>> -> memref<640x64xf32, #tpu.memory_space<vmem>>
    tpu.wait_dma2 semaphore(%dma_wait3A_2005 : memref<!tpu.dma_semaphore, #tpu.memory_space<semaphore_mem>>) src(%dma_wait3A_2011 : memref<640x64xf32, #tpu.memory_space<vmem>>) dst(%dma_wait3A_2007 : memref<640x64xf32, #tpu.memory_space<hbm>>)
    return
  }
}

module attributes {stable_mosaic.version = 14 : i64} {
  func.func @body(%arg0: i32, %arg1: memref<64x4096xf32, #tpu.memory_space<vmem>>, %arg2: memref<2048x128xf32, #tpu.memory_space<vmem>>) attributes {dimension_semantics = [#tpu.dimension_semantics<arbitrary>], iteration_bounds = array<i64: 245>, scalar_prefetch = 0 : i64, scratch_operands = 0 : i64, tpu.core_type = #tpu.core_type<tc>, window_params = [{transform_indices = @transform_0, window_bounds = array<i64: 64, 4096>}, {transform_indices = @transform_1, window_bounds = array<i64: 2048, 128>}]} {
    %get3A = arith.constant 0 : index
    %get3A_0 = arith.constant 0 : index
    %get3A_1 = vector.load %arg1[%get3A, %get3A_0] : memref<64x4096xf32, #tpu.memory_space<vmem>>, vector<64x4096xf32>
    %transpose3A = tpu.transpose %get3A_1, [1, 0] : vector<64x4096xf32> -> vector<4096x64xf32>
    %slice3A = vector.extract_strided_slice %transpose3A {offsets = [0, 0], sizes = [2048, 64], strides = [1, 1]} : vector<4096x64xf32> to vector<2048x64xf32>
    %slice3A_2 = vector.extract_strided_slice %transpose3A {offsets = [2048, 0], sizes = [2048, 64], strides = [1, 1]} : vector<4096x64xf32> to vector<2048x64xf32>
    %concatenate3A = tpu.concatenate %slice3A, %slice3A_2 in 1 : vector<2048x64xf32>, vector<2048x64xf32> -> vector<2048x128xf32>
    %swap3A = arith.constant 0 : index
    %swap3A_3 = arith.constant 0 : index
    %swap3A_4 = vector.load %arg2[%swap3A, %swap3A_3] : memref<2048x128xf32, #tpu.memory_space<vmem>>, vector<2048x128xf32>
    tpu.vector_store %arg2[%swap3A, %swap3A_3], %concatenate3A {strides = array<i32>} : memref<2048x128xf32, #tpu.memory_space<vmem>>, vector<2048x128xf32>,
    return
  }
  func.func @transform_0(%arg0: i32) -> (i32, i32) {
    %c0_i32 = arith.constant 0 : i32
    %c0_i32_0 = arith.constant 0 : i32
    return %c0_i32, %arg0 : i32, i32
  }
  func.func @transform_1(%arg0: i32) -> (i32, i32) {
    %c0_i32 = arith.constant 0 : i32
    %c0_i32_0 = arith.constant 0 : i32
    return %arg0, %c0_i32 : i32, i32
  }
}

module attributes {stable_mosaic.version = 14 : i64} {
  func.func @body(%arg0: memref<50x4096xi32, #tpu.memory_space<vmem>>, %arg1: memref<4096x50xi32, #tpu.memory_space<vmem>>) attributes {dimension_semantics = [], scalar_prefetch = 0 : i64, scratch_operands = 0 : i64, tpu.core_type = #tpu.core_type<tc>} {
    %get3A = arith.constant 0 : index
    %get3A_0 = arith.constant 0 : index
    %get3A_1 = vector.load %arg0[%get3A, %get3A_0] : memref<50x4096xi32, #tpu.memory_space<vmem>>, vector<50x4096xi32>
    %transpose3A = tpu.transpose %get3A_1, [1, 0] : vector<50x4096xi32> -> vector<4096x50xi32>
    %jit3A = arith.constant 4096 : i32
    %div3A = vector.broadcast %jit3A : i32 to vector<4096x50xi32>
    %div3A_2 = arith.divsi %transpose3A, %div3A : vector<4096x50xi32>
    %sign3A = arith.constant 0 : i32
    %sign3A_3 = vector.broadcast %sign3A : i32 to vector<4096x50xi32>
    %sign3A_4 = arith.cmpi sgt, %transpose3A, %sign3A_3 : vector<4096x50xi32>
    %sign3A_5 = arith.extui %sign3A_4 : vector<4096x50xi1> to vector<4096x50xi32>
    %sign3A_6 = arith.constant 0 : i32
    %sign3A_7 = vector.broadcast %sign3A_6 : i32 to vector<4096x50xi32>
    %sign3A_8 = arith.cmpi slt, %transpose3A, %sign3A_7 : vector<4096x50xi32>
    %sign3A_9 = arith.extui %sign3A_8 : vector<4096x50xi1> to vector<4096x50xi32>
    %sign3A_10 = arith.subi %sign3A_5, %sign3A_9 : vector<4096x50xi32>
    %sign3A_11 = arith.constant 0 : i32
    %sign3A_12 = arith.cmpi sgt, %jit3A, %sign3A_11 : i32
    %sign3A_13 = arith.extui %sign3A_12 : i1 to i32
    %sign3A_14 = arith.constant 0 : i32
    %sign3A_15 = arith.cmpi slt, %jit3A, %sign3A_14 : i32
    %sign3A_16 = arith.extui %sign3A_15 : i1 to i32
    %sign3A_17 = arith.subi %sign3A_13, %sign3A_16 : i32
    %ne3A = vector.broadcast %sign3A_17 : i32 to vector<4096x50xi32>
    %ne3A_18 = arith.cmpi ne, %sign3A_10, %ne3A : vector<4096x50xi32>
    %rem3A = vector.broadcast %jit3A : i32 to vector<4096x50xi32>
    %rem3A_19 = arith.remsi %transpose3A, %rem3A : vector<4096x50xi32>
    %ne3A_20 = arith.constant 0 : i32
    %ne3A_21 = vector.broadcast %ne3A_20 : i32 to vector<4096x50xi32>
    %ne3A_22 = arith.cmpi ne, %rem3A_19, %ne3A_21 : vector<4096x50xi32>
    %and3A = arith.andi %ne3A_18, %ne3A_22 : vector<4096x50xi1>
    %sub3A = arith.constant 1 : i32
    %sub3A_23 = vector.broadcast %sub3A : i32 to vector<4096x50xi32>
    %sub3A_24 = arith.subi %div3A_2, %sub3A_23 : vector<4096x50xi32>
    %select_n3A = arith.select %and3A, %sub3A_24, %div3A_2 : vector<4096x50xi1>, vector<4096x50xi32>
    %mul3A = arith.constant 4096 : i32
    %mul3A_25 = vector.broadcast %mul3A : i32 to vector<4096x50xi32>
    %mul3A_26 = arith.muli %select_n3A, %mul3A_25 : vector<4096x50xi32>
    %sub3A_27 = arith.subi %transpose3A, %mul3A_26 : vector<4096x50xi32>
    %mul3A_28 = arith.constant 2 : i32
    %mul3A_29 = vector.broadcast %mul3A_28 : i32 to vector<4096x50xi32>
    %mul3A_30 = arith.muli %mul3A_29, %sub3A_27 : vector<4096x50xi32>
    %add3A = arith.addi %mul3A_26, %mul3A_30 : vector<4096x50xi32>
    %ge3A = arith.constant 2048 : i32
    %ge3A_31 = vector.broadcast %ge3A : i32 to vector<4096x50xi32>
    %ge3A_32 = arith.cmpi sge, %sub3A_27, %ge3A_31 : vector<4096x50xi32>
    %jit3A_33 = arith.constant 4095 : i32
    %jit3A_34 = arith.constant 0 : i32
    %broadcast_in_dim3A = vector.broadcast %jit3A_33 : i32 to vector<4096x50xi32>
    %broadcast_in_dim3A_35 = vector.broadcast %jit3A_34 : i32 to vector<4096x50xi32>
    %select_n3A_36 = arith.select %ge3A_32, %broadcast_in_dim3A, %broadcast_in_dim3A_35 : vector<4096x50xi1>, vector<4096x50xi32>
    %sub3A_37 = arith.subi %add3A, %select_n3A_36 : vector<4096x50xi32>
    %swap3A = arith.constant 0 : index
    %swap3A_38 = arith.constant 0 : index
    %swap3A_39 = vector.load %arg1[%swap3A, %swap3A_38] : memref<4096x50xi32, #tpu.memory_space<vmem>>, vector<4096x50xi32>
    tpu.vector_store %arg1[%swap3A, %swap3A_38], %sub3A_37 {strides = array<i32>} : memref<4096x50xi32, #tpu.memory_space<vmem>>, vector<4096x50xi32>,
    return
  }
}

</mosaic_0001>

<sc_bundles>
// kernel: kernel.5.cloned.1.call-start
scs
__scs_entry_jumppad:
0x0: {  	(pc) =	sbr.rel $0x88, $3  }
0x1: {  	(tag) =	ssettag $0x0;
	lr =	simm.s32 $0x1  }
0x2: {  	[smem:$0x3F9E] =	sst lr;
	_ =	strace $0xD0000000  }
0x3: {  	_ = 	snop  }
0x4: {  	_ = 	snop  }
0x5: {  	_ = 	snop  }
0x6: {  	_ = 	snop  }
0x7: {  	_ = 	snop  }
__scs_overlays_trampoline_lowered:
0x8: {  	[smem:$0x3FAD] =	sst s0  }
0x9: {  	[smem:$0x3FAE] =	sst s1  }
0xa: {  	[smem:$0x3FAF] =	sst s2  }
0xb: {  	[smem:$0x3FB0] =	sst s3  }
0xc: {  	[smem:$0x3FB1] =	sst s4  }
0xd: {  	[smem:$0x3FB2] =	sst s5  }
0xe: {  	[smem:$0x3FB3] =	sst s6  }
0xf: {  	[smem:$0x3FB4] =	sst s7  }
0x10: {  	[smem:$0x3FB5] =	sst s8  }
0x11: {  	[smem:$0x3FB6] =	sst s9;
	s0 =	simm.s32 @!p0 $0x0  }
0x12: {  	s1 =	sld [smem:$0x3F9C];
	s0 =	simm.s32 @p0 $0x1  }
0x13: {  	[smem:$0x3FB7] =	sst s0;
	s0 =	simm.s32 @!p1 $0x0  }
0x14: {  	s2 =	sld [smem:$0x3F9B];
	s0 =	simm.s32 @p1 $0x1  }
0x15: {  	[smem:$0x3FB8] =	sst s0;
	s0 =	simm.s32 @!p2 $0x0  }
0x16: {  	s3 =	sld [smem:$0x3FDB];
	s0 =	simm.s32 @p2 $0x1  }
0x17: {  	s4 =	simm.s32 $0x1BF5;
	[smem:$0x3FBA] =	sst s0  }
0x18: {  	s0 =	sld [smem:$0x3F9D];
	_ =	swait.ge [sflag:s4], $0x0  }
0x19: {  	s7 =	sld [smem:$0x3F9E]  }
0x1a: {  	s8 =	sadd.s32 $0xFFFFE003, lr  }
0x1b: {  	s9 =	sadd.s32 $0xFFFFFEF7, lr;
	s5 =	simm.s32 $0xFFFFFFFF;
	p2 =	slt.u32 s8, $0xFFFFF086  }
0x1c: {  	p1 =	slt.u32 s9, $0xF7A;
	s5 =	simm.s32 @!p2 $0x0  }
0x1d: {  	s5 =	simm.s32 @p1 $0x1;
	p0 =	seq.s32 s7, s2  }
0x1e: {  	s7 =	smul.u32 @!p0 $0xF7A, s2;
	p2 =	seq.s32 @!p0 s5, $0x0  }
0x1f: {  	s9 =	smul.u32 $0xF7A, s1;
	s8 =	simm.s32 @!p0 $0x1BF5;
	p2 =	por !p2, p0  }
0x20: {  	[sflag:s8] =	ssyncset.s32 @!p0 $0xFFFFF086;
	s6 =	sadd.s32 @!p0 s3, s7;
	s7 =	simm.s32 @!p0 $0x108  }
0x21: {  	s3 =	sadd.s32 s3, s9;
	s6 =	sadd.s32 @!p0 $0x88, s6;
	s7 =	simm.s32 @p2 $0x1082  }
0x22: {  	[simem:s7], [sflag:s8] =	dma.local @!p0 [hbm:s6], $0xF7A  }
0x23: {  	s9 =	sor.u32 $0xD0000000, s2;
	s6 =	simm.s32 $0x108;
	_ =	swait.ge @!p0 [sflag:s8], $0x0  }
0x24: {  	s3 =	sadd.s32 $0x88, s3;
	s6 =	simm.s32 @!p1 $0x1082;
	[sflag:s4] =	ssyncset.s32 $0xFFFFF086  }
0x25: {  	[simem:s6], [sflag:s4] =	dma.local [hbm:s3], $0xF7A  }
0x26: {  	[smem:$0x3F9E] =	sst s1;
	(tag) =	ssettag s2;
	_ =	strace s9  }
0x27: {  	s1 =	sld [smem:$0x3FAE]  }
0x28: {  	s2 =	sld [smem:$0x3FAF]  }
0x29: {  	s4 =	sld [smem:$0x3FB1]  }
0x2a: {  	p0 =	seq.s32 s5, $0x0;
	s5 =	sld [smem:$0x3FB2]  }
0x2b: {  	s6 =	sld [smem:$0x3FB3]  }
0x2c: {  	s7 =	sld [smem:$0x3FB4]  }
0x2d: {  	s3 =	simm.s32 $0x108;
	s8 =	sld [smem:$0x3FB5]  }
0x2e: {  	s3 =	simm.s32 @!p0 $0x1082;
	s9 =	sld [smem:$0x3FB6]  }
0x2f: {  	lr =	sadd.s32 s0, s3;
	s0 =	sld [smem:$0x3FAD]  }
0x30: {  	s3 =	sld [smem:$0x3FB0]  }
0x31: {  	[smem:$0x3FB9] =	sst s10  }
0x32: {  	s10 =	sld [smem:$0x3FB7];
	_ =	sdelay $0x3  }
0x33: {  	p0 =	seq.s32 s10, $0x1;
	s10 =	sld [smem:$0x3FB9];
	_ =	sdelay $0x3  }
0x34: {  	[smem:$0x3FB9] =	sst s10  }
0x35: {  	s10 =	sld [smem:$0x3FB8];
	_ =	sdelay $0x3  }
0x36: {  	p1 =	seq.s32 s10, $0x1;
	s10 =	sld [smem:$0x3FB9];
	_ =	sdelay $0x3  }
0x37: {  	[smem:$0x3FB9] =	sst s10  }
0x38: {  	s10 =	sld [smem:$0x3FBA]  }
0x39: {  	_ = 	snop;
	(pc) =	sbr.ind lr, $3  }
0x3a: {  	_ = 	snop  }
0x3b: {  	_ = 	snop  }
0x3c: {  	p2 =	seq.s32 s10, $0x1;
	s10 =	sld [smem:$0x3FB9]  }
0x3d: {  	_ =	shalt  }
0x3e: {  	_ =	shalt  }
0x3f: {  	_ =	shalt  }
0x40: {  	_ =	shalt  }
0x41: {  	_ =	shalt  }
0x42: {  	_ =	shalt  }
0x43: {  	_ =	shalt  }
0x44: {  	_ =	shalt  }
0x45: {  	_ =	shalt  }
0x46: {  	_ =	shalt  }
0x47: {  	_ =	shalt  }
0x48: {  	_ =	shalt  }
0x49: {  	_ =	shalt  }
0x4a: {  	_ =	shalt  }
0x4b: {  	_ =	shalt  }
0x4c: {  	_ =	shalt  }
0x4d: {  	_ =	shalt  }
0x4e: {  	_ =	shalt  }
0x4f: {  	_ =	shalt  }
0x50: {  	_ =	shalt  }
0x51: {  	_ =	shalt  }
0x52: {  	_ =	shalt  }
0x53: {  	_ =	shalt  }
0x54: {  	_ =	shalt  }
0x55: {  	_ =	shalt  }
0x56: {  	_ =	shalt  }
0x57: {  	_ =	shalt  }
0x58: {  	_ =	shalt  }
0x59: {  	_ =	shalt  }
0x5a: {  	_ =	shalt  }
0x5b: {  	_ =	shalt  }
0x5c: {  	_ =	shalt  }
0x5d: {  	_ =	shalt  }
0x5e: {  	_ =	shalt  }
0x5f: {  	_ =	shalt  }
0x60: {  	_ =	shalt  }
0x61: {  	_ =	shalt  }
0x62: {  	_ =	shalt  }
0x63: {  	_ =	shalt  }
0x64: {  	_ =	shalt  }
0x65: {  	_ =	shalt  }
0x66: {  	_ =	shalt  }
0x67: {  	_ =	shalt  }
0x68: {  	_ =	shalt  }
0x69: {  	_ =	shalt  }
0x6a: {  	_ =	shalt  }
0x6b: {  	_ =	shalt  }
0x6c: {  	_ =	shalt  }
0x6d: {  	_ =	shalt  }
0x6e: {  	_ =	shalt  }
0x6f: {  	_ =	shalt  }
0x70: {  	_ =	shalt  }
0x71: {  	_ =	shalt  }
0x72: {  	_ =	shalt  }
0x73: {  	_ =	shalt  }
0x74: {  	_ =	shalt  }
0x75: {  	_ =	shalt  }
0x76: {  	_ =	shalt  }
0x77: {  	_ =	shalt  }
0x78: {  	_ =	shalt  }
0x79: {  	_ =	shalt  }
0x7a: {  	_ =	shalt  }
0x7b: {  	_ =	shalt  }
0x7c: {  	_ =	shalt  }
0x7d: {  	_ =	shalt  }
0x7e: {  	_ =	shalt  }
0x7f: {  	_ =	shalt  }
0x80: {  	_ =	shalt  }
0x81: {  	_ =	shalt  }
0x82: {  	_ =	shalt  }
0x83: {  	_ =	shalt  }
0x84: {  	_ =	shalt  }
0x85: {  	_ =	shalt  }
0x86: {  	_ =	shalt  }
0x87: {  	_ =	shalt  }
.Lfunc_end0:
.L_simem_size_0:
called_computation.1_lowered:
.L_overlay_start_0:
0x88: {  	s2 =	sld [smem:$0x3FD9]  }
0x89: {  	s3 =	sld [smem:$0x3FFE];
	_ =	sdelay $0x1  }
0x8a: {  	s1 =	srdreg.scid  }
0x8b: {  	s0 =	sand.u32 $0x1, s1  }
0x8c: {  	s17 =	sshll.u32 s0, $0xA;
	s2 =	sadd.s32 s3, s2  }
0x8d: {  	s2 =	sadd.s32 s2, s17  }
0x8e: {  	[smem:$0x3FC5] =	sst s2  }
0x8f: {  	_ = 	snop  }
0x90: {  	s2 =	sld [smem:$0x3FD0];
	(tm) =	ssettm $0x1  }
0x91: {  	s18 =	sld [smem:$0x3FFB];
	_ =	sdelay $0x3  }
0x92: {  	_ =	strace s18  }
0x93: {  	s3 =	sld [smem:$0x3FFC];
	_ =	sdelay $0x3  }
0x94: {  	_ =	strace s3  }
0x95: {  	s3 =	sld [smem:$0x3FFD];
	_ =	sdelay $0x3  }
0x96: {  	_ =	strace s3  }
0x97: {  	_ =	strace $0x8FFFFFFF  }
0x98: {  	s19 =	sld [smem:$0x3FDB];
	_ =	sdelay $0x1  }
0x99: {  	s4 =	simm.s32 $_scs_section_size  }
0x9a: {  	s5 =	simm.s32 $_size__tile_overlayer_lowered;
	s6 =	simm.s32 $_tile_overlayer_lowered  }
0x9b: {  	s22 =	simm.s32 $0x1BFF;
	s21 =	sshll.u32 s6, $0x1;
	s3 =	sadd.s32 s4, s19  }
0x9c: {  	s7 =	simm.s32 $0x0;
	s20 =	sshll.u32 s5, $0x1;
	s5 =	sadd.s32 s21, s3  }
0x9d: {  	[timem:s7], [sflag:s22] =	dma.local [hbm:s5], s20  }
0x9e: {  	_ =	swait.ge [sflag:s22], s20  }
0x9f: {  	s4 =	ssub.s32 $0x0, s20;
	[sflag:s22] =	ssyncset.done $0x0  }
0xa0: {  	[sflag:s22] =	ssyncadd.s32 s4;
	_ =	sdelay $0x1  }
0xa1: {  	s23 =	simm.s32 $0x1B8B  }
0xa2: {  	_ =	swait.ge [sflag:s23], $0x1  }
0xa3: {  	[sflag:s23] =	ssyncset.done $0x0  }
0xa4: {  	s25 =	simm.s32 $0x1B8E;
	s24 =	sld [smem:$0x3FFE];
	[sflag:s23] =	ssyncadd.s32 $0xFFFFFFFF  }
0xa5: {  	s26 =	simm.s32 $execute0_lowered;
	[smem:$0x3FD2] =	sst s25  }
0xa6: {  	s5 =	sshll.u32 s26, $0x1;
	_ =	strace $0x80000046;
	[dreg:$0x1] =	wrdreg $0xFFFFFFFF  }
0xa7: {  	s28 =	simm.s32 $_size_execute0_lowered;
	s3 =	sadd.s32 s3, s5;
	[dreg:$0x0] =	wrdreg $0x0  }
0xa8: {  	s5 =	sshll.u32 s28, $0x1;
	[dreg:$0x2] =	wrdreg s3  }
0xa9: {  	[dreg:$0x3] =	wrdreg s5  }
0xaa: {  	[dreg:$0x4] =	wrdreg $0xC0  }
0xab: {  	_ =	task [dreg:s7], $0x5FFFF  }
0xac: {  	[dreg:$0x1] =	wrdreg $0xFFFFFFFF  }
0xad: {  	[dreg:$0x0] =	wrdreg $0x60  }
0xae: {  	[dreg:$0x2] =	wrdreg s24  }
0xaf: {  	[dreg:$0x3] =	wrdreg s2  }
0xb0: {  	[dreg:$0x4] =	wrdreg $0x9  }
0xb1: {  	_ =	task.clear_ibuf [dreg:s7], $0x5FFFF;
	_ =	strace $0x90000046  }
0xb2: {  	s29 =	simm.s32 $0x9;
	_ =	strace $0x80000048  }
0xb3: {  	_ =	swait.ge [sflag:s29], $0x1  }
0xb4: {  	[sflag:s29] =	ssyncadd.s32 $0xFFFFFFFF  }
0xb5: {  	_ =	strace $0x90000048  }
0xb6: {  	_ =	sfence  }
0xb7: {  	s30 =	sld [smem:$0x0];
	_ =	sdelay $0x2  }
0xb8: {  	s31 =	sshll.u32 s1, $0xD;
	s1 =	sshrl.u32 s1, $0x2  }
0xb9: {  	s3 =	sand.u32 $0x4000, s31;
	s1 =	sadd.s32 s1, s30  }
0xba: {  	s0 =	sor.u32 s3, s0;
	s1 =	sshll.u32 s1, $0x11  }
0xbb: {  	s0 =	sor.u32 s1, s0  }
0xbc: {  	s0 =	sadd.s32 $0x8F2B, s0  }
0xbd: {  	[sflag:s0] =	ssyncadd.remote.s32 $0x1  }
0xbe: {  	_ =	sfence.sel $0xFFFF  }
0xbf: {  	[dreg:$0x0] =	wrdreg $0xFFFFFFFF;
	(pc) =	sbr.abs _section_cstart, $3  }
0xc0: {  	[dreg:$0x1] =	wrdreg $0xFFFFFFFF  }
0xc1: {  	_ =	task.clear_ibuf [dreg:s7], $0x2FFFF;
	_ =	strace $0x9FFFFFFF  }
0xc2: {  	(tm) =	ssettm $0x7FFFFFFF  }
0xc3: {  	_ =	shalt  }
tec
execute0_lowered:
.L_overlay_start_1:
0x0: {  	(tag) =	ssettag $0x1  }
0x1: {  	s0 =	rddreg [dreg:$0x0]  }
0x2: {  	s1 =	srdreg.scid;
	s2 =	stileid.u32  }
0x3: {  	s4 =	rddreg [dreg:$0x1];
	s18 =	simm.s32 $0x5;
	s19 =	simm.s32 $0x80  }
0x4: {  	s20 =	simm.s32 $0x1900;
	s21 =	simm.s32 $0x3900;
	s28 =	simm.s32 $0x9900  }
0x5: {  	s30 =	simm.s32 $0xB900;
	s17 =	simm.s32 $0xF900;
	s29 =	simm.s32 $0x13900  }
0x6: {  	s31 =	simm.s32 $0x1;
	s1 =	sand.u32 $0x1, s1;
	s3 =	sshll.u32 s2, $0x1  }
0x7: {  	s22 =	simm.s32 $0x4;
	s2 =	simm.s32 $0x0;
	s5 =	sor.u32 s1, s3  }
0x8: {  	[smem:$0x7FF] =	sst s2;
	s1 =	ssub.s32 $0x2, s1;
	s3 =	smul.u32 $0x320, s5  }
0x9: {  	_ =	strace $0x80000047;
	s6 =	smul.u32 $0x64000, s5;
	s8 =	sshrl.u32 s1, $0x1  }
0xa: {  	s5 =	smul.u32 $0xC800, s5;
	s23 =	ssub.s32 s1, s8;
	s1 =	simm.s32 $0xD900  }
0xb: {  	s7 =	sadd.s32 s3, s0;
	s3 =	sadd.s32 $0x6E00, s0;
	s6 =	sshrl.u32 s6, $0x3  }
0xc: {  	s0 =	sadd.s32 $0x7AEE00, s0;
	s16 =	smax.u32 s23, $0x1;
	s23 =	simm.s32 $0x5900  }
0xd: {  	[dreg:$0x3] =	wrdreg s0;
	s24 =	sadd.s32 s4, s6;
	s25 =	sadd.s32 $0xA00, s7  }
0xe: {  	s4 =	sadd.s32 s4, s5;
	s0 =	simm.s32 $0x3;
	[dreg:$0x4] =	wrdreg s25  }
0xf: {  	[dreg:$0x5] =	wrdreg s4;
	s26 =	sadd.s32 $0x1400, s24;
	s8 =	sadd.s32 $0x2800, s24  }
0x10: {  	s9 =	sadd.s32 $0x3C00, s24;
	s10 =	sadd.s32 $0x5000, s24;
	s11 =	sadd.s32 $0x6400, s24  }
0x11: {  	s12 =	sadd.s32 $0x7800, s24;
	s13 =	sadd.s32 $0x8C00, s24;
	s14 =	sadd.s32 $0xA000, s24  }
0x12: {  	s15 =	sadd.s32 $0xB400, s24;
	s25 =	simm.s32 $0x7900;
	s24 =	simm.s32 $0x11900  }
0x13: {  	s4 =	simm.s32 $0x0;
	[dreg:$0x6] =	wrdreg s26;
	s26 =	simm.s32 $0x2  }
.LBB2_1:
0x14: {  	s5 =	rddreg [dreg:$0x3];
	s6 =	simm.s32 $0x15900  }
0x15: {  	[tilespmem:s6], [sflag:$0x5] =	stream.linear.gather [hbm4b:s5+s2], $0x10, $0x38;
	[tilespmem:$0x15910] =	vst v63  }
0x16: {  	_ =	swait.ge [sflag:s18], $0x10  }
0x17: {  	[sflag:s18] =	ssyncset.done $0x0  }
0x18: {  	s7 =	rddreg [dreg:$0x4];
	[sflag:s18] =	ssyncadd.s32 $0xFFFFFFF0  }
0x19: {  	[tilespmem:s2], [sflag:$0x5] =	stream.linear.gather [hbm4b:s7+s2], $0x1900, $0x38;
	[tilespmem:$0x15910] =	vst v63  }
0x1a: {  	_ =	swait.ge [sflag:s18], $0x1900  }
0x1b: {  	[sflag:s18] =	ssyncset.done $0x0  }
0x1c: {  	[sflag:s18] =	ssyncadd.s32 $0xFFFFE700  }
0x1d: {  	v0 =	vld [tilespmem:$0x15900];
	[tilespmem:s20], [sflag:$0x1] =	stream.indirect.gather [hbm4b:s3+s19], $0x40, s2, s19, $0xb8  }
0x1e: {  	_ = 	snop  }
0x1f: {  	[tilespmem:s21], [sflag:$0x1] =	stream.indirect.gather [hbm4b:s3+s19], $0x40, s19, s19, $0xb8;
	[tilespmem:$0x15910] =	vst v63  }
0x20: {  	s6 =	simm.s32 $0x100  }
0x21: {  	[tilespmem:s23], [sflag:$0x1] =	stream.indirect.gather [hbm4b:s3+s19], $0x40, s6, s19, $0xb8;
	[tilespmem:$0x15910] =	vst v63  }
0x22: {  	s7 =	simm.s32 $0x180  }
0x23: {  	[tilespmem:s25], [sflag:$0x1] =	stream.indirect.gather [hbm4b:s3+s19], $0x40, s7, s19, $0xb8;
	[tilespmem:$0x15910] =	vst v63  }
0x24: {  	s6 =	simm.s32 $0x200  }
0x25: {  	[tilespmem:s28], [sflag:$0x1] =	stream.indirect.gather [hbm4b:s3+s19], $0x40, s6, s19, $0xb8;
	[tilespmem:$0x15910] =	vst v63  }
0x26: {  	s7 =	simm.s32 $0x280  }
0x27: {  	[tilespmem:s30], [sflag:$0x2] =	stream.indirect.gather [hbm4b:s3+s19], $0x40, s7, s19, $0xb8;
	[tilespmem:$0x15910] =	vst v63  }
0x28: {  	s6 =	simm.s32 $0x300  }
0x29: {  	[tilespmem:s1], [sflag:$0x2] =	stream.indirect.gather [hbm4b:s3+s19], $0x40, s6, s19, $0xb8;
	[tilespmem:$0x15910] =	vst v63  }
0x2a: {  	s7 =	simm.s32 $0x380  }
0x2b: {  	[tilespmem:s17], [sflag:$0x2] =	stream.indirect.gather [hbm4b:s3+s19], $0x40, s7, s19, $0xb8;
	[tilespmem:$0x15910] =	vst v63  }
0x2c: {  	s6 =	simm.s32 $0x400  }
0x2d: {  	[tilespmem:s24], [sflag:$0x2] =	stream.indirect.gather [hbm4b:s3+s19], $0x40, s6, s19, $0xb8;
	[tilespmem:$0x15910] =	vst v63  }
0x2e: {  	s7 =	simm.s32 $0x480  }
0x2f: {  	[tilespmem:s29], [sflag:$0x2] =	stream.indirect.gather [hbm4b:s3+s19], $0x40, s7, s19, $0xb8;
	[tilespmem:$0x15910] =	vst v63  }
0x30: {  	_ =	swait.ge [sflag:s31], $0x2000  }
0x31: {  	[sflag:s31] =	ssyncset.done $0x0  }
0x32: {  	[sflag:s31] =	ssyncadd.s32 $0xFFFFE000  }
0x33: {  	_ =	swait.ge [sflag:s31], $0x2000  }
0x34: {  	[sflag:s31] =	ssyncset.done $0x0  }
0x35: {  	[sflag:s31] =	ssyncadd.s32 $0xFFFFE000  }
0x36: {  	_ =	swait.ge [sflag:s31], $0x2000  }
0x37: {  	[sflag:s31] =	ssyncset.done $0x0  }
0x38: {  	[sflag:s31] =	ssyncadd.s32 $0xFFFFE000  }
0x39: {  	_ =	swait.ge [sflag:s31], $0x2000  }
0x3a: {  	[sflag:s31] =	ssyncset.done $0x0  }
0x3b: {  	[sflag:s31] =	ssyncadd.s32 $0xFFFFE000  }
0x3c: {  	_ =	swait.ge [sflag:s31], $0x2000  }
0x3d: {  	[sflag:s31] =	ssyncset.done $0x0  }
0x3e: {  	s5 =	simm.s32 $0x0;
	[sflag:s31] =	ssyncadd.s32 $0xFFFFE000  }
0x3f: {  	v1 =	vld [tilespmem:s5+$0x1900]  }
0x40: {  	v3 =	vld [tilespmem:s5+$0x1910]  }
0x41: {  	s6 =	simm.s32 $0x100;
	v2 =	vld [tilespmem:s5+$0x1920]  }
.LBB2_2:
0x42: {  	p0 =	sne.s32 s6, $0x27F00;
	v4 =	vld [tilespmem:s5+$0x1930];
	_ =	sdelay $0x1  }
0x43: {  	v1 =	vmul.f32 v1, v0  }
.Ltmp0:
0x44: {  	v3 =	vmul.f32 v3, v0;
	(pc) =	sbr.rel @p0 .LBB2_2-.Ltmp0, $4  }
0x45: {  	s7 =	sshra.s32 s6, $0x2;
	[tilespmem:s5+$0x1900] =	vst v1;
	v2 =	vmul.f32 v2, v0  }
0x46: {  	v1 =	vld [tilespmem:s7+$0x1900];
	[tilespmem:s5+$0x1910] =	vst v3;
	v4 =	vmul.f32 v4, v0  }
0x47: {  	v3 =	vld [tilespmem:s7+$0x1910];
	[tilespmem:s5+$0x1920] =	vst v2  }
0x48: {  	s6 =	sadd.s32 $0x100, s6;
	v2 =	vld [tilespmem:s7+$0x1920];
	[tilespmem:s5+$0x1930] =	vst v4;
	s5 =	smov.u32 s7  }
0x49: {  	v4 =	vld [tilespmem:s5+$0x1930];
	_ =	sdelay $0x1  }
0x4a: {  	v1 =	vmul.f32 v1, v0  }
0x4b: {  	v3 =	vmul.f32 v3, v0  }
0x4c: {  	[tilespmem:s5+$0x1900] =	vst v1;
	v1 =	vmul.f32 v2, v0  }
0x4d: {  	[tilespmem:s5+$0x1910] =	vst v3;
	v2 =	vmul.f32 v4, v0  }
0x4e: {  	[tilespmem:s5+$0x1920] =	vst v1  }
0x4f: {  	s6 =	rddreg [dreg:$0x5];
	[tilespmem:s5+$0x1930] =	vst v2  }
0x50: {  	[hbm4b:s6+s2] =	stream.linear.scatter [tilespmem:s20], [sflag:$0x3], $0xA000, $0x38;
	[tilespmem:$0x15910] =	vst v63  }
0x51: {  	_ =	swait.ge [sflag:s0], $0xA000  }
0x52: {  	[sflag:s0] =	ssyncset.done $0x0  }
0x53: {  	s7 =	simm.s32 $0x500;
	[sflag:s0] =	ssyncadd.s32 $0xFFFF6000  }
0x54: {  	[tilespmem:s20], [sflag:$0x1] =	stream.indirect.gather [hbm4b:s3+s19], $0x40, s7, s19, $0xb8;
	[tilespmem:$0x15910] =	vst v63  }
0x55: {  	s6 =	simm.s32 $0x580  }
0x56: {  	[tilespmem:s21], [sflag:$0x1] =	stream.indirect.gather [hbm4b:s3+s19], $0x40, s6, s19, $0xb8;
	[tilespmem:$0x15910] =	vst v63  }
0x57: {  	s7 =	simm.s32 $0x600  }
0x58: {  	[tilespmem:s23], [sflag:$0x1] =	stream.indirect.gather [hbm4b:s3+s19], $0x40, s7, s19, $0xb8;
	[tilespmem:$0x15910] =	vst v63  }
0x59: {  	s6 =	simm.s32 $0x680  }
0x5a: {  	[tilespmem:s25], [sflag:$0x1] =	stream.indirect.gather [hbm4b:s3+s19], $0x40, s6, s19, $0xb8;
	[tilespmem:$0x15910] =	vst v63  }
0x5b: {  	s7 =	simm.s32 $0x700  }
0x5c: {  	[tilespmem:s28], [sflag:$0x1] =	stream.indirect.gather [hbm4b:s3+s19], $0x40, s7, s19, $0xb8;
	[tilespmem:$0x15910] =	vst v63  }
0x5d: {  	_ =	swait.ge [sflag:s26], $0x2000  }
0x5e: {  	[sflag:s26] =	ssyncset.done $0x0  }
0x5f: {  	[sflag:s26] =	ssyncadd.s32 $0xFFFFE000  }
0x60: {  	_ =	swait.ge [sflag:s26], $0x2000  }
0x61: {  	[sflag:s26] =	ssyncset.done $0x0  }
0x62: {  	[sflag:s26] =	ssyncadd.s32 $0xFFFFE000  }
0x63: {  	_ =	swait.ge [sflag:s26], $0x2000  }
0x64: {  	[sflag:s26] =	ssyncset.done $0x0  }
0x65: {  	[sflag:s26] =	ssyncadd.s32 $0xFFFFE000  }
0x66: {  	_ =	swait.ge [sflag:s26], $0x2000  }
0x67: {  	[sflag:s26] =	ssyncset.done $0x0  }
0x68: {  	[sflag:s26] =	ssyncadd.s32 $0xFFFFE000  }
0x69: {  	_ =	swait.ge [sflag:s26], $0x2000  }
0x6a: {  	[sflag:s26] =	ssyncset.done $0x0  }
0x6b: {  	s5 =	simm.s32 $0xFFFF6000;
	[sflag:s26] =	ssyncadd.s32 $0xFFFFE000  }
0x6c: {  	v1 =	vld [tilespmem:s5+$0x15900]  }
0x6d: {  	v3 =	vld [tilespmem:s5+$0x15910]  }
0x6e: {  	s6 =	simm.s32 $0xFFFD8100;
	v2 =	vld [tilespmem:s5+$0x15920]  }
.LBB2_4:
0x6f: {  	p0 =	sne.s32 s6, $0xFFFFFF00;
	v4 =	vld [tilespmem:s5+$0x15930];
	_ =	sdelay $0x1  }
0x70: {  	v1 =	vmul.f32 v1, v0  }
.Ltmp1:
0x71: {  	v3 =	vmul.f32 v3, v0;
	(pc) =	sbr.rel @p0 .LBB2_4-.Ltmp1, $4  }
0x72: {  	s7 =	sshra.s32 s6, $0x2;
	[tilespmem:s5+$0x15900] =	vst v1;
	v2 =	vmul.f32 v2, v0  }
0x73: {  	v1 =	vld [tilespmem:s7+$0x15900];
	[tilespmem:s5+$0x15910] =	vst v3;
	v4 =	vmul.f32 v4, v0  }
0x74: {  	v3 =	vld [tilespmem:s7+$0x15910];
	[tilespmem:s5+$0x15920] =	vst v2  }
0x75: {  	s6 =	sadd.s32 $0x100, s6;
	v2 =	vld [tilespmem:s7+$0x15920];
	[tilespmem:s5+$0x15930] =	vst v4;
	s5 =	smov.u32 s7  }
0x76: {  	v4 =	vld [tilespmem:s5+$0x15930];
	_ =	sdelay $0x1  }
0x77: {  	v1 =	vmul.f32 v1, v0  }
0x78: {  	v3 =	vmul.f32 v3, v0  }
0x79: {  	[tilespmem:s5+$0x15900] =	vst v1;
	v1 =	vmul.f32 v2, v0  }
0x7a: {  	[tilespmem:s5+$0x15910] =	vst v3;
	v2 =	vmul.f32 v4, v0  }
0x7b: {  	[tilespmem:s5+$0x15920] =	vst v1  }
0x7c: {  	s7 =	simm.s32 $0x0;
	s6 =	rddreg [dreg:$0x6];
	[tilespmem:s5+$0x15930] =	vst v2  }
0x7d: {  	[hbm4b:s6+s7] =	stream.linear.scatter [tilespmem:s30], [sflag:$0x4], $0xA000, $0x38;
	[tilespmem:$0x15910] =	vst v63  }
0x7e: {  	_ =	swait.ge [sflag:s22], $0xA000  }
0x7f: {  	[sflag:s22] =	ssyncset.done $0x0  }
0x80: {  	s7 =	simm.s32 $0x780;
	[sflag:s22] =	ssyncadd.s32 $0xFFFF6000  }
0x81: {  	[tilespmem:s30], [sflag:$0x2] =	stream.indirect.gather [hbm4b:s3+s19], $0x40, s7, s19, $0xb8;
	[tilespmem:$0x15910] =	vst v63  }
0x82: {  	s6 =	simm.s32 $0x800  }
0x83: {  	[tilespmem:s1], [sflag:$0x2] =	stream.indirect.gather [hbm4b:s3+s19], $0x40, s6, s19, $0xb8;
	[tilespmem:$0x15910] =	vst v63  }
0x84: {  	s7 =	simm.s32 $0x880  }
0x85: {  	[tilespmem:s17], [sflag:$0x2] =	stream.indirect.gather [hbm4b:s3+s19], $0x40, s7, s19, $0xb8;
	[tilespmem:$0x15910] =	vst v63  }
0x86: {  	s6 =	simm.s32 $0x900  }
0x87: {  	[tilespmem:s24], [sflag:$0x2] =	stream.indirect.gather [hbm4b:s3+s19], $0x40, s6, s19, $0xb8;
	[tilespmem:$0x15910] =	vst v63  }
0x88: {  	s7 =	simm.s32 $0x980  }
0x89: {  	[tilespmem:s29], [sflag:$0x2] =	stream.indirect.gather [hbm4b:s3+s19], $0x40, s7, s19, $0xb8;
	[tilespmem:$0x15910] =	vst v63  }
0x8a: {  	_ =	swait.ge [sflag:s31], $0x2000  }
0x8b: {  	[sflag:s31] =	ssyncset.done $0x0  }
0x8c: {  	[sflag:s31] =	ssyncadd.s32 $0xFFFFE000  }
0x8d: {  	_ =	swait.ge [sflag:s31], $0x2000  }
0x8e: {  	[sflag:s31] =	ssyncset.done $0x0  }
0x8f: {  	[sflag:s31] =	ssyncadd.s32 $0xFFFFE000  }
0x90: {  	_ =	swait.ge [sflag:s31], $0x2000  }
0x91: {  	[sflag:s31] =	ssyncset.done $0x0  }
0x92: {  	[sflag:s31] =	ssyncadd.s32 $0xFFFFE000  }
0x93: {  	_ =	swait.ge [sflag:s31], $0x2000  }
0x94: {  	[sflag:s31] =	ssyncset.done $0x0  }
0x95: {  	[sflag:s31] =	ssyncadd.s32 $0xFFFFE000  }
0x96: {  	_ =	swait.ge [sflag:s31], $0x2000  }
0x97: {  	[sflag:s31] =	ssyncset.done $0x0  }
0x98: {  	s5 =	simm.s32 $0x0;
	[sflag:s31] =	ssyncadd.s32 $0xFFFFE000  }
0x99: {  	v1 =	vld [tilespmem:s5+$0x1900]  }
0x9a: {  	v3 =	vld [tilespmem:s5+$0x1910]  }
0x9b: {  	s6 =	simm.s32 $0x100;
	v2 =	vld [tilespmem:s5+$0x1920]  }
.LBB2_6:
0x9c: {  	p0 =	sne.s32 s6, $0x27F00;
	v4 =	vld [tilespmem:s5+$0x1930];
	_ =	sdelay $0x1  }
0x9d: {  	v1 =	vmul.f32 v1, v0  }
.Ltmp2:
0x9e: {  	v3 =	vmul.f32 v3, v0;
	(pc) =	sbr.rel @p0 .LBB2_6-.Ltmp2, $4  }
0x9f: {  	s7 =	sshra.s32 s6, $0x2;
	[tilespmem:s5+$0x1900] =	vst v1;
	v2 =	vmul.f32 v2, v0  }
0xa0: {  	v1 =	vld [tilespmem:s7+$0x1900];
	[tilespmem:s5+$0x1910] =	vst v3;
	v4 =	vmul.f32 v4, v0  }
0xa1: {  	v3 =	vld [tilespmem:s7+$0x1910];
	[tilespmem:s5+$0x1920] =	vst v2  }
0xa2: {  	s6 =	sadd.s32 $0x100, s6;
	v2 =	vld [tilespmem:s7+$0x1920];
	[tilespmem:s5+$0x1930] =	vst v4;
	s5 =	smov.u32 s7  }
0xa3: {  	v4 =	vld [tilespmem:s5+$0x1930];
	_ =	sdelay $0x1  }
0xa4: {  	v1 =	vmul.f32 v1, v0  }
0xa5: {  	v3 =	vmul.f32 v3, v0  }
0xa6: {  	[tilespmem:s5+$0x1900] =	vst v1;
	v1 =	vmul.f32 v2, v0  }
0xa7: {  	[tilespmem:s5+$0x1910] =	vst v3;
	v2 =	vmul.f32 v4, v0  }
0xa8: {  	[tilespmem:s5+$0x1920] =	vst v1  }
0xa9: {  	[tilespmem:s5+$0x1930] =	vst v2  }
0xaa: {  	[hbm4b:s8+s2] =	stream.linear.scatter [tilespmem:s20], [sflag:$0x3], $0xA000, $0x38;
	[tilespmem:$0x15910] =	vst v63  }
0xab: {  	_ =	swait.ge [sflag:s0], $0xA000  }
0xac: {  	[sflag:s0] =	ssyncset.done $0x0  }
0xad: {  	s7 =	simm.s32 $0xA00;
	[sflag:s0] =	ssyncadd.s32 $0xFFFF6000  }
0xae: {  	[tilespmem:s20], [sflag:$0x1] =	stream.indirect.gather [hbm4b:s3+s19], $0x40, s7, s19, $0xb8;
	[tilespmem:$0x15910] =	vst v63  }
0xaf: {  	s6 =	simm.s32 $0xA80  }
0xb0: {  	[tilespmem:s21], [sflag:$0x1] =	stream.indirect.gather [hbm4b:s3+s19], $0x40, s6, s19, $0xb8;
	[tilespmem:$0x15910] =	vst v63  }
0xb1: {  	s7 =	simm.s32 $0xB00  }
0xb2: {  	[tilespmem:s23], [sflag:$0x1] =	stream.indirect.gather [hbm4b:s3+s19], $0x40, s7, s19, $0xb8;
	[tilespmem:$0x15910] =	vst v63  }
0xb3: {  	s6 =	simm.s32 $0xB80  }
0xb4: {  	[tilespmem:s25], [sflag:$0x1] =	stream.indirect.gather [hbm4b:s3+s19], $0x40, s6, s19, $0xb8;
	[tilespmem:$0x15910] =	vst v63  }
0xb5: {  	s7 =	simm.s32 $0xC00  }
0xb6: {  	[tilespmem:s28], [sflag:$0x1] =	stream.indirect.gather [hbm4b:s3+s19], $0x40, s7, s19, $0xb8;
	[tilespmem:$0x15910] =	vst v63  }
0xb7: {  	_ =	swait.ge [sflag:s26], $0x2000  }
0xb8: {  	[sflag:s26] =	ssyncset.done $0x0  }
0xb9: {  	[sflag:s26] =	ssyncadd.s32 $0xFFFFE000  }
0xba: {  	_ =	swait.ge [sflag:s26], $0x2000  }
0xbb: {  	[sflag:s26] =	ssyncset.done $0x0  }
0xbc: {  	[sflag:s26] =	ssyncadd.s32 $0xFFFFE000  }
0xbd: {  	_ =	swait.ge [sflag:s26], $0x2000  }
0xbe: {  	[sflag:s26] =	ssyncset.done $0x0  }
0xbf: {  	[sflag:s26] =	ssyncadd.s32 $0xFFFFE000  }
0xc0: {  	_ =	swait.ge [sflag:s26], $0x2000  }
0xc1: {  	[sflag:s26] =	ssyncset.done $0x0  }
0xc2: {  	[sflag:s26] =	ssyncadd.s32 $0xFFFFE000  }
0xc3: {  	_ =	swait.ge [sflag:s26], $0x2000  }
0xc4: {  	[sflag:s26] =	ssyncset.done $0x0  }
0xc5: {  	s5 =	simm.s32 $0xFFFF6000;
	[sflag:s26] =	ssyncadd.s32 $0xFFFFE000  }
0xc6: {  	v1 =	vld [tilespmem:s5+$0x15900]  }
0xc7: {  	v3 =	vld [tilespmem:s5+$0x15910]  }
0xc8: {  	s6 =	simm.s32 $0xFFFD8100;
	v2 =	vld [tilespmem:s5+$0x15920]  }
.LBB2_8:
0xc9: {  	p0 =	sne.s32 s6, $0xFFFFFF00;
	v4 =	vld [tilespmem:s5+$0x15930];
	_ =	sdelay $0x1  }
0xca: {  	v1 =	vmul.f32 v1, v0  }
.Ltmp3:
0xcb: {  	v3 =	vmul.f32 v3, v0;
	(pc) =	sbr.rel @p0 .LBB2_8-.Ltmp3, $4  }
0xcc: {  	s7 =	sshra.s32 s6, $0x2;
	[tilespmem:s5+$0x15900] =	vst v1;
	v2 =	vmul.f32 v2, v0  }
0xcd: {  	v1 =	vld [tilespmem:s7+$0x15900];
	[tilespmem:s5+$0x15910] =	vst v3;
	v4 =	vmul.f32 v4, v0  }
0xce: {  	v3 =	vld [tilespmem:s7+$0x15910];
	[tilespmem:s5+$0x15920] =	vst v2  }
0xcf: {  	s6 =	sadd.s32 $0x100, s6;
	v2 =	vld [tilespmem:s7+$0x15920];
	[tilespmem:s5+$0x15930] =	vst v4;
	s5 =	smov.u32 s7  }
0xd0: {  	v4 =	vld [tilespmem:s5+$0x15930];
	_ =	sdelay $0x1  }
0xd1: {  	v1 =	vmul.f32 v1, v0  }
0xd2: {  	v3 =	vmul.f32 v3, v0  }
0xd3: {  	[tilespmem:s5+$0x15900] =	vst v1;
	v1 =	vmul.f32 v2, v0  }
0xd4: {  	[tilespmem:s5+$0x15910] =	vst v3;
	v2 =	vmul.f32 v4, v0  }
0xd5: {  	[tilespmem:s5+$0x15920] =	vst v1  }
0xd6: {  	s6 =	simm.s32 $0x0;
	[tilespmem:s5+$0x15930] =	vst v2  }
0xd7: {  	[hbm4b:s9+s6] =	stream.linear.scatter [tilespmem:s30], [sflag:$0x4], $0xA000, $0x38;
	[tilespmem:$0x15910] =	vst v63  }
0xd8: {  	_ =	swait.ge [sflag:s22], $0xA000  }
0xd9: {  	[sflag:s22] =	ssyncset.done $0x0  }
0xda: {  	s7 =	simm.s32 $0xC80;
	[sflag:s22] =	ssyncadd.s32 $0xFFFF6000  }
0xdb: {  	[tilespmem:s30], [sflag:$0x2] =	stream.indirect.gather [hbm4b:s3+s19], $0x40, s7, s19, $0xb8;
	[tilespmem:$0x15910] =	vst v63  }
0xdc: {  	s6 =	simm.s32 $0xD00  }
0xdd: {  	[tilespmem:s1], [sflag:$0x2] =	stream.indirect.gather [hbm4b:s3+s19], $0x40, s6, s19, $0xb8;
	[tilespmem:$0x15910] =	vst v63  }
0xde: {  	s7 =	simm.s32 $0xD80  }
0xdf: {  	[tilespmem:s17], [sflag:$0x2] =	stream.indirect.gather [hbm4b:s3+s19], $0x40, s7, s19, $0xb8;
	[tilespmem:$0x15910] =	vst v63  }
0xe0: {  	s6 =	simm.s32 $0xE00  }
0xe1: {  	[tilespmem:s24], [sflag:$0x2] =	stream.indirect.gather [hbm4b:s3+s19], $0x40, s6, s19, $0xb8;
	[tilespmem:$0x15910] =	vst v63  }
0xe2: {  	s7 =	simm.s32 $0xE80  }
0xe3: {  	[tilespmem:s29], [sflag:$0x2] =	stream.indirect.gather [hbm4b:s3+s19], $0x40, s7, s19, $0xb8;
	[tilespmem:$0x15910] =	vst v63  }
0xe4: {  	_ =	swait.ge [sflag:s31], $0x2000  }
0xe5: {  	[sflag:s31] =	ssyncset.done $0x0  }
0xe6: {  	[sflag:s31] =	ssyncadd.s32 $0xFFFFE000  }
0xe7: {  	_ =	swait.ge [sflag:s31], $0x2000  }
0xe8: {  	[sflag:s31] =	ssyncset.done $0x0  }
0xe9: {  	[sflag:s31] =	ssyncadd.s32 $0xFFFFE000  }
0xea: {  	_ =	swait.ge [sflag:s31], $0x2000  }
0xeb: {  	[sflag:s31] =	ssyncset.done $0x0  }
0xec: {  	[sflag:s31] =	ssyncadd.s32 $0xFFFFE000  }
0xed: {  	_ =	swait.ge [sflag:s31], $0x2000  }
0xee: {  	[sflag:s31] =	ssyncset.done $0x0  }
0xef: {  	[sflag:s31] =	ssyncadd.s32 $0xFFFFE000  }
0xf0: {  	_ =	swait.ge [sflag:s31], $0x2000  }
0xf1: {  	[sflag:s31] =	ssyncset.done $0x0  }
0xf2: {  	s5 =	simm.s32 $0x0;
	[sflag:s31] =	ssyncadd.s32 $0xFFFFE000  }
0xf3: {  	v1 =	vld [tilespmem:s5+$0x1900]  }
0xf4: {  	v3 =	vld [tilespmem:s5+$0x1910]  }
0xf5: {  	s6 =	simm.s32 $0x100;
	v2 =	vld [tilespmem:s5+$0x1920]  }
.LBB2_10:
0xf6: {  	p0 =	sne.s32 s6, $0x27F00;
	v4 =	vld [tilespmem:s5+$0x1930];
	_ =	sdelay $0x1  }
0xf7: {  	v1 =	vmul.f32 v1, v0  }
.Ltmp4:
0xf8: {  	v3 =	vmul.f32 v3, v0;
	(pc) =	sbr.rel @p0 .LBB2_10-.Ltmp4, $4  }
0xf9: {  	s7 =	sshra.s32 s6, $0x2;
	[tilespmem:s5+$0x1900] =	vst v1;
	v2 =	vmul.f32 v2, v0  }
0xfa: {  	v1 =	vld [tilespmem:s7+$0x1900];
	[tilespmem:s5+$0x1910] =	vst v3;
	v4 =	vmul.f32 v4, v0  }
0xfb: {  	v3 =	vld [tilespmem:s7+$0x1910];
	[tilespmem:s5+$0x1920] =	vst v2  }
0xfc: {  	s6 =	sadd.s32 $0x100, s6;
	v2 =	vld [tilespmem:s7+$0x1920];
	[tilespmem:s5+$0x1930] =	vst v4;
	s5 =	smov.u32 s7  }
0xfd: {  	v4 =	vld [tilespmem:s5+$0x1930];
	_ =	sdelay $0x1  }
0xfe: {  	v1 =	vmul.f32 v1, v0  }
0xff: {  	v3 =	vmul.f32 v3, v0  }
0x100: {  	[tilespmem:s5+$0x1900] =	vst v1;
	v1 =	vmul.f32 v2, v0  }
0x101: {  	[tilespmem:s5+$0x1910] =	vst v3;
	v2 =	vmul.f32 v4, v0  }
0x102: {  	[tilespmem:s5+$0x1920] =	vst v1  }
0x103: {  	[tilespmem:s5+$0x1930] =	vst v2  }
0x104: {  	[hbm4b:s10+s2] =	stream.linear.scatter [tilespmem:s20], [sflag:$0x3], $0xA000, $0x38;
	[tilespmem:$0x15910] =	vst v63  }
0x105: {  	_ =	swait.ge [sflag:s0], $0xA000  }
0x106: {  	[sflag:s0] =	ssyncset.done $0x0  }
0x107: {  	s7 =	simm.s32 $0xF00;
	[sflag:s0] =	ssyncadd.s32 $0xFFFF6000  }
0x108: {  	[tilespmem:s20], [sflag:$0x1] =	stream.indirect.gather [hbm4b:s3+s19], $0x40, s7, s19, $0xb8;
	[tilespmem:$0x15910] =	vst v63  }
0x109: {  	s6 =	simm.s32 $0xF80  }
0x10a: {  	[tilespmem:s21], [sflag:$0x1] =	stream.indirect.gather [hbm4b:s3+s19], $0x40, s6, s19, $0xb8;
	[tilespmem:$0x15910] =	vst v63  }
0x10b: {  	s7 =	simm.s32 $0x1000  }
0x10c: {  	[tilespmem:s23], [sflag:$0x1] =	stream.indirect.gather [hbm4b:s3+s19], $0x40, s7, s19, $0xb8;
	[tilespmem:$0x15910] =	vst v63  }
0x10d: {  	s6 =	simm.s32 $0x1080  }
0x10e: {  	[tilespmem:s25], [sflag:$0x1] =	stream.indirect.gather [hbm4b:s3+s19], $0x40, s6, s19, $0xb8;
	[tilespmem:$0x15910] =	vst v63  }
0x10f: {  	s7 =	simm.s32 $0x1100  }
0x110: {  	[tilespmem:s28], [sflag:$0x1] =	stream.indirect.gather [hbm4b:s3+s19], $0x40, s7, s19, $0xb8;
	[tilespmem:$0x15910] =	vst v63  }
0x111: {  	_ =	swait.ge [sflag:s26], $0x2000  }
0x112: {  	[sflag:s26] =	ssyncset.done $0x0  }
0x113: {  	[sflag:s26] =	ssyncadd.s32 $0xFFFFE000  }
0x114: {  	_ =	swait.ge [sflag:s26], $0x2000  }
0x115: {  	[sflag:s26] =	ssyncset.done $0x0  }
0x116: {  	[sflag:s26] =	ssyncadd.s32 $0xFFFFE000  }
0x117: {  	_ =	swait.ge [sflag:s26], $0x2000  }
0x118: {  	[sflag:s26] =	ssyncset.done $0x0  }
0x119: {  	[sflag:s26] =	ssyncadd.s32 $0xFFFFE000  }
0x11a: {  	_ =	swait.ge [sflag:s26], $0x2000  }
0x11b: {  	[sflag:s26] =	ssyncset.done $0x0  }
0x11c: {  	[sflag:s26] =	ssyncadd.s32 $0xFFFFE000  }
0x11d: {  	_ =	swait.ge [sflag:s26], $0x2000  }
0x11e: {  	[sflag:s26] =	ssyncset.done $0x0  }
0x11f: {  	s5 =	simm.s32 $0xFFFF6000;
	[sflag:s26] =	ssyncadd.s32 $0xFFFFE000  }
0x120: {  	v1 =	vld [tilespmem:s5+$0x15900]  }
0x121: {  	v3 =	vld [tilespmem:s5+$0x15910]  }
0x122: {  	s6 =	simm.s32 $0xFFFD8100;
	v2 =	vld [tilespmem:s5+$0x15920]  }
.LBB2_12:
0x123: {  	p0 =	sne.s32 s6, $0xFFFFFF00;
	v4 =	vld [tilespmem:s5+$0x15930];
	_ =	sdelay $0x1  }
0x124: {  	v1 =	vmul.f32 v1, v0  }
.Ltmp5:
0x125: {  	v3 =	vmul.f32 v3, v0;
	(pc) =	sbr.rel @p0 .LBB2_12-.Ltmp5, $4  }
0x126: {  	s7 =	sshra.s32 s6, $0x2;
	[tilespmem:s5+$0x15900] =	vst v1;
	v2 =	vmul.f32 v2, v0  }
0x127: {  	v1 =	vld [tilespmem:s7+$0x15900];
	[tilespmem:s5+$0x15910] =	vst v3;
	v4 =	vmul.f32 v4, v0  }
0x128: {  	v3 =	vld [tilespmem:s7+$0x15910];
	[tilespmem:s5+$0x15920] =	vst v2  }
0x129: {  	s6 =	sadd.s32 $0x100, s6;
	v2 =	vld [tilespmem:s7+$0x15920];
	[tilespmem:s5+$0x15930] =	vst v4;
	s5 =	smov.u32 s7  }
0x12a: {  	v4 =	vld [tilespmem:s5+$0x15930];
	_ =	sdelay $0x1  }
0x12b: {  	v1 =	vmul.f32 v1, v0  }
0x12c: {  	v3 =	vmul.f32 v3, v0  }
0x12d: {  	[tilespmem:s5+$0x15900] =	vst v1;
	v1 =	vmul.f32 v2, v0  }
0x12e: {  	[tilespmem:s5+$0x15910] =	vst v3;
	v2 =	vmul.f32 v4, v0  }
0x12f: {  	[tilespmem:s5+$0x15920] =	vst v1  }
0x130: {  	s6 =	simm.s32 $0x0;
	[tilespmem:s5+$0x15930] =	vst v2  }
0x131: {  	[hbm4b:s11+s6] =	stream.linear.scatter [tilespmem:s30], [sflag:$0x4], $0xA000, $0x38;
	[tilespmem:$0x15910] =	vst v63  }
0x132: {  	_ =	swait.ge [sflag:s22], $0xA000  }
0x133: {  	[sflag:s22] =	ssyncset.done $0x0  }
0x134: {  	s7 =	simm.s32 $0x1180;
	[sflag:s22] =	ssyncadd.s32 $0xFFFF6000  }
0x135: {  	[tilespmem:s30], [sflag:$0x2] =	stream.indirect.gather [hbm4b:s3+s19], $0x40, s7, s19, $0xb8;
	[tilespmem:$0x15910] =	vst v63  }
0x136: {  	s6 =	simm.s32 $0x1200  }
0x137: {  	[tilespmem:s1], [sflag:$0x2] =	stream.indirect.gather [hbm4b:s3+s19], $0x40, s6, s19, $0xb8;
	[tilespmem:$0x15910] =	vst v63  }
0x138: {  	s7 =	simm.s32 $0x1280  }
0x139: {  	[tilespmem:s17], [sflag:$0x2] =	stream.indirect.gather [hbm4b:s3+s19], $0x40, s7, s19, $0xb8;
	[tilespmem:$0x15910] =	vst v63  }
0x13a: {  	s6 =	simm.s32 $0x1300  }
0x13b: {  	[tilespmem:s24], [sflag:$0x2] =	stream.indirect.gather [hbm4b:s3+s19], $0x40, s6, s19, $0xb8;
	[tilespmem:$0x15910] =	vst v63  }
0x13c: {  	s7 =	simm.s32 $0x1380  }
0x13d: {  	[tilespmem:s29], [sflag:$0x2] =	stream.indirect.gather [hbm4b:s3+s19], $0x40, s7, s19, $0xb8;
	[tilespmem:$0x15910] =	vst v63  }
0x13e: {  	_ =	swait.ge [sflag:s31], $0x2000  }
0x13f: {  	[sflag:s31] =	ssyncset.done $0x0  }
0x140: {  	[sflag:s31] =	ssyncadd.s32 $0xFFFFE000  }
0x141: {  	_ =	swait.ge [sflag:s31], $0x2000  }
0x142: {  	[sflag:s31] =	ssyncset.done $0x0  }
0x143: {  	[sflag:s31] =	ssyncadd.s32 $0xFFFFE000  }
0x144: {  	_ =	swait.ge [sflag:s31], $0x2000  }
0x145: {  	[sflag:s31] =	ssyncset.done $0x0  }
0x146: {  	[sflag:s31] =	ssyncadd.s32 $0xFFFFE000  }
0x147: {  	_ =	swait.ge [sflag:s31], $0x2000  }
0x148: {  	[sflag:s31] =	ssyncset.done $0x0  }
0x149: {  	[sflag:s31] =	ssyncadd.s32 $0xFFFFE000  }
0x14a: {  	_ =	swait.ge [sflag:s31], $0x2000  }
0x14b: {  	[sflag:s31] =	ssyncset.done $0x0  }
0x14c: {  	s5 =	simm.s32 $0x0;
	[sflag:s31] =	ssyncadd.s32 $0xFFFFE000  }
0x14d: {  	v1 =	vld [tilespmem:s5+$0x1900]  }
0x14e: {  	v3 =	vld [tilespmem:s5+$0x1910]  }
0x14f: {  	s6 =	simm.s32 $0x100;
	v2 =	vld [tilespmem:s5+$0x1920]  }
.LBB2_14:
0x150: {  	p0 =	sne.s32 s6, $0x27F00;
	v4 =	vld [tilespmem:s5+$0x1930];
	_ =	sdelay $0x1  }
0x151: {  	v1 =	vmul.f32 v1, v0  }
.Ltmp6:
0x152: {  	v3 =	vmul.f32 v3, v0;
	(pc) =	sbr.rel @p0 .LBB2_14-.Ltmp6, $4  }
0x153: {  	s7 =	sshra.s32 s6, $0x2;
	[tilespmem:s5+$0x1900] =	vst v1;
	v2 =	vmul.f32 v2, v0  }
0x154: {  	v1 =	vld [tilespmem:s7+$0x1900];
	[tilespmem:s5+$0x1910] =	vst v3;
	v4 =	vmul.f32 v4, v0  }
0x155: {  	v3 =	vld [tilespmem:s7+$0x1910];
	[tilespmem:s5+$0x1920] =	vst v2  }
0x156: {  	s6 =	sadd.s32 $0x100, s6;
	v2 =	vld [tilespmem:s7+$0x1920];
	[tilespmem:s5+$0x1930] =	vst v4;
	s5 =	smov.u32 s7  }
0x157: {  	v4 =	vld [tilespmem:s5+$0x1930];
	_ =	sdelay $0x1  }
0x158: {  	v1 =	vmul.f32 v1, v0  }
0x159: {  	v3 =	vmul.f32 v3, v0  }
0x15a: {  	[tilespmem:s5+$0x1900] =	vst v1;
	v1 =	vmul.f32 v2, v0  }
0x15b: {  	[tilespmem:s5+$0x1910] =	vst v3;
	v2 =	vmul.f32 v4, v0  }
0x15c: {  	[tilespmem:s5+$0x1920] =	vst v1  }
0x15d: {  	[tilespmem:s5+$0x1930] =	vst v2  }
0x15e: {  	[hbm4b:s12+s2] =	stream.linear.scatter [tilespmem:s20], [sflag:$0x3], $0xA000, $0x38;
	[tilespmem:$0x15910] =	vst v63  }
0x15f: {  	_ =	swait.ge [sflag:s0], $0xA000  }
0x160: {  	[sflag:s0] =	ssyncset.done $0x0  }
0x161: {  	s7 =	simm.s32 $0x1400;
	[sflag:s0] =	ssyncadd.s32 $0xFFFF6000  }
0x162: {  	[tilespmem:s20], [sflag:$0x1] =	stream.indirect.gather [hbm4b:s3+s19], $0x40, s7, s19, $0xb8;
	[tilespmem:$0x15910] =	vst v63  }
0x163: {  	s6 =	simm.s32 $0x1480  }
0x164: {  	[tilespmem:s21], [sflag:$0x1] =	stream.indirect.gather [hbm4b:s3+s19], $0x40, s6, s19, $0xb8;
	[tilespmem:$0x15910] =	vst v63  }
0x165: {  	s7 =	simm.s32 $0x1500  }
0x166: {  	[tilespmem:s23], [sflag:$0x1] =	stream.indirect.gather [hbm4b:s3+s19], $0x40, s7, s19, $0xb8;
	[tilespmem:$0x15910] =	vst v63  }
0x167: {  	s6 =	simm.s32 $0x1580  }
0x168: {  	[tilespmem:s25], [sflag:$0x1] =	stream.indirect.gather [hbm4b:s3+s19], $0x40, s6, s19, $0xb8;
	[tilespmem:$0x15910] =	vst v63  }
0x169: {  	s7 =	simm.s32 $0x1600  }
0x16a: {  	[tilespmem:s28], [sflag:$0x1] =	stream.indirect.gather [hbm4b:s3+s19], $0x40, s7, s19, $0xb8;
	[tilespmem:$0x15910] =	vst v63  }
0x16b: {  	_ =	swait.ge [sflag:s26], $0x2000  }
0x16c: {  	[sflag:s26] =	ssyncset.done $0x0  }
0x16d: {  	[sflag:s26] =	ssyncadd.s32 $0xFFFFE000  }
0x16e: {  	_ =	swait.ge [sflag:s26], $0x2000  }
0x16f: {  	[sflag:s26] =	ssyncset.done $0x0  }
0x170: {  	[sflag:s26] =	ssyncadd.s32 $0xFFFFE000  }
0x171: {  	_ =	swait.ge [sflag:s26], $0x2000  }
0x172: {  	[sflag:s26] =	ssyncset.done $0x0  }
0x173: {  	[sflag:s26] =	ssyncadd.s32 $0xFFFFE000  }
0x174: {  	_ =	swait.ge [sflag:s26], $0x2000  }
0x175: {  	[sflag:s26] =	ssyncset.done $0x0  }
0x176: {  	[sflag:s26] =	ssyncadd.s32 $0xFFFFE000  }
0x177: {  	_ =	swait.ge [sflag:s26], $0x2000  }
0x178: {  	[sflag:s26] =	ssyncset.done $0x0  }
0x179: {  	s5 =	simm.s32 $0xFFFF6000;
	[sflag:s26] =	ssyncadd.s32 $0xFFFFE000  }
0x17a: {  	v1 =	vld [tilespmem:s5+$0x15900]  }
0x17b: {  	v3 =	vld [tilespmem:s5+$0x15910]  }
0x17c: {  	s6 =	simm.s32 $0xFFFD8100;
	v2 =	vld [tilespmem:s5+$0x15920]  }
.LBB2_16:
0x17d: {  	p0 =	sne.s32 s6, $0xFFFFFF00;
	v4 =	vld [tilespmem:s5+$0x15930];
	_ =	sdelay $0x1  }
0x17e: {  	v1 =	vmul.f32 v1, v0  }
.Ltmp7:
0x17f: {  	v3 =	vmul.f32 v3, v0;
	(pc) =	sbr.rel @p0 .LBB2_16-.Ltmp7, $4  }
0x180: {  	s7 =	sshra.s32 s6, $0x2;
	[tilespmem:s5+$0x15900] =	vst v1;
	v2 =	vmul.f32 v2, v0  }
0x181: {  	v1 =	vld [tilespmem:s7+$0x15900];
	[tilespmem:s5+$0x15910] =	vst v3;
	v4 =	vmul.f32 v4, v0  }
0x182: {  	v3 =	vld [tilespmem:s7+$0x15910];
	[tilespmem:s5+$0x15920] =	vst v2  }
0x183: {  	s6 =	sadd.s32 $0x100, s6;
	v2 =	vld [tilespmem:s7+$0x15920];
	[tilespmem:s5+$0x15930] =	vst v4;
	s5 =	smov.u32 s7  }
0x184: {  	v4 =	vld [tilespmem:s5+$0x15930];
	_ =	sdelay $0x1  }
0x185: {  	v1 =	vmul.f32 v1, v0  }
0x186: {  	v3 =	vmul.f32 v3, v0  }
0x187: {  	[tilespmem:s5+$0x15900] =	vst v1;
	v1 =	vmul.f32 v2, v0  }
0x188: {  	[tilespmem:s5+$0x15910] =	vst v3;
	v2 =	vmul.f32 v4, v0  }
0x189: {  	[tilespmem:s5+$0x15920] =	vst v1  }
0x18a: {  	s6 =	simm.s32 $0x0;
	[tilespmem:s5+$0x15930] =	vst v2  }
0x18b: {  	[hbm4b:s13+s6] =	stream.linear.scatter [tilespmem:s30], [sflag:$0x4], $0xA000, $0x38;
	[tilespmem:$0x15910] =	vst v63  }
0x18c: {  	_ =	swait.ge [sflag:s22], $0xA000  }
0x18d: {  	[sflag:s22] =	ssyncset.done $0x0  }
0x18e: {  	s7 =	simm.s32 $0x1680;
	[sflag:s22] =	ssyncadd.s32 $0xFFFF6000  }
0x18f: {  	[tilespmem:s30], [sflag:$0x2] =	stream.indirect.gather [hbm4b:s3+s19], $0x40, s7, s19, $0xb8;
	[tilespmem:$0x15910] =	vst v63  }
0x190: {  	s6 =	simm.s32 $0x1700  }
0x191: {  	[tilespmem:s1], [sflag:$0x2] =	stream.indirect.gather [hbm4b:s3+s19], $0x40, s6, s19, $0xb8;
	[tilespmem:$0x15910] =	vst v63  }
0x192: {  	s7 =	simm.s32 $0x1780  }
0x193: {  	[tilespmem:s17], [sflag:$0x2] =	stream.indirect.gather [hbm4b:s3+s19], $0x40, s7, s19, $0xb8;
	[tilespmem:$0x15910] =	vst v63  }
0x194: {  	s6 =	simm.s32 $0x1800  }
0x195: {  	[tilespmem:s24], [sflag:$0x2] =	stream.indirect.gather [hbm4b:s3+s19], $0x40, s6, s19, $0xb8;
	[tilespmem:$0x15910] =	vst v63  }
0x196: {  	s7 =	simm.s32 $0x1880  }
0x197: {  	[tilespmem:s29], [sflag:$0x2] =	stream.indirect.gather [hbm4b:s3+s19], $0x40, s7, s19, $0xb8;
	[tilespmem:$0x15910] =	vst v63  }
0x198: {  	_ =	swait.ge [sflag:s31], $0x2000  }
0x199: {  	[sflag:s31] =	ssyncset.done $0x0  }
0x19a: {  	[sflag:s31] =	ssyncadd.s32 $0xFFFFE000  }
0x19b: {  	_ =	swait.ge [sflag:s31], $0x2000  }
0x19c: {  	[sflag:s31] =	ssyncset.done $0x0  }
0x19d: {  	[sflag:s31] =	ssyncadd.s32 $0xFFFFE000  }
0x19e: {  	_ =	swait.ge [sflag:s31], $0x2000  }
0x19f: {  	[sflag:s31] =	ssyncset.done $0x0  }
0x1a0: {  	[sflag:s31] =	ssyncadd.s32 $0xFFFFE000  }
0x1a1: {  	_ =	swait.ge [sflag:s31], $0x2000  }
0x1a2: {  	[sflag:s31] =	ssyncset.done $0x0  }
0x1a3: {  	[sflag:s31] =	ssyncadd.s32 $0xFFFFE000  }
0x1a4: {  	_ =	swait.ge [sflag:s31], $0x2000  }
0x1a5: {  	[sflag:s31] =	ssyncset.done $0x0  }
0x1a6: {  	s5 =	simm.s32 $0x0;
	[sflag:s31] =	ssyncadd.s32 $0xFFFFE000  }
0x1a7: {  	v1 =	vld [tilespmem:s5+$0x1900]  }
0x1a8: {  	v3 =	vld [tilespmem:s5+$0x1910]  }
0x1a9: {  	s6 =	simm.s32 $0x100;
	v2 =	vld [tilespmem:s5+$0x1920]  }
.LBB2_18:
0x1aa: {  	p0 =	sne.s32 s6, $0x27F00;
	v4 =	vld [tilespmem:s5+$0x1930];
	_ =	sdelay $0x1  }
0x1ab: {  	v1 =	vmul.f32 v1, v0  }
.Ltmp8:
0x1ac: {  	v3 =	vmul.f32 v3, v0;
	(pc) =	sbr.rel @p0 .LBB2_18-.Ltmp8, $4  }
0x1ad: {  	s7 =	sshra.s32 s6, $0x2;
	[tilespmem:s5+$0x1900] =	vst v1;
	v2 =	vmul.f32 v2, v0  }
0x1ae: {  	v1 =	vld [tilespmem:s7+$0x1900];
	[tilespmem:s5+$0x1910] =	vst v3;
	v4 =	vmul.f32 v4, v0  }
0x1af: {  	v3 =	vld [tilespmem:s7+$0x1910];
	[tilespmem:s5+$0x1920] =	vst v2  }
0x1b0: {  	s6 =	sadd.s32 $0x100, s6;
	v2 =	vld [tilespmem:s7+$0x1920];
	[tilespmem:s5+$0x1930] =	vst v4;
	s5 =	smov.u32 s7  }
0x1b1: {  	v4 =	vld [tilespmem:s5+$0x1930];
	_ =	sdelay $0x1  }
0x1b2: {  	v1 =	vmul.f32 v1, v0  }
0x1b3: {  	v3 =	vmul.f32 v3, v0  }
0x1b4: {  	[tilespmem:s5+$0x1900] =	vst v1;
	v1 =	vmul.f32 v2, v0  }
0x1b5: {  	[tilespmem:s5+$0x1910] =	vst v3;
	v2 =	vmul.f32 v4, v0  }
0x1b6: {  	[tilespmem:s5+$0x1920] =	vst v1  }
0x1b7: {  	[tilespmem:s5+$0x1930] =	vst v2  }
0x1b8: {  	[hbm4b:s14+s2] =	stream.linear.scatter [tilespmem:s20], [sflag:$0x3], $0xA000, $0x38;
	[tilespmem:$0x15910] =	vst v63  }
0x1b9: {  	_ =	swait.ge [sflag:s26], $0x2000  }
0x1ba: {  	[sflag:s26] =	ssyncset.done $0x0  }
0x1bb: {  	[sflag:s26] =	ssyncadd.s32 $0xFFFFE000  }
0x1bc: {  	_ =	swait.ge [sflag:s26], $0x2000  }
0x1bd: {  	[sflag:s26] =	ssyncset.done $0x0  }
0x1be: {  	[sflag:s26] =	ssyncadd.s32 $0xFFFFE000  }
0x1bf: {  	_ =	swait.ge [sflag:s26], $0x2000  }
0x1c0: {  	[sflag:s26] =	ssyncset.done $0x0  }
0x1c1: {  	[sflag:s26] =	ssyncadd.s32 $0xFFFFE000  }
0x1c2: {  	_ =	swait.ge [sflag:s26], $0x2000  }
0x1c3: {  	[sflag:s26] =	ssyncset.done $0x0  }
0x1c4: {  	[sflag:s26] =	ssyncadd.s32 $0xFFFFE000  }
0x1c5: {  	_ =	swait.ge [sflag:s26], $0x2000  }
0x1c6: {  	[sflag:s26] =	ssyncset.done $0x0  }
0x1c7: {  	s5 =	simm.s32 $0xFFFF6000;
	[sflag:s26] =	ssyncadd.s32 $0xFFFFE000  }
0x1c8: {  	v1 =	vld [tilespmem:s5+$0x15900]  }
0x1c9: {  	v3 =	vld [tilespmem:s5+$0x15910]  }
0x1ca: {  	s6 =	simm.s32 $0xFFFD8100;
	v2 =	vld [tilespmem:s5+$0x15920]  }
.LBB2_20:
0x1cb: {  	p0 =	sne.s32 s6, $0xFFFFFF00;
	v4 =	vld [tilespmem:s5+$0x15930];
	_ =	sdelay $0x1  }
0x1cc: {  	v1 =	vmul.f32 v1, v0  }
.Ltmp9:
0x1cd: {  	v3 =	vmul.f32 v3, v0;
	(pc) =	sbr.rel @p0 .LBB2_20-.Ltmp9, $4  }
0x1ce: {  	s7 =	sshra.s32 s6, $0x2;
	[tilespmem:s5+$0x15900] =	vst v1;
	v2 =	vmul.f32 v2, v0  }
0x1cf: {  	v1 =	vld [tilespmem:s7+$0x15900];
	[tilespmem:s5+$0x15910] =	vst v3;
	v4 =	vmul.f32 v4, v0  }
0x1d0: {  	v3 =	vld [tilespmem:s7+$0x15910];
	[tilespmem:s5+$0x15920] =	vst v2  }
0x1d1: {  	s6 =	sadd.s32 $0x100, s6;
	v2 =	vld [tilespmem:s7+$0x15920];
	[tilespmem:s5+$0x15930] =	vst v4;
	s5 =	smov.u32 s7  }
0x1d2: {  	v4 =	vld [tilespmem:s5+$0x15930];
	_ =	sdelay $0x1  }
0x1d3: {  	v1 =	vmul.f32 v1, v0  }
0x1d4: {  	v3 =	vmul.f32 v3, v0  }
0x1d5: {  	[tilespmem:s5+$0x15900] =	vst v1;
	v62 =	vmul.f32 v2, v0  }
0x1d6: {  	[tilespmem:s5+$0x15910] =	vst v3;
	v63 =	vmul.f32 v4, v0  }
0x1d7: {  	[tilespmem:s5+$0x15920] =	vst v62  }
0x1d8: {  	s4 =	sadd.s32 $0x1, s4;
	[tilespmem:s5+$0x15930] =	vst v63  }
0x1d9: {  	[hbm4b:s15+s2] =	stream.linear.scatter [tilespmem:s30], [sflag:$0x4], $0xA000, $0x38;
	[tilespmem:$0x15910] =	vst v63  }
0x1da: {  	p0 =	sne.s32 s4, s16;
	_ =	swait.ge [sflag:s0], $0xA000  }
.Ltmp10:
0x1db: {  	[sflag:s0] =	ssyncset.done $0x0;
	(pc) =	sbr.rel @p0 .LBB2_1-.Ltmp10, $4  }
0x1dc: {  	[sflag:s0] =	ssyncadd.s32 $0xFFFF6000  }
0x1dd: {  	_ =	swait.ge [sflag:s22], $0xA000  }
0x1de: {  	[sflag:s22] =	ssyncset.done $0x0  }
0x1df: {  	[sflag:s22] =	ssyncadd.s32 $0xFFFF6000  }
0x1e0: {  	_ =	sfence.sel $0x180000  }
0x1e1: {  	[bflag:$0x0] =	sbarrier.arrive $0xFFFF  }
0x1e2: {  	_ =	strace $0x90000047  }
0x1e3: {  	s0 =	stileid.u32;
	[bflag:$0x2] =	sbarrier.arrive $0xFFFF  }
0x1e4: {  	p0 =	sne.s32 s0, $0x0;
	s0 =	rddreg [dreg:$0x2]  }
0x1e5: {  	s0 =	sadd.s32 @!p0 $0x100000, s0  }
0x1e6: {  	[sflag:s0] =	ssyncadd.tile.s32 @!p0 $0x1;
	_ =	shalt  }
.Lfunc_end2:
_tile_overlayer_lowered:
.L_overlay_start_2:
0x1e7: {  	(tag) =	ssettag $0x2  }
0x1e8: {  	s0 =	rddreg [dreg:$0x0];
	s2 =	stileid.u32  }
0x1e9: {  	s1 =	rddreg [dreg:$0x1];
	p0 =	sne.s32 s2, $0x0  }
0x1ea: {  	s3 =	rddreg [dreg:$0x2];
	[bflag:$0x3] =	sbarrier.arrive $0xFFFF;
	s2 =	simm.s32 @!p0 $0x1C05  }
0x1eb: {  	[timem:s3], [sflag:s2] =	dma.local @!p0 [hbm:s0], s1  }
0x1ec: {  	s0 =	simm.s32 @!p0 $0x5  }
0x1ed: {  	_ =	swait.ge @!p0 [sflag:s0], s1  }
0x1ee: {  	s1 =	ssub.s32 @!p0 $0x0, s1;
	[sflag:s0] =	ssyncset.done @!p0 $0x0  }
0x1ef: {  	[sflag:s0] =	ssyncadd.s32 @!p0 s1  }
0x1f0: {  	[bflag:$0x3] =	sbarrier.arrive $0xFFFF  }
0x1f1: {  	_ =	shalt  }

// kernel: sparse-core-data-format-call.cloned.1.call-start
scs
called_computation_lowered:
.L_overlay_start_0:
0x0: {  	s2 =	sld [smem:$0x3FD9]  }
0x1: {  	s3 =	sld [smem:$0x3FFE];
	_ =	sdelay $0x1  }
0x2: {  	s1 =	srdreg.scid  }
0x3: {  	s0 =	sand.u32 $0x1, s1  }
0x4: {  	s18 =	sshll.u32 s0, $0xA;
	s2 =	sadd.s32 s3, s2  }
0x5: {  	s2 =	sadd.s32 s2, s18  }
0x6: {  	[smem:$0x3FC5] =	sst s2  }
0x7: {  	_ = 	snop  }
0x8: {  	s2 =	sld [smem:$0x3FD0];
	(tm) =	ssettm $0x1  }
0x9: {  	s19 =	sld [smem:$0x3FFB];
	_ =	sdelay $0x3  }
0xa: {  	_ =	strace s19  }
0xb: {  	s3 =	sld [smem:$0x3FFC];
	_ =	sdelay $0x3  }
0xc: {  	_ =	strace s3  }
0xd: {  	s3 =	sld [smem:$0x3FFD];
	_ =	sdelay $0x3  }
0xe: {  	_ =	strace s3  }
0xf: {  	_ =	strace $0x8FFFFFFF  }
0x10: {  	s20 =	sld [smem:$0x3FDB];
	_ =	sdelay $0x1  }
0x11: {  	s4 =	simm.s32 $_scs_section_size  }
0x12: {  	s5 =	simm.s32 $_size__tile_overlayer_lowered;
	s6 =	simm.s32 $_tile_overlayer_lowered  }
0x13: {  	s23 =	simm.s32 $0x1BFF;
	s22 =	sshll.u32 s6, $0x1;
	s3 =	sadd.s32 s4, s20  }
0x14: {  	s7 =	simm.s32 $0x0;
	s21 =	sshll.u32 s5, $0x1;
	s5 =	sadd.s32 s22, s3  }
0x15: {  	[timem:s7], [sflag:s23] =	dma.local [hbm:s5], s21  }
0x16: {  	_ =	swait.ge [sflag:s23], s21  }
0x17: {  	s4 =	ssub.s32 $0x0, s21;
	[sflag:s23] =	ssyncset.done $0x0  }
0x18: {  	[sflag:s23] =	ssyncadd.s32 s4;
	_ =	sdelay $0x1  }
0x19: {  	s24 =	simm.s32 $0x1B8B  }
0x1a: {  	_ =	swait.ge [sflag:s24], $0x1  }
0x1b: {  	[sflag:s24] =	ssyncset.done $0x0  }
0x1c: {  	s26 =	simm.s32 $0x1B8E;
	s25 =	sld [smem:$0x3FFE];
	[sflag:s24] =	ssyncadd.s32 $0xFFFFFFFF  }
0x1d: {  	s27 =	simm.s32 $execute0_lowered;
	[smem:$0x3FD2] =	sst s26  }
0x1e: {  	s5 =	sshll.u32 s27, $0x1;
	_ =	strace $0x80000049;
	[dreg:$0x1] =	wrdreg $0xFFFFFFFF  }
0x1f: {  	s28 =	simm.s32 $_size_execute0_lowered;
	s3 =	sadd.s32 s3, s5;
	[dreg:$0x0] =	wrdreg $0x0  }
0x20: {  	s5 =	sshll.u32 s28, $0x1;
	[dreg:$0x2] =	wrdreg s3  }
0x21: {  	[dreg:$0x3] =	wrdreg s5  }
0x22: {  	[dreg:$0x4] =	wrdreg $0xC0  }
0x23: {  	_ =	task [dreg:s7], $0x5FFFF  }
0x24: {  	[dreg:$0x1] =	wrdreg $0xFFFFFFFF  }
0x25: {  	[dreg:$0x0] =	wrdreg $0x60  }
0x26: {  	[dreg:$0x2] =	wrdreg s25  }
0x27: {  	[dreg:$0x3] =	wrdreg s2  }
0x28: {  	[dreg:$0x4] =	wrdreg $0x9  }
0x29: {  	_ =	task.clear_ibuf [dreg:s7], $0x5FFFF;
	_ =	strace $0x90000049  }
0x2a: {  	s29 =	simm.s32 $0x9;
	_ =	strace $0x8000004B  }
0x2b: {  	_ =	swait.ge [sflag:s29], $0x1  }
0x2c: {  	[sflag:s29] =	ssyncadd.s32 $0xFFFFFFFF  }
0x2d: {  	_ =	strace $0x9000004B  }
0x2e: {  	_ =	sfence  }
0x2f: {  	s30 =	sld [smem:$0x0];
	_ =	sdelay $0x2  }
0x30: {  	s31 =	sshll.u32 s1, $0xD;
	s1 =	sshrl.u32 s1, $0x2  }
0x31: {  	s3 =	sand.u32 $0x4000, s31;
	s1 =	sadd.s32 s1, s30  }
0x32: {  	s0 =	sor.u32 s3, s0;
	s1 =	sshll.u32 s1, $0x11  }
0x33: {  	s0 =	sor.u32 s1, s0  }
0x34: {  	s0 =	sadd.s32 $0x8F2B, s0  }
0x35: {  	[sflag:s0] =	ssyncadd.remote.s32 $0x1  }
0x36: {  	_ =	sfence.sel $0xFFFF  }
0x37: {  	[dreg:$0x0] =	wrdreg $0xFFFFFFFF;
	(pc) =	sbr.abs _section_cstart, $3  }
0x38: {  	[dreg:$0x1] =	wrdreg $0xFFFFFFFF  }
0x39: {  	_ =	task.clear_ibuf [dreg:s7], $0x2FFFF;
	_ =	strace $0x9FFFFFFF  }
0x3a: {  	(tm) =	ssettm $0x7FFFFFFF  }
0x3b: {  	_ =	shalt  }
tec
execute0_lowered:
.L_overlay_start_1:
0x0: {  	(tag) =	ssettag $0x1  }
0x1: {  	s0 =	srdreg.scid  }
0x2: {  	s1 =	sshll.u32 s0, $0x4  }
0x3: {  	s0 =	stileid.u32;
	s1 =	sand.u32 $0x10, s1  }
0x4: {  	s1 =	sor.u32 s0, s1  }
0x5: {  	s6 =	rddreg [dreg:$0x0];
	s4 =	simm.s32 $0x1;
	s2 =	sshll.u32 s1, $0x7  }
0x6: {  	s7 =	simm.s32 $0x2;
	s12 =	simm.s32 $0x0;
	s1 =	ssub.s32 $0x1000, s2  }
0x7: {  	s8 =	simm.s32 $0x8000;
	s13 =	simm.s32 $0x0;
	s3 =	sand.u32 $0xF80, s1  }
0x8: {  	s9 =	simm.s32 $0x0;
	s5 =	sshrl.u32 s1, $0xC;
	p0 =	sne.s32 s3, $0x0  }
.Ltmp0:
0x9: {  	s1 =	rddreg [dreg:$0x2];
	s4 =	simm.s32 @!p0 $0x0;
	(pc) =	sbr.rel .LBB1_1-.Ltmp0, $4  }
0xa: {  	s11 =	simm.s32 $0x0;
	s3 =	rddreg [dreg:$0x1];
	s5 =	sadd.s32 s4, s5  }
0xb: {  	_ =	strace $0x8000004A;
	s4 =	simm.s32 $0x1;
	s5 =	smul.u32 $0x32, s5  }
0xc: {  	s6 =	sadd.s32 $0xA00, s6;
	s10 =	smov.u32 s2;
	[sflag:s4] =	ssyncpa.u1 $0x0  }
0xd: {  	p0 =	por $0x0, $0x0;
	[sflag:s7] =	ssyncpa.u1 $0x0;
	s7 =	sor.u32 $0x1, s5  }
.LBB1_4:
0xe: {  	s16 =	sshll.u32 s13, $0x3;
	s17 =	sand.u32 $0x78, s13  }
0xf: {  	s30 =	sand.u32 $0x7E00, s13;
	s12 =	sshll.u32 s12, $0xF;
	s16 =	sand.u32 $0xC00, s16  }
0x10: {  	[tilespmem:s15+$0x810 ss:$0x81] =	vst.msk $0xffff, v2;
	s31 =	sand.u32 $0x7, s13;
	s16 =	sor.u32 s17, s16;
	s17 =	sadd.s32 s3, s30  }
0x11: {  	[tilespmem:s15+$0x1020 ss:$0x81] =	vst.msk $0xffff, v0;
	s13 =	sshll.u32 s31, $0x12;
	s12 =	sadd.s32 s12, s17;
	s16 =	sshrl.u32 s16, $0x3  }
0x12: {  	[tilespmem:s15+$0x0 ss:$0x81] =	vst.msk $0xffff, v1;
	s13 =	sor.u32 $0x400, s13;
	s12 =	sadd.s32 s16, s12  }
0x13: {  	[hbm4b:s12+s13] =	stream.strided.scatter [tilespmem:s14], [sflag:$0x2], $0x2000, s8, s13, $0x20;
	[tilespmem:$0x8080] =	vst v63  }
.LBB1_5:
0x14: {  	s14 =	sadd.s32 $0x1, s9  }
0x15: {  	s12 =	sadd.s32 $0x1000, s10;
	s16 =	smov.u32 s10;
	p2 =	sgt.s32 s14, $0x31  }
0x16: {  	s16 =	smov.u32 @p2 s12  }
0x17: {  	s14 =	simm.s32 @p2 $0x0;
	p2 =	sgt.s32 s16, $0xFFF  }
0x18: {  	s16 =	smov.u32 @p2 s2;
	p2 =	sne.s32 s11, s7  }
.Ltmp1:
0x19: {  	p1 =	slt.u32 s11, $0x2;
	(pc) =	sbr.rel @!p2 .LBB1_6-.Ltmp1, $4  }
0x1a: {  	s15 =	simm.s32 @!p1 $0x2  }
0x1b: {  	s13 =	smov.u32 s10;
	p0 =	por !p0, !p0;
	_ =	swait.ge @!p1 [sflag:s15], $0x2000  }
0x1c: {  	s12 =	smov.u32 s9;
	[sflag:s15] =	ssyncset.done @!p1 $0x0;
	s9 =	smov.u32 s14  }
0x1d: {  	s11 =	sadd.s32 $0x1, s11;
	[sflag:s15] =	ssyncadd.s32 @!p1 $0xFFFFE000;
	s10 =	smov.u32 s16  }
.LBB1_1:
0x1e: {  	p1 =	sge.u32 s11, s5  }
0x1f: {  	s14 =	sand.u32 @!p1 $0x1FFFFFF, s9  }
0x20: {  	s15 =	smulhi.u32 @!p1 $0x4924925, s14;
	_ =	sdelay $0x1  }
0x21: {  	s15 =	smul.u32 @!p1 $0x38, s15  }
0x22: {  	s16 =	sxor.u32 @!p1 $0xFFFFFFFF, s11;
	s17 =	smul.u32 @!p1 $0x380, s10  }
0x23: {  	s31 =	sadd.s32 $0xFFFFFFFF, s11;
	s16 =	sshll.u32 @!p1 s16, $0xD;
	s14 =	ssub.s32 @!p1 s14, s15  }
0x24: {  	s15 =	sand.u32 @!p1 $0x2000, s16;
	s16 =	sadd.s32 @!p1 s6, s17;
	s14 =	sshll.u32 @!p1 s14, $0x4  }
0x25: {  	s17 =	simm.s32 @!p1 $0x1C00;
	s14 =	sadd.s32 @!p1 s14, s16;
	s16 =	simm.s32 @!p1 $0x40  }
0x26: {  	[tilespmem:s15], [sflag:$0x1] =	stream.strided.gather @!p1 [hbm4b:s14+s16], $0x2000, s17, s16, $0x38;
	[tilespmem:$0x8080] =	vst v63  }
0x27: {  	p1 =	sge.u32 s31, s5  }
.Ltmp2:
0x28: {  	_ = 	snop;
	(pc) =	sbr.rel @p1 .LBB1_5-.Ltmp2, $1  }
0x29: {  	_ =	sdelay $0x3  }
0x2a: {  	s14 =	simm.s32 $0x1  }
0x2b: {  	_ =	swait.ge [sflag:s4], $0x2000;
	s14 =	simm.s32 @!p0 $0x0  }
0x2c: {  	[sflag:s4] =	ssyncset.done $0x0;
	s15 =	sshll.u32 s14, $0xD  }
0x2d: {  	[sflag:s4] =	ssyncadd.s32 $0xFFFFE000;
	s18 =	sor.u32 $0x20, s15  }
0x2e: {  	s14 =	smul.u32 $0x8100, s14;
	v3 =	vld [tilespmem:s18+$0x10]  }
0x2f: {  	s30 =	sand.u32 $0x1, s11;
	v2 =	vld [tilespmem:s18+$0xFFFFFFF0]  }
0x30: {  	s15 =	smul.u32 $0x8100, s30;
	s14 =	sshrl.u32 s14, $0x2;
	v0 =	vld [tilespmem:s18+$0x0]  }
0x31: {  	v1 =	vld [tilespmem:s18+$0xFFFFFFE0];
	s16 =	sor.u32 $0x4000, s14  }
0x32: {  	s31 =	sshrl.u32 s15, $0x2;
	s15 =	sadd.s32 $0x0, s16  }
0x33: {  	s17 =	simm.s32 $0x4;
	s18 =	sadd.s32 $0x40, s18;
	s14 =	sor.u32 $0x4000, s31;
	[tilespmem:s15+$0x1830 ss:$0x81] =	vst.msk $0xffff, v3  }
.LBB1_3:
0x34: {  	v3 =	vld [tilespmem:s18+$0x10];
	p1 =	sne.s32 s17, $0x1FC;
	[tilespmem:s15+$0x810 ss:$0x81] =	vst.msk $0xffff, v2;
	s19 =	smov.u32 s17;
	s17 =	sadd.s32 $0x4, s17  }
.Ltmp3:
0x35: {  	v2 =	vld [tilespmem:s18+$0xFFFFFFF0];
	[tilespmem:s15+$0x1020 ss:$0x81] =	vst.msk $0xffff, v0;
	(pc) =	sbr.rel @p1 .LBB1_3-.Ltmp3, $4  }
0x36: {  	v0 =	vld [tilespmem:s18+$0x0];
	[tilespmem:s15+$0x0 ss:$0x81] =	vst.msk $0xffff, v1  }
0x37: {  	s15 =	sshra.s32 s19, $0x2;
	v1 =	vld [tilespmem:s18+$0xFFFFFFE0]  }
0x38: {  	s15 =	sadd.s32 s15, s16  }
0x39: {  	s18 =	sadd.s32 $0x40, s18;
	[tilespmem:s15+$0x1830 ss:$0x81] =	vst.msk $0xffff, v3  }
.Ltmp4:
0x3a: {  	_ = 	snop;
	(pc) =	sbr.rel .LBB1_4-.Ltmp4, $1  }
0x3b: {  	_ =	sdelay $0x3  }
.LBB1_6:
0x3c: {  	_ =	sfence.sel $0x180000  }
0x3d: {  	s2 =	simm.s32 $0x1;
	[bflag:$0x0] =	sbarrier.arrive $0xFFFF  }
0x3e: {  	s31 =	simm.s32 $0x2;
	[sflag:s2] =	ssyncpa.u1 $0x1  }
0x3f: {  	[sflag:s31] =	ssyncpa.u1 $0x1  }
0x40: {  	p0 =	sne.s32 s0, $0x0;
	_ =	strace $0x9000004A  }
0x41: {  	s0 =	sadd.s32 @!p0 $0x100000, s1;
	[bflag:$0x2] =	sbarrier.arrive $0xFFFF  }
0x42: {  	[sflag:s0] =	ssyncadd.tile.s32 @!p0 $0x1;
	_ =	shalt  }
.Lfunc_end1:
_tile_overlayer_lowered:
.L_overlay_start_2:
0x43: {  	(tag) =	ssettag $0x2  }
0x44: {  	s0 =	rddreg [dreg:$0x0];
	s2 =	stileid.u32  }
0x45: {  	s1 =	rddreg [dreg:$0x1];
	p0 =	sne.s32 s2, $0x0  }
0x46: {  	s3 =	rddreg [dreg:$0x2];
	[bflag:$0x3] =	sbarrier.arrive $0xFFFF;
	s2 =	simm.s32 @!p0 $0x1C01  }
0x47: {  	[timem:s3], [sflag:s2] =	dma.local @!p0 [hbm:s0], s1  }
0x48: {  	s0 =	simm.s32 @!p0 $0x1  }
0x49: {  	_ =	swait.ge @!p0 [sflag:s0], s1  }
0x4a: {  	s1 =	ssub.s32 @!p0 $0x0, s1;
	[sflag:s0] =	ssyncset.done @!p0 $0x0  }
0x4b: {  	[sflag:s0] =	ssyncadd.s32 @!p0 s1  }
0x4c: {  	[bflag:$0x3] =	sbarrier.arrive $0xFFFF  }
0x4d: {  	_ =	shalt  }

</sc_bundles>
